<compile_context>
chip_gen: v7x
topology: tpu7x:2x2x1
jax: 0.10.2.dev20260603
libtpu: 0.0.44.dev20260713+nightly
codegen_flags: <defaults>
</compile_context>

<pallas_src>
import functools
import jax
import jax.numpy as jnp
from jax import lax
from jax.experimental import pallas as pl
from jax.experimental.pallas import tpu as pltpu
from jax.experimental.pallas import tpu_sc as plsc

B, D, E, K = 4096, 768, 8, 2
P = B * K
TR = 256
NP = P + E * TR
NT = NP // TR

_NC, _NS = 2, 16
_NW = _NC * _NS
_GCH = 32
_CCH = 32


def _routing_kernel(x_ref, wg_ref, bg_ref, idx_ref, wts_ref, dest_ref, pend_ref):
    x = x_ref[...]
    glog = jnp.dot(x, wg_ref[...], preferred_element_type=jnp.float32) + bg_ref[...]
    ii = jax.lax.broadcasted_iota(jnp.int32, glog.shape, 1)
    ne = glog.shape[1]
    m1 = jnp.max(glog, axis=1, keepdims=True)
    i1 = jnp.min(jnp.where(glog >= m1, ii, ne), axis=1, keepdims=True)
    neg = jnp.finfo(jnp.float32).min
    g2 = jnp.where(ii == i1, neg, glog)
    m2 = jnp.max(g2, axis=1, keepdims=True)
    i2 = jnp.min(jnp.where(g2 >= m2, ii, ne), axis=1, keepdims=True)
    p2 = jnp.exp(m2 - m1)
    denom = 1.0 + p2
    idx_ref[...] = jnp.concatenate([i1, i2], axis=1)
    wts_ref[...] = jnp.concatenate([1.0 / denom, p2 / denom], axis=1)

    one = ((ii == i1) | (ii == i2)).astype(jnp.int32)
    inc = one
    sh = 1
    while sh < one.shape[0]:
        z = jnp.zeros((sh, one.shape[1]), jnp.int32)
        inc = inc + jnp.concatenate([z, inc[:-sh, :]], axis=0)
        sh *= 2
    excl = inc - one
    counts = inc[-1:, :]
    padded = ((counts + TR - 1) // TR) * TR
    pinc = padded
    sh = 1
    while sh < ne:
        z = jnp.zeros((1, sh), jnp.int32)
        pinc = pinc + jnp.concatenate([z, pinc[:, :-sh]], axis=1)
        sh *= 2
    poff = pinc - padded
    d1 = jnp.sum(jnp.where(ii == i1, poff + excl, 0), axis=1, keepdims=True)
    d2 = jnp.sum(jnp.where(ii == i2, poff + excl, 0), axis=1, keepdims=True)
    dest_ref[...] = jnp.concatenate([d1, d2], axis=1)
    pend_ref[...] = pinc


def _routing(x, Wg, bg):
    return pl.pallas_call(
        _routing_kernel,
        grid=(1,),
        in_specs=[
            pl.BlockSpec((B, D), lambda i: (0, 0)),
            pl.BlockSpec((D, E), lambda i: (0, 0)),
            pl.BlockSpec((1, E), lambda i: (0, 0)),
        ],
        out_specs=[
            pl.BlockSpec((B, K), lambda i: (0, 0)),
            pl.BlockSpec((B, K), lambda i: (0, 0)),
            pl.BlockSpec((B, K), lambda i: (0, 0)),
            pl.BlockSpec((1, E), lambda i: (0, 0)),
        ],
        out_shape=[
            jax.ShapeDtypeStruct((B, K), jnp.int32),
            jax.ShapeDtypeStruct((B, K), jnp.float32),
            jax.ShapeDtypeStruct((B, K), jnp.int32),
            jax.ShapeDtypeStruct((1, E), jnp.int32),
        ],
    )(x, Wg, bg.reshape(1, E))


def _metadata(idx, wts, dest, pend):
    wt = wts.reshape(P)
    tok = jnp.repeat(jnp.arange(B, dtype=jnp.int32), K)
    destf = dest.reshape(P)
    tok_padded = jnp.zeros((NP,), jnp.int32).at[destf].set(tok)
    wt_padded = jnp.zeros((NP,), jnp.float32).at[destf].set(wt)
    t_starts = jnp.arange(NT, dtype=jnp.int32) * TR
    tile_expert = jnp.clip(jnp.sum((t_starts[:, None] >= pend[0][None, :]).astype(jnp.int32),
                                    axis=1), 0, E - 1).astype(jnp.int32)
    return dest[:, 0], dest[:, 1], tok_padded, wt_padded, tile_expert


_NB = 4


def _sc_gather_body(x_hbm, tokp_hbm, xg_hbm, idx_v, *bufs_and_sems):
    bufs = bufs_and_sems[:_NB]
    gsems = bufs_and_sems[_NB:2 * _NB]
    wsems = bufs_and_sems[2 * _NB:3 * _NB]
    wid = lax.axis_index("s") * _NC + lax.axis_index("c")
    rows_per_w = NP // _NW
    n_chunks = rows_per_w // _GCH
    base = wid * rows_per_w
    pltpu.sync_copy(tokp_hbm.at[pl.ds(base, rows_per_w)], idx_v)
    gh = [None] * _NB
    wh = [None] * _NB
    for i in range(n_chunks):
        b = i % _NB
        if wh[b] is not None:
            wh[b].wait()
        gh[b] = pltpu.async_copy(
            x_hbm.at[idx_v.at[pl.ds(i * _GCH, _GCH)]], bufs[b], gsems[b])
        if i >= _NB - 1:
            pb = (i - (_NB - 1)) % _NB
            gh[pb].wait()
            wh[pb] = pltpu.async_copy(
                bufs[pb], xg_hbm.at[pl.ds(base + (i - (_NB - 1)) * _GCH, _GCH)],
                wsems[pb])
    for i in range(max(0, n_chunks - (_NB - 1)), n_chunks):
        b = i % _NB
        gh[b].wait()
        wh[b] = pltpu.async_copy(
            bufs[b], xg_hbm.at[pl.ds(base + i * _GCH, _GCH)], wsems[b])
    for b in range(_NB):
        if wh[b] is not None:
            wh[b].wait()


def _sc_gather(x, tok_padded):
    k = functools.partial(
        pl.kernel,
        mesh=plsc.VectorSubcoreMesh(core_axis_name="c", subcore_axis_name="s"),
        out_type=jax.ShapeDtypeStruct((NP, D), jnp.float32),
        scratch_types=(
            [pltpu.VMEM((NP // _NW,), jnp.int32)]
            + [pltpu.VMEM((_GCH, D), jnp.float32)] * _NB
            + [pltpu.SemaphoreType.DMA] * (2 * _NB)
        ),
    )(_sc_gather_body)
    return k(x, tok_padded)


def _gemm_kernel(te_ref, xg_ref, w1_ref, b1_ref, w2_ref, b2_ref, wt_ref, y_ref):
    xg = xg_ref[...]
    h = jnp.maximum(
        jnp.dot(xg, w1_ref[0], preferred_element_type=jnp.float32) + b1_ref[0], 0.0)
    y = jnp.dot(h, w2_ref[0], preferred_element_type=jnp.float32) + b2_ref[0]
    y_ref[...] = y * wt_ref[...]


def _grouped_gemm(xg, W1, b1, W2, b2, wt_padded, tile_expert):
    grid_spec = pltpu.PrefetchScalarGridSpec(
        num_scalar_prefetch=1,
        grid=(NT,),
        in_specs=[
            pl.BlockSpec((TR, D), lambda t, te: (t, 0)),
            pl.BlockSpec((1, D, D), lambda t, te: (te[t], 0, 0)),
            pl.BlockSpec((1, 1, D), lambda t, te: (te[t], 0, 0)),
            pl.BlockSpec((1, D, D), lambda t, te: (te[t], 0, 0)),
            pl.BlockSpec((1, 1, D), lambda t, te: (te[t], 0, 0)),
            pl.BlockSpec((TR, 1), lambda t, te: (t, 0)),
        ],
        out_specs=pl.BlockSpec((TR, D), lambda t, te: (t, 0)),
    )
    return pl.pallas_call(
        _gemm_kernel,
        grid_spec=grid_spec,
        out_shape=jax.ShapeDtypeStruct((NP, D), jnp.float32),
    )(tile_expert, xg, W1, b1.reshape(E, 1, D), W2, b2.reshape(E, 1, D),
      wt_padded.reshape(NP, 1))


def _sc_combine_body(y_hbm, de_hbm, do_hbm, out_hbm, de_v, do_v,
                     a0, a1, b0, b1, sa0, sa1, sb0, sb1, w0, w1):
    wid = lax.axis_index("s") * _NC + lax.axis_index("c")
    tpw = B // _NW
    n_chunks = tpw // _CCH
    base = wid * tpw
    a = (a0, a1)
    b = (b0, b1)
    gsa = (sa0, sa1)
    gsb = (sb0, sb1)
    ws = (w0, w1)
    pltpu.sync_copy(de_hbm.at[pl.ds(base, tpw)], de_v)
    pltpu.sync_copy(do_hbm.at[pl.ds(base, tpw)], do_v)
    ga = [None, None]
    gb = [None, None]
    wh = [None, None]

    def _add_pairs(s):
        def body(t, carry):
            for j in range(D // 16):
                sl = pl.ds(j * 16, 16)
                a[s][t, sl] = a[s][t, sl] + b[s][t, sl]
            return carry
        lax.fori_loop(0, _CCH, body, 0)

    for i in range(n_chunks):
        s = i % 2
        if wh[s] is not None:
            wh[s].wait()
        ga[s] = pltpu.async_copy(
            y_hbm.at[de_v.at[pl.ds(i * _CCH, _CCH)]], a[s], gsa[s])
        gb[s] = pltpu.async_copy(
            y_hbm.at[do_v.at[pl.ds(i * _CCH, _CCH)]], b[s], gsb[s])
        if i >= 1:
            p = (i - 1) % 2
            ga[p].wait()
            gb[p].wait()
            _add_pairs(p)
            wh[p] = pltpu.async_copy(
                a[p], out_hbm.at[pl.ds(base + (i - 1) * _CCH, _CCH)], ws[p])
    lp = (n_chunks - 1) % 2
    ga[lp].wait()
    gb[lp].wait()
    _add_pairs(lp)
    wh[lp] = pltpu.async_copy(
        a[lp], out_hbm.at[pl.ds(base + (n_chunks - 1) * _CCH, _CCH)], ws[lp])
    for s in range(2):
        if wh[s] is not None:
            wh[s].wait()


def _sc_combine(y, dest_even, dest_odd):
    k = functools.partial(
        pl.kernel,
        mesh=plsc.VectorSubcoreMesh(core_axis_name="c", subcore_axis_name="s"),
        out_type=jax.ShapeDtypeStruct((B, D), jnp.float32),
        scratch_types=[
            pltpu.VMEM((B // _NW,), jnp.int32),
            pltpu.VMEM((B // _NW,), jnp.int32),
            pltpu.VMEM((_CCH, D), jnp.float32),
            pltpu.VMEM((_CCH, D), jnp.float32),
            pltpu.VMEM((_CCH, D), jnp.float32),
            pltpu.VMEM((_CCH, D), jnp.float32),
            pltpu.SemaphoreType.DMA,
            pltpu.SemaphoreType.DMA,
            pltpu.SemaphoreType.DMA,
            pltpu.SemaphoreType.DMA,
            pltpu.SemaphoreType.DMA,
            pltpu.SemaphoreType.DMA,
        ],
    )(_sc_combine_body)
    return k(y, dest_even, dest_odd)


def kernel(x, Wg, bg, W1, b1, W2, b2):
    idx, wts, dest, pend = _routing(x, Wg, bg)
    dest_even, dest_odd, tok_padded, wt_padded, tile_expert = _metadata(
        idx, wts, dest, pend)
    xg = _sc_gather(x, tok_padded)
    y = _grouped_gemm(xg, W1, b1, W2, b2, wt_padded, tile_expert)
    return _sc_combine(y, dest_even, dest_odd)

# --- scband reference (transcript-rebuilt; emitter-appended) ---
"""Pipeline reference for scband-mo-elayer-34892314313339 (READ-ONLY COPY).

The authoritative reference and input builder live on the scoring server;
editing this copy changes nothing except your own understanding.
"""

import jax, jax.numpy as jnp
import numpy as np

B = 4096
D = 768
E = 8
K = 2


def setup_inputs(seed: int = 0) -> dict:
    key = jax.random.key(seed)
    ks = jax.random.split(key, 8)
    x = jax.random.normal(ks[0], (B, D), dtype=jnp.float32)
    Wg = jax.random.normal(ks[1], (D, E), dtype=jnp.float32) * 0.02
    bg = jnp.zeros((E,), dtype=jnp.float32)
    W1 = jax.random.normal(ks[2], (E, D, D), dtype=jnp.float32) * 0.02
    b1 = jnp.zeros((E, D), dtype=jnp.float32)
    W2 = jax.random.normal(ks[3], (E, D, D), dtype=jnp.float32) * 0.02
    b2 = jnp.zeros((E, D), dtype=jnp.float32)
    return {"x": x, "Wg": Wg, "bg": bg, "W1": W1, "b1": b1, "W2": W2, "b2": b2}


def reference(x, Wg, bg, W1, b1, W2, b2):
    # gating
    gate_logits = x @ Wg + bg  # [B, E]
    weights, indices = jax.lax.top_k(gate_logits, K)  # [B, K]
    weights = jax.nn.softmax(weights, axis=-1)
    # compute all experts densely (matches torch.stack over experts)
    h = jax.nn.relu(jnp.einsum('bd,edh->ebh', x, W1) + b1[:, None, :])  # [E, B, D]
    eo = jnp.einsum('ebh,eho->ebo', h, W2) + b2[:, None, :]  # [E, B, D]
    expert_outputs = jnp.transpose(eo, (1, 0, 2))  # [B, E, D]
    # gather top-k expert outputs per token and combine
    sel = jnp.take_along_axis(expert_outputs, indices[:, :, None], axis=1)  # [B, K, D]
    final_output = jnp.sum(weights[:, :, None] * sel, axis=1)  # [B, D]
    return final_output

if __name__ == "__main__":
    import jax
    _d = setup_inputs()
    print(jax.jit(kernel)(*tuple(_d.values())))

</pallas_src>

<mosaic_0001>
#map = affine_map<(d0, d1) -> (0, 0)>
#map1 = affine_map<(d0, d1) -> (0)>
module attributes {stable_mosaic.version = 14 : i64} {
  func.func @_sc_gather_body(%arg0: i32, %arg1: i32, %arg2: memref<4096x768xf32, #tpu.memory_space<hbm>>, %arg3: memref<10240xi32, #tpu.memory_space<hbm>>, %arg4: memref<10240x768xf32, #tpu.memory_space<hbm>>, %arg5: memref<320xi32, #tpu.memory_space<vmem>>, %arg6: memref<32x768xf32, #tpu.memory_space<vmem>>, %arg7: memref<32x768xf32, #tpu.memory_space<vmem>>, %arg8: memref<32x768xf32, #tpu.memory_space<vmem>>, %arg9: memref<32x768xf32, #tpu.memory_space<vmem>>, %arg10: memref<!tpu.dma_semaphore, #tpu.memory_space<semaphore_mem>>, %arg11: memref<!tpu.dma_semaphore, #tpu.memory_space<semaphore_mem>>, %arg12: memref<!tpu.dma_semaphore, #tpu.memory_space<semaphore_mem>>, %arg13: memref<!tpu.dma_semaphore, #tpu.memory_space<semaphore_mem>>, %arg14: memref<!tpu.dma_semaphore, #tpu.memory_space<semaphore_mem>>, %arg15: memref<!tpu.dma_semaphore, #tpu.memory_space<semaphore_mem>>, %arg16: memref<!tpu.dma_semaphore, #tpu.memory_space<semaphore_mem>>, %arg17: memref<!tpu.dma_semaphore, #tpu.memory_space<semaphore_mem>>) attributes {dimension_semantics = [#tpu.dimension_semantics<core_parallel>, #tpu.dimension_semantics<subcore_parallel>], iteration_bounds = array<i64: 2, 16>, scalar_prefetch = 0 : i64, scratch_operands = 13 : i64, tpu.core_type = #tpu.core_type<sc_vector_subcore>, window_params = [{transform_indices = #map}, {transform_indices = #map1}, {transform_indices = #map}]} {
    %mul3A = arith.constant 2 : i32
    %mul3A_0 = arith.muli %arg1, %mul3A : i32
    %add3A = arith.addi %mul3A_0, %arg0 : i32
    %mul3A_1 = arith.constant 320 : i32
    %mul3A_2 = arith.muli %add3A, %mul3A_1 : i32
    "tpu.region"() ({
      %run_scoped3A = tpu.sem_alloc : memref<!tpu.dma_semaphore, #tpu.memory_space<semaphore_mem>>
      %dma_start3A_201 = tpu.memref_slice %arg3[%mul3A_2] : memref<10240xi32, #tpu.memory_space<hbm>> -> memref<320xi32, #tpu.memory_space<hbm>>
      %dma_start3A_202 = tpu.memref_slice %arg3[%mul3A_2] : memref<10240xi32, #tpu.memory_space<hbm>> -> memref<320xi32, #tpu.memory_space<hbm>>
      tpu.enqueue_dma source(%dma_start3A_202 : memref<320xi32, #tpu.memory_space<hbm>>) target(%arg5 : memref<320xi32, #tpu.memory_space<vmem>>) target_semaphore(%run_scoped3A : memref<!tpu.dma_semaphore, #tpu.memory_space<semaphore_mem>>)
      %dma_wait3A_203 = tpu.memref_slice %arg3[%mul3A_2] : memref<10240xi32, #tpu.memory_space<hbm>> -> memref<320xi32, #tpu.memory_space<hbm>>
      %dma_wait3A_204 = tpu.memref_slice %arg3[%mul3A_2] : memref<10240xi32, #tpu.memory_space<hbm>> -> memref<320xi32, #tpu.memory_space<hbm>>
      tpu.wait_dma2 semaphore(%run_scoped3A : memref<!tpu.dma_semaphore, #tpu.memory_space<semaphore_mem>>) src(%dma_wait3A_204 : memref<320xi32, #tpu.memory_space<hbm>>) dst(%arg5 : memref<320xi32, #tpu.memory_space<vmem>>)
      tpu.yield
    }) : () -> ()
    %dma_start3A = arith.constant 0 : i32
    %dma_start3A_3 = tpu.memref_slice %arg5[%dma_start3A] : memref<320xi32, #tpu.memory_space<vmem>> -> memref<32xi32, #tpu.memory_space<vmem>>
    %dma_start3A_4 = arith.constant 0 : i32
    %dma_start3A_5 = arith.constant 0 : i32
    %dma_start3A_6 = tpu.memref_slice %arg2[%dma_start3A_4, %dma_start3A_5] : memref<4096x768xf32, #tpu.memory_space<hbm>> -> memref<4096x768xf32, #tpu.memory_space<hbm>>
    tpu.enqueue_indirect_dma source(%dma_start3A_6 : memref<4096x768xf32, #tpu.memory_space<hbm>>) target(%arg6 : memref<32x768xf32, #tpu.memory_space<vmem>>) offsets(%dma_start3A_3 : memref<32xi32, #tpu.memory_space<vmem>>) semaphore(%arg10 : memref<!tpu.dma_semaphore, #tpu.memory_space<semaphore_mem>>)
    %dma_start3A_7 = arith.constant 32 : i32
    %dma_start3A_8 = tpu.memref_slice %arg5[%dma_start3A_7] : memref<320xi32, #tpu.memory_space<vmem>> -> memref<32xi32, #tpu.memory_space<vmem>>
    %dma_start3A_9 = arith.constant 0 : i32
    %dma_start3A_10 = arith.constant 0 : i32
    %dma_start3A_11 = tpu.memref_slice %arg2[%dma_start3A_9, %dma_start3A_10] : memref<4096x768xf32, #tpu.memory_space<hbm>> -> memref<4096x768xf32, #tpu.memory_space<hbm>>
    tpu.enqueue_indirect_dma source(%dma_start3A_11 : memref<4096x768xf32, #tpu.memory_space<hbm>>) target(%arg7 : memref<32x768xf32, #tpu.memory_space<vmem>>) offsets(%dma_start3A_8 : memref<32xi32, #tpu.memory_space<vmem>>) semaphore(%arg11 : memref<!tpu.dma_semaphore, #tpu.memory_space<semaphore_mem>>)
    %dma_start3A_12 = arith.constant 64 : i32
    %dma_start3A_13 = tpu.memref_slice %arg5[%dma_start3A_12] : memref<320xi32, #tpu.memory_space<vmem>> -> memref<32xi32, #tpu.memory_space<vmem>>
    %dma_start3A_14 = arith.constant 0 : i32
    %dma_start3A_15 = arith.constant 0 : i32
    %dma_start3A_16 = tpu.memref_slice %arg2[%dma_start3A_14, %dma_start3A_15] : memref<4096x768xf32, #tpu.memory_space<hbm>> -> memref<4096x768xf32, #tpu.memory_space<hbm>>
    tpu.enqueue_indirect_dma source(%dma_start3A_16 : memref<4096x768xf32, #tpu.memory_space<hbm>>) target(%arg8 : memref<32x768xf32, #tpu.memory_space<vmem>>) offsets(%dma_start3A_13 : memref<32xi32, #tpu.memory_space<vmem>>) semaphore(%arg12 : memref<!tpu.dma_semaphore, #tpu.memory_space<semaphore_mem>>)
    %dma_start3A_17 = arith.constant 96 : i32
    %dma_start3A_18 = tpu.memref_slice %arg5[%dma_start3A_17] : memref<320xi32, #tpu.memory_space<vmem>> -> memref<32xi32, #tpu.memory_space<vmem>>
    %dma_start3A_19 = arith.constant 0 : i32
    %dma_start3A_20 = arith.constant 0 : i32
    %dma_start3A_21 = tpu.memref_slice %arg2[%dma_start3A_19, %dma_start3A_20] : memref<4096x768xf32, #tpu.memory_space<hbm>> -> memref<4096x768xf32, #tpu.memory_space<hbm>>
    tpu.enqueue_indirect_dma source(%dma_start3A_21 : memref<4096x768xf32, #tpu.memory_space<hbm>>) target(%arg9 : memref<32x768xf32, #tpu.memory_space<vmem>>) offsets(%dma_start3A_18 : memref<32xi32, #tpu.memory_space<vmem>>) semaphore(%arg13 : memref<!tpu.dma_semaphore, #tpu.memory_space<semaphore_mem>>)
    %dma_wait3A = arith.constant 0 : i32
    %dma_wait3A_22 = tpu.memref_slice %arg5[%dma_wait3A] : memref<320xi32, #tpu.memory_space<vmem>> -> memref<32xi32, #tpu.memory_space<vmem>>
    %dma_wait3A_23 = arith.constant 0 : i32
    %dma_wait3A_24 = arith.constant 0 : i32
    %dma_wait3A_25 = tpu.memref_slice %arg2[%dma_wait3A_23, %dma_wait3A_24] : memref<4096x768xf32, #tpu.memory_space<hbm>> -> memref<4096x768xf32, #tpu.memory_space<hbm>>
    tpu.wait_indirect_dma semaphore(%arg10 : memref<!tpu.dma_semaphore, #tpu.memory_space<semaphore_mem>>) src(%dma_wait3A_25 : memref<4096x768xf32, #tpu.memory_space<hbm>>) dst(%arg6 : memref<32x768xf32, #tpu.memory_space<vmem>>)
    %add3A_26 = arith.constant 0 : i32
    %add3A_27 = arith.addi %mul3A_2, %add3A_26 : i32
    %dma_start3A_28 = arith.constant 0 : i32
    %dma_start3A_29 = tpu.memref_slice %arg4[%add3A_27, %dma_start3A_28] : memref<10240x768xf32, #tpu.memory_space<hbm>> -> memref<32x768xf32, #tpu.memory_space<hbm>>
    %dma_start3A_30 = arith.constant 0 : i32
    %dma_start3A_31 = tpu.memref_slice %arg4[%add3A_27, %dma_start3A_30] : memref<10240x768xf32, #tpu.memory_space<hbm>> -> memref<32x768xf32, #tpu.memory_space<hbm>>
    tpu.enqueue_dma source(%arg6 : memref<32x768xf32, #tpu.memory_space<vmem>>) target(%dma_start3A_31 : memref<32x768xf32, #tpu.memory_space<hbm>>) target_semaphore(%arg14 : memref<!tpu.dma_semaphore, #tpu.memory_space<semaphore_mem>>)
    %dma_wait3A_32 = arith.constant 0 : i32
    %dma_wait3A_33 = tpu.memref_slice %arg4[%add3A_27, %dma_wait3A_32] : memref<10240x768xf32, #tpu.memory_space<hbm>> -> memref<32x768xf32, #tpu.memory_space<hbm>>
    %dma_wait3A_34 = arith.constant 0 : i32
    %dma_wait3A_35 = tpu.memref_slice %arg4[%add3A_27, %dma_wait3A_34] : memref<10240x768xf32, #tpu.memory_space<hbm>> -> memref<32x768xf32, #tpu.memory_space<hbm>>
    tpu.wait_dma2 semaphore(%arg14 : memref<!tpu.dma_semaphore, #tpu.memory_space<semaphore_mem>>) src(%arg6 : memref<32x768xf32, #tpu.memory_space<vmem>>) dst(%dma_wait3A_35 : memref<32x768xf32, #tpu.memory_space<hbm>>)
    %dma_start3A_36 = arith.constant 128 : i32
    %dma_start3A_37 = tpu.memref_slice %arg5[%dma_start3A_36] : memref<320xi32, #tpu.memory_space<vmem>> -> memref<32xi32, #tpu.memory_space<vmem>>
    %dma_start3A_38 = arith.constant 0 : i32
    %dma_start3A_39 = arith.constant 0 : i32
    %dma_start3A_40 = tpu.memref_slice %arg2[%dma_start3A_38, %dma_start3A_39] : memref<4096x768xf32, #tpu.memory_space<hbm>> -> memref<4096x768xf32, #tpu.memory_space<hbm>>
    tpu.enqueue_indirect_dma source(%dma_start3A_40 : memref<4096x768xf32, #tpu.memory_space<hbm>>) target(%arg6 : memref<32x768xf32, #tpu.memory_space<vmem>>) offsets(%dma_start3A_37 : memref<32xi32, #tpu.memory_space<vmem>>) semaphore(%arg10 : memref<!tpu.dma_semaphore, #tpu.memory_space<semaphore_mem>>)
    %dma_wait3A_41 = arith.constant 32 : i32
    %dma_wait3A_42 = tpu.memref_slice %arg5[%dma_wait3A_41] : memref<320xi32, #tpu.memory_space<vmem>> -> memref<32xi32, #tpu.memory_space<vmem>>
    %dma_wait3A_43 = arith.constant 0 : i32
    %dma_wait3A_44 = arith.constant 0 : i32
    %dma_wait3A_45 = tpu.memref_slice %arg2[%dma_wait3A_43, %dma_wait3A_44] : memref<4096x768xf32, #tpu.memory_space<hbm>> -> memref<4096x768xf32, #tpu.memory_space<hbm>>
    tpu.wait_indirect_dma semaphore(%arg11 : memref<!tpu.dma_semaphore, #tpu.memory_space<semaphore_mem>>) src(%dma_wait3A_45 : memref<4096x768xf32, #tpu.memory_space<hbm>>) dst(%arg7 : memref<32x768xf32, #tpu.memory_space<vmem>>)
    %add3A_46 = arith.constant 32 : i32
    %add3A_47 = arith.addi %mul3A_2, %add3A_46 : i32
    %dma_start3A_48 = arith.constant 0 : i32
    %dma_start3A_49 = tpu.memref_slice %arg4[%add3A_47, %dma_start3A_48] : memref<10240x768xf32, #tpu.memory_space<hbm>> -> memref<32x768xf32, #tpu.memory_space<hbm>>
    %dma_start3A_50 = arith.constant 0 : i32
    %dma_start3A_51 = tpu.memref_slice %arg4[%add3A_47, %dma_start3A_50] : memref<10240x768xf32, #tpu.memory_space<hbm>> -> memref<32x768xf32, #tpu.memory_space<hbm>>
    tpu.enqueue_dma source(%arg7 : memref<32x768xf32, #tpu.memory_space<vmem>>) target(%dma_start3A_51 : memref<32x768xf32, #tpu.memory_space<hbm>>) target_semaphore(%arg15 : memref<!tpu.dma_semaphore, #tpu.memory_space<semaphore_mem>>)
    %dma_wait3A_52 = arith.constant 0 : i32
    %dma_wait3A_53 = tpu.memref_slice %arg4[%add3A_47, %dma_wait3A_52] : memref<10240x768xf32, #tpu.memory_space<hbm>> -> memref<32x768xf32, #tpu.memory_space<hbm>>
    %dma_wait3A_54 = arith.constant 0 : i32
    %dma_wait3A_55 = tpu.memref_slice %arg4[%add3A_47, %dma_wait3A_54] : memref<10240x768xf32, #tpu.memory_space<hbm>> -> memref<32x768xf32, #tpu.memory_space<hbm>>
    tpu.wait_dma2 semaphore(%arg15 : memref<!tpu.dma_semaphore, #tpu.memory_space<semaphore_mem>>) src(%arg7 : memref<32x768xf32, #tpu.memory_space<vmem>>) dst(%dma_wait3A_55 : memref<32x768xf32, #tpu.memory_space<hbm>>)
    %dma_start3A_56 = arith.constant 160 : i32
    %dma_start3A_57 = tpu.memref_slice %arg5[%dma_start3A_56] : memref<320xi32, #tpu.memory_space<vmem>> -> memref<32xi32, #tpu.memory_space<vmem>>
    %dma_start3A_58 = arith.constant 0 : i32
    %dma_start3A_59 = arith.constant 0 : i32
    %dma_start3A_60 = tpu.memref_slice %arg2[%dma_start3A_58, %dma_start3A_59] : memref<4096x768xf32, #tpu.memory_space<hbm>> -> memref<4096x768xf32, #tpu.memory_space<hbm>>
    tpu.enqueue_indirect_dma source(%dma_start3A_60 : memref<4096x768xf32, #tpu.memory_space<hbm>>) target(%arg7 : memref<32x768xf32, #tpu.memory_space<vmem>>) offsets(%dma_start3A_57 : memref<32xi32, #tpu.memory_space<vmem>>) semaphore(%arg11 : memref<!tpu.dma_semaphore, #tpu.memory_space<semaphore_mem>>)
    %dma_wait3A_61 = arith.constant 64 : i32
    %dma_wait3A_62 = tpu.memref_slice %arg5[%dma_wait3A_61] : memref<320xi32, #tpu.memory_space<vmem>> -> memref<32xi32, #tpu.memory_space<vmem>>
    %dma_wait3A_63 = arith.constant 0 : i32
    %dma_wait3A_64 = arith.constant 0 : i32
    %dma_wait3A_65 = tpu.memref_slice %arg2[%dma_wait3A_63, %dma_wait3A_64] : memref<4096x768xf32, #tpu.memory_space<hbm>> -> memref<4096x768xf32, #tpu.memory_space<hbm>>
    tpu.wait_indirect_dma semaphore(%arg12 : memref<!tpu.dma_semaphore, #tpu.memory_space<semaphore_mem>>) src(%dma_wait3A_65 : memref<4096x768xf32, #tpu.memory_space<hbm>>) dst(%arg8 : memref<32x768xf32, #tpu.memory_space<vmem>>)
    %add3A_66 = arith.constant 64 : i32
    %add3A_67 = arith.addi %mul3A_2, %add3A_66 : i32
    %dma_start3A_68 = arith.constant 0 : i32
    %dma_start3A_69 = tpu.memref_slice %arg4[%add3A_67, %dma_start3A_68] : memref<10240x768xf32, #tpu.memory_space<hbm>> -> memref<32x768xf32, #tpu.memory_space<hbm>>
    %dma_start3A_70 = arith.constant 0 : i32
    %dma_start3A_71 = tpu.memref_slice %arg4[%add3A_67, %dma_start3A_70] : memref<10240x768xf32, #tpu.memory_space<hbm>> -> memref<32x768xf32, #tpu.memory_space<hbm>>
    tpu.enqueue_dma source(%arg8 : memref<32x768xf32, #tpu.memory_space<vmem>>) target(%dma_start3A_71 : memref<32x768xf32, #tpu.memory_space<hbm>>) target_semaphore(%arg16 : memref<!tpu.dma_semaphore, #tpu.memory_space<semaphore_mem>>)
    %dma_wait3A_72 = arith.constant 0 : i32
    %dma_wait3A_73 = tpu.memref_slice %arg4[%add3A_67, %dma_wait3A_72] : memref<10240x768xf32, #tpu.memory_space<hbm>> -> memref<32x768xf32, #tpu.memory_space<hbm>>
    %dma_wait3A_74 = arith.constant 0 : i32
    %dma_wait3A_75 = tpu.memref_slice %arg4[%add3A_67, %dma_wait3A_74] : memref<10240x768xf32, #tpu.memory_space<hbm>> -> memref<32x768xf32, #tpu.memory_space<hbm>>
    tpu.wait_dma2 semaphore(%arg16 : memref<!tpu.dma_semaphore, #tpu.memory_space<semaphore_mem>>) src(%arg8 : memref<32x768xf32, #tpu.memory_space<vmem>>) dst(%dma_wait3A_75 : memref<32x768xf32, #tpu.memory_space<hbm>>)
    %dma_start3A_76 = arith.constant 192 : i32
    %dma_start3A_77 = tpu.memref_slice %arg5[%dma_start3A_76] : memref<320xi32, #tpu.memory_space<vmem>> -> memref<32xi32, #tpu.memory_space<vmem>>
    %dma_start3A_78 = arith.constant 0 : i32
    %dma_start3A_79 = arith.constant 0 : i32
    %dma_start3A_80 = tpu.memref_slice %arg2[%dma_start3A_78, %dma_start3A_79] : memref<4096x768xf32, #tpu.memory_space<hbm>> -> memref<4096x768xf32, #tpu.memory_space<hbm>>
    tpu.enqueue_indirect_dma source(%dma_start3A_80 : memref<4096x768xf32, #tpu.memory_space<hbm>>) target(%arg8 : memref<32x768xf32, #tpu.memory_space<vmem>>) offsets(%dma_start3A_77 : memref<32xi32, #tpu.memory_space<vmem>>) semaphore(%arg12 : memref<!tpu.dma_semaphore, #tpu.memory_space<semaphore_mem>>)
    %dma_wait3A_81 = arith.constant 96 : i32
    %dma_wait3A_82 = tpu.memref_slice %arg5[%dma_wait3A_81] : memref<320xi32, #tpu.memory_space<vmem>> -> memref<32xi32, #tpu.memory_space<vmem>>
    %dma_wait3A_83 = arith.constant 0 : i32
    %dma_wait3A_84 = arith.constant 0 : i32
    %dma_wait3A_85 = tpu.memref_slice %arg2[%dma_wait3A_83, %dma_wait3A_84] : memref<4096x768xf32, #tpu.memory_space<hbm>> -> memref<4096x768xf32, #tpu.memory_space<hbm>>
    tpu.wait_indirect_dma semaphore(%arg13 : memref<!tpu.dma_semaphore, #tpu.memory_space<semaphore_mem>>) src(%dma_wait3A_85 : memref<4096x768xf32, #tpu.memory_space<hbm>>) dst(%arg9 : memref<32x768xf32, #tpu.memory_space<vmem>>)
    %add3A_86 = arith.constant 96 : i32
    %add3A_87 = arith.addi %mul3A_2, %add3A_86 : i32
    %dma_start3A_88 = arith.constant 0 : i32
    %dma_start3A_89 = tpu.memref_slice %arg4[%add3A_87, %dma_start3A_88] : memref<10240x768xf32, #tpu.memory_space<hbm>> -> memref<32x768xf32, #tpu.memory_space<hbm>>
    %dma_start3A_90 = arith.constant 0 : i32
    %dma_start3A_91 = tpu.memref_slice %arg4[%add3A_87, %dma_start3A_90] : memref<10240x768xf32, #tpu.memory_space<hbm>> -> memref<32x768xf32, #tpu.memory_space<hbm>>
    tpu.enqueue_dma source(%arg9 : memref<32x768xf32, #tpu.memory_space<vmem>>) target(%dma_start3A_91 : memref<32x768xf32, #tpu.memory_space<hbm>>) target_semaphore(%arg17 : memref<!tpu.dma_semaphore, #tpu.memory_space<semaphore_mem>>)
    %dma_wait3A_92 = arith.constant 0 : i32
    %dma_wait3A_93 = tpu.memref_slice %arg4[%add3A_87, %dma_wait3A_92] : memref<10240x768xf32, #tpu.memory_space<hbm>> -> memref<32x768xf32, #tpu.memory_space<hbm>>
    %dma_wait3A_94 = arith.constant 0 : i32
    %dma_wait3A_95 = tpu.memref_slice %arg4[%add3A_87, %dma_wait3A_94] : memref<10240x768xf32, #tpu.memory_space<hbm>> -> memref<32x768xf32, #tpu.memory_space<hbm>>
    tpu.wait_dma2 semaphore(%arg17 : memref<!tpu.dma_semaphore, #tpu.memory_space<semaphore_mem>>) src(%arg9 : memref<32x768xf32, #tpu.memory_space<vmem>>) dst(%dma_wait3A_95 : memref<32x768xf32, #tpu.memory_space<hbm>>)
    %dma_start3A_96 = arith.constant 224 : i32
    %dma_start3A_97 = tpu.memref_slice %arg5[%dma_start3A_96] : memref<320xi32, #tpu.memory_space<vmem>> -> memref<32xi32, #tpu.memory_space<vmem>>
    %dma_start3A_98 = arith.constant 0 : i32
    %dma_start3A_99 = arith.constant 0 : i32
    %dma_start3A_100 = tpu.memref_slice %arg2[%dma_start3A_98, %dma_start3A_99] : memref<4096x768xf32, #tpu.memory_space<hbm>> -> memref<4096x768xf32, #tpu.memory_space<hbm>>
    tpu.enqueue_indirect_dma source(%dma_start3A_100 : memref<4096x768xf32, #tpu.memory_space<hbm>>) target(%arg9 : memref<32x768xf32, #tpu.memory_space<vmem>>) offsets(%dma_start3A_97 : memref<32xi32, #tpu.memory_space<vmem>>) semaphore(%arg13 : memref<!tpu.dma_semaphore, #tpu.memory_space<semaphore_mem>>)
    %dma_wait3A_101 = arith.constant 128 : i32
    %dma_wait3A_102 = tpu.memref_slice %arg5[%dma_wait3A_101] : memref<320xi32, #tpu.memory_space<vmem>> -> memref<32xi32, #tpu.memory_space<vmem>>
    %dma_wait3A_103 = arith.constant 0 : i32
    %dma_wait3A_104 = arith.constant 0 : i32
    %dma_wait3A_105 = tpu.memref_slice %arg2[%dma_wait3A_103, %dma_wait3A_104] : memref<4096x768xf32, #tpu.memory_space<hbm>> -> memref<4096x768xf32, #tpu.memory_space<hbm>>
    tpu.wait_indirect_dma semaphore(%arg10 : memref<!tpu.dma_semaphore, #tpu.memory_space<semaphore_mem>>) src(%dma_wait3A_105 : memref<4096x768xf32, #tpu.memory_space<hbm>>) dst(%arg6 : memref<32x768xf32, #tpu.memory_space<vmem>>)
    %add3A_106 = arith.constant 128 : i32
    %add3A_107 = arith.addi %mul3A_2, %add3A_106 : i32
    %dma_start3A_108 = arith.constant 0 : i32
    %dma_start3A_109 = tpu.memref_slice %arg4[%add3A_107, %dma_start3A_108] : memref<10240x768xf32, #tpu.memory_space<hbm>> -> memref<32x768xf32, #tpu.memory_space<hbm>>
    %dma_start3A_110 = arith.constant 0 : i32
    %dma_start3A_111 = tpu.memref_slice %arg4[%add3A_107, %dma_start3A_110] : memref<10240x768xf32, #tpu.memory_space<hbm>> -> memref<32x768xf32, #tpu.memory_space<hbm>>
    tpu.enqueue_dma source(%arg6 : memref<32x768xf32, #tpu.memory_space<vmem>>) target(%dma_start3A_111 : memref<32x768xf32, #tpu.memory_space<hbm>>) target_semaphore(%arg14 : memref<!tpu.dma_semaphore, #tpu.memory_space<semaphore_mem>>)
    %dma_wait3A_112 = arith.constant 0 : i32
    %dma_wait3A_113 = tpu.memref_slice %arg4[%add3A_107, %dma_wait3A_112] : memref<10240x768xf32, #tpu.memory_space<hbm>> -> memref<32x768xf32, #tpu.memory_space<hbm>>
    %dma_wait3A_114 = arith.constant 0 : i32
    %dma_wait3A_115 = tpu.memref_slice %arg4[%add3A_107, %dma_wait3A_114] : memref<10240x768xf32, #tpu.memory_space<hbm>> -> memref<32x768xf32, #tpu.memory_space<hbm>>
    tpu.wait_dma2 semaphore(%arg14 : memref<!tpu.dma_semaphore, #tpu.memory_space<semaphore_mem>>) src(%arg6 : memref<32x768xf32, #tpu.memory_space<vmem>>) dst(%dma_wait3A_115 : memref<32x768xf32, #tpu.memory_space<hbm>>)
    %dma_start3A_116 = arith.constant 256 : i32
    %dma_start3A_117 = tpu.memref_slice %arg5[%dma_start3A_116] : memref<320xi32, #tpu.memory_space<vmem>> -> memref<32xi32, #tpu.memory_space<vmem>>
    %dma_start3A_118 = arith.constant 0 : i32
    %dma_start3A_119 = arith.constant 0 : i32
    %dma_start3A_120 = tpu.memref_slice %arg2[%dma_start3A_118, %dma_start3A_119] : memref<4096x768xf32, #tpu.memory_space<hbm>> -> memref<4096x768xf32, #tpu.memory_space<hbm>>
    tpu.enqueue_indirect_dma source(%dma_start3A_120 : memref<4096x768xf32, #tpu.memory_space<hbm>>) target(%arg6 : memref<32x768xf32, #tpu.memory_space<vmem>>) offsets(%dma_start3A_117 : memref<32xi32, #tpu.memory_space<vmem>>) semaphore(%arg10 : memref<!tpu.dma_semaphore, #tpu.memory_space<semaphore_mem>>)
    %dma_wait3A_121 = arith.constant 160 : i32
    %dma_wait3A_122 = tpu.memref_slice %arg5[%dma_wait3A_121] : memref<320xi32, #tpu.memory_space<vmem>> -> memref<32xi32, #tpu.memory_space<vmem>>
    %dma_wait3A_123 = arith.constant 0 : i32
    %dma_wait3A_124 = arith.constant 0 : i32
    %dma_wait3A_125 = tpu.memref_slice %arg2[%dma_wait3A_123, %dma_wait3A_124] : memref<4096x768xf32, #tpu.memory_space<hbm>> -> memref<4096x768xf32, #tpu.memory_space<hbm>>
    tpu.wait_indirect_dma semaphore(%arg11 : memref<!tpu.dma_semaphore, #tpu.memory_space<semaphore_mem>>) src(%dma_wait3A_125 : memref<4096x768xf32, #tpu.memory_space<hbm>>) dst(%arg7 : memref<32x768xf32, #tpu.memory_space<vmem>>)
    %add3A_126 = arith.constant 160 : i32
    %add3A_127 = arith.addi %mul3A_2, %add3A_126 : i32
    %dma_start3A_128 = arith.constant 0 : i32
    %dma_start3A_129 = tpu.memref_slice %arg4[%add3A_127, %dma_start3A_128] : memref<10240x768xf32, #tpu.memory_space<hbm>> -> memref<32x768xf32, #tpu.memory_space<hbm>>
    %dma_start3A_130 = arith.constant 0 : i32
    %dma_start3A_131 = tpu.memref_slice %arg4[%add3A_127, %dma_start3A_130] : memref<10240x768xf32, #tpu.memory_space<hbm>> -> memref<32x768xf32, #tpu.memory_space<hbm>>
    tpu.enqueue_dma source(%arg7 : memref<32x768xf32, #tpu.memory_space<vmem>>) target(%dma_start3A_131 : memref<32x768xf32, #tpu.memory_space<hbm>>) target_semaphore(%arg15 : memref<!tpu.dma_semaphore, #tpu.memory_space<semaphore_mem>>)
    %dma_wait3A_132 = arith.constant 0 : i32
    %dma_wait3A_133 = tpu.memref_slice %arg4[%add3A_127, %dma_wait3A_132] : memref<10240x768xf32, #tpu.memory_space<hbm>> -> memref<32x768xf32, #tpu.memory_space<hbm>>
    %dma_wait3A_134 = arith.constant 0 : i32
    %dma_wait3A_135 = tpu.memref_slice %arg4[%add3A_127, %dma_wait3A_134] : memref<10240x768xf32, #tpu.memory_space<hbm>> -> memref<32x768xf32, #tpu.memory_space<hbm>>
    tpu.wait_dma2 semaphore(%arg15 : memref<!tpu.dma_semaphore, #tpu.memory_space<semaphore_mem>>) src(%arg7 : memref<32x768xf32, #tpu.memory_space<vmem>>) dst(%dma_wait3A_135 : memref<32x768xf32, #tpu.memory_space<hbm>>)
    %dma_start3A_136 = arith.constant 288 : i32
    %dma_start3A_137 = tpu.memref_slice %arg5[%dma_start3A_136] : memref<320xi32, #tpu.memory_space<vmem>> -> memref<32xi32, #tpu.memory_space<vmem>>
    %dma_start3A_138 = arith.constant 0 : i32
    %dma_start3A_139 = arith.constant 0 : i32
    %dma_start3A_140 = tpu.memref_slice %arg2[%dma_start3A_138, %dma_start3A_139] : memref<4096x768xf32, #tpu.memory_space<hbm>> -> memref<4096x768xf32, #tpu.memory_space<hbm>>
    tpu.enqueue_indirect_dma source(%dma_start3A_140 : memref<4096x768xf32, #tpu.memory_space<hbm>>) target(%arg7 : memref<32x768xf32, #tpu.memory_space<vmem>>) offsets(%dma_start3A_137 : memref<32xi32, #tpu.memory_space<vmem>>) semaphore(%arg11 : memref<!tpu.dma_semaphore, #tpu.memory_space<semaphore_mem>>)
    %dma_wait3A_141 = arith.constant 192 : i32
    %dma_wait3A_142 = tpu.memref_slice %arg5[%dma_wait3A_141] : memref<320xi32, #tpu.memory_space<vmem>> -> memref<32xi32, #tpu.memory_space<vmem>>
    %dma_wait3A_143 = arith.constant 0 : i32
    %dma_wait3A_144 = arith.constant 0 : i32
    %dma_wait3A_145 = tpu.memref_slice %arg2[%dma_wait3A_143, %dma_wait3A_144] : memref<4096x768xf32, #tpu.memory_space<hbm>> -> memref<4096x768xf32, #tpu.memory_space<hbm>>
    tpu.wait_indirect_dma semaphore(%arg12 : memref<!tpu.dma_semaphore, #tpu.memory_space<semaphore_mem>>) src(%dma_wait3A_145 : memref<4096x768xf32, #tpu.memory_space<hbm>>) dst(%arg8 : memref<32x768xf32, #tpu.memory_space<vmem>>)
    %add3A_146 = arith.constant 192 : i32
    %add3A_147 = arith.addi %mul3A_2, %add3A_146 : i32
    %dma_start3A_148 = arith.constant 0 : i32
    %dma_start3A_149 = tpu.memref_slice %arg4[%add3A_147, %dma_start3A_148] : memref<10240x768xf32, #tpu.memory_space<hbm>> -> memref<32x768xf32, #tpu.memory_space<hbm>>
    %dma_start3A_150 = arith.constant 0 : i32
    %dma_start3A_151 = tpu.memref_slice %arg4[%add3A_147, %dma_start3A_150] : memref<10240x768xf32, #tpu.memory_space<hbm>> -> memref<32x768xf32, #tpu.memory_space<hbm>>
    tpu.enqueue_dma source(%arg8 : memref<32x768xf32, #tpu.memory_space<vmem>>) target(%dma_start3A_151 : memref<32x768xf32, #tpu.memory_space<hbm>>) target_semaphore(%arg16 : memref<!tpu.dma_semaphore, #tpu.memory_space<semaphore_mem>>)
    %dma_wait3A_152 = arith.constant 224 : i32
    %dma_wait3A_153 = tpu.memref_slice %arg5[%dma_wait3A_152] : memref<320xi32, #tpu.memory_space<vmem>> -> memref<32xi32, #tpu.memory_space<vmem>>
    %dma_wait3A_154 = arith.constant 0 : i32
    %dma_wait3A_155 = arith.constant 0 : i32
    %dma_wait3A_156 = tpu.memref_slice %arg2[%dma_wait3A_154, %dma_wait3A_155] : memref<4096x768xf32, #tpu.memory_space<hbm>> -> memref<4096x768xf32, #tpu.memory_space<hbm>>
    tpu.wait_indirect_dma semaphore(%arg13 : memref<!tpu.dma_semaphore, #tpu.memory_space<semaphore_mem>>) src(%dma_wait3A_156 : memref<4096x768xf32, #tpu.memory_space<hbm>>) dst(%arg9 : memref<32x768xf32, #tpu.memory_space<vmem>>)
    %add3A_157 = arith.constant 224 : i32
    %add3A_158 = arith.addi %mul3A_2, %add3A_157 : i32
    %dma_start3A_159 = arith.constant 0 : i32
    %dma_start3A_160 = tpu.memref_slice %arg4[%add3A_158, %dma_start3A_159] : memref<10240x768xf32, #tpu.memory_space<hbm>> -> memref<32x768xf32, #tpu.memory_space<hbm>>
    %dma_start3A_161 = arith.constant 0 : i32
    %dma_start3A_162 = tpu.memref_slice %arg4[%add3A_158, %dma_start3A_161] : memref<10240x768xf32, #tpu.memory_space<hbm>> -> memref<32x768xf32, #tpu.memory_space<hbm>>
    tpu.enqueue_dma source(%arg9 : memref<32x768xf32, #tpu.memory_space<vmem>>) target(%dma_start3A_162 : memref<32x768xf32, #tpu.memory_space<hbm>>) target_semaphore(%arg17 : memref<!tpu.dma_semaphore, #tpu.memory_space<semaphore_mem>>)
    %dma_wait3A_163 = arith.constant 256 : i32
    %dma_wait3A_164 = tpu.memref_slice %arg5[%dma_wait3A_163] : memref<320xi32, #tpu.memory_space<vmem>> -> memref<32xi32, #tpu.memory_space<vmem>>
    %dma_wait3A_165 = arith.constant 0 : i32
    %dma_wait3A_166 = arith.constant 0 : i32
    %dma_wait3A_167 = tpu.memref_slice %arg2[%dma_wait3A_165, %dma_wait3A_166] : memref<4096x768xf32, #tpu.memory_space<hbm>> -> memref<4096x768xf32, #tpu.memory_space<hbm>>
    tpu.wait_indirect_dma semaphore(%arg10 : memref<!tpu.dma_semaphore, #tpu.memory_space<semaphore_mem>>) src(%dma_wait3A_167 : memref<4096x768xf32, #tpu.memory_space<hbm>>) dst(%arg6 : memref<32x768xf32, #tpu.memory_space<vmem>>)
    %add3A_168 = arith.constant 256 : i32
    %add3A_169 = arith.addi %mul3A_2, %add3A_168 : i32
    %dma_start3A_170 = arith.constant 0 : i32
    %dma_start3A_171 = tpu.memref_slice %arg4[%add3A_169, %dma_start3A_170] : memref<10240x768xf32, #tpu.memory_space<hbm>> -> memref<32x768xf32, #tpu.memory_space<hbm>>
    %dma_start3A_172 = arith.constant 0 : i32
    %dma_start3A_173 = tpu.memref_slice %arg4[%add3A_169, %dma_start3A_172] : memref<10240x768xf32, #tpu.memory_space<hbm>> -> memref<32x768xf32, #tpu.memory_space<hbm>>
    tpu.enqueue_dma source(%arg6 : memref<32x768xf32, #tpu.memory_space<vmem>>) target(%dma_start3A_173 : memref<32x768xf32, #tpu.memory_space<hbm>>) target_semaphore(%arg14 : memref<!tpu.dma_semaphore, #tpu.memory_space<semaphore_mem>>)
    %dma_wait3A_174 = arith.constant 288 : i32
    %dma_wait3A_175 = tpu.memref_slice %arg5[%dma_wait3A_174] : memref<320xi32, #tpu.memory_space<vmem>> -> memref<32xi32, #tpu.memory_space<vmem>>
    %dma_wait3A_176 = arith.constant 0 : i32
    %dma_wait3A_177 = arith.constant 0 : i32
    %dma_wait3A_178 = tpu.memref_slice %arg2[%dma_wait3A_176, %dma_wait3A_177] : memref<4096x768xf32, #tpu.memory_space<hbm>> -> memref<4096x768xf32, #tpu.memory_space<hbm>>
    tpu.wait_indirect_dma semaphore(%arg11 : memref<!tpu.dma_semaphore, #tpu.memory_space<semaphore_mem>>) src(%dma_wait3A_178 : memref<4096x768xf32, #tpu.memory_space<hbm>>) dst(%arg7 : memref<32x768xf32, #tpu.memory_space<vmem>>)
    %add3A_179 = arith.constant 288 : i32
    %add3A_180 = arith.addi %mul3A_2, %add3A_179 : i32
    %dma_start3A_181 = arith.constant 0 : i32
    %dma_start3A_182 = tpu.memref_slice %arg4[%add3A_180, %dma_start3A_181] : memref<10240x768xf32, #tpu.memory_space<hbm>> -> memref<32x768xf32, #tpu.memory_space<hbm>>
    %dma_start3A_183 = arith.constant 0 : i32
    %dma_start3A_184 = tpu.memref_slice %arg4[%add3A_180, %dma_start3A_183] : memref<10240x768xf32, #tpu.memory_space<hbm>> -> memref<32x768xf32, #tpu.memory_space<hbm>>
    tpu.enqueue_dma source(%arg7 : memref<32x768xf32, #tpu.memory_space<vmem>>) target(%dma_start3A_184 : memref<32x768xf32, #tpu.memory_space<hbm>>) target_semaphore(%arg15 : memref<!tpu.dma_semaphore, #tpu.memory_space<semaphore_mem>>)
    %dma_wait3A_185 = arith.constant 0 : i32
    %dma_wait3A_186 = tpu.memref_slice %arg4[%add3A_169, %dma_wait3A_185] : memref<10240x768xf32, #tpu.memory_space<hbm>> -> memref<32x768xf32, #tpu.memory_space<hbm>>
    %dma_wait3A_187 = arith.constant 0 : i32
    %dma_wait3A_188 = tpu.memref_slice %arg4[%add3A_169, %dma_wait3A_187] : memref<10240x768xf32, #tpu.memory_space<hbm>> -> memref<32x768xf32, #tpu.memory_space<hbm>>
    tpu.wait_dma2 semaphore(%arg14 : memref<!tpu.dma_semaphore, #tpu.memory_space<semaphore_mem>>) src(%arg6 : memref<32x768xf32, #tpu.memory_space<vmem>>) dst(%dma_wait3A_188 : memref<32x768xf32, #tpu.memory_space<hbm>>)
    %dma_wait3A_189 = arith.constant 0 : i32
    %dma_wait3A_190 = tpu.memref_slice %arg4[%add3A_180, %dma_wait3A_189] : memref<10240x768xf32, #tpu.memory_space<hbm>> -> memref<32x768xf32, #tpu.memory_space<hbm>>
    %dma_wait3A_191 = arith.constant 0 : i32
    %dma_wait3A_192 = tpu.memref_slice %arg4[%add3A_180, %dma_wait3A_191] : memref<10240x768xf32, #tpu.memory_space<hbm>> -> memref<32x768xf32, #tpu.memory_space<hbm>>
    tpu.wait_dma2 semaphore(%arg15 : memref<!tpu.dma_semaphore, #tpu.memory_space<semaphore_mem>>) src(%arg7 : memref<32x768xf32, #tpu.memory_space<vmem>>) dst(%dma_wait3A_192 : memref<32x768xf32, #tpu.memory_space<hbm>>)
    %dma_wait3A_193 = arith.constant 0 : i32
    %dma_wait3A_194 = tpu.memref_slice %arg4[%add3A_147, %dma_wait3A_193] : memref<10240x768xf32, #tpu.memory_space<hbm>> -> memref<32x768xf32, #tpu.memory_space<hbm>>
    %dma_wait3A_195 = arith.constant 0 : i32
    %dma_wait3A_196 = tpu.memref_slice %arg4[%add3A_147, %dma_wait3A_195] : memref<10240x768xf32, #tpu.memory_space<hbm>> -> memref<32x768xf32, #tpu.memory_space<hbm>>
    tpu.wait_dma2 semaphore(%arg16 : memref<!tpu.dma_semaphore, #tpu.memory_space<semaphore_mem>>) src(%arg8 : memref<32x768xf32, #tpu.memory_space<vmem>>) dst(%dma_wait3A_196 : memref<32x768xf32, #tpu.memory_space<hbm>>)
    %dma_wait3A_197 = arith.constant 0 : i32
    %dma_wait3A_198 = tpu.memref_slice %arg4[%add3A_158, %dma_wait3A_197] : memref<10240x768xf32, #tpu.memory_space<hbm>> -> memref<32x768xf32, #tpu.memory_space<hbm>>
    %dma_wait3A_199 = arith.constant 0 : i32
    %dma_wait3A_200 = tpu.memref_slice %arg4[%add3A_158, %dma_wait3A_199] : memref<10240x768xf32, #tpu.memory_space<hbm>> -> memref<32x768xf32, #tpu.memory_space<hbm>>
    tpu.wait_dma2 semaphore(%arg17 : memref<!tpu.dma_semaphore, #tpu.memory_space<semaphore_mem>>) src(%arg9 : memref<32x768xf32, #tpu.memory_space<vmem>>) dst(%dma_wait3A_200 : memref<32x768xf32, #tpu.memory_space<hbm>>)
    return
  }
}

#map = affine_map<(d0, d1) -> (0, 0)>
#map1 = affine_map<(d0, d1) -> (0)>
module attributes {stable_mosaic.version = 14 : i64} {
  func.func @_sc_combine_body(%arg0: i32, %arg1: i32, %arg2: memref<10240x768xf32, #tpu.memory_space<hbm>>, %arg3: memref<4096xi32, #tpu.memory_space<hbm>>, %arg4: memref<4096xi32, #tpu.memory_space<hbm>>, %arg5: memref<4096x768xf32, #tpu.memory_space<hbm>>, %arg6: memref<128xi32, #tpu.memory_space<vmem>>, %arg7: memref<128xi32, #tpu.memory_space<vmem>>, %arg8: memref<32x768xf32, #tpu.memory_space<vmem>>, %arg9: memref<32x768xf32, #tpu.memory_space<vmem>>, %arg10: memref<32x768xf32, #tpu.memory_space<vmem>>, %arg11: memref<32x768xf32, #tpu.memory_space<vmem>>, %arg12: memref<!tpu.dma_semaphore, #tpu.memory_space<semaphore_mem>>, %arg13: memref<!tpu.dma_semaphore, #tpu.memory_space<semaphore_mem>>, %arg14: memref<!tpu.dma_semaphore, #tpu.memory_space<semaphore_mem>>, %arg15: memref<!tpu.dma_semaphore, #tpu.memory_space<semaphore_mem>>, %arg16: memref<!tpu.dma_semaphore, #tpu.memory_space<semaphore_mem>>, %arg17: memref<!tpu.dma_semaphore, #tpu.memory_space<semaphore_mem>>) attributes {dimension_semantics = [#tpu.dimension_semantics<core_parallel>, #tpu.dimension_semantics<subcore_parallel>], iteration_bounds = array<i64: 2, 16>, scalar_prefetch = 0 : i64, scratch_operands = 12 : i64, tpu.core_type = #tpu.core_type<sc_vector_subcore>, window_params = [{transform_indices = #map}, {transform_indices = #map1}, {transform_indices = #map1}, {transform_indices = #map}]} {
    %mul3A = arith.constant 2 : i32
    %mul3A_0 = arith.muli %arg1, %mul3A : i32
    %add3A = arith.addi %mul3A_0, %arg0 : i32
    %mul3A_1 = arith.constant 128 : i32
    %mul3A_2 = arith.muli %add3A, %mul3A_1 : i32
    "tpu.region"() ({
      %run_scoped3A = tpu.sem_alloc : memref<!tpu.dma_semaphore, #tpu.memory_space<semaphore_mem>>
      %dma_start3A_144 = tpu.memref_slice %arg3[%mul3A_2] : memref<4096xi32, #tpu.memory_space<hbm>> -> memref<128xi32, #tpu.memory_space<hbm>>
      %dma_start3A_145 = tpu.memref_slice %arg3[%mul3A_2] : memref<4096xi32, #tpu.memory_space<hbm>> -> memref<128xi32, #tpu.memory_space<hbm>>
      tpu.enqueue_dma source(%dma_start3A_145 : memref<128xi32, #tpu.memory_space<hbm>>) target(%arg6 : memref<128xi32, #tpu.memory_space<vmem>>) target_semaphore(%run_scoped3A : memref<!tpu.dma_semaphore, #tpu.memory_space<semaphore_mem>>)
      %dma_wait3A_146 = tpu.memref_slice %arg3[%mul3A_2] : memref<4096xi32, #tpu.memory_space<hbm>> -> memref<128xi32, #tpu.memory_space<hbm>>
      %dma_wait3A_147 = tpu.memref_slice %arg3[%mul3A_2] : memref<4096xi32, #tpu.memory_space<hbm>> -> memref<128xi32, #tpu.memory_space<hbm>>
      tpu.wait_dma2 semaphore(%run_scoped3A : memref<!tpu.dma_semaphore, #tpu.memory_space<semaphore_mem>>) src(%dma_wait3A_147 : memref<128xi32, #tpu.memory_space<hbm>>) dst(%arg6 : memref<128xi32, #tpu.memory_space<vmem>>)
      tpu.yield
    }) : () -> ()
    "tpu.region"() ({
      %run_scoped3A = tpu.sem_alloc : memref<!tpu.dma_semaphore, #tpu.memory_space<semaphore_mem>>
      %dma_start3A_144 = tpu.memref_slice %arg4[%mul3A_2] : memref<4096xi32, #tpu.memory_space<hbm>> -> memref<128xi32, #tpu.memory_space<hbm>>
      %dma_start3A_145 = tpu.memref_slice %arg4[%mul3A_2] : memref<4096xi32, #tpu.memory_space<hbm>> -> memref<128xi32, #tpu.memory_space<hbm>>
      tpu.enqueue_dma source(%dma_start3A_145 : memref<128xi32, #tpu.memory_space<hbm>>) target(%arg7 : memref<128xi32, #tpu.memory_space<vmem>>) target_semaphore(%run_scoped3A : memref<!tpu.dma_semaphore, #tpu.memory_space<semaphore_mem>>)
      %dma_wait3A_146 = tpu.memref_slice %arg4[%mul3A_2] : memref<4096xi32, #tpu.memory_space<hbm>> -> memref<128xi32, #tpu.memory_space<hbm>>
      %dma_wait3A_147 = tpu.memref_slice %arg4[%mul3A_2] : memref<4096xi32, #tpu.memory_space<hbm>> -> memref<128xi32, #tpu.memory_space<hbm>>
      tpu.wait_dma2 semaphore(%run_scoped3A : memref<!tpu.dma_semaphore, #tpu.memory_space<semaphore_mem>>) src(%dma_wait3A_147 : memref<128xi32, #tpu.memory_space<hbm>>) dst(%arg7 : memref<128xi32, #tpu.memory_space<vmem>>)
      tpu.yield
    }) : () -> ()
    %dma_start3A = arith.constant 0 : i32
    %dma_start3A_3 = tpu.memref_slice %arg6[%dma_start3A] : memref<128xi32, #tpu.memory_space<vmem>> -> memref<32xi32, #tpu.memory_space<vmem>>
    %dma_start3A_4 = arith.constant 0 : i32
    %dma_start3A_5 = arith.constant 0 : i32
    %dma_start3A_6 = tpu.memref_slice %arg2[%dma_start3A_4, %dma_start3A_5] : memref<10240x768xf32, #tpu.memory_space<hbm>> -> memref<10240x768xf32, #tpu.memory_space<hbm>>
    tpu.enqueue_indirect_dma source(%dma_start3A_6 : memref<10240x768xf32, #tpu.memory_space<hbm>>) target(%arg8 : memref<32x768xf32, #tpu.memory_space<vmem>>) offsets(%dma_start3A_3 : memref<32xi32, #tpu.memory_space<vmem>>) semaphore(%arg12 : memref<!tpu.dma_semaphore, #tpu.memory_space<semaphore_mem>>)
    %dma_start3A_7 = arith.constant 0 : i32
    %dma_start3A_8 = tpu.memref_slice %arg7[%dma_start3A_7] : memref<128xi32, #tpu.memory_space<vmem>> -> memref<32xi32, #tpu.memory_space<vmem>>
    %dma_start3A_9 = arith.constant 0 : i32
    %dma_start3A_10 = arith.constant 0 : i32
    %dma_start3A_11 = tpu.memref_slice %arg2[%dma_start3A_9, %dma_start3A_10] : memref<10240x768xf32, #tpu.memory_space<hbm>> -> memref<10240x768xf32, #tpu.memory_space<hbm>>
    tpu.enqueue_indirect_dma source(%dma_start3A_11 : memref<10240x768xf32, #tpu.memory_space<hbm>>) target(%arg10 : memref<32x768xf32, #tpu.memory_space<vmem>>) offsets(%dma_start3A_8 : memref<32xi32, #tpu.memory_space<vmem>>) semaphore(%arg14 : memref<!tpu.dma_semaphore, #tpu.memory_space<semaphore_mem>>)
    %dma_start3A_12 = arith.constant 32 : i32
    %dma_start3A_13 = tpu.memref_slice %arg6[%dma_start3A_12] : memref<128xi32, #tpu.memory_space<vmem>> -> memref<32xi32, #tpu.memory_space<vmem>>
    %dma_start3A_14 = arith.constant 0 : i32
    %dma_start3A_15 = arith.constant 0 : i32
    %dma_start3A_16 = tpu.memref_slice %arg2[%dma_start3A_14, %dma_start3A_15] : memref<10240x768xf32, #tpu.memory_space<hbm>> -> memref<10240x768xf32, #tpu.memory_space<hbm>>
    tpu.enqueue_indirect_dma source(%dma_start3A_16 : memref<10240x768xf32, #tpu.memory_space<hbm>>) target(%arg9 : memref<32x768xf32, #tpu.memory_space<vmem>>) offsets(%dma_start3A_13 : memref<32xi32, #tpu.memory_space<vmem>>) semaphore(%arg13 : memref<!tpu.dma_semaphore, #tpu.memory_space<semaphore_mem>>)
    %dma_start3A_17 = arith.constant 32 : i32
    %dma_start3A_18 = tpu.memref_slice %arg7[%dma_start3A_17] : memref<128xi32, #tpu.memory_space<vmem>> -> memref<32xi32, #tpu.memory_space<vmem>>
    %dma_start3A_19 = arith.constant 0 : i32
    %dma_start3A_20 = arith.constant 0 : i32
    %dma_start3A_21 = tpu.memref_slice %arg2[%dma_start3A_19, %dma_start3A_20] : memref<10240x768xf32, #tpu.memory_space<hbm>> -> memref<10240x768xf32, #tpu.memory_space<hbm>>
    tpu.enqueue_indirect_dma source(%dma_start3A_21 : memref<10240x768xf32, #tpu.memory_space<hbm>>) target(%arg11 : memref<32x768xf32, #tpu.memory_space<vmem>>) offsets(%dma_start3A_18 : memref<32xi32, #tpu.memory_space<vmem>>) semaphore(%arg15 : memref<!tpu.dma_semaphore, #tpu.memory_space<semaphore_mem>>)
    %dma_wait3A = arith.constant 0 : i32
    %dma_wait3A_22 = tpu.memref_slice %arg6[%dma_wait3A] : memref<128xi32, #tpu.memory_space<vmem>> -> memref<32xi32, #tpu.memory_space<vmem>>
    %dma_wait3A_23 = arith.constant 0 : i32
    %dma_wait3A_24 = arith.constant 0 : i32
    %dma_wait3A_25 = tpu.memref_slice %arg2[%dma_wait3A_23, %dma_wait3A_24] : memref<10240x768xf32, #tpu.memory_space<hbm>> -> memref<10240x768xf32, #tpu.memory_space<hbm>>
    tpu.wait_indirect_dma semaphore(%arg12 : memref<!tpu.dma_semaphore, #tpu.memory_space<semaphore_mem>>) src(%dma_wait3A_25 : memref<10240x768xf32, #tpu.memory_space<hbm>>) dst(%arg8 : memref<32x768xf32, #tpu.memory_space<vmem>>)
    %dma_wait3A_26 = arith.constant 0 : i32
    %dma_wait3A_27 = tpu.memref_slice %arg7[%dma_wait3A_26] : memref<128xi32, #tpu.memory_space<vmem>> -> memref<32xi32, #tpu.memory_space<vmem>>
    %dma_wait3A_28 = arith.constant 0 : i32
    %dma_wait3A_29 = arith.constant 0 : i32
    %dma_wait3A_30 = tpu.memref_slice %arg2[%dma_wait3A_28, %dma_wait3A_29] : memref<10240x768xf32, #tpu.memory_space<hbm>> -> memref<10240x768xf32, #tpu.memory_space<hbm>>
    tpu.wait_indirect_dma semaphore(%arg14 : memref<!tpu.dma_semaphore, #tpu.memory_space<semaphore_mem>>) src(%dma_wait3A_30 : memref<10240x768xf32, #tpu.memory_space<hbm>>) dst(%arg10 : memref<32x768xf32, #tpu.memory_space<vmem>>)
    %scan3A = arith.constant 0 : i32
    %scan3A_31 = arith.constant 0 : i32
    %scan3A_32 = arith.constant 32 : i32
    %scan3A_33 = arith.addi %scan3A_31, %scan3A_32 : i32
    %scan3A_34 = arith.constant 1 : i32
    scf.for %scan3A_144 = %scan3A_31 to %scan3A_33 step %scan3A_34  : i32 {
      %get3A = arith.index_cast %scan3A_144 : i32 to index
      %get3A_145 = arith.constant 0 : index
      %get3A_146 = tpu.vector_load %arg8[%get3A, %get3A_145] {strides = array<i32>} : memref<32x768xf32, #tpu.memory_space<vmem>>, vector<1x16xf32>,
      %get3A_147 = vector.shape_cast %get3A_146 : vector<1x16xf32> to vector<16xf32>
      %get3A_148 = arith.index_cast %scan3A_144 : i32 to index
      %get3A_149 = arith.constant 0 : index
      %get3A_150 = tpu.vector_load %arg10[%get3A_148, %get3A_149] {strides = array<i32>} : memref<32x768xf32, #tpu.memory_space<vmem>>, vector<1x16xf32>,
      %get3A_151 = vector.shape_cast %get3A_150 : vector<1x16xf32> to vector<16xf32>
      %add3A_152 = arith.addf %get3A_147, %get3A_151 : vector<16xf32>
      %swap3A = arith.index_cast %scan3A_144 : i32 to index
      %swap3A_153 = arith.constant 0 : index
      %swap3A_154 = tpu.vector_load %arg8[%swap3A, %swap3A_153] {strides = array<i32>} : memref<32x768xf32, #tpu.memory_space<vmem>>, vector<1x16xf32>,
      %swap3A_155 = vector.shape_cast %swap3A_154 : vector<1x16xf32> to vector<16xf32>
      %swap3A_156 = vector.shape_cast %add3A_152 : vector<16xf32> to vector<1x16xf32>
      tpu.vector_store %arg8[%swap3A, %swap3A_153], %swap3A_156 {strides = array<i32>} : memref<32x768xf32, #tpu.memory_space<vmem>>, vector<1x16xf32>,
      %get3A_157 = arith.index_cast %scan3A_144 : i32 to index
      %get3A_158 = arith.constant 16 : index
      %get3A_159 = tpu.vector_load %arg8[%get3A_157, %get3A_158] {strides = array<i32>} : memref<32x768xf32, #tpu.memory_space<vmem>>, vector<1x16xf32>,
      %get3A_160 = vector.shape_cast %get3A_159 : vector<1x16xf32> to vector<16xf32>
      %get3A_161 = arith.index_cast %scan3A_144 : i32 to index
      %get3A_162 = arith.constant 16 : index
      %get3A_163 = tpu.vector_load %arg10[%get3A_161, %get3A_162] {strides = array<i32>} : memref<32x768xf32, #tpu.memory_space<vmem>>, vector<1x16xf32>,
      %get3A_164 = vector.shape_cast %get3A_163 : vector<1x16xf32> to vector<16xf32>
      %add3A_165 = arith.addf %get3A_160, %get3A_164 : vector<16xf32>
      %swap3A_166 = arith.index_cast %scan3A_144 : i32 to index
      %swap3A_167 = arith.constant 16 : index
      %swap3A_168 = tpu.vector_load %arg8[%swap3A_166, %swap3A_167] {strides = array<i32>} : memref<32x768xf32, #tpu.memory_space<vmem>>, vector<1x16xf32>,
      %swap3A_169 = vector.shape_cast %swap3A_168 : vector<1x16xf32> to vector<16xf32>
      %swap3A_170 = vector.shape_cast %add3A_165 : vector<16xf32> to vector<1x16xf32>
      tpu.vector_store %arg8[%swap3A_166, %swap3A_167], %swap3A_170 {strides = array<i32>} : memref<32x768xf32, #tpu.memory_space<vmem>>, vector<1x16xf32>,
      %get3A_171 = arith.index_cast %scan3A_144 : i32 to index
      %get3A_172 = arith.constant 32 : index
      %get3A_173 = tpu.vector_load %arg8[%get3A_171, %get3A_172] {strides = array<i32>} : memref<32x768xf32, #tpu.memory_space<vmem>>, vector<1x16xf32>,
      %get3A_174 = vector.shape_cast %get3A_173 : vector<1x16xf32> to vector<16xf32>
      %get3A_175 = arith.index_cast %scan3A_144 : i32 to index
      %get3A_176 = arith.constant 32 : index
      %get3A_177 = tpu.vector_load %arg10[%get3A_175, %get3A_176] {strides = array<i32>} : memref<32x768xf32, #tpu.memory_space<vmem>>, vector<1x16xf32>,
      %get3A_178 = vector.shape_cast %get3A_177 : vector<1x16xf32> to vector<16xf32>
      %add3A_179 = arith.addf %get3A_174, %get3A_178 : vector<16xf32>
      %swap3A_180 = arith.index_cast %scan3A_144 : i32 to index
      %swap3A_181 = arith.constant 32 : index
      %swap3A_182 = tpu.vector_load %arg8[%swap3A_180, %swap3A_181] {strides = array<i32>} : memref<32x768xf32, #tpu.memory_space<vmem>>, vector<1x16xf32>,
      %swap3A_183 = vector.shape_cast %swap3A_182 : vector<1x16xf32> to vector<16xf32>
      %swap3A_184 = vector.shape_cast %add3A_179 : vector<16xf32> to vector<1x16xf32>
      tpu.vector_store %arg8[%swap3A_180, %swap3A_181], %swap3A_184 {strides = array<i32>} : memref<32x768xf32, #tpu.memory_space<vmem>>, vector<1x16xf32>,
      %get3A_185 = arith.index_cast %scan3A_144 : i32 to index
      %get3A_186 = arith.constant 48 : index
      %get3A_187 = tpu.vector_load %arg8[%get3A_185, %get3A_186] {strides = array<i32>} : memref<32x768xf32, #tpu.memory_space<vmem>>, vector<1x16xf32>,
      %get3A_188 = vector.shape_cast %get3A_187 : vector<1x16xf32> to vector<16xf32>
      %get3A_189 = arith.index_cast %scan3A_144 : i32 to index
      %get3A_190 = arith.constant 48 : index
      %get3A_191 = tpu.vector_load %arg10[%get3A_189, %get3A_190] {strides = array<i32>} : memref<32x768xf32, #tpu.memory_space<vmem>>, vector<1x16xf32>,
      %get3A_192 = vector.shape_cast %get3A_191 : vector<1x16xf32> to vector<16xf32>
      %add3A_193 = arith.addf %get3A_188, %get3A_192 : vector<16xf32>
      %swap3A_194 = arith.index_cast %scan3A_144 : i32 to index
      %swap3A_195 = arith.constant 48 : index
      %swap3A_196 = tpu.vector_load %arg8[%swap3A_194, %swap3A_195] {strides = array<i32>} : memref<32x768xf32, #tpu.memory_space<vmem>>, vector<1x16xf32>,
      %swap3A_197 = vector.shape_cast %swap3A_196 : vector<1x16xf32> to vector<16xf32>
      %swap3A_198 = vector.shape_cast %add3A_193 : vector<16xf32> to vector<1x16xf32>
      tpu.vector_store %arg8[%swap3A_194, %swap3A_195], %swap3A_198 {strides = array<i32>} : memref<32x768xf32, #tpu.memory_space<vmem>>, vector<1x16xf32>,
      %get3A_199 = arith.index_cast %scan3A_144 : i32 to index
      %get3A_200 = arith.constant 64 : index
      %get3A_201 = tpu.vector_load %arg8[%get3A_199, %get3A_200] {strides = array<i32>} : memref<32x768xf32, #tpu.memory_space<vmem>>, vector<1x16xf32>,
      %get3A_202 = vector.shape_cast %get3A_201 : vector<1x16xf32> to vector<16xf32>
      %get3A_203 = arith.index_cast %scan3A_144 : i32 to index
      %get3A_204 = arith.constant 64 : index
      %get3A_205 = tpu.vector_load %arg10[%get3A_203, %get3A_204] {strides = array<i32>} : memref<32x768xf32, #tpu.memory_space<vmem>>, vector<1x16xf32>,
      %get3A_206 = vector.shape_cast %get3A_205 : vector<1x16xf32> to vector<16xf32>
      %add3A_207 = arith.addf %get3A_202, %get3A_206 : vector<16xf32>
      %swap3A_208 = arith.index_cast %scan3A_144 : i32 to index
      %swap3A_209 = arith.constant 64 : index
      %swap3A_210 = tpu.vector_load %arg8[%swap3A_208, %swap3A_209] {strides = array<i32>} : memref<32x768xf32, #tpu.memory_space<vmem>>, vector<1x16xf32>,
      %swap3A_211 = vector.shape_cast %swap3A_210 : vector<1x16xf32> to vector<16xf32>
      %swap3A_212 = vector.shape_cast %add3A_207 : vector<16xf32> to vector<1x16xf32>
      tpu.vector_store %arg8[%swap3A_208, %swap3A_209], %swap3A_212 {strides = array<i32>} : memref<32x768xf32, #tpu.memory_space<vmem>>, vector<1x16xf32>,
      %get3A_213 = arith.index_cast %scan3A_144 : i32 to index
      %get3A_214 = arith.constant 80 : index
      %get3A_215 = tpu.vector_load %arg8[%get3A_213, %get3A_214] {strides = array<i32>} : memref<32x768xf32, #tpu.memory_space<vmem>>, vector<1x16xf32>,
      %get3A_216 = vector.shape_cast %get3A_215 : vector<1x16xf32> to vector<16xf32>
      %get3A_217 = arith.index_cast %scan3A_144 : i32 to index
      %get3A_218 = arith.constant 80 : index
      %get3A_219 = tpu.vector_load %arg10[%get3A_217, %get3A_218] {strides = array<i32>} : memref<32x768xf32, #tpu.memory_space<vmem>>, vector<1x16xf32>,
      %get3A_220 = vector.shape_cast %get3A_219 : vector<1x16xf32> to vector<16xf32>
      %add3A_221 = arith.addf %get3A_216, %get3A_220 : vector<16xf32>
      %swap3A_222 = arith.index_cast %scan3A_144 : i32 to index
      %swap3A_223 = arith.constant 80 : index
      %swap3A_224 = tpu.vector_load %arg8[%swap3A_222, %swap3A_223] {strides = array<i32>} : memref<32x768xf32, #tpu.memory_space<vmem>>, vector<1x16xf32>,
      %swap3A_225 = vector.shape_cast %swap3A_224 : vector<1x16xf32> to vector<16xf32>
      %swap3A_226 = vector.shape_cast %add3A_221 : vector<16xf32> to vector<1x16xf32>
      tpu.vector_store %arg8[%swap3A_222, %swap3A_223], %swap3A_226 {strides = array<i32>} : memref<32x768xf32, #tpu.memory_space<vmem>>, vector<1x16xf32>,
      %get3A_227 = arith.index_cast %scan3A_144 : i32 to index
      %get3A_228 = arith.constant 96 : index
      %get3A_229 = tpu.vector_load %arg8[%get3A_227, %get3A_228] {strides = array<i32>} : memref<32x768xf32, #tpu.memory_space<vmem>>, vector<1x16xf32>,
      %get3A_230 = vector.shape_cast %get3A_229 : vector<1x16xf32> to vector<16xf32>
      %get3A_231 = arith.index_cast %scan3A_144 : i32 to index
      %get3A_232 = arith.constant 96 : index
      %get3A_233 = tpu.vector_load %arg10[%get3A_231, %get3A_232] {strides = array<i32>} : memref<32x768xf32, #tpu.memory_space<vmem>>, vector<1x16xf32>,
      %get3A_234 = vector.shape_cast %get3A_233 : vector<1x16xf32> to vector<16xf32>
      %add3A_235 = arith.addf %get3A_230, %get3A_234 : vector<16xf32>
      %swap3A_236 = arith.index_cast %scan3A_144 : i32 to index
      %swap3A_237 = arith.constant 96 : index
      %swap3A_238 = tpu.vector_load %arg8[%swap3A_236, %swap3A_237] {strides = array<i32>} : memref<32x768xf32, #tpu.memory_space<vmem>>, vector<1x16xf32>,
      %swap3A_239 = vector.shape_cast %swap3A_238 : vector<1x16xf32> to vector<16xf32>
      %swap3A_240 = vector.shape_cast %add3A_235 : vector<16xf32> to vector<1x16xf32>
      tpu.vector_store %arg8[%swap3A_236, %swap3A_237], %swap3A_240 {strides = array<i32>} : memref<32x768xf32, #tpu.memory_space<vmem>>, vector<1x16xf32>,
      %get3A_241 = arith.index_cast %scan3A_144 : i32 to index
      %get3A_242 = arith.constant 112 : index
      %get3A_243 = tpu.vector_load %arg8[%get3A_241, %get3A_242] {strides = array<i32>} : memref<32x768xf32, #tpu.memory_space<vmem>>, vector<1x16xf32>,
      %get3A_244 = vector.shape_cast %get3A_243 : vector<1x16xf32> to vector<16xf32>
      %get3A_245 = arith.index_cast %scan3A_144 : i32 to index
      %get3A_246 = arith.constant 112 : index
      %get3A_247 = tpu.vector_load %arg10[%get3A_245, %get3A_246] {strides = array<i32>} : memref<32x768xf32, #tpu.memory_space<vmem>>, vector<1x16xf32>,
      %get3A_248 = vector.shape_cast %get3A_247 : vector<1x16xf32> to vector<16xf32>
      %add3A_249 = arith.addf %get3A_244, %get3A_248 : vector<16xf32>
      %swap3A_250 = arith.index_cast %scan3A_144 : i32 to index
      %swap3A_251 = arith.constant 112 : index
      %swap3A_252 = tpu.vector_load %arg8[%swap3A_250, %swap3A_251] {strides = array<i32>} : memref<32x768xf32, #tpu.memory_space<vmem>>, vector<1x16xf32>,
      %swap3A_253 = vector.shape_cast %swap3A_252 : vector<1x16xf32> to vector<16xf32>
      %swap3A_254 = vector.shape_cast %add3A_249 : vector<16xf32> to vector<1x16xf32>
      tpu.vector_store %arg8[%swap3A_250, %swap3A_251], %swap3A_254 {strides = array<i32>} : memref<32x768xf32, #tpu.memory_space<vmem>>, vector<1x16xf32>,
      %get3A_255 = arith.index_cast %scan3A_144 : i32 to index
      %get3A_256 = arith.constant 128 : index
      %get3A_257 = tpu.vector_load %arg8[%get3A_255, %get3A_256] {strides = array<i32>} : memref<32x768xf32, #tpu.memory_space<vmem>>, vector<1x16xf32>,
      %get3A_258 = vector.shape_cast %get3A_257 : vector<1x16xf32> to vector<16xf32>
      %get3A_259 = arith.index_cast %scan3A_144 : i32 to index
      %get3A_260 = arith.constant 128 : index
      %get3A_261 = tpu.vector_load %arg10[%get3A_259, %get3A_260] {strides = array<i32>} : memref<32x768xf32, #tpu.memory_space<vmem>>, vector<1x16xf32>,
      %get3A_262 = vector.shape_cast %get3A_261 : vector<1x16xf32> to vector<16xf32>
      %add3A_263 = arith.addf %get3A_258, %get3A_262 : vector<16xf32>
      %swap3A_264 = arith.index_cast %scan3A_144 : i32 to index
      %swap3A_265 = arith.constant 128 : index
      %swap3A_266 = tpu.vector_load %arg8[%swap3A_264, %swap3A_265] {strides = array<i32>} : memref<32x768xf32, #tpu.memory_space<vmem>>, vector<1x16xf32>,
      %swap3A_267 = vector.shape_cast %swap3A_266 : vector<1x16xf32> to vector<16xf32>
      %swap3A_268 = vector.shape_cast %add3A_263 : vector<16xf32> to vector<1x16xf32>
      tpu.vector_store %arg8[%swap3A_264, %swap3A_265], %swap3A_268 {strides = array<i32>} : memref<32x768xf32, #tpu.memory_space<vmem>>, vector<1x16xf32>,
      %get3A_269 = arith.index_cast %scan3A_144 : i32 to index
      %get3A_270 = arith.constant 144 : index
      %get3A_271 = tpu.vector_load %arg8[%get3A_269, %get3A_270] {strides = array<i32>} : memref<32x768xf32, #tpu.memory_space<vmem>>, vector<1x16xf32>,
      %get3A_272 = vector.shape_cast %get3A_271 : vector<1x16xf32> to vector<16xf32>
      %get3A_273 = arith.index_cast %scan3A_144 : i32 to index
      %get3A_274 = arith.constant 144 : index
      %get3A_275 = tpu.vector_load %arg10[%get3A_273, %get3A_274] {strides = array<i32>} : memref<32x768xf32, #tpu.memory_space<vmem>>, vector<1x16xf32>,
      %get3A_276 = vector.shape_cast %get3A_275 : vector<1x16xf32> to vector<16xf32>
      %add3A_277 = arith.addf %get3A_272, %get3A_276 : vector<16xf32>
      %swap3A_278 = arith.index_cast %scan3A_144 : i32 to index
      %swap3A_279 = arith.constant 144 : index
      %swap3A_280 = tpu.vector_load %arg8[%swap3A_278, %swap3A_279] {strides = array<i32>} : memref<32x768xf32, #tpu.memory_space<vmem>>, vector<1x16xf32>,
      %swap3A_281 = vector.shape_cast %swap3A_280 : vector<1x16xf32> to vector<16xf32>
      %swap3A_282 = vector.shape_cast %add3A_277 : vector<16xf32> to vector<1x16xf32>
      tpu.vector_store %arg8[%swap3A_278, %swap3A_279], %swap3A_282 {strides = array<i32>} : memref<32x768xf32, #tpu.memory_space<vmem>>, vector<1x16xf32>,
      %get3A_283 = arith.index_cast %scan3A_144 : i32 to index
      %get3A_284 = arith.constant 160 : index
      %get3A_285 = tpu.vector_load %arg8[%get3A_283, %get3A_284] {strides = array<i32>} : memref<32x768xf32, #tpu.memory_space<vmem>>, vector<1x16xf32>,
      %get3A_286 = vector.shape_cast %get3A_285 : vector<1x16xf32> to vector<16xf32>
      %get3A_287 = arith.index_cast %scan3A_144 : i32 to index
      %get3A_288 = arith.constant 160 : index
      %get3A_289 = tpu.vector_load %arg10[%get3A_287, %get3A_288] {strides = array<i32>} : memref<32x768xf32, #tpu.memory_space<vmem>>, vector<1x16xf32>,
      %get3A_290 = vector.shape_cast %get3A_289 : vector<1x16xf32> to vector<16xf32>
      %add3A_291 = arith.addf %get3A_286, %get3A_290 : vector<16xf32>
      %swap3A_292 = arith.index_cast %scan3A_144 : i32 to index
      %swap3A_293 = arith.constant 160 : index
      %swap3A_294 = tpu.vector_load %arg8[%swap3A_292, %swap3A_293] {strides = array<i32>} : memref<32x768xf32, #tpu.memory_space<vmem>>, vector<1x16xf32>,
      %swap3A_295 = vector.shape_cast %swap3A_294 : vector<1x16xf32> to vector<16xf32>
      %swap3A_296 = vector.shape_cast %add3A_291 : vector<16xf32> to vector<1x16xf32>
      tpu.vector_store %arg8[%swap3A_292, %swap3A_293], %swap3A_296 {strides = array<i32>} : memref<32x768xf32, #tpu.memory_space<vmem>>, vector<1x16xf32>,
      %get3A_297 = arith.index_cast %scan3A_144 : i32 to index
      %get3A_298 = arith.constant 176 : index
      %get3A_299 = tpu.vector_load %arg8[%get3A_297, %get3A_298] {strides = array<i32>} : memref<32x768xf32, #tpu.memory_space<vmem>>, vector<1x16xf32>,
      %get3A_300 = vector.shape_cast %get3A_299 : vector<1x16xf32> to vector<16xf32>
      %get3A_301 = arith.index_cast %scan3A_144 : i32 to index
      %get3A_302 = arith.constant 176 : index
      %get3A_303 = tpu.vector_load %arg10[%get3A_301, %get3A_302] {strides = array<i32>} : memref<32x768xf32, #tpu.memory_space<vmem>>, vector<1x16xf32>,
      %get3A_304 = vector.shape_cast %get3A_303 : vector<1x16xf32> to vector<16xf32>
      %add3A_305 = arith.addf %get3A_300, %get3A_304 : vector<16xf32>
      %swap3A_306 = arith.index_cast %scan3A_144 : i32 to index
      %swap3A_307 = arith.constant 176 : index
      %swap3A_308 = tpu.vector_load %arg8[%swap3A_306, %swap3A_307] {strides = array<i32>} : memref<32x768xf32, #tpu.memory_space<vmem>>, vector<1x16xf32>,
      %swap3A_309 = vector.shape_cast %swap3A_308 : vector<1x16xf32> to vector<16xf32>
      %swap3A_310 = vector.shape_cast %add3A_305 : vector<16xf32> to vector<1x16xf32>
      tpu.vector_store %arg8[%swap3A_306, %swap3A_307], %swap3A_310 {strides = array<i32>} : memref<32x768xf32, #tpu.memory_space<vmem>>, vector<1x16xf32>,
      %get3A_311 = arith.index_cast %scan3A_144 : i32 to index
      %get3A_312 = arith.constant 192 : index
      %get3A_313 = tpu.vector_load %arg8[%get3A_311, %get3A_312] {strides = array<i32>} : memref<32x768xf32, #tpu.memory_space<vmem>>, vector<1x16xf32>,
      %get3A_314 = vector.shape_cast %get3A_313 : vector<1x16xf32> to vector<16xf32>
      %get3A_315 = arith.index_cast %scan3A_144 : i32 to index
      %get3A_316 = arith.constant 192 : index
      %get3A_317 = tpu.vector_load %arg10[%get3A_315, %get3A_316] {strides = array<i32>} : memref<32x768xf32, #tpu.memory_space<vmem>>, vector<1x16xf32>,
      %get3A_318 = vector.shape_cast %get3A_317 : vector<1x16xf32> to vector<16xf32>
      %add3A_319 = arith.addf %get3A_314, %get3A_318 : vector<16xf32>
      %swap3A_320 = arith.index_cast %scan3A_144 : i32 to index
      %swap3A_321 = arith.constant 192 : index
      %swap3A_322 = tpu.vector_load %arg8[%swap3A_320, %swap3A_321] {strides = array<i32>} : memref<32x768xf32, #tpu.memory_space<vmem>>, vector<1x16xf32>,
      %swap3A_323 = vector.shape_cast %swap3A_322 : vector<1x16xf32> to vector<16xf32>
      %swap3A_324 = vector.shape_cast %add3A_319 : vector<16xf32> to vector<1x16xf32>
      tpu.vector_store %arg8[%swap3A_320, %swap3A_321], %swap3A_324 {strides = array<i32>} : memref<32x768xf32, #tpu.memory_space<vmem>>, vector<1x16xf32>,
      %get3A_325 = arith.index_cast %scan3A_144 : i32 to index
      %get3A_326 = arith.constant 208 : index
      %get3A_327 = tpu.vector_load %arg8[%get3A_325, %get3A_326] {strides = array<i32>} : memref<32x768xf32, #tpu.memory_space<vmem>>, vector<1x16xf32>,
      %get3A_328 = vector.shape_cast %get3A_327 : vector<1x16xf32> to vector<16xf32>
      %get3A_329 = arith.index_cast %scan3A_144 : i32 to index
      %get3A_330 = arith.constant 208 : index
      %get3A_331 = tpu.vector_load %arg10[%get3A_329, %get3A_330] {strides = array<i32>} : memref<32x768xf32, #tpu.memory_space<vmem>>, vector<1x16xf32>,
      %get3A_332 = vector.shape_cast %get3A_331 : vector<1x16xf32> to vector<16xf32>
      %add3A_333 = arith.addf %get3A_328, %get3A_332 : vector<16xf32>
      %swap3A_334 = arith.index_cast %scan3A_144 : i32 to index
      %swap3A_335 = arith.constant 208 : index
      %swap3A_336 = tpu.vector_load %arg8[%swap3A_334, %swap3A_335] {strides = array<i32>} : memref<32x768xf32, #tpu.memory_space<vmem>>, vector<1x16xf32>,
      %swap3A_337 = vector.shape_cast %swap3A_336 : vector<1x16xf32> to vector<16xf32>
      %swap3A_338 = vector.shape_cast %add3A_333 : vector<16xf32> to vector<1x16xf32>
      tpu.vector_store %arg8[%swap3A_334, %swap3A_335], %swap3A_338 {strides = array<i32>} : memref<32x768xf32, #tpu.memory_space<vmem>>, vector<1x16xf32>,
      %get3A_339 = arith.index_cast %scan3A_144 : i32 to index
      %get3A_340 = arith.constant 224 : index
      %get3A_341 = tpu.vector_load %arg8[%get3A_339, %get3A_340] {strides = array<i32>} : memref<32x768xf32, #tpu.memory_space<vmem>>, vector<1x16xf32>,
      %get3A_342 = vector.shape_cast %get3A_341 : vector<1x16xf32> to vector<16xf32>
      %get3A_343 = arith.index_cast %scan3A_144 : i32 to index
      %get3A_344 = arith.constant 224 : index
      %get3A_345 = tpu.vector_load %arg10[%get3A_343, %get3A_344] {strides = array<i32>} : memref<32x768xf32, #tpu.memory_space<vmem>>, vector<1x16xf32>,
      %get3A_346 = vector.shape_cast %get3A_345 : vector<1x16xf32> to vector<16xf32>
      %add3A_347 = arith.addf %get3A_342, %get3A_346 : vector<16xf32>
      %swap3A_348 = arith.index_cast %scan3A_144 : i32 to index
      %swap3A_349 = arith.constant 224 : index
      %swap3A_350 = tpu.vector_load %arg8[%swap3A_348, %swap3A_349] {strides = array<i32>} : memref<32x768xf32, #tpu.memory_space<vmem>>, vector<1x16xf32>,
      %swap3A_351 = vector.shape_cast %swap3A_350 : vector<1x16xf32> to vector<16xf32>
      %swap3A_352 = vector.shape_cast %add3A_347 : vector<16xf32> to vector<1x16xf32>
      tpu.vector_store %arg8[%swap3A_348, %swap3A_349], %swap3A_352 {strides = array<i32>} : memref<32x768xf32, #tpu.memory_space<vmem>>, vector<1x16xf32>,
      %get3A_353 = arith.index_cast %scan3A_144 : i32 to index
      %get3A_354 = arith.constant 240 : index
      %get3A_355 = tpu.vector_load %arg8[%get3A_353, %get3A_354] {strides = array<i32>} : memref<32x768xf32, #tpu.memory_space<vmem>>, vector<1x16xf32>,
      %get3A_356 = vector.shape_cast %get3A_355 : vector<1x16xf32> to vector<16xf32>
      %get3A_357 = arith.index_cast %scan3A_144 : i32 to index
      %get3A_358 = arith.constant 240 : index
      %get3A_359 = tpu.vector_load %arg10[%get3A_357, %get3A_358] {strides = array<i32>} : memref<32x768xf32, #tpu.memory_space<vmem>>, vector<1x16xf32>,
      %get3A_360 = vector.shape_cast %get3A_359 : vector<1x16xf32> to vector<16xf32>
      %add3A_361 = arith.addf %get3A_356, %get3A_360 : vector<16xf32>
      %swap3A_362 = arith.index_cast %scan3A_144 : i32 to index
      %swap3A_363 = arith.constant 240 : index
      %swap3A_364 = tpu.vector_load %arg8[%swap3A_362, %swap3A_363] {strides = array<i32>} : memref<32x768xf32, #tpu.memory_space<vmem>>, vector<1x16xf32>,
      %swap3A_365 = vector.shape_cast %swap3A_364 : vector<1x16xf32> to vector<16xf32>
      %swap3A_366 = vector.shape_cast %add3A_361 : vector<16xf32> to vector<1x16xf32>
      tpu.vector_store %arg8[%swap3A_362, %swap3A_363], %swap3A_366 {strides = array<i32>} : memref<32x768xf32, #tpu.memory_space<vmem>>, vector<1x16xf32>,
      %get3A_367 = arith.index_cast %scan3A_144 : i32 to index
      %get3A_368 = arith.constant 256 : index
      %get3A_369 = tpu.vector_load %arg8[%get3A_367, %get3A_368] {strides = array<i32>} : memref<32x768xf32, #tpu.memory_space<vmem>>, vector<1x16xf32>,
      %get3A_370 = vector.shape_cast %get3A_369 : vector<1x16xf32> to vector<16xf32>
      %get3A_371 = arith.index_cast %scan3A_144 : i32 to index
      %get3A_372 = arith.constant 256 : index
      %get3A_373 = tpu.vector_load %arg10[%get3A_371, %get3A_372] {strides = array<i32>} : memref<32x768xf32, #tpu.memory_space<vmem>>, vector<1x16xf32>,
      %get3A_374 = vector.shape_cast %get3A_373 : vector<1x16xf32> to vector<16xf32>
      %add3A_375 = arith.addf %get3A_370, %get3A_374 : vector<16xf32>
      %swap3A_376 = arith.index_cast %scan3A_144 : i32 to index
      %swap3A_377 = arith.constant 256 : index
      %swap3A_378 = tpu.vector_load %arg8[%swap3A_376, %swap3A_377] {strides = array<i32>} : memref<32x768xf32, #tpu.memory_space<vmem>>, vector<1x16xf32>,
      %swap3A_379 = vector.shape_cast %swap3A_378 : vector<1x16xf32> to vector<16xf32>
      %swap3A_380 = vector.shape_cast %add3A_375 : vector<16xf32> to vector<1x16xf32>
      tpu.vector_store %arg8[%swap3A_376, %swap3A_377], %swap3A_380 {strides = array<i32>} : memref<32x768xf32, #tpu.memory_space<vmem>>, vector<1x16xf32>,
      %get3A_381 = arith.index_cast %scan3A_144 : i32 to index
      %get3A_382 = arith.constant 272 : index
      %get3A_383 = tpu.vector_load %arg8[%get3A_381, %get3A_382] {strides = array<i32>} : memref<32x768xf32, #tpu.memory_space<vmem>>, vector<1x16xf32>,
      %get3A_384 = vector.shape_cast %get3A_383 : vector<1x16xf32> to vector<16xf32>
      %get3A_385 = arith.index_cast %scan3A_144 : i32 to index
      %get3A_386 = arith.constant 272 : index
      %get3A_387 = tpu.vector_load %arg10[%get3A_385, %get3A_386] {strides = array<i32>} : memref<32x768xf32, #tpu.memory_space<vmem>>, vector<1x16xf32>,
      %get3A_388 = vector.shape_cast %get3A_387 : vector<1x16xf32> to vector<16xf32>
      %add3A_389 = arith.addf %get3A_384, %get3A_388 : vector<16xf32>
      %swap3A_390 = arith.index_cast %scan3A_144 : i32 to index
      %swap3A_391 = arith.constant 272 : index
      %swap3A_392 = tpu.vector_load %arg8[%swap3A_390, %swap3A_391] {strides = array<i32>} : memref<32x768xf32, #tpu.memory_space<vmem>>, vector<1x16xf32>,
      %swap3A_393 = vector.shape_cast %swap3A_392 : vector<1x16xf32> to vector<16xf32>
      %swap3A_394 = vector.shape_cast %add3A_389 : vector<16xf32> to vector<1x16xf32>
      tpu.vector_store %arg8[%swap3A_390, %swap3A_391], %swap3A_394 {strides = array<i32>} : memref<32x768xf32, #tpu.memory_space<vmem>>, vector<1x16xf32>,
      %get3A_395 = arith.index_cast %scan3A_144 : i32 to index
      %get3A_396 = arith.constant 288 : index
      %get3A_397 = tpu.vector_load %arg8[%get3A_395, %get3A_396] {strides = array<i32>} : memref<32x768xf32, #tpu.memory_space<vmem>>, vector<1x16xf32>,
      %get3A_398 = vector.shape_cast %get3A_397 : vector<1x16xf32> to vector<16xf32>
      %get3A_399 = arith.index_cast %scan3A_144 : i32 to index
      %get3A_400 = arith.constant 288 : index
      %get3A_401 = tpu.vector_load %arg10[%get3A_399, %get3A_400] {strides = array<i32>} : memref<32x768xf32, #tpu.memory_space<vmem>>, vector<1x16xf32>,
      %get3A_402 = vector.shape_cast %get3A_401 : vector<1x16xf32> to vector<16xf32>
      %add3A_403 = arith.addf %get3A_398, %get3A_402 : vector<16xf32>
      %swap3A_404 = arith.index_cast %scan3A_144 : i32 to index
      %swap3A_405 = arith.constant 288 : index
      %swap3A_406 = tpu.vector_load %arg8[%swap3A_404, %swap3A_405] {strides = array<i32>} : memref<32x768xf32, #tpu.memory_space<vmem>>, vector<1x16xf32>,
      %swap3A_407 = vector.shape_cast %swap3A_406 : vector<1x16xf32> to vector<16xf32>
      %swap3A_408 = vector.shape_cast %add3A_403 : vector<16xf32> to vector<1x16xf32>
      tpu.vector_store %arg8[%swap3A_404, %swap3A_405], %swap3A_408 {strides = array<i32>} : memref<32x768xf32, #tpu.memory_space<vmem>>, vector<1x16xf32>,
      %get3A_409 = arith.index_cast %scan3A_144 : i32 to index
      %get3A_410 = arith.constant 304 : index
      %get3A_411 = tpu.vector_load %arg8[%get3A_409, %get3A_410] {strides = array<i32>} : memref<32x768xf32, #tpu.memory_space<vmem>>, vector<1x16xf32>,
      %get3A_412 = vector.shape_cast %get3A_411 : vector<1x16xf32> to vector<16xf32>
      %get3A_413 = arith.index_cast %scan3A_144 : i32 to index
      %get3A_414 = arith.constant 304 : index
      %get3A_415 = tpu.vector_load %arg10[%get3A_413, %get3A_414] {strides = array<i32>} : memref<32x768xf32, #tpu.memory_space<vmem>>, vector<1x16xf32>,
      %get3A_416 = vector.shape_cast %get3A_415 : vector<1x16xf32> to vector<16xf32>
      %add3A_417 = arith.addf %get3A_412, %get3A_416 : vector<16xf32>
      %swap3A_418 = arith.index_cast %scan3A_144 : i32 to index
      %swap3A_419 = arith.constant 304 : index
      %swap3A_420 = tpu.vector_load %arg8[%swap3A_418, %swap3A_419] {strides = array<i32>} : memref<32x768xf32, #tpu.memory_space<vmem>>, vector<1x16xf32>,
      %swap3A_421 = vector.shape_cast %swap3A_420 : vector<1x16xf32> to vector<16xf32>
      %swap3A_422 = vector.shape_cast %add3A_417 : vector<16xf32> to vector<1x16xf32>
      tpu.vector_store %arg8[%swap3A_418, %swap3A_419], %swap3A_422 {strides = array<i32>} : memref<32x768xf32, #tpu.memory_space<vmem>>, vector<1x16xf32>,
      %get3A_423 = arith.index_cast %scan3A_144 : i32 to index
      %get3A_424 = arith.constant 320 : index
      %get3A_425 = tpu.vector_load %arg8[%get3A_423, %get3A_424] {strides = array<i32>} : memref<32x768xf32, #tpu.memory_space<vmem>>, vector<1x16xf32>,
      %get3A_426 = vector.shape_cast %get3A_425 : vector<1x16xf32> to vector<16xf32>
      %get3A_427 = arith.index_cast %scan3A_144 : i32 to index
      %get3A_428 = arith.constant 320 : index
      %get3A_429 = tpu.vector_load %arg10[%get3A_427, %get3A_428] {strides = array<i32>} : memref<32x768xf32, #tpu.memory_space<vmem>>, vector<1x16xf32>,
      %get3A_430 = vector.shape_cast %get3A_429 : vector<1x16xf32> to vector<16xf32>
      %add3A_431 = arith.addf %get3A_426, %get3A_430 : vector<16xf32>
      %swap3A_432 = arith.index_cast %scan3A_144 : i32 to index
      %swap3A_433 = arith.constant 320 : index
      %swap3A_434 = tpu.vector_load %arg8[%swap3A_432, %swap3A_433] {strides = array<i32>} : memref<32x768xf32, #tpu.memory_space<vmem>>, vector<1x16xf32>,
      %swap3A_435 = vector.shape_cast %swap3A_434 : vector<1x16xf32> to vector<16xf32>
      %swap3A_436 = vector.shape_cast %add3A_431 : vector<16xf32> to vector<1x16xf32>
      tpu.vector_store %arg8[%swap3A_432, %swap3A_433], %swap3A_436 {strides = array<i32>} : memref<32x768xf32, #tpu.memory_space<vmem>>, vector<1x16xf32>,
      %get3A_437 = arith.index_cast %scan3A_144 : i32 to index
      %get3A_438 = arith.constant 336 : index
      %get3A_439 = tpu.vector_load %arg8[%get3A_437, %get3A_438] {strides = array<i32>} : memref<32x768xf32, #tpu.memory_space<vmem>>, vector<1x16xf32>,
      %get3A_440 = vector.shape_cast %get3A_439 : vector<1x16xf32> to vector<16xf32>
      %get3A_441 = arith.index_cast %scan3A_144 : i32 to index
      %get3A_442 = arith.constant 336 : index
      %get3A_443 = tpu.vector_load %arg10[%get3A_441, %get3A_442] {strides = array<i32>} : memref<32x768xf32, #tpu.memory_space<vmem>>, vector<1x16xf32>,
      %get3A_444 = vector.shape_cast %get3A_443 : vector<1x16xf32> to vector<16xf32>
      %add3A_445 = arith.addf %get3A_440, %get3A_444 : vector<16xf32>
      %swap3A_446 = arith.index_cast %scan3A_144 : i32 to index
      %swap3A_447 = arith.constant 336 : index
      %swap3A_448 = tpu.vector_load %arg8[%swap3A_446, %swap3A_447] {strides = array<i32>} : memref<32x768xf32, #tpu.memory_space<vmem>>, vector<1x16xf32>,
      %swap3A_449 = vector.shape_cast %swap3A_448 : vector<1x16xf32> to vector<16xf32>
      %swap3A_450 = vector.shape_cast %add3A_445 : vector<16xf32> to vector<1x16xf32>
      tpu.vector_store %arg8[%swap3A_446, %swap3A_447], %swap3A_450 {strides = array<i32>} : memref<32x768xf32, #tpu.memory_space<vmem>>, vector<1x16xf32>,
      %get3A_451 = arith.index_cast %scan3A_144 : i32 to index
      %get3A_452 = arith.constant 352 : index
      %get3A_453 = tpu.vector_load %arg8[%get3A_451, %get3A_452] {strides = array<i32>} : memref<32x768xf32, #tpu.memory_space<vmem>>, vector<1x16xf32>,
      %get3A_454 = vector.shape_cast %get3A_453 : vector<1x16xf32> to vector<16xf32>
      %get3A_455 = arith.index_cast %scan3A_144 : i32 to index
      %get3A_456 = arith.constant 352 : index
      %get3A_457 = tpu.vector_load %arg10[%get3A_455, %get3A_456] {strides = array<i32>} : memref<32x768xf32, #tpu.memory_space<vmem>>, vector<1x16xf32>,
      %get3A_458 = vector.shape_cast %get3A_457 : vector<1x16xf32> to vector<16xf32>
      %add3A_459 = arith.addf %get3A_454, %get3A_458 : vector<16xf32>
      %swap3A_460 = arith.index_cast %scan3A_144 : i32 to index
      %swap3A_461 = arith.constant 352 : index
      %swap3A_462 = tpu.vector_load %arg8[%swap3A_460, %swap3A_461] {strides = array<i32>} : memref<32x768xf32, #tpu.memory_space<vmem>>, vector<1x16xf32>,
      %swap3A_463 = vector.shape_cast %swap3A_462 : vector<1x16xf32> to vector<16xf32>
      %swap3A_464 = vector.shape_cast %add3A_459 : vector<16xf32> to vector<1x16xf32>
      tpu.vector_store %arg8[%swap3A_460, %swap3A_461], %swap3A_464 {strides = array<i32>} : memref<32x768xf32, #tpu.memory_space<vmem>>, vector<1x16xf32>,
      %get3A_465 = arith.index_cast %scan3A_144 : i32 to index
      %get3A_466 = arith.constant 368 : index
      %get3A_467 = tpu.vector_load %arg8[%get3A_465, %get3A_466] {strides = array<i32>} : memref<32x768xf32, #tpu.memory_space<vmem>>, vector<1x16xf32>,
      %get3A_468 = vector.shape_cast %get3A_467 : vector<1x16xf32> to vector<16xf32>
      %get3A_469 = arith.index_cast %scan3A_144 : i32 to index
      %get3A_470 = arith.constant 368 : index
      %get3A_471 = tpu.vector_load %arg10[%get3A_469, %get3A_470] {strides = array<i32>} : memref<32x768xf32, #tpu.memory_space<vmem>>, vector<1x16xf32>,
      %get3A_472 = vector.shape_cast %get3A_471 : vector<1x16xf32> to vector<16xf32>
      %add3A_473 = arith.addf %get3A_468, %get3A_472 : vector<16xf32>
      %swap3A_474 = arith.index_cast %scan3A_144 : i32 to index
      %swap3A_475 = arith.constant 368 : index
      %swap3A_476 = tpu.vector_load %arg8[%swap3A_474, %swap3A_475] {strides = array<i32>} : memref<32x768xf32, #tpu.memory_space<vmem>>, vector<1x16xf32>,
      %swap3A_477 = vector.shape_cast %swap3A_476 : vector<1x16xf32> to vector<16xf32>
      %swap3A_478 = vector.shape_cast %add3A_473 : vector<16xf32> to vector<1x16xf32>
      tpu.vector_store %arg8[%swap3A_474, %swap3A_475], %swap3A_478 {strides = array<i32>} : memref<32x768xf32, #tpu.memory_space<vmem>>, vector<1x16xf32>,
      %get3A_479 = arith.index_cast %scan3A_144 : i32 to index
      %get3A_480 = arith.constant 384 : index
      %get3A_481 = tpu.vector_load %arg8[%get3A_479, %get3A_480] {strides = array<i32>} : memref<32x768xf32, #tpu.memory_space<vmem>>, vector<1x16xf32>,
      %get3A_482 = vector.shape_cast %get3A_481 : vector<1x16xf32> to vector<16xf32>
      %get3A_483 = arith.index_cast %scan3A_144 : i32 to index
      %get3A_484 = arith.constant 384 : index
      %get3A_485 = tpu.vector_load %arg10[%get3A_483, %get3A_484] {strides = array<i32>} : memref<32x768xf32, #tpu.memory_space<vmem>>, vector<1x16xf32>,
      %get3A_486 = vector.shape_cast %get3A_485 : vector<1x16xf32> to vector<16xf32>
      %add3A_487 = arith.addf %get3A_482, %get3A_486 : vector<16xf32>
      %swap3A_488 = arith.index_cast %scan3A_144 : i32 to index
      %swap3A_489 = arith.constant 384 : index
      %swap3A_490 = tpu.vector_load %arg8[%swap3A_488, %swap3A_489] {strides = array<i32>} : memref<32x768xf32, #tpu.memory_space<vmem>>, vector<1x16xf32>,
      %swap3A_491 = vector.shape_cast %swap3A_490 : vector<1x16xf32> to vector<16xf32>
      %swap3A_492 = vector.shape_cast %add3A_487 : vector<16xf32> to vector<1x16xf32>
      tpu.vector_store %arg8[%swap3A_488, %swap3A_489], %swap3A_492 {strides = array<i32>} : memref<32x768xf32, #tpu.memory_space<vmem>>, vector<1x16xf32>,
      %get3A_493 = arith.index_cast %scan3A_144 : i32 to index
      %get3A_494 = arith.constant 400 : index
      %get3A_495 = tpu.vector_load %arg8[%get3A_493, %get3A_494] {strides = array<i32>} : memref<32x768xf32, #tpu.memory_space<vmem>>, vector<1x16xf32>,
      %get3A_496 = vector.shape_cast %get3A_495 : vector<1x16xf32> to vector<16xf32>
      %get3A_497 = arith.index_cast %scan3A_144 : i32 to index
      %get3A_498 = arith.constant 400 : index
      %get3A_499 = tpu.vector_load %arg10[%get3A_497, %get3A_498] {strides = array<i32>} : memref<32x768xf32, #tpu.memory_space<vmem>>, vector<1x16xf32>,
      %get3A_500 = vector.shape_cast %get3A_499 : vector<1x16xf32> to vector<16xf32>
      %add3A_501 = arith.addf %get3A_496, %get3A_500 : vector<16xf32>
      %swap3A_502 = arith.index_cast %scan3A_144 : i32 to index
      %swap3A_503 = arith.constant 400 : index
      %swap3A_504 = tpu.vector_load %arg8[%swap3A_502, %swap3A_503] {strides = array<i32>} : memref<32x768xf32, #tpu.memory_space<vmem>>, vector<1x16xf32>,
      %swap3A_505 = vector.shape_cast %swap3A_504 : vector<1x16xf32> to vector<16xf32>
      %swap3A_506 = vector.shape_cast %add3A_501 : vector<16xf32> to vector<1x16xf32>
      tpu.vector_store %arg8[%swap3A_502, %swap3A_503], %swap3A_506 {strides = array<i32>} : memref<32x768xf32, #tpu.memory_space<vmem>>, vector<1x16xf32>,
      %get3A_507 = arith.index_cast %scan3A_144 : i32 to index
      %get3A_508 = arith.constant 416 : index
      %get3A_509 = tpu.vector_load %arg8[%get3A_507, %get3A_508] {strides = array<i32>} : memref<32x768xf32, #tpu.memory_space<vmem>>, vector<1x16xf32>,
      %get3A_510 = vector.shape_cast %get3A_509 : vector<1x16xf32> to vector<16xf32>
      %get3A_511 = arith.index_cast %scan3A_144 : i32 to index
      %get3A_512 = arith.constant 416 : index
      %get3A_513 = tpu.vector_load %arg10[%get3A_511, %get3A_512] {strides = array<i32>} : memref<32x768xf32, #tpu.memory_space<vmem>>, vector<1x16xf32>,
      %get3A_514 = vector.shape_cast %get3A_513 : vector<1x16xf32> to vector<16xf32>
      %add3A_515 = arith.addf %get3A_510, %get3A_514 : vector<16xf32>
      %swap3A_516 = arith.index_cast %scan3A_144 : i32 to index
      %swap3A_517 = arith.constant 416 : index
      %swap3A_518 = tpu.vector_load %arg8[%swap3A_516, %swap3A_517] {strides = array<i32>} : memref<32x768xf32, #tpu.memory_space<vmem>>, vector<1x16xf32>,
      %swap3A_519 = vector.shape_cast %swap3A_518 : vector<1x16xf32> to vector<16xf32>
      %swap3A_520 = vector.shape_cast %add3A_515 : vector<16xf32> to vector<1x16xf32>
      tpu.vector_store %arg8[%swap3A_516, %swap3A_517], %swap3A_520 {strides = array<i32>} : memref<32x768xf32, #tpu.memory_space<vmem>>, vector<1x16xf32>,
      %get3A_521 = arith.index_cast %scan3A_144 : i32 to index
      %get3A_522 = arith.constant 432 : index
      %get3A_523 = tpu.vector_load %arg8[%get3A_521, %get3A_522] {strides = array<i32>} : memref<32x768xf32, #tpu.memory_space<vmem>>, vector<1x16xf32>,
      %get3A_524 = vector.shape_cast %get3A_523 : vector<1x16xf32> to vector<16xf32>
      %get3A_525 = arith.index_cast %scan3A_144 : i32 to index
      %get3A_526 = arith.constant 432 : index
      %get3A_527 = tpu.vector_load %arg10[%get3A_525, %get3A_526] {strides = array<i32>} : memref<32x768xf32, #tpu.memory_space<vmem>>, vector<1x16xf32>,
      %get3A_528 = vector.shape_cast %get3A_527 : vector<1x16xf32> to vector<16xf32>
      %add3A_529 = arith.addf %get3A_524, %get3A_528 : vector<16xf32>
      %swap3A_530 = arith.index_cast %scan3A_144 : i32 to index
      %swap3A_531 = arith.constant 432 : index
      %swap3A_532 = tpu.vector_load %arg8[%swap3A_530, %swap3A_531] {strides = array<i32>} : memref<32x768xf32, #tpu.memory_space<vmem>>, vector<1x16xf32>,
      %swap3A_533 = vector.shape_cast %swap3A_532 : vector<1x16xf32> to vector<16xf32>
      %swap3A_534 = vector.shape_cast %add3A_529 : vector<16xf32> to vector<1x16xf32>
      tpu.vector_store %arg8[%swap3A_530, %swap3A_531], %swap3A_534 {strides = array<i32>} : memref<32x768xf32, #tpu.memory_space<vmem>>, vector<1x16xf32>,
      %get3A_535 = arith.index_cast %scan3A_144 : i32 to index
      %get3A_536 = arith.constant 448 : index
      %get3A_537 = tpu.vector_load %arg8[%get3A_535, %get3A_536] {strides = array<i32>} : memref<32x768xf32, #tpu.memory_space<vmem>>, vector<1x16xf32>,
      %get3A_538 = vector.shape_cast %get3A_537 : vector<1x16xf32> to vector<16xf32>
      %get3A_539 = arith.index_cast %scan3A_144 : i32 to index
      %get3A_540 = arith.constant 448 : index
      %get3A_541 = tpu.vector_load %arg10[%get3A_539, %get3A_540] {strides = array<i32>} : memref<32x768xf32, #tpu.memory_space<vmem>>, vector<1x16xf32>,
      %get3A_542 = vector.shape_cast %get3A_541 : vector<1x16xf32> to vector<16xf32>
      %add3A_543 = arith.addf %get3A_538, %get3A_542 : vector<16xf32>
      %swap3A_544 = arith.index_cast %scan3A_144 : i32 to index
      %swap3A_545 = arith.constant 448 : index
      %swap3A_546 = tpu.vector_load %arg8[%swap3A_544, %swap3A_545] {strides = array<i32>} : memref<32x768xf32, #tpu.memory_space<vmem>>, vector<1x16xf32>,
      %swap3A_547 = vector.shape_cast %swap3A_546 : vector<1x16xf32> to vector<16xf32>
      %swap3A_548 = vector.shape_cast %add3A_543 : vector<16xf32> to vector<1x16xf32>
      tpu.vector_store %arg8[%swap3A_544, %swap3A_545], %swap3A_548 {strides = array<i32>} : memref<32x768xf32, #tpu.memory_space<vmem>>, vector<1x16xf32>,
      %get3A_549 = arith.index_cast %scan3A_144 : i32 to index
      %get3A_550 = arith.constant 464 : index
      %get3A_551 = tpu.vector_load %arg8[%get3A_549, %get3A_550] {strides = array<i32>} : memref<32x768xf32, #tpu.memory_space<vmem>>, vector<1x16xf32>,
      %get3A_552 = vector.shape_cast %get3A_551 : vector<1x16xf32> to vector<16xf32>
      %get3A_553 = arith.index_cast %scan3A_144 : i32 to index
      %get3A_554 = arith.constant 464 : index
      %get3A_555 = tpu.vector_load %arg10[%get3A_553, %get3A_554] {strides = array<i32>} : memref<32x768xf32, #tpu.memory_space<vmem>>, vector<1x16xf32>,
      %get3A_556 = vector.shape_cast %get3A_555 : vector<1x16xf32> to vector<16xf32>
      %add3A_557 = arith.addf %get3A_552, %get3A_556 : vector<16xf32>
      %swap3A_558 = arith.index_cast %scan3A_144 : i32 to index
      %swap3A_559 = arith.constant 464 : index
      %swap3A_560 = tpu.vector_load %arg8[%swap3A_558, %swap3A_559] {strides = array<i32>} : memref<32x768xf32, #tpu.memory_space<vmem>>, vector<1x16xf32>,
      %swap3A_561 = vector.shape_cast %swap3A_560 : vector<1x16xf32> to vector<16xf32>
      %swap3A_562 = vector.shape_cast %add3A_557 : vector<16xf32> to vector<1x16xf32>
      tpu.vector_store %arg8[%swap3A_558, %swap3A_559], %swap3A_562 {strides = array<i32>} : memref<32x768xf32, #tpu.memory_space<vmem>>, vector<1x16xf32>,
      %get3A_563 = arith.index_cast %scan3A_144 : i32 to index
      %get3A_564 = arith.constant 480 : index
      %get3A_565 = tpu.vector_load %arg8[%get3A_563, %get3A_564] {strides = array<i32>} : memref<32x768xf32, #tpu.memory_space<vmem>>, vector<1x16xf32>,
      %get3A_566 = vector.shape_cast %get3A_565 : vector<1x16xf32> to vector<16xf32>
      %get3A_567 = arith.index_cast %scan3A_144 : i32 to index
      %get3A_568 = arith.constant 480 : index
      %get3A_569 = tpu.vector_load %arg10[%get3A_567, %get3A_568] {strides = array<i32>} : memref<32x768xf32, #tpu.memory_space<vmem>>, vector<1x16xf32>,
      %get3A_570 = vector.shape_cast %get3A_569 : vector<1x16xf32> to vector<16xf32>
      %add3A_571 = arith.addf %get3A_566, %get3A_570 : vector<16xf32>
      %swap3A_572 = arith.index_cast %scan3A_144 : i32 to index
      %swap3A_573 = arith.constant 480 : index
      %swap3A_574 = tpu.vector_load %arg8[%swap3A_572, %swap3A_573] {strides = array<i32>} : memref<32x768xf32, #tpu.memory_space<vmem>>, vector<1x16xf32>,
      %swap3A_575 = vector.shape_cast %swap3A_574 : vector<1x16xf32> to vector<16xf32>
      %swap3A_576 = vector.shape_cast %add3A_571 : vector<16xf32> to vector<1x16xf32>
      tpu.vector_store %arg8[%swap3A_572, %swap3A_573], %swap3A_576 {strides = array<i32>} : memref<32x768xf32, #tpu.memory_space<vmem>>, vector<1x16xf32>,
      %get3A_577 = arith.index_cast %scan3A_144 : i32 to index
      %get3A_578 = arith.constant 496 : index
      %get3A_579 = tpu.vector_load %arg8[%get3A_577, %get3A_578] {strides = array<i32>} : memref<32x768xf32, #tpu.memory_space<vmem>>, vector<1x16xf32>,
      %get3A_580 = vector.shape_cast %get3A_579 : vector<1x16xf32> to vector<16xf32>
      %get3A_581 = arith.index_cast %scan3A_144 : i32 to index
      %get3A_582 = arith.constant 496 : index
      %get3A_583 = tpu.vector_load %arg10[%get3A_581, %get3A_582] {strides = array<i32>} : memref<32x768xf32, #tpu.memory_space<vmem>>, vector<1x16xf32>,
      %get3A_584 = vector.shape_cast %get3A_583 : vector<1x16xf32> to vector<16xf32>
      %add3A_585 = arith.addf %get3A_580, %get3A_584 : vector<16xf32>
      %swap3A_586 = arith.index_cast %scan3A_144 : i32 to index
      %swap3A_587 = arith.constant 496 : index
      %swap3A_588 = tpu.vector_load %arg8[%swap3A_586, %swap3A_587] {strides = array<i32>} : memref<32x768xf32, #tpu.memory_space<vmem>>, vector<1x16xf32>,
      %swap3A_589 = vector.shape_cast %swap3A_588 : vector<1x16xf32> to vector<16xf32>
      %swap3A_590 = vector.shape_cast %add3A_585 : vector<16xf32> to vector<1x16xf32>
      tpu.vector_store %arg8[%swap3A_586, %swap3A_587], %swap3A_590 {strides = array<i32>} : memref<32x768xf32, #tpu.memory_space<vmem>>, vector<1x16xf32>,
      %get3A_591 = arith.index_cast %scan3A_144 : i32 to index
      %get3A_592 = arith.constant 512 : index
      %get3A_593 = tpu.vector_load %arg8[%get3A_591, %get3A_592] {strides = array<i32>} : memref<32x768xf32, #tpu.memory_space<vmem>>, vector<1x16xf32>,
      %get3A_594 = vector.shape_cast %get3A_593 : vector<1x16xf32> to vector<16xf32>
      %get3A_595 = arith.index_cast %scan3A_144 : i32 to index
      %get3A_596 = arith.constant 512 : index
      %get3A_597 = tpu.vector_load %arg10[%get3A_595, %get3A_596] {strides = array<i32>} : memref<32x768xf32, #tpu.memory_space<vmem>>, vector<1x16xf32>,
      %get3A_598 = vector.shape_cast %get3A_597 : vector<1x16xf32> to vector<16xf32>
      %add3A_599 = arith.addf %get3A_594, %get3A_598 : vector<16xf32>
      %swap3A_600 = arith.index_cast %scan3A_144 : i32 to index
      %swap3A_601 = arith.constant 512 : index
      %swap3A_602 = tpu.vector_load %arg8[%swap3A_600, %swap3A_601] {strides = array<i32>} : memref<32x768xf32, #tpu.memory_space<vmem>>, vector<1x16xf32>,
      %swap3A_603 = vector.shape_cast %swap3A_602 : vector<1x16xf32> to vector<16xf32>
      %swap3A_604 = vector.shape_cast %add3A_599 : vector<16xf32> to vector<1x16xf32>
      tpu.vector_store %arg8[%swap3A_600, %swap3A_601], %swap3A_604 {strides = array<i32>} : memref<32x768xf32, #tpu.memory_space<vmem>>, vector<1x16xf32>,
      %get3A_605 = arith.index_cast %scan3A_144 : i32 to index
      %get3A_606 = arith.constant 528 : index
      %get3A_607 = tpu.vector_load %arg8[%get3A_605, %get3A_606] {strides = array<i32>} : memref<32x768xf32, #tpu.memory_space<vmem>>, vector<1x16xf32>,
      %get3A_608 = vector.shape_cast %get3A_607 : vector<1x16xf32> to vector<16xf32>
      %get3A_609 = arith.index_cast %scan3A_144 : i32 to index
      %get3A_610 = arith.constant 528 : index
      %get3A_611 = tpu.vector_load %arg10[%get3A_609, %get3A_610] {strides = array<i32>} : memref<32x768xf32, #tpu.memory_space<vmem>>, vector<1x16xf32>,
      %get3A_612 = vector.shape_cast %get3A_611 : vector<1x16xf32> to vector<16xf32>
      %add3A_613 = arith.addf %get3A_608, %get3A_612 : vector<16xf32>
      %swap3A_614 = arith.index_cast %scan3A_144 : i32 to index
      %swap3A_615 = arith.constant 528 : index
      %swap3A_616 = tpu.vector_load %arg8[%swap3A_614, %swap3A_615] {strides = array<i32>} : memref<32x768xf32, #tpu.memory_space<vmem>>, vector<1x16xf32>,
      %swap3A_617 = vector.shape_cast %swap3A_616 : vector<1x16xf32> to vector<16xf32>
      %swap3A_618 = vector.shape_cast %add3A_613 : vector<16xf32> to vector<1x16xf32>
      tpu.vector_store %arg8[%swap3A_614, %swap3A_615], %swap3A_618 {strides = array<i32>} : memref<32x768xf32, #tpu.memory_space<vmem>>, vector<1x16xf32>,
      %get3A_619 = arith.index_cast %scan3A_144 : i32 to index
      %get3A_620 = arith.constant 544 : index
      %get3A_621 = tpu.vector_load %arg8[%get3A_619, %get3A_620] {strides = array<i32>} : memref<32x768xf32, #tpu.memory_space<vmem>>, vector<1x16xf32>,
      %get3A_622 = vector.shape_cast %get3A_621 : vector<1x16xf32> to vector<16xf32>
      %get3A_623 = arith.index_cast %scan3A_144 : i32 to index
      %get3A_624 = arith.constant 544 : index
      %get3A_625 = tpu.vector_load %arg10[%get3A_623, %get3A_624] {strides = array<i32>} : memref<32x768xf32, #tpu.memory_space<vmem>>, vector<1x16xf32>,
      %get3A_626 = vector.shape_cast %get3A_625 : vector<1x16xf32> to vector<16xf32>
      %add3A_627 = arith.addf %get3A_622, %get3A_626 : vector<16xf32>
      %swap3A_628 = arith.index_cast %scan3A_144 : i32 to index
      %swap3A_629 = arith.constant 544 : index
      %swap3A_630 = tpu.vector_load %arg8[%swap3A_628, %swap3A_629] {strides = array<i32>} : memref<32x768xf32, #tpu.memory_space<vmem>>, vector<1x16xf32>,
      %swap3A_631 = vector.shape_cast %swap3A_630 : vector<1x16xf32> to vector<16xf32>
      %swap3A_632 = vector.shape_cast %add3A_627 : vector<16xf32> to vector<1x16xf32>
      tpu.vector_store %arg8[%swap3A_628, %swap3A_629], %swap3A_632 {strides = array<i32>} : memref<32x768xf32, #tpu.memory_space<vmem>>, vector<1x16xf32>,
      %get3A_633 = arith.index_cast %scan3A_144 : i32 to index
      %get3A_634 = arith.constant 560 : index
      %get3A_635 = tpu.vector_load %arg8[%get3A_633, %get3A_634] {strides = array<i32>} : memref<32x768xf32, #tpu.memory_space<vmem>>, vector<1x16xf32>,
      %get3A_636 = vector.shape_cast %get3A_635 : vector<1x16xf32> to vector<16xf32>
      %get3A_637 = arith.index_cast %scan3A_144 : i32 to index
      %get3A_638 = arith.constant 560 : index
      %get3A_639 = tpu.vector_load %arg10[%get3A_637, %get3A_638] {strides = array<i32>} : memref<32x768xf32, #tpu.memory_space<vmem>>, vector<1x16xf32>,
      %get3A_640 = vector.shape_cast %get3A_639 : vector<1x16xf32> to vector<16xf32>
      %add3A_641 = arith.addf %get3A_636, %get3A_640 : vector<16xf32>
      %swap3A_642 = arith.index_cast %scan3A_144 : i32 to index
      %swap3A_643 = arith.constant 560 : index
      %swap3A_644 = tpu.vector_load %arg8[%swap3A_642, %swap3A_643] {strides = array<i32>} : memref<32x768xf32, #tpu.memory_space<vmem>>, vector<1x16xf32>,
      %swap3A_645 = vector.shape_cast %swap3A_644 : vector<1x16xf32> to vector<16xf32>
      %swap3A_646 = vector.shape_cast %add3A_641 : vector<16xf32> to vector<1x16xf32>
      tpu.vector_store %arg8[%swap3A_642, %swap3A_643], %swap3A_646 {strides = array<i32>} : memref<32x768xf32, #tpu.memory_space<vmem>>, vector<1x16xf32>,
      %get3A_647 = arith.index_cast %scan3A_144 : i32 to index
      %get3A_648 = arith.constant 576 : index
      %get3A_649 = tpu.vector_load %arg8[%get3A_647, %get3A_648] {strides = array<i32>} : memref<32x768xf32, #tpu.memory_space<vmem>>, vector<1x16xf32>,
      %get3A_650 = vector.shape_cast %get3A_649 : vector<1x16xf32> to vector<16xf32>
      %get3A_651 = arith.index_cast %scan3A_144 : i32 to index
      %get3A_652 = arith.constant 576 : index
      %get3A_653 = tpu.vector_load %arg10[%get3A_651, %get3A_652] {strides = array<i32>} : memref<32x768xf32, #tpu.memory_space<vmem>>, vector<1x16xf32>,
      %get3A_654 = vector.shape_cast %get3A_653 : vector<1x16xf32> to vector<16xf32>
      %add3A_655 = arith.addf %get3A_650, %get3A_654 : vector<16xf32>
      %swap3A_656 = arith.index_cast %scan3A_144 : i32 to index
      %swap3A_657 = arith.constant 576 : index
      %swap3A_658 = tpu.vector_load %arg8[%swap3A_656, %swap3A_657] {strides = array<i32>} : memref<32x768xf32, #tpu.memory_space<vmem>>, vector<1x16xf32>,
      %swap3A_659 = vector.shape_cast %swap3A_658 : vector<1x16xf32> to vector<16xf32>
      %swap3A_660 = vector.shape_cast %add3A_655 : vector<16xf32> to vector<1x16xf32>
      tpu.vector_store %arg8[%swap3A_656, %swap3A_657], %swap3A_660 {strides = array<i32>} : memref<32x768xf32, #tpu.memory_space<vmem>>, vector<1x16xf32>,
      %get3A_661 = arith.index_cast %scan3A_144 : i32 to index
      %get3A_662 = arith.constant 592 : index
      %get3A_663 = tpu.vector_load %arg8[%get3A_661, %get3A_662] {strides = array<i32>} : memref<32x768xf32, #tpu.memory_space<vmem>>, vector<1x16xf32>,
      %get3A_664 = vector.shape_cast %get3A_663 : vector<1x16xf32> to vector<16xf32>
      %get3A_665 = arith.index_cast %scan3A_144 : i32 to index
      %get3A_666 = arith.constant 592 : index
      %get3A_667 = tpu.vector_load %arg10[%get3A_665, %get3A_666] {strides = array<i32>} : memref<32x768xf32, #tpu.memory_space<vmem>>, vector<1x16xf32>,
      %get3A_668 = vector.shape_cast %get3A_667 : vector<1x16xf32> to vector<16xf32>
      %add3A_669 = arith.addf %get3A_664, %get3A_668 : vector<16xf32>
      %swap3A_670 = arith.index_cast %scan3A_144 : i32 to index
      %swap3A_671 = arith.constant 592 : index
      %swap3A_672 = tpu.vector_load %arg8[%swap3A_670, %swap3A_671] {strides = array<i32>} : memref<32x768xf32, #tpu.memory_space<vmem>>, vector<1x16xf32>,
      %swap3A_673 = vector.shape_cast %swap3A_672 : vector<1x16xf32> to vector<16xf32>
      %swap3A_674 = vector.shape_cast %add3A_669 : vector<16xf32> to vector<1x16xf32>
      tpu.vector_store %arg8[%swap3A_670, %swap3A_671], %swap3A_674 {strides = array<i32>} : memref<32x768xf32, #tpu.memory_space<vmem>>, vector<1x16xf32>,
      %get3A_675 = arith.index_cast %scan3A_144 : i32 to index
      %get3A_676 = arith.constant 608 : index
      %get3A_677 = tpu.vector_load %arg8[%get3A_675, %get3A_676] {strides = array<i32>} : memref<32x768xf32, #tpu.memory_space<vmem>>, vector<1x16xf32>,
      %get3A_678 = vector.shape_cast %get3A_677 : vector<1x16xf32> to vector<16xf32>
      %get3A_679 = arith.index_cast %scan3A_144 : i32 to index
      %get3A_680 = arith.constant 608 : index
      %get3A_681 = tpu.vector_load %arg10[%get3A_679, %get3A_680] {strides = array<i32>} : memref<32x768xf32, #tpu.memory_space<vmem>>, vector<1x16xf32>,
      %get3A_682 = vector.shape_cast %get3A_681 : vector<1x16xf32> to vector<16xf32>
      %add3A_683 = arith.addf %get3A_678, %get3A_682 : vector<16xf32>
      %swap3A_684 = arith.index_cast %scan3A_144 : i32 to index
      %swap3A_685 = arith.constant 608 : index
      %swap3A_686 = tpu.vector_load %arg8[%swap3A_684, %swap3A_685] {strides = array<i32>} : memref<32x768xf32, #tpu.memory_space<vmem>>, vector<1x16xf32>,
      %swap3A_687 = vector.shape_cast %swap3A_686 : vector<1x16xf32> to vector<16xf32>
      %swap3A_688 = vector.shape_cast %add3A_683 : vector<16xf32> to vector<1x16xf32>
      tpu.vector_store %arg8[%swap3A_684, %swap3A_685], %swap3A_688 {strides = array<i32>} : memref<32x768xf32, #tpu.memory_space<vmem>>, vector<1x16xf32>,
      %get3A_689 = arith.index_cast %scan3A_144 : i32 to index
      %get3A_690 = arith.constant 624 : index
      %get3A_691 = tpu.vector_load %arg8[%get3A_689, %get3A_690] {strides = array<i32>} : memref<32x768xf32, #tpu.memory_space<vmem>>, vector<1x16xf32>,
      %get3A_692 = vector.shape_cast %get3A_691 : vector<1x16xf32> to vector<16xf32>
      %get3A_693 = arith.index_cast %scan3A_144 : i32 to index
      %get3A_694 = arith.constant 624 : index
      %get3A_695 = tpu.vector_load %arg10[%get3A_693, %get3A_694] {strides = array<i32>} : memref<32x768xf32, #tpu.memory_space<vmem>>, vector<1x16xf32>,
      %get3A_696 = vector.shape_cast %get3A_695 : vector<1x16xf32> to vector<16xf32>
      %add3A_697 = arith.addf %get3A_692, %get3A_696 : vector<16xf32>
      %swap3A_698 = arith.index_cast %scan3A_144 : i32 to index
      %swap3A_699 = arith.constant 624 : index
      %swap3A_700 = tpu.vector_load %arg8[%swap3A_698, %swap3A_699] {strides = array<i32>} : memref<32x768xf32, #tpu.memory_space<vmem>>, vector<1x16xf32>,
      %swap3A_701 = vector.shape_cast %swap3A_700 : vector<1x16xf32> to vector<16xf32>
      %swap3A_702 = vector.shape_cast %add3A_697 : vector<16xf32> to vector<1x16xf32>
      tpu.vector_store %arg8[%swap3A_698, %swap3A_699], %swap3A_702 {strides = array<i32>} : memref<32x768xf32, #tpu.memory_space<vmem>>, vector<1x16xf32>,
      %get3A_703 = arith.index_cast %scan3A_144 : i32 to index
      %get3A_704 = arith.constant 640 : index
      %get3A_705 = tpu.vector_load %arg8[%get3A_703, %get3A_704] {strides = array<i32>} : memref<32x768xf32, #tpu.memory_space<vmem>>, vector<1x16xf32>,
      %get3A_706 = vector.shape_cast %get3A_705 : vector<1x16xf32> to vector<16xf32>
      %get3A_707 = arith.index_cast %scan3A_144 : i32 to index
      %get3A_708 = arith.constant 640 : index
      %get3A_709 = tpu.vector_load %arg10[%get3A_707, %get3A_708] {strides = array<i32>} : memref<32x768xf32, #tpu.memory_space<vmem>>, vector<1x16xf32>,
      %get3A_710 = vector.shape_cast %get3A_709 : vector<1x16xf32> to vector<16xf32>
      %add3A_711 = arith.addf %get3A_706, %get3A_710 : vector<16xf32>
      %swap3A_712 = arith.index_cast %scan3A_144 : i32 to index
      %swap3A_713 = arith.constant 640 : index
      %swap3A_714 = tpu.vector_load %arg8[%swap3A_712, %swap3A_713] {strides = array<i32>} : memref<32x768xf32, #tpu.memory_space<vmem>>, vector<1x16xf32>,
      %swap3A_715 = vector.shape_cast %swap3A_714 : vector<1x16xf32> to vector<16xf32>
      %swap3A_716 = vector.shape_cast %add3A_711 : vector<16xf32> to vector<1x16xf32>
      tpu.vector_store %arg8[%swap3A_712, %swap3A_713], %swap3A_716 {strides = array<i32>} : memref<32x768xf32, #tpu.memory_space<vmem>>, vector<1x16xf32>,
      %get3A_717 = arith.index_cast %scan3A_144 : i32 to index
      %get3A_718 = arith.constant 656 : index
      %get3A_719 = tpu.vector_load %arg8[%get3A_717, %get3A_718] {strides = array<i32>} : memref<32x768xf32, #tpu.memory_space<vmem>>, vector<1x16xf32>,
      %get3A_720 = vector.shape_cast %get3A_719 : vector<1x16xf32> to vector<16xf32>
      %get3A_721 = arith.index_cast %scan3A_144 : i32 to index
      %get3A_722 = arith.constant 656 : index
      %get3A_723 = tpu.vector_load %arg10[%get3A_721, %get3A_722] {strides = array<i32>} : memref<32x768xf32, #tpu.memory_space<vmem>>, vector<1x16xf32>,
      %get3A_724 = vector.shape_cast %get3A_723 : vector<1x16xf32> to vector<16xf32>
      %add3A_725 = arith.addf %get3A_720, %get3A_724 : vector<16xf32>
      %swap3A_726 = arith.index_cast %scan3A_144 : i32 to index
      %swap3A_727 = arith.constant 656 : index
      %swap3A_728 = tpu.vector_load %arg8[%swap3A_726, %swap3A_727] {strides = array<i32>} : memref<32x768xf32, #tpu.memory_space<vmem>>, vector<1x16xf32>,
      %swap3A_729 = vector.shape_cast %swap3A_728 : vector<1x16xf32> to vector<16xf32>
      %swap3A_730 = vector.shape_cast %add3A_725 : vector<16xf32> to vector<1x16xf32>
      tpu.vector_store %arg8[%swap3A_726, %swap3A_727], %swap3A_730 {strides = array<i32>} : memref<32x768xf32, #tpu.memory_space<vmem>>, vector<1x16xf32>,
      %get3A_731 = arith.index_cast %scan3A_144 : i32 to index
      %get3A_732 = arith.constant 672 : index
      %get3A_733 = tpu.vector_load %arg8[%get3A_731, %get3A_732] {strides = array<i32>} : memref<32x768xf32, #tpu.memory_space<vmem>>, vector<1x16xf32>,
      %get3A_734 = vector.shape_cast %get3A_733 : vector<1x16xf32> to vector<16xf32>
      %get3A_735 = arith.index_cast %scan3A_144 : i32 to index
      %get3A_736 = arith.constant 672 : index
      %get3A_737 = tpu.vector_load %arg10[%get3A_735, %get3A_736] {strides = array<i32>} : memref<32x768xf32, #tpu.memory_space<vmem>>, vector<1x16xf32>,
      %get3A_738 = vector.shape_cast %get3A_737 : vector<1x16xf32> to vector<16xf32>
      %add3A_739 = arith.addf %get3A_734, %get3A_738 : vector<16xf32>
      %swap3A_740 = arith.index_cast %scan3A_144 : i32 to index
      %swap3A_741 = arith.constant 672 : index
      %swap3A_742 = tpu.vector_load %arg8[%swap3A_740, %swap3A_741] {strides = array<i32>} : memref<32x768xf32, #tpu.memory_space<vmem>>, vector<1x16xf32>,
      %swap3A_743 = vector.shape_cast %swap3A_742 : vector<1x16xf32> to vector<16xf32>
      %swap3A_744 = vector.shape_cast %add3A_739 : vector<16xf32> to vector<1x16xf32>
      tpu.vector_store %arg8[%swap3A_740, %swap3A_741], %swap3A_744 {strides = array<i32>} : memref<32x768xf32, #tpu.memory_space<vmem>>, vector<1x16xf32>,
      %get3A_745 = arith.index_cast %scan3A_144 : i32 to index
      %get3A_746 = arith.constant 688 : index
      %get3A_747 = tpu.vector_load %arg8[%get3A_745, %get3A_746] {strides = array<i32>} : memref<32x768xf32, #tpu.memory_space<vmem>>, vector<1x16xf32>,
      %get3A_748 = vector.shape_cast %get3A_747 : vector<1x16xf32> to vector<16xf32>
      %get3A_749 = arith.index_cast %scan3A_144 : i32 to index
      %get3A_750 = arith.constant 688 : index
      %get3A_751 = tpu.vector_load %arg10[%get3A_749, %get3A_750] {strides = array<i32>} : memref<32x768xf32, #tpu.memory_space<vmem>>, vector<1x16xf32>,
      %get3A_752 = vector.shape_cast %get3A_751 : vector<1x16xf32> to vector<16xf32>
      %add3A_753 = arith.addf %get3A_748, %get3A_752 : vector<16xf32>
      %swap3A_754 = arith.index_cast %scan3A_144 : i32 to index
      %swap3A_755 = arith.constant 688 : index
      %swap3A_756 = tpu.vector_load %arg8[%swap3A_754, %swap3A_755] {strides = array<i32>} : memref<32x768xf32, #tpu.memory_space<vmem>>, vector<1x16xf32>,
      %swap3A_757 = vector.shape_cast %swap3A_756 : vector<1x16xf32> to vector<16xf32>
      %swap3A_758 = vector.shape_cast %add3A_753 : vector<16xf32> to vector<1x16xf32>
      tpu.vector_store %arg8[%swap3A_754, %swap3A_755], %swap3A_758 {strides = array<i32>} : memref<32x768xf32, #tpu.memory_space<vmem>>, vector<1x16xf32>,
      %get3A_759 = arith.index_cast %scan3A_144 : i32 to index
      %get3A_760 = arith.constant 704 : index
      %get3A_761 = tpu.vector_load %arg8[%get3A_759, %get3A_760] {strides = array<i32>} : memref<32x768xf32, #tpu.memory_space<vmem>>, vector<1x16xf32>,
      %get3A_762 = vector.shape_cast %get3A_761 : vector<1x16xf32> to vector<16xf32>
      %get3A_763 = arith.index_cast %scan3A_144 : i32 to index
      %get3A_764 = arith.constant 704 : index
      %get3A_765 = tpu.vector_load %arg10[%get3A_763, %get3A_764] {strides = array<i32>} : memref<32x768xf32, #tpu.memory_space<vmem>>, vector<1x16xf32>,
      %get3A_766 = vector.shape_cast %get3A_765 : vector<1x16xf32> to vector<16xf32>
      %add3A_767 = arith.addf %get3A_762, %get3A_766 : vector<16xf32>
      %swap3A_768 = arith.index_cast %scan3A_144 : i32 to index
      %swap3A_769 = arith.constant 704 : index
      %swap3A_770 = tpu.vector_load %arg8[%swap3A_768, %swap3A_769] {strides = array<i32>} : memref<32x768xf32, #tpu.memory_space<vmem>>, vector<1x16xf32>,
      %swap3A_771 = vector.shape_cast %swap3A_770 : vector<1x16xf32> to vector<16xf32>
      %swap3A_772 = vector.shape_cast %add3A_767 : vector<16xf32> to vector<1x16xf32>
      tpu.vector_store %arg8[%swap3A_768, %swap3A_769], %swap3A_772 {strides = array<i32>} : memref<32x768xf32, #tpu.memory_space<vmem>>, vector<1x16xf32>,
      %get3A_773 = arith.index_cast %scan3A_144 : i32 to index
      %get3A_774 = arith.constant 720 : index
      %get3A_775 = tpu.vector_load %arg8[%get3A_773, %get3A_774] {strides = array<i32>} : memref<32x768xf32, #tpu.memory_space<vmem>>, vector<1x16xf32>,
      %get3A_776 = vector.shape_cast %get3A_775 : vector<1x16xf32> to vector<16xf32>
      %get3A_777 = arith.index_cast %scan3A_144 : i32 to index
      %get3A_778 = arith.constant 720 : index
      %get3A_779 = tpu.vector_load %arg10[%get3A_777, %get3A_778] {strides = array<i32>} : memref<32x768xf32, #tpu.memory_space<vmem>>, vector<1x16xf32>,
      %get3A_780 = vector.shape_cast %get3A_779 : vector<1x16xf32> to vector<16xf32>
      %add3A_781 = arith.addf %get3A_776, %get3A_780 : vector<16xf32>
      %swap3A_782 = arith.index_cast %scan3A_144 : i32 to index
      %swap3A_783 = arith.constant 720 : index
      %swap3A_784 = tpu.vector_load %arg8[%swap3A_782, %swap3A_783] {strides = array<i32>} : memref<32x768xf32, #tpu.memory_space<vmem>>, vector<1x16xf32>,
      %swap3A_785 = vector.shape_cast %swap3A_784 : vector<1x16xf32> to vector<16xf32>
      %swap3A_786 = vector.shape_cast %add3A_781 : vector<16xf32> to vector<1x16xf32>
      tpu.vector_store %arg8[%swap3A_782, %swap3A_783], %swap3A_786 {strides = array<i32>} : memref<32x768xf32, #tpu.memory_space<vmem>>, vector<1x16xf32>,
      %get3A_787 = arith.index_cast %scan3A_144 : i32 to index
      %get3A_788 = arith.constant 736 : index
      %get3A_789 = tpu.vector_load %arg8[%get3A_787, %get3A_788] {strides = array<i32>} : memref<32x768xf32, #tpu.memory_space<vmem>>, vector<1x16xf32>,
      %get3A_790 = vector.shape_cast %get3A_789 : vector<1x16xf32> to vector<16xf32>
      %get3A_791 = arith.index_cast %scan3A_144 : i32 to index
      %get3A_792 = arith.constant 736 : index
      %get3A_793 = tpu.vector_load %arg10[%get3A_791, %get3A_792] {strides = array<i32>} : memref<32x768xf32, #tpu.memory_space<vmem>>, vector<1x16xf32>,
      %get3A_794 = vector.shape_cast %get3A_793 : vector<1x16xf32> to vector<16xf32>
      %add3A_795 = arith.addf %get3A_790, %get3A_794 : vector<16xf32>
      %swap3A_796 = arith.index_cast %scan3A_144 : i32 to index
      %swap3A_797 = arith.constant 736 : index
      %swap3A_798 = tpu.vector_load %arg8[%swap3A_796, %swap3A_797] {strides = array<i32>} : memref<32x768xf32, #tpu.memory_space<vmem>>, vector<1x16xf32>,
      %swap3A_799 = vector.shape_cast %swap3A_798 : vector<1x16xf32> to vector<16xf32>
      %swap3A_800 = vector.shape_cast %add3A_795 : vector<16xf32> to vector<1x16xf32>
      tpu.vector_store %arg8[%swap3A_796, %swap3A_797], %swap3A_800 {strides = array<i32>} : memref<32x768xf32, #tpu.memory_space<vmem>>, vector<1x16xf32>,
      %get3A_801 = arith.index_cast %scan3A_144 : i32 to index
      %get3A_802 = arith.constant 752 : index
      %get3A_803 = tpu.vector_load %arg8[%get3A_801, %get3A_802] {strides = array<i32>} : memref<32x768xf32, #tpu.memory_space<vmem>>, vector<1x16xf32>,
      %get3A_804 = vector.shape_cast %get3A_803 : vector<1x16xf32> to vector<16xf32>
      %get3A_805 = arith.index_cast %scan3A_144 : i32 to index
      %get3A_806 = arith.constant 752 : index
      %get3A_807 = tpu.vector_load %arg10[%get3A_805, %get3A_806] {strides = array<i32>} : memref<32x768xf32, #tpu.memory_space<vmem>>, vector<1x16xf32>,
      %get3A_808 = vector.shape_cast %get3A_807 : vector<1x16xf32> to vector<16xf32>
      %add3A_809 = arith.addf %get3A_804, %get3A_808 : vector<16xf32>
      %swap3A_810 = arith.index_cast %scan3A_144 : i32 to index
      %swap3A_811 = arith.constant 752 : index
      %swap3A_812 = tpu.vector_load %arg8[%swap3A_810, %swap3A_811] {strides = array<i32>} : memref<32x768xf32, #tpu.memory_space<vmem>>, vector<1x16xf32>,
      %swap3A_813 = vector.shape_cast %swap3A_812 : vector<1x16xf32> to vector<16xf32>
      %swap3A_814 = vector.shape_cast %add3A_809 : vector<16xf32> to vector<1x16xf32>
      tpu.vector_store %arg8[%swap3A_810, %swap3A_811], %swap3A_814 {strides = array<i32>} : memref<32x768xf32, #tpu.memory_space<vmem>>, vector<1x16xf32>,
    }
    %scan3A_35 = arith.constant 32 : i32
    %add3A_36 = arith.constant 0 : i32
    %add3A_37 = arith.addi %mul3A_2, %add3A_36 : i32
    %dma_start3A_38 = arith.constant 0 : i32
    %dma_start3A_39 = tpu.memref_slice %arg5[%add3A_37, %dma_start3A_38] : memref<4096x768xf32, #tpu.memory_space<hbm>> -> memref<32x768xf32, #tpu.memory_space<hbm>>
    %dma_start3A_40 = arith.constant 0 : i32
    %dma_start3A_41 = tpu.memref_slice %arg5[%add3A_37, %dma_start3A_40] : memref<4096x768xf32, #tpu.memory_space<hbm>> -> memref<32x768xf32, #tpu.memory_space<hbm>>
    tpu.enqueue_dma source(%arg8 : memref<32x768xf32, #tpu.memory_space<vmem>>) target(%dma_start3A_41 : memref<32x768xf32, #tpu.memory_space<hbm>>) target_semaphore(%arg16 : memref<!tpu.dma_semaphore, #tpu.memory_space<semaphore_mem>>)
    %dma_wait3A_42 = arith.constant 0 : i32
    %dma_wait3A_43 = tpu.memref_slice %arg5[%add3A_37, %dma_wait3A_42] : memref<4096x768xf32, #tpu.memory_space<hbm>> -> memref<32x768xf32, #tpu.memory_space<hbm>>
    %dma_wait3A_44 = arith.constant 0 : i32
    %dma_wait3A_45 = tpu.memref_slice %arg5[%add3A_37, %dma_wait3A_44] : memref<4096x768xf32, #tpu.memory_space<hbm>> -> memref<32x768xf32, #tpu.memory_space<hbm>>
    tpu.wait_dma2 semaphore(%arg16 : memref<!tpu.dma_semaphore, #tpu.memory_space<semaphore_mem>>) src(%arg8 : memref<32x768xf32, #tpu.memory_space<vmem>>) dst(%dma_wait3A_45 : memref<32x768xf32, #tpu.memory_space<hbm>>)
    %dma_start3A_46 = arith.constant 64 : i32
    %dma_start3A_47 = tpu.memref_slice %arg6[%dma_start3A_46] : memref<128xi32, #tpu.memory_space<vmem>> -> memref<32xi32, #tpu.memory_space<vmem>>
    %dma_start3A_48 = arith.constant 0 : i32
    %dma_start3A_49 = arith.constant 0 : i32
    %dma_start3A_50 = tpu.memref_slice %arg2[%dma_start3A_48, %dma_start3A_49] : memref<10240x768xf32, #tpu.memory_space<hbm>> -> memref<10240x768xf32, #tpu.memory_space<hbm>>
    tpu.enqueue_indirect_dma source(%dma_start3A_50 : memref<10240x768xf32, #tpu.memory_space<hbm>>) target(%arg8 : memref<32x768xf32, #tpu.memory_space<vmem>>) offsets(%dma_start3A_47 : memref<32xi32, #tpu.memory_space<vmem>>) semaphore(%arg12 : memref<!tpu.dma_semaphore, #tpu.memory_space<semaphore_mem>>)
    %dma_start3A_51 = arith.constant 64 : i32
    %dma_start3A_52 = tpu.memref_slice %arg7[%dma_start3A_51] : memref<128xi32, #tpu.memory_space<vmem>> -> memref<32xi32, #tpu.memory_space<vmem>>
    %dma_start3A_53 = arith.constant 0 : i32
    %dma_start3A_54 = arith.constant 0 : i32
    %dma_start3A_55 = tpu.memref_slice %arg2[%dma_start3A_53, %dma_start3A_54] : memref<10240x768xf32, #tpu.memory_space<hbm>> -> memref<10240x768xf32, #tpu.memory_space<hbm>>
    tpu.enqueue_indirect_dma source(%dma_start3A_55 : memref<10240x768xf32, #tpu.memory_space<hbm>>) target(%arg10 : memref<32x768xf32, #tpu.memory_space<vmem>>) offsets(%dma_start3A_52 : memref<32xi32, #tpu.memory_space<vmem>>) semaphore(%arg14 : memref<!tpu.dma_semaphore, #tpu.memory_space<semaphore_mem>>)
    %dma_wait3A_56 = arith.constant 32 : i32
    %dma_wait3A_57 = tpu.memref_slice %arg6[%dma_wait3A_56] : memref<128xi32, #tpu.memory_space<vmem>> -> memref<32xi32, #tpu.memory_space<vmem>>
    %dma_wait3A_58 = arith.constant 0 : i32
    %dma_wait3A_59 = arith.constant 0 : i32
    %dma_wait3A_60 = tpu.memref_slice %arg2[%dma_wait3A_58, %dma_wait3A_59] : memref<10240x768xf32, #tpu.memory_space<hbm>> -> memref<10240x768xf32, #tpu.memory_space<hbm>>
    tpu.wait_indirect_dma semaphore(%arg13 : memref<!tpu.dma_semaphore, #tpu.memory_space<semaphore_mem>>) src(%dma_wait3A_60 : memref<10240x768xf32, #tpu.memory_space<hbm>>) dst(%arg9 : memref<32x768xf32, #tpu.memory_space<vmem>>)
    %dma_wait3A_61 = arith.constant 32 : i32
    %dma_wait3A_62 = tpu.memref_slice %arg7[%dma_wait3A_61] : memref<128xi32, #tpu.memory_space<vmem>> -> memref<32xi32, #tpu.memory_space<vmem>>
    %dma_wait3A_63 = arith.constant 0 : i32
    %dma_wait3A_64 = arith.constant 0 : i32
    %dma_wait3A_65 = tpu.memref_slice %arg2[%dma_wait3A_63, %dma_wait3A_64] : memref<10240x768xf32, #tpu.memory_space<hbm>> -> memref<10240x768xf32, #tpu.memory_space<hbm>>
    tpu.wait_indirect_dma semaphore(%arg15 : memref<!tpu.dma_semaphore, #tpu.memory_space<semaphore_mem>>) src(%dma_wait3A_65 : memref<10240x768xf32, #tpu.memory_space<hbm>>) dst(%arg11 : memref<32x768xf32, #tpu.memory_space<vmem>>)
    %scan3A_66 = arith.constant 0 : i32
    %scan3A_67 = arith.constant 0 : i32
    %scan3A_68 = arith.constant 32 : i32
    %scan3A_69 = arith.addi %scan3A_67, %scan3A_68 : i32
    %scan3A_70 = arith.constant 1 : i32
    scf.for %scan3A_144 = %scan3A_67 to %scan3A_69 step %scan3A_70  : i32 {
      %get3A = arith.index_cast %scan3A_144 : i32 to index
      %get3A_145 = arith.constant 0 : index
      %get3A_146 = tpu.vector_load %arg9[%get3A, %get3A_145] {strides = array<i32>} : memref<32x768xf32, #tpu.memory_space<vmem>>, vector<1x16xf32>,
      %get3A_147 = vector.shape_cast %get3A_146 : vector<1x16xf32> to vector<16xf32>
      %get3A_148 = arith.index_cast %scan3A_144 : i32 to index
      %get3A_149 = arith.constant 0 : index
      %get3A_150 = tpu.vector_load %arg11[%get3A_148, %get3A_149] {strides = array<i32>} : memref<32x768xf32, #tpu.memory_space<vmem>>, vector<1x16xf32>,
      %get3A_151 = vector.shape_cast %get3A_150 : vector<1x16xf32> to vector<16xf32>
      %add3A_152 = arith.addf %get3A_147, %get3A_151 : vector<16xf32>
      %swap3A = arith.index_cast %scan3A_144 : i32 to index
      %swap3A_153 = arith.constant 0 : index
      %swap3A_154 = tpu.vector_load %arg9[%swap3A, %swap3A_153] {strides = array<i32>} : memref<32x768xf32, #tpu.memory_space<vmem>>, vector<1x16xf32>,
      %swap3A_155 = vector.shape_cast %swap3A_154 : vector<1x16xf32> to vector<16xf32>
      %swap3A_156 = vector.shape_cast %add3A_152 : vector<16xf32> to vector<1x16xf32>
      tpu.vector_store %arg9[%swap3A, %swap3A_153], %swap3A_156 {strides = array<i32>} : memref<32x768xf32, #tpu.memory_space<vmem>>, vector<1x16xf32>,
      %get3A_157 = arith.index_cast %scan3A_144 : i32 to index
      %get3A_158 = arith.constant 16 : index
      %get3A_159 = tpu.vector_load %arg9[%get3A_157, %get3A_158] {strides = array<i32>} : memref<32x768xf32, #tpu.memory_space<vmem>>, vector<1x16xf32>,
      %get3A_160 = vector.shape_cast %get3A_159 : vector<1x16xf32> to vector<16xf32>
      %get3A_161 = arith.index_cast %scan3A_144 : i32 to index
      %get3A_162 = arith.constant 16 : index
      %get3A_163 = tpu.vector_load %arg11[%get3A_161, %get3A_162] {strides = array<i32>} : memref<32x768xf32, #tpu.memory_space<vmem>>, vector<1x16xf32>,
      %get3A_164 = vector.shape_cast %get3A_163 : vector<1x16xf32> to vector<16xf32>
      %add3A_165 = arith.addf %get3A_160, %get3A_164 : vector<16xf32>
      %swap3A_166 = arith.index_cast %scan3A_144 : i32 to index
      %swap3A_167 = arith.constant 16 : index
      %swap3A_168 = tpu.vector_load %arg9[%swap3A_166, %swap3A_167] {strides = array<i32>} : memref<32x768xf32, #tpu.memory_space<vmem>>, vector<1x16xf32>,
      %swap3A_169 = vector.shape_cast %swap3A_168 : vector<1x16xf32> to vector<16xf32>
      %swap3A_170 = vector.shape_cast %add3A_165 : vector<16xf32> to vector<1x16xf32>
      tpu.vector_store %arg9[%swap3A_166, %swap3A_167], %swap3A_170 {strides = array<i32>} : memref<32x768xf32, #tpu.memory_space<vmem>>, vector<1x16xf32>,
      %get3A_171 = arith.index_cast %scan3A_144 : i32 to index
      %get3A_172 = arith.constant 32 : index
      %get3A_173 = tpu.vector_load %arg9[%get3A_171, %get3A_172] {strides = array<i32>} : memref<32x768xf32, #tpu.memory_space<vmem>>, vector<1x16xf32>,
      %get3A_174 = vector.shape_cast %get3A_173 : vector<1x16xf32> to vector<16xf32>
      %get3A_175 = arith.index_cast %scan3A_144 : i32 to index
      %get3A_176 = arith.constant 32 : index
      %get3A_177 = tpu.vector_load %arg11[%get3A_175, %get3A_176] {strides = array<i32>} : memref<32x768xf32, #tpu.memory_space<vmem>>, vector<1x16xf32>,
      %get3A_178 = vector.shape_cast %get3A_177 : vector<1x16xf32> to vector<16xf32>
      %add3A_179 = arith.addf %get3A_174, %get3A_178 : vector<16xf32>
      %swap3A_180 = arith.index_cast %scan3A_144 : i32 to index
      %swap3A_181 = arith.constant 32 : index
      %swap3A_182 = tpu.vector_load %arg9[%swap3A_180, %swap3A_181] {strides = array<i32>} : memref<32x768xf32, #tpu.memory_space<vmem>>, vector<1x16xf32>,
      %swap3A_183 = vector.shape_cast %swap3A_182 : vector<1x16xf32> to vector<16xf32>
      %swap3A_184 = vector.shape_cast %add3A_179 : vector<16xf32> to vector<1x16xf32>
      tpu.vector_store %arg9[%swap3A_180, %swap3A_181], %swap3A_184 {strides = array<i32>} : memref<32x768xf32, #tpu.memory_space<vmem>>, vector<1x16xf32>,
      %get3A_185 = arith.index_cast %scan3A_144 : i32 to index
      %get3A_186 = arith.constant 48 : index
      %get3A_187 = tpu.vector_load %arg9[%get3A_185, %get3A_186] {strides = array<i32>} : memref<32x768xf32, #tpu.memory_space<vmem>>, vector<1x16xf32>,
      %get3A_188 = vector.shape_cast %get3A_187 : vector<1x16xf32> to vector<16xf32>
      %get3A_189 = arith.index_cast %scan3A_144 : i32 to index
      %get3A_190 = arith.constant 48 : index
      %get3A_191 = tpu.vector_load %arg11[%get3A_189, %get3A_190] {strides = array<i32>} : memref<32x768xf32, #tpu.memory_space<vmem>>, vector<1x16xf32>,
      %get3A_192 = vector.shape_cast %get3A_191 : vector<1x16xf32> to vector<16xf32>
      %add3A_193 = arith.addf %get3A_188, %get3A_192 : vector<16xf32>
      %swap3A_194 = arith.index_cast %scan3A_144 : i32 to index
      %swap3A_195 = arith.constant 48 : index
      %swap3A_196 = tpu.vector_load %arg9[%swap3A_194, %swap3A_195] {strides = array<i32>} : memref<32x768xf32, #tpu.memory_space<vmem>>, vector<1x16xf32>,
      %swap3A_197 = vector.shape_cast %swap3A_196 : vector<1x16xf32> to vector<16xf32>
      %swap3A_198 = vector.shape_cast %add3A_193 : vector<16xf32> to vector<1x16xf32>
      tpu.vector_store %arg9[%swap3A_194, %swap3A_195], %swap3A_198 {strides = array<i32>} : memref<32x768xf32, #tpu.memory_space<vmem>>, vector<1x16xf32>,
      %get3A_199 = arith.index_cast %scan3A_144 : i32 to index
      %get3A_200 = arith.constant 64 : index
      %get3A_201 = tpu.vector_load %arg9[%get3A_199, %get3A_200] {strides = array<i32>} : memref<32x768xf32, #tpu.memory_space<vmem>>, vector<1x16xf32>,
      %get3A_202 = vector.shape_cast %get3A_201 : vector<1x16xf32> to vector<16xf32>
      %get3A_203 = arith.index_cast %scan3A_144 : i32 to index
      %get3A_204 = arith.constant 64 : index
      %get3A_205 = tpu.vector_load %arg11[%get3A_203, %get3A_204] {strides = array<i32>} : memref<32x768xf32, #tpu.memory_space<vmem>>, vector<1x16xf32>,
      %get3A_206 = vector.shape_cast %get3A_205 : vector<1x16xf32> to vector<16xf32>
      %add3A_207 = arith.addf %get3A_202, %get3A_206 : vector<16xf32>
      %swap3A_208 = arith.index_cast %scan3A_144 : i32 to index
      %swap3A_209 = arith.constant 64 : index
      %swap3A_210 = tpu.vector_load %arg9[%swap3A_208, %swap3A_209] {strides = array<i32>} : memref<32x768xf32, #tpu.memory_space<vmem>>, vector<1x16xf32>,
      %swap3A_211 = vector.shape_cast %swap3A_210 : vector<1x16xf32> to vector<16xf32>
      %swap3A_212 = vector.shape_cast %add3A_207 : vector<16xf32> to vector<1x16xf32>
      tpu.vector_store %arg9[%swap3A_208, %swap3A_209], %swap3A_212 {strides = array<i32>} : memref<32x768xf32, #tpu.memory_space<vmem>>, vector<1x16xf32>,
      %get3A_213 = arith.index_cast %scan3A_144 : i32 to index
      %get3A_214 = arith.constant 80 : index
      %get3A_215 = tpu.vector_load %arg9[%get3A_213, %get3A_214] {strides = array<i32>} : memref<32x768xf32, #tpu.memory_space<vmem>>, vector<1x16xf32>,
      %get3A_216 = vector.shape_cast %get3A_215 : vector<1x16xf32> to vector<16xf32>
      %get3A_217 = arith.index_cast %scan3A_144 : i32 to index
      %get3A_218 = arith.constant 80 : index
      %get3A_219 = tpu.vector_load %arg11[%get3A_217, %get3A_218] {strides = array<i32>} : memref<32x768xf32, #tpu.memory_space<vmem>>, vector<1x16xf32>,
      %get3A_220 = vector.shape_cast %get3A_219 : vector<1x16xf32> to vector<16xf32>
      %add3A_221 = arith.addf %get3A_216, %get3A_220 : vector<16xf32>
      %swap3A_222 = arith.index_cast %scan3A_144 : i32 to index
      %swap3A_223 = arith.constant 80 : index
      %swap3A_224 = tpu.vector_load %arg9[%swap3A_222, %swap3A_223] {strides = array<i32>} : memref<32x768xf32, #tpu.memory_space<vmem>>, vector<1x16xf32>,
      %swap3A_225 = vector.shape_cast %swap3A_224 : vector<1x16xf32> to vector<16xf32>
      %swap3A_226 = vector.shape_cast %add3A_221 : vector<16xf32> to vector<1x16xf32>
      tpu.vector_store %arg9[%swap3A_222, %swap3A_223], %swap3A_226 {strides = array<i32>} : memref<32x768xf32, #tpu.memory_space<vmem>>, vector<1x16xf32>,
      %get3A_227 = arith.index_cast %scan3A_144 : i32 to index
      %get3A_228 = arith.constant 96 : index
      %get3A_229 = tpu.vector_load %arg9[%get3A_227, %get3A_228] {strides = array<i32>} : memref<32x768xf32, #tpu.memory_space<vmem>>, vector<1x16xf32>,
      %get3A_230 = vector.shape_cast %get3A_229 : vector<1x16xf32> to vector<16xf32>
      %get3A_231 = arith.index_cast %scan3A_144 : i32 to index
      %get3A_232 = arith.constant 96 : index
      %get3A_233 = tpu.vector_load %arg11[%get3A_231, %get3A_232] {strides = array<i32>} : memref<32x768xf32, #tpu.memory_space<vmem>>, vector<1x16xf32>,
      %get3A_234 = vector.shape_cast %get3A_233 : vector<1x16xf32> to vector<16xf32>
      %add3A_235 = arith.addf %get3A_230, %get3A_234 : vector<16xf32>
      %swap3A_236 = arith.index_cast %scan3A_144 : i32 to index
      %swap3A_237 = arith.constant 96 : index
      %swap3A_238 = tpu.vector_load %arg9[%swap3A_236, %swap3A_237] {strides = array<i32>} : memref<32x768xf32, #tpu.memory_space<vmem>>, vector<1x16xf32>,
      %swap3A_239 = vector.shape_cast %swap3A_238 : vector<1x16xf32> to vector<16xf32>
      %swap3A_240 = vector.shape_cast %add3A_235 : vector<16xf32> to vector<1x16xf32>
      tpu.vector_store %arg9[%swap3A_236, %swap3A_237], %swap3A_240 {strides = array<i32>} : memref<32x768xf32, #tpu.memory_space<vmem>>, vector<1x16xf32>,
      %get3A_241 = arith.index_cast %scan3A_144 : i32 to index
      %get3A_242 = arith.constant 112 : index
      %get3A_243 = tpu.vector_load %arg9[%get3A_241, %get3A_242] {strides = array<i32>} : memref<32x768xf32, #tpu.memory_space<vmem>>, vector<1x16xf32>,
      %get3A_244 = vector.shape_cast %get3A_243 : vector<1x16xf32> to vector<16xf32>
      %get3A_245 = arith.index_cast %scan3A_144 : i32 to index
      %get3A_246 = arith.constant 112 : index
      %get3A_247 = tpu.vector_load %arg11[%get3A_245, %get3A_246] {strides = array<i32>} : memref<32x768xf32, #tpu.memory_space<vmem>>, vector<1x16xf32>,
      %get3A_248 = vector.shape_cast %get3A_247 : vector<1x16xf32> to vector<16xf32>
      %add3A_249 = arith.addf %get3A_244, %get3A_248 : vector<16xf32>
      %swap3A_250 = arith.index_cast %scan3A_144 : i32 to index
      %swap3A_251 = arith.constant 112 : index
      %swap3A_252 = tpu.vector_load %arg9[%swap3A_250, %swap3A_251] {strides = array<i32>} : memref<32x768xf32, #tpu.memory_space<vmem>>, vector<1x16xf32>,
      %swap3A_253 = vector.shape_cast %swap3A_252 : vector<1x16xf32> to vector<16xf32>
      %swap3A_254 = vector.shape_cast %add3A_249 : vector<16xf32> to vector<1x16xf32>
      tpu.vector_store %arg9[%swap3A_250, %swap3A_251], %swap3A_254 {strides = array<i32>} : memref<32x768xf32, #tpu.memory_space<vmem>>, vector<1x16xf32>,
      %get3A_255 = arith.index_cast %scan3A_144 : i32 to index
      %get3A_256 = arith.constant 128 : index
      %get3A_257 = tpu.vector_load %arg9[%get3A_255, %get3A_256] {strides = array<i32>} : memref<32x768xf32, #tpu.memory_space<vmem>>, vector<1x16xf32>,
      %get3A_258 = vector.shape_cast %get3A_257 : vector<1x16xf32> to vector<16xf32>
      %get3A_259 = arith.index_cast %scan3A_144 : i32 to index
      %get3A_260 = arith.constant 128 : index
      %get3A_261 = tpu.vector_load %arg11[%get3A_259, %get3A_260] {strides = array<i32>} : memref<32x768xf32, #tpu.memory_space<vmem>>, vector<1x16xf32>,
      %get3A_262 = vector.shape_cast %get3A_261 : vector<1x16xf32> to vector<16xf32>
      %add3A_263 = arith.addf %get3A_258, %get3A_262 : vector<16xf32>
      %swap3A_264 = arith.index_cast %scan3A_144 : i32 to index
      %swap3A_265 = arith.constant 128 : index
      %swap3A_266 = tpu.vector_load %arg9[%swap3A_264, %swap3A_265] {strides = array<i32>} : memref<32x768xf32, #tpu.memory_space<vmem>>, vector<1x16xf32>,
      %swap3A_267 = vector.shape_cast %swap3A_266 : vector<1x16xf32> to vector<16xf32>
      %swap3A_268 = vector.shape_cast %add3A_263 : vector<16xf32> to vector<1x16xf32>
      tpu.vector_store %arg9[%swap3A_264, %swap3A_265], %swap3A_268 {strides = array<i32>} : memref<32x768xf32, #tpu.memory_space<vmem>>, vector<1x16xf32>,
      %get3A_269 = arith.index_cast %scan3A_144 : i32 to index
      %get3A_270 = arith.constant 144 : index
      %get3A_271 = tpu.vector_load %arg9[%get3A_269, %get3A_270] {strides = array<i32>} : memref<32x768xf32, #tpu.memory_space<vmem>>, vector<1x16xf32>,
      %get3A_272 = vector.shape_cast %get3A_271 : vector<1x16xf32> to vector<16xf32>
      %get3A_273 = arith.index_cast %scan3A_144 : i32 to index
      %get3A_274 = arith.constant 144 : index
      %get3A_275 = tpu.vector_load %arg11[%get3A_273, %get3A_274] {strides = array<i32>} : memref<32x768xf32, #tpu.memory_space<vmem>>, vector<1x16xf32>,
      %get3A_276 = vector.shape_cast %get3A_275 : vector<1x16xf32> to vector<16xf32>
      %add3A_277 = arith.addf %get3A_272, %get3A_276 : vector<16xf32>
      %swap3A_278 = arith.index_cast %scan3A_144 : i32 to index
      %swap3A_279 = arith.constant 144 : index
      %swap3A_280 = tpu.vector_load %arg9[%swap3A_278, %swap3A_279] {strides = array<i32>} : memref<32x768xf32, #tpu.memory_space<vmem>>, vector<1x16xf32>,
      %swap3A_281 = vector.shape_cast %swap3A_280 : vector<1x16xf32> to vector<16xf32>
      %swap3A_282 = vector.shape_cast %add3A_277 : vector<16xf32> to vector<1x16xf32>
      tpu.vector_store %arg9[%swap3A_278, %swap3A_279], %swap3A_282 {strides = array<i32>} : memref<32x768xf32, #tpu.memory_space<vmem>>, vector<1x16xf32>,
      %get3A_283 = arith.index_cast %scan3A_144 : i32 to index
      %get3A_284 = arith.constant 160 : index
      %get3A_285 = tpu.vector_load %arg9[%get3A_283, %get3A_284] {strides = array<i32>} : memref<32x768xf32, #tpu.memory_space<vmem>>, vector<1x16xf32>,
      %get3A_286 = vector.shape_cast %get3A_285 : vector<1x16xf32> to vector<16xf32>
      %get3A_287 = arith.index_cast %scan3A_144 : i32 to index
      %get3A_288 = arith.constant 160 : index
      %get3A_289 = tpu.vector_load %arg11[%get3A_287, %get3A_288] {strides = array<i32>} : memref<32x768xf32, #tpu.memory_space<vmem>>, vector<1x16xf32>,
      %get3A_290 = vector.shape_cast %get3A_289 : vector<1x16xf32> to vector<16xf32>
      %add3A_291 = arith.addf %get3A_286, %get3A_290 : vector<16xf32>
      %swap3A_292 = arith.index_cast %scan3A_144 : i32 to index
      %swap3A_293 = arith.constant 160 : index
      %swap3A_294 = tpu.vector_load %arg9[%swap3A_292, %swap3A_293] {strides = array<i32>} : memref<32x768xf32, #tpu.memory_space<vmem>>, vector<1x16xf32>,
      %swap3A_295 = vector.shape_cast %swap3A_294 : vector<1x16xf32> to vector<16xf32>
      %swap3A_296 = vector.shape_cast %add3A_291 : vector<16xf32> to vector<1x16xf32>
      tpu.vector_store %arg9[%swap3A_292, %swap3A_293], %swap3A_296 {strides = array<i32>} : memref<32x768xf32, #tpu.memory_space<vmem>>, vector<1x16xf32>,
      %get3A_297 = arith.index_cast %scan3A_144 : i32 to index
      %get3A_298 = arith.constant 176 : index
      %get3A_299 = tpu.vector_load %arg9[%get3A_297, %get3A_298] {strides = array<i32>} : memref<32x768xf32, #tpu.memory_space<vmem>>, vector<1x16xf32>,
      %get3A_300 = vector.shape_cast %get3A_299 : vector<1x16xf32> to vector<16xf32>
      %get3A_301 = arith.index_cast %scan3A_144 : i32 to index
      %get3A_302 = arith.constant 176 : index
      %get3A_303 = tpu.vector_load %arg11[%get3A_301, %get3A_302] {strides = array<i32>} : memref<32x768xf32, #tpu.memory_space<vmem>>, vector<1x16xf32>,
      %get3A_304 = vector.shape_cast %get3A_303 : vector<1x16xf32> to vector<16xf32>
      %add3A_305 = arith.addf %get3A_300, %get3A_304 : vector<16xf32>
      %swap3A_306 = arith.index_cast %scan3A_144 : i32 to index
      %swap3A_307 = arith.constant 176 : index
      %swap3A_308 = tpu.vector_load %arg9[%swap3A_306, %swap3A_307] {strides = array<i32>} : memref<32x768xf32, #tpu.memory_space<vmem>>, vector<1x16xf32>,
      %swap3A_309 = vector.shape_cast %swap3A_308 : vector<1x16xf32> to vector<16xf32>
      %swap3A_310 = vector.shape_cast %add3A_305 : vector<16xf32> to vector<1x16xf32>
      tpu.vector_store %arg9[%swap3A_306, %swap3A_307], %swap3A_310 {strides = array<i32>} : memref<32x768xf32, #tpu.memory_space<vmem>>, vector<1x16xf32>,
      %get3A_311 = arith.index_cast %scan3A_144 : i32 to index
      %get3A_312 = arith.constant 192 : index
      %get3A_313 = tpu.vector_load %arg9[%get3A_311, %get3A_312] {strides = array<i32>} : memref<32x768xf32, #tpu.memory_space<vmem>>, vector<1x16xf32>,
      %get3A_314 = vector.shape_cast %get3A_313 : vector<1x16xf32> to vector<16xf32>
      %get3A_315 = arith.index_cast %scan3A_144 : i32 to index
      %get3A_316 = arith.constant 192 : index
      %get3A_317 = tpu.vector_load %arg11[%get3A_315, %get3A_316] {strides = array<i32>} : memref<32x768xf32, #tpu.memory_space<vmem>>, vector<1x16xf32>,
      %get3A_318 = vector.shape_cast %get3A_317 : vector<1x16xf32> to vector<16xf32>
      %add3A_319 = arith.addf %get3A_314, %get3A_318 : vector<16xf32>
      %swap3A_320 = arith.index_cast %scan3A_144 : i32 to index
      %swap3A_321 = arith.constant 192 : index
      %swap3A_322 = tpu.vector_load %arg9[%swap3A_320, %swap3A_321] {strides = array<i32>} : memref<32x768xf32, #tpu.memory_space<vmem>>, vector<1x16xf32>,
      %swap3A_323 = vector.shape_cast %swap3A_322 : vector<1x16xf32> to vector<16xf32>
      %swap3A_324 = vector.shape_cast %add3A_319 : vector<16xf32> to vector<1x16xf32>
      tpu.vector_store %arg9[%swap3A_320, %swap3A_321], %swap3A_324 {strides = array<i32>} : memref<32x768xf32, #tpu.memory_space<vmem>>, vector<1x16xf32>,
      %get3A_325 = arith.index_cast %scan3A_144 : i32 to index
      %get3A_326 = arith.constant 208 : index
      %get3A_327 = tpu.vector_load %arg9[%get3A_325, %get3A_326] {strides = array<i32>} : memref<32x768xf32, #tpu.memory_space<vmem>>, vector<1x16xf32>,
      %get3A_328 = vector.shape_cast %get3A_327 : vector<1x16xf32> to vector<16xf32>
      %get3A_329 = arith.index_cast %scan3A_144 : i32 to index
      %get3A_330 = arith.constant 208 : index
      %get3A_331 = tpu.vector_load %arg11[%get3A_329, %get3A_330] {strides = array<i32>} : memref<32x768xf32, #tpu.memory_space<vmem>>, vector<1x16xf32>,
      %get3A_332 = vector.shape_cast %get3A_331 : vector<1x16xf32> to vector<16xf32>
      %add3A_333 = arith.addf %get3A_328, %get3A_332 : vector<16xf32>
      %swap3A_334 = arith.index_cast %scan3A_144 : i32 to index
      %swap3A_335 = arith.constant 208 : index
      %swap3A_336 = tpu.vector_load %arg9[%swap3A_334, %swap3A_335] {strides = array<i32>} : memref<32x768xf32, #tpu.memory_space<vmem>>, vector<1x16xf32>,
      %swap3A_337 = vector.shape_cast %swap3A_336 : vector<1x16xf32> to vector<16xf32>
      %swap3A_338 = vector.shape_cast %add3A_333 : vector<16xf32> to vector<1x16xf32>
      tpu.vector_store %arg9[%swap3A_334, %swap3A_335], %swap3A_338 {strides = array<i32>} : memref<32x768xf32, #tpu.memory_space<vmem>>, vector<1x16xf32>,
      %get3A_339 = arith.index_cast %scan3A_144 : i32 to index
      %get3A_340 = arith.constant 224 : index
      %get3A_341 = tpu.vector_load %arg9[%get3A_339, %get3A_340] {strides = array<i32>} : memref<32x768xf32, #tpu.memory_space<vmem>>, vector<1x16xf32>,
      %get3A_342 = vector.shape_cast %get3A_341 : vector<1x16xf32> to vector<16xf32>
      %get3A_343 = arith.index_cast %scan3A_144 : i32 to index
      %get3A_344 = arith.constant 224 : index
      %get3A_345 = tpu.vector_load %arg11[%get3A_343, %get3A_344] {strides = array<i32>} : memref<32x768xf32, #tpu.memory_space<vmem>>, vector<1x16xf32>,
      %get3A_346 = vector.shape_cast %get3A_345 : vector<1x16xf32> to vector<16xf32>
      %add3A_347 = arith.addf %get3A_342, %get3A_346 : vector<16xf32>
      %swap3A_348 = arith.index_cast %scan3A_144 : i32 to index
      %swap3A_349 = arith.constant 224 : index
      %swap3A_350 = tpu.vector_load %arg9[%swap3A_348, %swap3A_349] {strides = array<i32>} : memref<32x768xf32, #tpu.memory_space<vmem>>, vector<1x16xf32>,
      %swap3A_351 = vector.shape_cast %swap3A_350 : vector<1x16xf32> to vector<16xf32>
      %swap3A_352 = vector.shape_cast %add3A_347 : vector<16xf32> to vector<1x16xf32>
      tpu.vector_store %arg9[%swap3A_348, %swap3A_349], %swap3A_352 {strides = array<i32>} : memref<32x768xf32, #tpu.memory_space<vmem>>, vector<1x16xf32>,
      %get3A_353 = arith.index_cast %scan3A_144 : i32 to index
      %get3A_354 = arith.constant 240 : index
      %get3A_355 = tpu.vector_load %arg9[%get3A_353, %get3A_354] {strides = array<i32>} : memref<32x768xf32, #tpu.memory_space<vmem>>, vector<1x16xf32>,
      %get3A_356 = vector.shape_cast %get3A_355 : vector<1x16xf32> to vector<16xf32>
      %get3A_357 = arith.index_cast %scan3A_144 : i32 to index
      %get3A_358 = arith.constant 240 : index
      %get3A_359 = tpu.vector_load %arg11[%get3A_357, %get3A_358] {strides = array<i32>} : memref<32x768xf32, #tpu.memory_space<vmem>>, vector<1x16xf32>,
      %get3A_360 = vector.shape_cast %get3A_359 : vector<1x16xf32> to vector<16xf32>
      %add3A_361 = arith.addf %get3A_356, %get3A_360 : vector<16xf32>
      %swap3A_362 = arith.index_cast %scan3A_144 : i32 to index
      %swap3A_363 = arith.constant 240 : index
      %swap3A_364 = tpu.vector_load %arg9[%swap3A_362, %swap3A_363] {strides = array<i32>} : memref<32x768xf32, #tpu.memory_space<vmem>>, vector<1x16xf32>,
      %swap3A_365 = vector.shape_cast %swap3A_364 : vector<1x16xf32> to vector<16xf32>
      %swap3A_366 = vector.shape_cast %add3A_361 : vector<16xf32> to vector<1x16xf32>
      tpu.vector_store %arg9[%swap3A_362, %swap3A_363], %swap3A_366 {strides = array<i32>} : memref<32x768xf32, #tpu.memory_space<vmem>>, vector<1x16xf32>,
      %get3A_367 = arith.index_cast %scan3A_144 : i32 to index
      %get3A_368 = arith.constant 256 : index
      %get3A_369 = tpu.vector_load %arg9[%get3A_367, %get3A_368] {strides = array<i32>} : memref<32x768xf32, #tpu.memory_space<vmem>>, vector<1x16xf32>,
      %get3A_370 = vector.shape_cast %get3A_369 : vector<1x16xf32> to vector<16xf32>
      %get3A_371 = arith.index_cast %scan3A_144 : i32 to index
      %get3A_372 = arith.constant 256 : index
      %get3A_373 = tpu.vector_load %arg11[%get3A_371, %get3A_372] {strides = array<i32>} : memref<32x768xf32, #tpu.memory_space<vmem>>, vector<1x16xf32>,
      %get3A_374 = vector.shape_cast %get3A_373 : vector<1x16xf32> to vector<16xf32>
      %add3A_375 = arith.addf %get3A_370, %get3A_374 : vector<16xf32>
      %swap3A_376 = arith.index_cast %scan3A_144 : i32 to index
      %swap3A_377 = arith.constant 256 : index
      %swap3A_378 = tpu.vector_load %arg9[%swap3A_376, %swap3A_377] {strides = array<i32>} : memref<32x768xf32, #tpu.memory_space<vmem>>, vector<1x16xf32>,
      %swap3A_379 = vector.shape_cast %swap3A_378 : vector<1x16xf32> to vector<16xf32>
      %swap3A_380 = vector.shape_cast %add3A_375 : vector<16xf32> to vector<1x16xf32>
      tpu.vector_store %arg9[%swap3A_376, %swap3A_377], %swap3A_380 {strides = array<i32>} : memref<32x768xf32, #tpu.memory_space<vmem>>, vector<1x16xf32>,
      %get3A_381 = arith.index_cast %scan3A_144 : i32 to index
      %get3A_382 = arith.constant 272 : index
      %get3A_383 = tpu.vector_load %arg9[%get3A_381, %get3A_382] {strides = array<i32>} : memref<32x768xf32, #tpu.memory_space<vmem>>, vector<1x16xf32>,
      %get3A_384 = vector.shape_cast %get3A_383 : vector<1x16xf32> to vector<16xf32>
      %get3A_385 = arith.index_cast %scan3A_144 : i32 to index
      %get3A_386 = arith.constant 272 : index
      %get3A_387 = tpu.vector_load %arg11[%get3A_385, %get3A_386] {strides = array<i32>} : memref<32x768xf32, #tpu.memory_space<vmem>>, vector<1x16xf32>,
      %get3A_388 = vector.shape_cast %get3A_387 : vector<1x16xf32> to vector<16xf32>
      %add3A_389 = arith.addf %get3A_384, %get3A_388 : vector<16xf32>
      %swap3A_390 = arith.index_cast %scan3A_144 : i32 to index
      %swap3A_391 = arith.constant 272 : index
      %swap3A_392 = tpu.vector_load %arg9[%swap3A_390, %swap3A_391] {strides = array<i32>} : memref<32x768xf32, #tpu.memory_space<vmem>>, vector<1x16xf32>,
      %swap3A_393 = vector.shape_cast %swap3A_392 : vector<1x16xf32> to vector<16xf32>
      %swap3A_394 = vector.shape_cast %add3A_389 : vector<16xf32> to vector<1x16xf32>
      tpu.vector_store %arg9[%swap3A_390, %swap3A_391], %swap3A_394 {strides = array<i32>} : memref<32x768xf32, #tpu.memory_space<vmem>>, vector<1x16xf32>,
      %get3A_395 = arith.index_cast %scan3A_144 : i32 to index
      %get3A_396 = arith.constant 288 : index
      %get3A_397 = tpu.vector_load %arg9[%get3A_395, %get3A_396] {strides = array<i32>} : memref<32x768xf32, #tpu.memory_space<vmem>>, vector<1x16xf32>,
      %get3A_398 = vector.shape_cast %get3A_397 : vector<1x16xf32> to vector<16xf32>
      %get3A_399 = arith.index_cast %scan3A_144 : i32 to index
      %get3A_400 = arith.constant 288 : index
      %get3A_401 = tpu.vector_load %arg11[%get3A_399, %get3A_400] {strides = array<i32>} : memref<32x768xf32, #tpu.memory_space<vmem>>, vector<1x16xf32>,
      %get3A_402 = vector.shape_cast %get3A_401 : vector<1x16xf32> to vector<16xf32>
      %add3A_403 = arith.addf %get3A_398, %get3A_402 : vector<16xf32>
      %swap3A_404 = arith.index_cast %scan3A_144 : i32 to index
      %swap3A_405 = arith.constant 288 : index
      %swap3A_406 = tpu.vector_load %arg9[%swap3A_404, %swap3A_405] {strides = array<i32>} : memref<32x768xf32, #tpu.memory_space<vmem>>, vector<1x16xf32>,
      %swap3A_407 = vector.shape_cast %swap3A_406 : vector<1x16xf32> to vector<16xf32>
      %swap3A_408 = vector.shape_cast %add3A_403 : vector<16xf32> to vector<1x16xf32>
      tpu.vector_store %arg9[%swap3A_404, %swap3A_405], %swap3A_408 {strides = array<i32>} : memref<32x768xf32, #tpu.memory_space<vmem>>, vector<1x16xf32>,
      %get3A_409 = arith.index_cast %scan3A_144 : i32 to index
      %get3A_410 = arith.constant 304 : index
      %get3A_411 = tpu.vector_load %arg9[%get3A_409, %get3A_410] {strides = array<i32>} : memref<32x768xf32, #tpu.memory_space<vmem>>, vector<1x16xf32>,
      %get3A_412 = vector.shape_cast %get3A_411 : vector<1x16xf32> to vector<16xf32>
      %get3A_413 = arith.index_cast %scan3A_144 : i32 to index
      %get3A_414 = arith.constant 304 : index
      %get3A_415 = tpu.vector_load %arg11[%get3A_413, %get3A_414] {strides = array<i32>} : memref<32x768xf32, #tpu.memory_space<vmem>>, vector<1x16xf32>,
      %get3A_416 = vector.shape_cast %get3A_415 : vector<1x16xf32> to vector<16xf32>
      %add3A_417 = arith.addf %get3A_412, %get3A_416 : vector<16xf32>
      %swap3A_418 = arith.index_cast %scan3A_144 : i32 to index
      %swap3A_419 = arith.constant 304 : index
      %swap3A_420 = tpu.vector_load %arg9[%swap3A_418, %swap3A_419] {strides = array<i32>} : memref<32x768xf32, #tpu.memory_space<vmem>>, vector<1x16xf32>,
      %swap3A_421 = vector.shape_cast %swap3A_420 : vector<1x16xf32> to vector<16xf32>
      %swap3A_422 = vector.shape_cast %add3A_417 : vector<16xf32> to vector<1x16xf32>
      tpu.vector_store %arg9[%swap3A_418, %swap3A_419], %swap3A_422 {strides = array<i32>} : memref<32x768xf32, #tpu.memory_space<vmem>>, vector<1x16xf32>,
      %get3A_423 = arith.index_cast %scan3A_144 : i32 to index
      %get3A_424 = arith.constant 320 : index
      %get3A_425 = tpu.vector_load %arg9[%get3A_423, %get3A_424] {strides = array<i32>} : memref<32x768xf32, #tpu.memory_space<vmem>>, vector<1x16xf32>,
      %get3A_426 = vector.shape_cast %get3A_425 : vector<1x16xf32> to vector<16xf32>
      %get3A_427 = arith.index_cast %scan3A_144 : i32 to index
      %get3A_428 = arith.constant 320 : index
      %get3A_429 = tpu.vector_load %arg11[%get3A_427, %get3A_428] {strides = array<i32>} : memref<32x768xf32, #tpu.memory_space<vmem>>, vector<1x16xf32>,
      %get3A_430 = vector.shape_cast %get3A_429 : vector<1x16xf32> to vector<16xf32>
      %add3A_431 = arith.addf %get3A_426, %get3A_430 : vector<16xf32>
      %swap3A_432 = arith.index_cast %scan3A_144 : i32 to index
      %swap3A_433 = arith.constant 320 : index
      %swap3A_434 = tpu.vector_load %arg9[%swap3A_432, %swap3A_433] {strides = array<i32>} : memref<32x768xf32, #tpu.memory_space<vmem>>, vector<1x16xf32>,
      %swap3A_435 = vector.shape_cast %swap3A_434 : vector<1x16xf32> to vector<16xf32>
      %swap3A_436 = vector.shape_cast %add3A_431 : vector<16xf32> to vector<1x16xf32>
      tpu.vector_store %arg9[%swap3A_432, %swap3A_433], %swap3A_436 {strides = array<i32>} : memref<32x768xf32, #tpu.memory_space<vmem>>, vector<1x16xf32>,
      %get3A_437 = arith.index_cast %scan3A_144 : i32 to index
      %get3A_438 = arith.constant 336 : index
      %get3A_439 = tpu.vector_load %arg9[%get3A_437, %get3A_438] {strides = array<i32>} : memref<32x768xf32, #tpu.memory_space<vmem>>, vector<1x16xf32>,
      %get3A_440 = vector.shape_cast %get3A_439 : vector<1x16xf32> to vector<16xf32>
      %get3A_441 = arith.index_cast %scan3A_144 : i32 to index
      %get3A_442 = arith.constant 336 : index
      %get3A_443 = tpu.vector_load %arg11[%get3A_441, %get3A_442] {strides = array<i32>} : memref<32x768xf32, #tpu.memory_space<vmem>>, vector<1x16xf32>,
      %get3A_444 = vector.shape_cast %get3A_443 : vector<1x16xf32> to vector<16xf32>
      %add3A_445 = arith.addf %get3A_440, %get3A_444 : vector<16xf32>
      %swap3A_446 = arith.index_cast %scan3A_144 : i32 to index
      %swap3A_447 = arith.constant 336 : index
      %swap3A_448 = tpu.vector_load %arg9[%swap3A_446, %swap3A_447] {strides = array<i32>} : memref<32x768xf32, #tpu.memory_space<vmem>>, vector<1x16xf32>,
      %swap3A_449 = vector.shape_cast %swap3A_448 : vector<1x16xf32> to vector<16xf32>
      %swap3A_450 = vector.shape_cast %add3A_445 : vector<16xf32> to vector<1x16xf32>
      tpu.vector_store %arg9[%swap3A_446, %swap3A_447], %swap3A_450 {strides = array<i32>} : memref<32x768xf32, #tpu.memory_space<vmem>>, vector<1x16xf32>,
      %get3A_451 = arith.index_cast %scan3A_144 : i32 to index
      %get3A_452 = arith.constant 352 : index
      %get3A_453 = tpu.vector_load %arg9[%get3A_451, %get3A_452] {strides = array<i32>} : memref<32x768xf32, #tpu.memory_space<vmem>>, vector<1x16xf32>,
      %get3A_454 = vector.shape_cast %get3A_453 : vector<1x16xf32> to vector<16xf32>
      %get3A_455 = arith.index_cast %scan3A_144 : i32 to index
      %get3A_456 = arith.constant 352 : index
      %get3A_457 = tpu.vector_load %arg11[%get3A_455, %get3A_456] {strides = array<i32>} : memref<32x768xf32, #tpu.memory_space<vmem>>, vector<1x16xf32>,
      %get3A_458 = vector.shape_cast %get3A_457 : vector<1x16xf32> to vector<16xf32>
      %add3A_459 = arith.addf %get3A_454, %get3A_458 : vector<16xf32>
      %swap3A_460 = arith.index_cast %scan3A_144 : i32 to index
      %swap3A_461 = arith.constant 352 : index
      %swap3A_462 = tpu.vector_load %arg9[%swap3A_460, %swap3A_461] {strides = array<i32>} : memref<32x768xf32, #tpu.memory_space<vmem>>, vector<1x16xf32>,
      %swap3A_463 = vector.shape_cast %swap3A_462 : vector<1x16xf32> to vector<16xf32>
      %swap3A_464 = vector.shape_cast %add3A_459 : vector<16xf32> to vector<1x16xf32>
      tpu.vector_store %arg9[%swap3A_460, %swap3A_461], %swap3A_464 {strides = array<i32>} : memref<32x768xf32, #tpu.memory_space<vmem>>, vector<1x16xf32>,
      %get3A_465 = arith.index_cast %scan3A_144 : i32 to index
      %get3A_466 = arith.constant 368 : index
      %get3A_467 = tpu.vector_load %arg9[%get3A_465, %get3A_466] {strides = array<i32>} : memref<32x768xf32, #tpu.memory_space<vmem>>, vector<1x16xf32>,
      %get3A_468 = vector.shape_cast %get3A_467 : vector<1x16xf32> to vector<16xf32>
      %get3A_469 = arith.index_cast %scan3A_144 : i32 to index
      %get3A_470 = arith.constant 368 : index
      %get3A_471 = tpu.vector_load %arg11[%get3A_469, %get3A_470] {strides = array<i32>} : memref<32x768xf32, #tpu.memory_space<vmem>>, vector<1x16xf32>,
      %get3A_472 = vector.shape_cast %get3A_471 : vector<1x16xf32> to vector<16xf32>
      %add3A_473 = arith.addf %get3A_468, %get3A_472 : vector<16xf32>
      %swap3A_474 = arith.index_cast %scan3A_144 : i32 to index
      %swap3A_475 = arith.constant 368 : index
      %swap3A_476 = tpu.vector_load %arg9[%swap3A_474, %swap3A_475] {strides = array<i32>} : memref<32x768xf32, #tpu.memory_space<vmem>>, vector<1x16xf32>,
      %swap3A_477 = vector.shape_cast %swap3A_476 : vector<1x16xf32> to vector<16xf32>
      %swap3A_478 = vector.shape_cast %add3A_473 : vector<16xf32> to vector<1x16xf32>
      tpu.vector_store %arg9[%swap3A_474, %swap3A_475], %swap3A_478 {strides = array<i32>} : memref<32x768xf32, #tpu.memory_space<vmem>>, vector<1x16xf32>,
      %get3A_479 = arith.index_cast %scan3A_144 : i32 to index
      %get3A_480 = arith.constant 384 : index
      %get3A_481 = tpu.vector_load %arg9[%get3A_479, %get3A_480] {strides = array<i32>} : memref<32x768xf32, #tpu.memory_space<vmem>>, vector<1x16xf32>,
      %get3A_482 = vector.shape_cast %get3A_481 : vector<1x16xf32> to vector<16xf32>
      %get3A_483 = arith.index_cast %scan3A_144 : i32 to index
      %get3A_484 = arith.constant 384 : index
      %get3A_485 = tpu.vector_load %arg11[%get3A_483, %get3A_484] {strides = array<i32>} : memref<32x768xf32, #tpu.memory_space<vmem>>, vector<1x16xf32>,
      %get3A_486 = vector.shape_cast %get3A_485 : vector<1x16xf32> to vector<16xf32>
      %add3A_487 = arith.addf %get3A_482, %get3A_486 : vector<16xf32>
      %swap3A_488 = arith.index_cast %scan3A_144 : i32 to index
      %swap3A_489 = arith.constant 384 : index
      %swap3A_490 = tpu.vector_load %arg9[%swap3A_488, %swap3A_489] {strides = array<i32>} : memref<32x768xf32, #tpu.memory_space<vmem>>, vector<1x16xf32>,
      %swap3A_491 = vector.shape_cast %swap3A_490 : vector<1x16xf32> to vector<16xf32>
      %swap3A_492 = vector.shape_cast %add3A_487 : vector<16xf32> to vector<1x16xf32>
      tpu.vector_store %arg9[%swap3A_488, %swap3A_489], %swap3A_492 {strides = array<i32>} : memref<32x768xf32, #tpu.memory_space<vmem>>, vector<1x16xf32>,
      %get3A_493 = arith.index_cast %scan3A_144 : i32 to index
      %get3A_494 = arith.constant 400 : index
      %get3A_495 = tpu.vector_load %arg9[%get3A_493, %get3A_494] {strides = array<i32>} : memref<32x768xf32, #tpu.memory_space<vmem>>, vector<1x16xf32>,
      %get3A_496 = vector.shape_cast %get3A_495 : vector<1x16xf32> to vector<16xf32>
      %get3A_497 = arith.index_cast %scan3A_144 : i32 to index
      %get3A_498 = arith.constant 400 : index
      %get3A_499 = tpu.vector_load %arg11[%get3A_497, %get3A_498] {strides = array<i32>} : memref<32x768xf32, #tpu.memory_space<vmem>>, vector<1x16xf32>,
      %get3A_500 = vector.shape_cast %get3A_499 : vector<1x16xf32> to vector<16xf32>
      %add3A_501 = arith.addf %get3A_496, %get3A_500 : vector<16xf32>
      %swap3A_502 = arith.index_cast %scan3A_144 : i32 to index
      %swap3A_503 = arith.constant 400 : index
      %swap3A_504 = tpu.vector_load %arg9[%swap3A_502, %swap3A_503] {strides = array<i32>} : memref<32x768xf32, #tpu.memory_space<vmem>>, vector<1x16xf32>,
      %swap3A_505 = vector.shape_cast %swap3A_504 : vector<1x16xf32> to vector<16xf32>
      %swap3A_506 = vector.shape_cast %add3A_501 : vector<16xf32> to vector<1x16xf32>
      tpu.vector_store %arg9[%swap3A_502, %swap3A_503], %swap3A_506 {strides = array<i32>} : memref<32x768xf32, #tpu.memory_space<vmem>>, vector<1x16xf32>,
      %get3A_507 = arith.index_cast %scan3A_144 : i32 to index
      %get3A_508 = arith.constant 416 : index
      %get3A_509 = tpu.vector_load %arg9[%get3A_507, %get3A_508] {strides = array<i32>} : memref<32x768xf32, #tpu.memory_space<vmem>>, vector<1x16xf32>,
      %get3A_510 = vector.shape_cast %get3A_509 : vector<1x16xf32> to vector<16xf32>
      %get3A_511 = arith.index_cast %scan3A_144 : i32 to index
      %get3A_512 = arith.constant 416 : index
      %get3A_513 = tpu.vector_load %arg11[%get3A_511, %get3A_512] {strides = array<i32>} : memref<32x768xf32, #tpu.memory_space<vmem>>, vector<1x16xf32>,
      %get3A_514 = vector.shape_cast %get3A_513 : vector<1x16xf32> to vector<16xf32>
      %add3A_515 = arith.addf %get3A_510, %get3A_514 : vector<16xf32>
      %swap3A_516 = arith.index_cast %scan3A_144 : i32 to index
      %swap3A_517 = arith.constant 416 : index
      %swap3A_518 = tpu.vector_load %arg9[%swap3A_516, %swap3A_517] {strides = array<i32>} : memref<32x768xf32, #tpu.memory_space<vmem>>, vector<1x16xf32>,
      %swap3A_519 = vector.shape_cast %swap3A_518 : vector<1x16xf32> to vector<16xf32>
      %swap3A_520 = vector.shape_cast %add3A_515 : vector<16xf32> to vector<1x16xf32>
      tpu.vector_store %arg9[%swap3A_516, %swap3A_517], %swap3A_520 {strides = array<i32>} : memref<32x768xf32, #tpu.memory_space<vmem>>, vector<1x16xf32>,
      %get3A_521 = arith.index_cast %scan3A_144 : i32 to index
      %get3A_522 = arith.constant 432 : index
      %get3A_523 = tpu.vector_load %arg9[%get3A_521, %get3A_522] {strides = array<i32>} : memref<32x768xf32, #tpu.memory_space<vmem>>, vector<1x16xf32>,
      %get3A_524 = vector.shape_cast %get3A_523 : vector<1x16xf32> to vector<16xf32>
      %get3A_525 = arith.index_cast %scan3A_144 : i32 to index
      %get3A_526 = arith.constant 432 : index
      %get3A_527 = tpu.vector_load %arg11[%get3A_525, %get3A_526] {strides = array<i32>} : memref<32x768xf32, #tpu.memory_space<vmem>>, vector<1x16xf32>,
      %get3A_528 = vector.shape_cast %get3A_527 : vector<1x16xf32> to vector<16xf32>
      %add3A_529 = arith.addf %get3A_524, %get3A_528 : vector<16xf32>
      %swap3A_530 = arith.index_cast %scan3A_144 : i32 to index
      %swap3A_531 = arith.constant 432 : index
      %swap3A_532 = tpu.vector_load %arg9[%swap3A_530, %swap3A_531] {strides = array<i32>} : memref<32x768xf32, #tpu.memory_space<vmem>>, vector<1x16xf32>,
      %swap3A_533 = vector.shape_cast %swap3A_532 : vector<1x16xf32> to vector<16xf32>
      %swap3A_534 = vector.shape_cast %add3A_529 : vector<16xf32> to vector<1x16xf32>
      tpu.vector_store %arg9[%swap3A_530, %swap3A_531], %swap3A_534 {strides = array<i32>} : memref<32x768xf32, #tpu.memory_space<vmem>>, vector<1x16xf32>,
      %get3A_535 = arith.index_cast %scan3A_144 : i32 to index
      %get3A_536 = arith.constant 448 : index
      %get3A_537 = tpu.vector_load %arg9[%get3A_535, %get3A_536] {strides = array<i32>} : memref<32x768xf32, #tpu.memory_space<vmem>>, vector<1x16xf32>,
      %get3A_538 = vector.shape_cast %get3A_537 : vector<1x16xf32> to vector<16xf32>
      %get3A_539 = arith.index_cast %scan3A_144 : i32 to index
      %get3A_540 = arith.constant 448 : index
      %get3A_541 = tpu.vector_load %arg11[%get3A_539, %get3A_540] {strides = array<i32>} : memref<32x768xf32, #tpu.memory_space<vmem>>, vector<1x16xf32>,
      %get3A_542 = vector.shape_cast %get3A_541 : vector<1x16xf32> to vector<16xf32>
      %add3A_543 = arith.addf %get3A_538, %get3A_542 : vector<16xf32>
      %swap3A_544 = arith.index_cast %scan3A_144 : i32 to index
      %swap3A_545 = arith.constant 448 : index
      %swap3A_546 = tpu.vector_load %arg9[%swap3A_544, %swap3A_545] {strides = array<i32>} : memref<32x768xf32, #tpu.memory_space<vmem>>, vector<1x16xf32>,
      %swap3A_547 = vector.shape_cast %swap3A_546 : vector<1x16xf32> to vector<16xf32>
      %swap3A_548 = vector.shape_cast %add3A_543 : vector<16xf32> to vector<1x16xf32>
      tpu.vector_store %arg9[%swap3A_544, %swap3A_545], %swap3A_548 {strides = array<i32>} : memref<32x768xf32, #tpu.memory_space<vmem>>, vector<1x16xf32>,
      %get3A_549 = arith.index_cast %scan3A_144 : i32 to index
      %get3A_550 = arith.constant 464 : index
      %get3A_551 = tpu.vector_load %arg9[%get3A_549, %get3A_550] {strides = array<i32>} : memref<32x768xf32, #tpu.memory_space<vmem>>, vector<1x16xf32>,
      %get3A_552 = vector.shape_cast %get3A_551 : vector<1x16xf32> to vector<16xf32>
      %get3A_553 = arith.index_cast %scan3A_144 : i32 to index
      %get3A_554 = arith.constant 464 : index
      %get3A_555 = tpu.vector_load %arg11[%get3A_553, %get3A_554] {strides = array<i32>} : memref<32x768xf32, #tpu.memory_space<vmem>>, vector<1x16xf32>,
      %get3A_556 = vector.shape_cast %get3A_555 : vector<1x16xf32> to vector<16xf32>
      %add3A_557 = arith.addf %get3A_552, %get3A_556 : vector<16xf32>
      %swap3A_558 = arith.index_cast %scan3A_144 : i32 to index
      %swap3A_559 = arith.constant 464 : index
      %swap3A_560 = tpu.vector_load %arg9[%swap3A_558, %swap3A_559] {strides = array<i32>} : memref<32x768xf32, #tpu.memory_space<vmem>>, vector<1x16xf32>,
      %swap3A_561 = vector.shape_cast %swap3A_560 : vector<1x16xf32> to vector<16xf32>
      %swap3A_562 = vector.shape_cast %add3A_557 : vector<16xf32> to vector<1x16xf32>
      tpu.vector_store %arg9[%swap3A_558, %swap3A_559], %swap3A_562 {strides = array<i32>} : memref<32x768xf32, #tpu.memory_space<vmem>>, vector<1x16xf32>,
      %get3A_563 = arith.index_cast %scan3A_144 : i32 to index
      %get3A_564 = arith.constant 480 : index
      %get3A_565 = tpu.vector_load %arg9[%get3A_563, %get3A_564] {strides = array<i32>} : memref<32x768xf32, #tpu.memory_space<vmem>>, vector<1x16xf32>,
      %get3A_566 = vector.shape_cast %get3A_565 : vector<1x16xf32> to vector<16xf32>
      %get3A_567 = arith.index_cast %scan3A_144 : i32 to index
      %get3A_568 = arith.constant 480 : index
      %get3A_569 = tpu.vector_load %arg11[%get3A_567, %get3A_568] {strides = array<i32>} : memref<32x768xf32, #tpu.memory_space<vmem>>, vector<1x16xf32>,
      %get3A_570 = vector.shape_cast %get3A_569 : vector<1x16xf32> to vector<16xf32>
      %add3A_571 = arith.addf %get3A_566, %get3A_570 : vector<16xf32>
      %swap3A_572 = arith.index_cast %scan3A_144 : i32 to index
      %swap3A_573 = arith.constant 480 : index
      %swap3A_574 = tpu.vector_load %arg9[%swap3A_572, %swap3A_573] {strides = array<i32>} : memref<32x768xf32, #tpu.memory_space<vmem>>, vector<1x16xf32>,
      %swap3A_575 = vector.shape_cast %swap3A_574 : vector<1x16xf32> to vector<16xf32>
      %swap3A_576 = vector.shape_cast %add3A_571 : vector<16xf32> to vector<1x16xf32>
      tpu.vector_store %arg9[%swap3A_572, %swap3A_573], %swap3A_576 {strides = array<i32>} : memref<32x768xf32, #tpu.memory_space<vmem>>, vector<1x16xf32>,
      %get3A_577 = arith.index_cast %scan3A_144 : i32 to index
      %get3A_578 = arith.constant 496 : index
      %get3A_579 = tpu.vector_load %arg9[%get3A_577, %get3A_578] {strides = array<i32>} : memref<32x768xf32, #tpu.memory_space<vmem>>, vector<1x16xf32>,
      %get3A_580 = vector.shape_cast %get3A_579 : vector<1x16xf32> to vector<16xf32>
      %get3A_581 = arith.index_cast %scan3A_144 : i32 to index
      %get3A_582 = arith.constant 496 : index
      %get3A_583 = tpu.vector_load %arg11[%get3A_581, %get3A_582] {strides = array<i32>} : memref<32x768xf32, #tpu.memory_space<vmem>>, vector<1x16xf32>,
      %get3A_584 = vector.shape_cast %get3A_583 : vector<1x16xf32> to vector<16xf32>
      %add3A_585 = arith.addf %get3A_580, %get3A_584 : vector<16xf32>
      %swap3A_586 = arith.index_cast %scan3A_144 : i32 to index
      %swap3A_587 = arith.constant 496 : index
      %swap3A_588 = tpu.vector_load %arg9[%swap3A_586, %swap3A_587] {strides = array<i32>} : memref<32x768xf32, #tpu.memory_space<vmem>>, vector<1x16xf32>,
      %swap3A_589 = vector.shape_cast %swap3A_588 : vector<1x16xf32> to vector<16xf32>
      %swap3A_590 = vector.shape_cast %add3A_585 : vector<16xf32> to vector<1x16xf32>
      tpu.vector_store %arg9[%swap3A_586, %swap3A_587], %swap3A_590 {strides = array<i32>} : memref<32x768xf32, #tpu.memory_space<vmem>>, vector<1x16xf32>,
      %get3A_591 = arith.index_cast %scan3A_144 : i32 to index
      %get3A_592 = arith.constant 512 : index
      %get3A_593 = tpu.vector_load %arg9[%get3A_591, %get3A_592] {strides = array<i32>} : memref<32x768xf32, #tpu.memory_space<vmem>>, vector<1x16xf32>,
      %get3A_594 = vector.shape_cast %get3A_593 : vector<1x16xf32> to vector<16xf32>
      %get3A_595 = arith.index_cast %scan3A_144 : i32 to index
      %get3A_596 = arith.constant 512 : index
      %get3A_597 = tpu.vector_load %arg11[%get3A_595, %get3A_596] {strides = array<i32>} : memref<32x768xf32, #tpu.memory_space<vmem>>, vector<1x16xf32>,
      %get3A_598 = vector.shape_cast %get3A_597 : vector<1x16xf32> to vector<16xf32>
      %add3A_599 = arith.addf %get3A_594, %get3A_598 : vector<16xf32>
      %swap3A_600 = arith.index_cast %scan3A_144 : i32 to index
      %swap3A_601 = arith.constant 512 : index
      %swap3A_602 = tpu.vector_load %arg9[%swap3A_600, %swap3A_601] {strides = array<i32>} : memref<32x768xf32, #tpu.memory_space<vmem>>, vector<1x16xf32>,
      %swap3A_603 = vector.shape_cast %swap3A_602 : vector<1x16xf32> to vector<16xf32>
      %swap3A_604 = vector.shape_cast %add3A_599 : vector<16xf32> to vector<1x16xf32>
      tpu.vector_store %arg9[%swap3A_600, %swap3A_601], %swap3A_604 {strides = array<i32>} : memref<32x768xf32, #tpu.memory_space<vmem>>, vector<1x16xf32>,
      %get3A_605 = arith.index_cast %scan3A_144 : i32 to index
      %get3A_606 = arith.constant 528 : index
      %get3A_607 = tpu.vector_load %arg9[%get3A_605, %get3A_606] {strides = array<i32>} : memref<32x768xf32, #tpu.memory_space<vmem>>, vector<1x16xf32>,
      %get3A_608 = vector.shape_cast %get3A_607 : vector<1x16xf32> to vector<16xf32>
      %get3A_609 = arith.index_cast %scan3A_144 : i32 to index
      %get3A_610 = arith.constant 528 : index
      %get3A_611 = tpu.vector_load %arg11[%get3A_609, %get3A_610] {strides = array<i32>} : memref<32x768xf32, #tpu.memory_space<vmem>>, vector<1x16xf32>,
      %get3A_612 = vector.shape_cast %get3A_611 : vector<1x16xf32> to vector<16xf32>
      %add3A_613 = arith.addf %get3A_608, %get3A_612 : vector<16xf32>
      %swap3A_614 = arith.index_cast %scan3A_144 : i32 to index
      %swap3A_615 = arith.constant 528 : index
      %swap3A_616 = tpu.vector_load %arg9[%swap3A_614, %swap3A_615] {strides = array<i32>} : memref<32x768xf32, #tpu.memory_space<vmem>>, vector<1x16xf32>,
      %swap3A_617 = vector.shape_cast %swap3A_616 : vector<1x16xf32> to vector<16xf32>
      %swap3A_618 = vector.shape_cast %add3A_613 : vector<16xf32> to vector<1x16xf32>
      tpu.vector_store %arg9[%swap3A_614, %swap3A_615], %swap3A_618 {strides = array<i32>} : memref<32x768xf32, #tpu.memory_space<vmem>>, vector<1x16xf32>,
      %get3A_619 = arith.index_cast %scan3A_144 : i32 to index
      %get3A_620 = arith.constant 544 : index
      %get3A_621 = tpu.vector_load %arg9[%get3A_619, %get3A_620] {strides = array<i32>} : memref<32x768xf32, #tpu.memory_space<vmem>>, vector<1x16xf32>,
      %get3A_622 = vector.shape_cast %get3A_621 : vector<1x16xf32> to vector<16xf32>
      %get3A_623 = arith.index_cast %scan3A_144 : i32 to index
      %get3A_624 = arith.constant 544 : index
      %get3A_625 = tpu.vector_load %arg11[%get3A_623, %get3A_624] {strides = array<i32>} : memref<32x768xf32, #tpu.memory_space<vmem>>, vector<1x16xf32>,
      %get3A_626 = vector.shape_cast %get3A_625 : vector<1x16xf32> to vector<16xf32>
      %add3A_627 = arith.addf %get3A_622, %get3A_626 : vector<16xf32>
      %swap3A_628 = arith.index_cast %scan3A_144 : i32 to index
      %swap3A_629 = arith.constant 544 : index
      %swap3A_630 = tpu.vector_load %arg9[%swap3A_628, %swap3A_629] {strides = array<i32>} : memref<32x768xf32, #tpu.memory_space<vmem>>, vector<1x16xf32>,
      %swap3A_631 = vector.shape_cast %swap3A_630 : vector<1x16xf32> to vector<16xf32>
      %swap3A_632 = vector.shape_cast %add3A_627 : vector<16xf32> to vector<1x16xf32>
      tpu.vector_store %arg9[%swap3A_628, %swap3A_629], %swap3A_632 {strides = array<i32>} : memref<32x768xf32, #tpu.memory_space<vmem>>, vector<1x16xf32>,
      %get3A_633 = arith.index_cast %scan3A_144 : i32 to index
      %get3A_634 = arith.constant 560 : index
      %get3A_635 = tpu.vector_load %arg9[%get3A_633, %get3A_634] {strides = array<i32>} : memref<32x768xf32, #tpu.memory_space<vmem>>, vector<1x16xf32>,
      %get3A_636 = vector.shape_cast %get3A_635 : vector<1x16xf32> to vector<16xf32>
      %get3A_637 = arith.index_cast %scan3A_144 : i32 to index
      %get3A_638 = arith.constant 560 : index
      %get3A_639 = tpu.vector_load %arg11[%get3A_637, %get3A_638] {strides = array<i32>} : memref<32x768xf32, #tpu.memory_space<vmem>>, vector<1x16xf32>,
      %get3A_640 = vector.shape_cast %get3A_639 : vector<1x16xf32> to vector<16xf32>
      %add3A_641 = arith.addf %get3A_636, %get3A_640 : vector<16xf32>
      %swap3A_642 = arith.index_cast %scan3A_144 : i32 to index
      %swap3A_643 = arith.constant 560 : index
      %swap3A_644 = tpu.vector_load %arg9[%swap3A_642, %swap3A_643] {strides = array<i32>} : memref<32x768xf32, #tpu.memory_space<vmem>>, vector<1x16xf32>,
      %swap3A_645 = vector.shape_cast %swap3A_644 : vector<1x16xf32> to vector<16xf32>
      %swap3A_646 = vector.shape_cast %add3A_641 : vector<16xf32> to vector<1x16xf32>
      tpu.vector_store %arg9[%swap3A_642, %swap3A_643], %swap3A_646 {strides = array<i32>} : memref<32x768xf32, #tpu.memory_space<vmem>>, vector<1x16xf32>,
      %get3A_647 = arith.index_cast %scan3A_144 : i32 to index
      %get3A_648 = arith.constant 576 : index
      %get3A_649 = tpu.vector_load %arg9[%get3A_647, %get3A_648] {strides = array<i32>} : memref<32x768xf32, #tpu.memory_space<vmem>>, vector<1x16xf32>,
      %get3A_650 = vector.shape_cast %get3A_649 : vector<1x16xf32> to vector<16xf32>
      %get3A_651 = arith.index_cast %scan3A_144 : i32 to index
      %get3A_652 = arith.constant 576 : index
      %get3A_653 = tpu.vector_load %arg11[%get3A_651, %get3A_652] {strides = array<i32>} : memref<32x768xf32, #tpu.memory_space<vmem>>, vector<1x16xf32>,
      %get3A_654 = vector.shape_cast %get3A_653 : vector<1x16xf32> to vector<16xf32>
      %add3A_655 = arith.addf %get3A_650, %get3A_654 : vector<16xf32>
      %swap3A_656 = arith.index_cast %scan3A_144 : i32 to index
      %swap3A_657 = arith.constant 576 : index
      %swap3A_658 = tpu.vector_load %arg9[%swap3A_656, %swap3A_657] {strides = array<i32>} : memref<32x768xf32, #tpu.memory_space<vmem>>, vector<1x16xf32>,
      %swap3A_659 = vector.shape_cast %swap3A_658 : vector<1x16xf32> to vector<16xf32>
      %swap3A_660 = vector.shape_cast %add3A_655 : vector<16xf32> to vector<1x16xf32>
      tpu.vector_store %arg9[%swap3A_656, %swap3A_657], %swap3A_660 {strides = array<i32>} : memref<32x768xf32, #tpu.memory_space<vmem>>, vector<1x16xf32>,
      %get3A_661 = arith.index_cast %scan3A_144 : i32 to index
      %get3A_662 = arith.constant 592 : index
      %get3A_663 = tpu.vector_load %arg9[%get3A_661, %get3A_662] {strides = array<i32>} : memref<32x768xf32, #tpu.memory_space<vmem>>, vector<1x16xf32>,
      %get3A_664 = vector.shape_cast %get3A_663 : vector<1x16xf32> to vector<16xf32>
      %get3A_665 = arith.index_cast %scan3A_144 : i32 to index
      %get3A_666 = arith.constant 592 : index
      %get3A_667 = tpu.vector_load %arg11[%get3A_665, %get3A_666] {strides = array<i32>} : memref<32x768xf32, #tpu.memory_space<vmem>>, vector<1x16xf32>,
      %get3A_668 = vector.shape_cast %get3A_667 : vector<1x16xf32> to vector<16xf32>
      %add3A_669 = arith.addf %get3A_664, %get3A_668 : vector<16xf32>
      %swap3A_670 = arith.index_cast %scan3A_144 : i32 to index
      %swap3A_671 = arith.constant 592 : index
      %swap3A_672 = tpu.vector_load %arg9[%swap3A_670, %swap3A_671] {strides = array<i32>} : memref<32x768xf32, #tpu.memory_space<vmem>>, vector<1x16xf32>,
      %swap3A_673 = vector.shape_cast %swap3A_672 : vector<1x16xf32> to vector<16xf32>
      %swap3A_674 = vector.shape_cast %add3A_669 : vector<16xf32> to vector<1x16xf32>
      tpu.vector_store %arg9[%swap3A_670, %swap3A_671], %swap3A_674 {strides = array<i32>} : memref<32x768xf32, #tpu.memory_space<vmem>>, vector<1x16xf32>,
      %get3A_675 = arith.index_cast %scan3A_144 : i32 to index
      %get3A_676 = arith.constant 608 : index
      %get3A_677 = tpu.vector_load %arg9[%get3A_675, %get3A_676] {strides = array<i32>} : memref<32x768xf32, #tpu.memory_space<vmem>>, vector<1x16xf32>,
      %get3A_678 = vector.shape_cast %get3A_677 : vector<1x16xf32> to vector<16xf32>
      %get3A_679 = arith.index_cast %scan3A_144 : i32 to index
      %get3A_680 = arith.constant 608 : index
      %get3A_681 = tpu.vector_load %arg11[%get3A_679, %get3A_680] {strides = array<i32>} : memref<32x768xf32, #tpu.memory_space<vmem>>, vector<1x16xf32>,
      %get3A_682 = vector.shape_cast %get3A_681 : vector<1x16xf32> to vector<16xf32>
      %add3A_683 = arith.addf %get3A_678, %get3A_682 : vector<16xf32>
      %swap3A_684 = arith.index_cast %scan3A_144 : i32 to index
      %swap3A_685 = arith.constant 608 : index
      %swap3A_686 = tpu.vector_load %arg9[%swap3A_684, %swap3A_685] {strides = array<i32>} : memref<32x768xf32, #tpu.memory_space<vmem>>, vector<1x16xf32>,
      %swap3A_687 = vector.shape_cast %swap3A_686 : vector<1x16xf32> to vector<16xf32>
      %swap3A_688 = vector.shape_cast %add3A_683 : vector<16xf32> to vector<1x16xf32>
      tpu.vector_store %arg9[%swap3A_684, %swap3A_685], %swap3A_688 {strides = array<i32>} : memref<32x768xf32, #tpu.memory_space<vmem>>, vector<1x16xf32>,
      %get3A_689 = arith.index_cast %scan3A_144 : i32 to index
      %get3A_690 = arith.constant 624 : index
      %get3A_691 = tpu.vector_load %arg9[%get3A_689, %get3A_690] {strides = array<i32>} : memref<32x768xf32, #tpu.memory_space<vmem>>, vector<1x16xf32>,
      %get3A_692 = vector.shape_cast %get3A_691 : vector<1x16xf32> to vector<16xf32>
      %get3A_693 = arith.index_cast %scan3A_144 : i32 to index
      %get3A_694 = arith.constant 624 : index
      %get3A_695 = tpu.vector_load %arg11[%get3A_693, %get3A_694] {strides = array<i32>} : memref<32x768xf32, #tpu.memory_space<vmem>>, vector<1x16xf32>,
      %get3A_696 = vector.shape_cast %get3A_695 : vector<1x16xf32> to vector<16xf32>
      %add3A_697 = arith.addf %get3A_692, %get3A_696 : vector<16xf32>
      %swap3A_698 = arith.index_cast %scan3A_144 : i32 to index
      %swap3A_699 = arith.constant 624 : index
      %swap3A_700 = tpu.vector_load %arg9[%swap3A_698, %swap3A_699] {strides = array<i32>} : memref<32x768xf32, #tpu.memory_space<vmem>>, vector<1x16xf32>,
      %swap3A_701 = vector.shape_cast %swap3A_700 : vector<1x16xf32> to vector<16xf32>
      %swap3A_702 = vector.shape_cast %add3A_697 : vector<16xf32> to vector<1x16xf32>
      tpu.vector_store %arg9[%swap3A_698, %swap3A_699], %swap3A_702 {strides = array<i32>} : memref<32x768xf32, #tpu.memory_space<vmem>>, vector<1x16xf32>,
      %get3A_703 = arith.index_cast %scan3A_144 : i32 to index
      %get3A_704 = arith.constant 640 : index
      %get3A_705 = tpu.vector_load %arg9[%get3A_703, %get3A_704] {strides = array<i32>} : memref<32x768xf32, #tpu.memory_space<vmem>>, vector<1x16xf32>,
      %get3A_706 = vector.shape_cast %get3A_705 : vector<1x16xf32> to vector<16xf32>
      %get3A_707 = arith.index_cast %scan3A_144 : i32 to index
      %get3A_708 = arith.constant 640 : index
      %get3A_709 = tpu.vector_load %arg11[%get3A_707, %get3A_708] {strides = array<i32>} : memref<32x768xf32, #tpu.memory_space<vmem>>, vector<1x16xf32>,
      %get3A_710 = vector.shape_cast %get3A_709 : vector<1x16xf32> to vector<16xf32>
      %add3A_711 = arith.addf %get3A_706, %get3A_710 : vector<16xf32>
      %swap3A_712 = arith.index_cast %scan3A_144 : i32 to index
      %swap3A_713 = arith.constant 640 : index
      %swap3A_714 = tpu.vector_load %arg9[%swap3A_712, %swap3A_713] {strides = array<i32>} : memref<32x768xf32, #tpu.memory_space<vmem>>, vector<1x16xf32>,
      %swap3A_715 = vector.shape_cast %swap3A_714 : vector<1x16xf32> to vector<16xf32>
      %swap3A_716 = vector.shape_cast %add3A_711 : vector<16xf32> to vector<1x16xf32>
      tpu.vector_store %arg9[%swap3A_712, %swap3A_713], %swap3A_716 {strides = array<i32>} : memref<32x768xf32, #tpu.memory_space<vmem>>, vector<1x16xf32>,
      %get3A_717 = arith.index_cast %scan3A_144 : i32 to index
      %get3A_718 = arith.constant 656 : index
      %get3A_719 = tpu.vector_load %arg9[%get3A_717, %get3A_718] {strides = array<i32>} : memref<32x768xf32, #tpu.memory_space<vmem>>, vector<1x16xf32>,
      %get3A_720 = vector.shape_cast %get3A_719 : vector<1x16xf32> to vector<16xf32>
      %get3A_721 = arith.index_cast %scan3A_144 : i32 to index
      %get3A_722 = arith.constant 656 : index
      %get3A_723 = tpu.vector_load %arg11[%get3A_721, %get3A_722] {strides = array<i32>} : memref<32x768xf32, #tpu.memory_space<vmem>>, vector<1x16xf32>,
      %get3A_724 = vector.shape_cast %get3A_723 : vector<1x16xf32> to vector<16xf32>
      %add3A_725 = arith.addf %get3A_720, %get3A_724 : vector<16xf32>
      %swap3A_726 = arith.index_cast %scan3A_144 : i32 to index
      %swap3A_727 = arith.constant 656 : index
      %swap3A_728 = tpu.vector_load %arg9[%swap3A_726, %swap3A_727] {strides = array<i32>} : memref<32x768xf32, #tpu.memory_space<vmem>>, vector<1x16xf32>,
      %swap3A_729 = vector.shape_cast %swap3A_728 : vector<1x16xf32> to vector<16xf32>
      %swap3A_730 = vector.shape_cast %add3A_725 : vector<16xf32> to vector<1x16xf32>
      tpu.vector_store %arg9[%swap3A_726, %swap3A_727], %swap3A_730 {strides = array<i32>} : memref<32x768xf32, #tpu.memory_space<vmem>>, vector<1x16xf32>,
      %get3A_731 = arith.index_cast %scan3A_144 : i32 to index
      %get3A_732 = arith.constant 672 : index
      %get3A_733 = tpu.vector_load %arg9[%get3A_731, %get3A_732] {strides = array<i32>} : memref<32x768xf32, #tpu.memory_space<vmem>>, vector<1x16xf32>,
      %get3A_734 = vector.shape_cast %get3A_733 : vector<1x16xf32> to vector<16xf32>
      %get3A_735 = arith.index_cast %scan3A_144 : i32 to index
      %get3A_736 = arith.constant 672 : index
      %get3A_737 = tpu.vector_load %arg11[%get3A_735, %get3A_736] {strides = array<i32>} : memref<32x768xf32, #tpu.memory_space<vmem>>, vector<1x16xf32>,
      %get3A_738 = vector.shape_cast %get3A_737 : vector<1x16xf32> to vector<16xf32>
      %add3A_739 = arith.addf %get3A_734, %get3A_738 : vector<16xf32>
      %swap3A_740 = arith.index_cast %scan3A_144 : i32 to index
      %swap3A_741 = arith.constant 672 : index
      %swap3A_742 = tpu.vector_load %arg9[%swap3A_740, %swap3A_741] {strides = array<i32>} : memref<32x768xf32, #tpu.memory_space<vmem>>, vector<1x16xf32>,
      %swap3A_743 = vector.shape_cast %swap3A_742 : vector<1x16xf32> to vector<16xf32>
      %swap3A_744 = vector.shape_cast %add3A_739 : vector<16xf32> to vector<1x16xf32>
      tpu.vector_store %arg9[%swap3A_740, %swap3A_741], %swap3A_744 {strides = array<i32>} : memref<32x768xf32, #tpu.memory_space<vmem>>, vector<1x16xf32>,
      %get3A_745 = arith.index_cast %scan3A_144 : i32 to index
      %get3A_746 = arith.constant 688 : index
      %get3A_747 = tpu.vector_load %arg9[%get3A_745, %get3A_746] {strides = array<i32>} : memref<32x768xf32, #tpu.memory_space<vmem>>, vector<1x16xf32>,
      %get3A_748 = vector.shape_cast %get3A_747 : vector<1x16xf32> to vector<16xf32>
      %get3A_749 = arith.index_cast %scan3A_144 : i32 to index
      %get3A_750 = arith.constant 688 : index
      %get3A_751 = tpu.vector_load %arg11[%get3A_749, %get3A_750] {strides = array<i32>} : memref<32x768xf32, #tpu.memory_space<vmem>>, vector<1x16xf32>,
      %get3A_752 = vector.shape_cast %get3A_751 : vector<1x16xf32> to vector<16xf32>
      %add3A_753 = arith.addf %get3A_748, %get3A_752 : vector<16xf32>
      %swap3A_754 = arith.index_cast %scan3A_144 : i32 to index
      %swap3A_755 = arith.constant 688 : index
      %swap3A_756 = tpu.vector_load %arg9[%swap3A_754, %swap3A_755] {strides = array<i32>} : memref<32x768xf32, #tpu.memory_space<vmem>>, vector<1x16xf32>,
      %swap3A_757 = vector.shape_cast %swap3A_756 : vector<1x16xf32> to vector<16xf32>
      %swap3A_758 = vector.shape_cast %add3A_753 : vector<16xf32> to vector<1x16xf32>
      tpu.vector_store %arg9[%swap3A_754, %swap3A_755], %swap3A_758 {strides = array<i32>} : memref<32x768xf32, #tpu.memory_space<vmem>>, vector<1x16xf32>,
      %get3A_759 = arith.index_cast %scan3A_144 : i32 to index
      %get3A_760 = arith.constant 704 : index
      %get3A_761 = tpu.vector_load %arg9[%get3A_759, %get3A_760] {strides = array<i32>} : memref<32x768xf32, #tpu.memory_space<vmem>>, vector<1x16xf32>,
      %get3A_762 = vector.shape_cast %get3A_761 : vector<1x16xf32> to vector<16xf32>
      %get3A_763 = arith.index_cast %scan3A_144 : i32 to index
      %get3A_764 = arith.constant 704 : index
      %get3A_765 = tpu.vector_load %arg11[%get3A_763, %get3A_764] {strides = array<i32>} : memref<32x768xf32, #tpu.memory_space<vmem>>, vector<1x16xf32>,
      %get3A_766 = vector.shape_cast %get3A_765 : vector<1x16xf32> to vector<16xf32>
      %add3A_767 = arith.addf %get3A_762, %get3A_766 : vector<16xf32>
      %swap3A_768 = arith.index_cast %scan3A_144 : i32 to index
      %swap3A_769 = arith.constant 704 : index
      %swap3A_770 = tpu.vector_load %arg9[%swap3A_768, %swap3A_769] {strides = array<i32>} : memref<32x768xf32, #tpu.memory_space<vmem>>, vector<1x16xf32>,
      %swap3A_771 = vector.shape_cast %swap3A_770 : vector<1x16xf32> to vector<16xf32>
      %swap3A_772 = vector.shape_cast %add3A_767 : vector<16xf32> to vector<1x16xf32>
      tpu.vector_store %arg9[%swap3A_768, %swap3A_769], %swap3A_772 {strides = array<i32>} : memref<32x768xf32, #tpu.memory_space<vmem>>, vector<1x16xf32>,
      %get3A_773 = arith.index_cast %scan3A_144 : i32 to index
      %get3A_774 = arith.constant 720 : index
      %get3A_775 = tpu.vector_load %arg9[%get3A_773, %get3A_774] {strides = array<i32>} : memref<32x768xf32, #tpu.memory_space<vmem>>, vector<1x16xf32>,
      %get3A_776 = vector.shape_cast %get3A_775 : vector<1x16xf32> to vector<16xf32>
      %get3A_777 = arith.index_cast %scan3A_144 : i32 to index
      %get3A_778 = arith.constant 720 : index
      %get3A_779 = tpu.vector_load %arg11[%get3A_777, %get3A_778] {strides = array<i32>} : memref<32x768xf32, #tpu.memory_space<vmem>>, vector<1x16xf32>,
      %get3A_780 = vector.shape_cast %get3A_779 : vector<1x16xf32> to vector<16xf32>
      %add3A_781 = arith.addf %get3A_776, %get3A_780 : vector<16xf32>
      %swap3A_782 = arith.index_cast %scan3A_144 : i32 to index
      %swap3A_783 = arith.constant 720 : index
      %swap3A_784 = tpu.vector_load %arg9[%swap3A_782, %swap3A_783] {strides = array<i32>} : memref<32x768xf32, #tpu.memory_space<vmem>>, vector<1x16xf32>,
      %swap3A_785 = vector.shape_cast %swap3A_784 : vector<1x16xf32> to vector<16xf32>
      %swap3A_786 = vector.shape_cast %add3A_781 : vector<16xf32> to vector<1x16xf32>
      tpu.vector_store %arg9[%swap3A_782, %swap3A_783], %swap3A_786 {strides = array<i32>} : memref<32x768xf32, #tpu.memory_space<vmem>>, vector<1x16xf32>,
      %get3A_787 = arith.index_cast %scan3A_144 : i32 to index
      %get3A_788 = arith.constant 736 : index
      %get3A_789 = tpu.vector_load %arg9[%get3A_787, %get3A_788] {strides = array<i32>} : memref<32x768xf32, #tpu.memory_space<vmem>>, vector<1x16xf32>,
      %get3A_790 = vector.shape_cast %get3A_789 : vector<1x16xf32> to vector<16xf32>
      %get3A_791 = arith.index_cast %scan3A_144 : i32 to index
      %get3A_792 = arith.constant 736 : index
      %get3A_793 = tpu.vector_load %arg11[%get3A_791, %get3A_792] {strides = array<i32>} : memref<32x768xf32, #tpu.memory_space<vmem>>, vector<1x16xf32>,
      %get3A_794 = vector.shape_cast %get3A_793 : vector<1x16xf32> to vector<16xf32>
      %add3A_795 = arith.addf %get3A_790, %get3A_794 : vector<16xf32>
      %swap3A_796 = arith.index_cast %scan3A_144 : i32 to index
      %swap3A_797 = arith.constant 736 : index
      %swap3A_798 = tpu.vector_load %arg9[%swap3A_796, %swap3A_797] {strides = array<i32>} : memref<32x768xf32, #tpu.memory_space<vmem>>, vector<1x16xf32>,
      %swap3A_799 = vector.shape_cast %swap3A_798 : vector<1x16xf32> to vector<16xf32>
      %swap3A_800 = vector.shape_cast %add3A_795 : vector<16xf32> to vector<1x16xf32>
      tpu.vector_store %arg9[%swap3A_796, %swap3A_797], %swap3A_800 {strides = array<i32>} : memref<32x768xf32, #tpu.memory_space<vmem>>, vector<1x16xf32>,
      %get3A_801 = arith.index_cast %scan3A_144 : i32 to index
      %get3A_802 = arith.constant 752 : index
      %get3A_803 = tpu.vector_load %arg9[%get3A_801, %get3A_802] {strides = array<i32>} : memref<32x768xf32, #tpu.memory_space<vmem>>, vector<1x16xf32>,
      %get3A_804 = vector.shape_cast %get3A_803 : vector<1x16xf32> to vector<16xf32>
      %get3A_805 = arith.index_cast %scan3A_144 : i32 to index
      %get3A_806 = arith.constant 752 : index
      %get3A_807 = tpu.vector_load %arg11[%get3A_805, %get3A_806] {strides = array<i32>} : memref<32x768xf32, #tpu.memory_space<vmem>>, vector<1x16xf32>,
      %get3A_808 = vector.shape_cast %get3A_807 : vector<1x16xf32> to vector<16xf32>
      %add3A_809 = arith.addf %get3A_804, %get3A_808 : vector<16xf32>
      %swap3A_810 = arith.index_cast %scan3A_144 : i32 to index
      %swap3A_811 = arith.constant 752 : index
      %swap3A_812 = tpu.vector_load %arg9[%swap3A_810, %swap3A_811] {strides = array<i32>} : memref<32x768xf32, #tpu.memory_space<vmem>>, vector<1x16xf32>,
      %swap3A_813 = vector.shape_cast %swap3A_812 : vector<1x16xf32> to vector<16xf32>
      %swap3A_814 = vector.shape_cast %add3A_809 : vector<16xf32> to vector<1x16xf32>
      tpu.vector_store %arg9[%swap3A_810, %swap3A_811], %swap3A_814 {strides = array<i32>} : memref<32x768xf32, #tpu.memory_space<vmem>>, vector<1x16xf32>,
    }
    %scan3A_71 = arith.constant 32 : i32
    %add3A_72 = arith.constant 32 : i32
    %add3A_73 = arith.addi %mul3A_2, %add3A_72 : i32
    %dma_start3A_74 = arith.constant 0 : i32
    %dma_start3A_75 = tpu.memref_slice %arg5[%add3A_73, %dma_start3A_74] : memref<4096x768xf32, #tpu.memory_space<hbm>> -> memref<32x768xf32, #tpu.memory_space<hbm>>
    %dma_start3A_76 = arith.constant 0 : i32
    %dma_start3A_77 = tpu.memref_slice %arg5[%add3A_73, %dma_start3A_76] : memref<4096x768xf32, #tpu.memory_space<hbm>> -> memref<32x768xf32, #tpu.memory_space<hbm>>
    tpu.enqueue_dma source(%arg9 : memref<32x768xf32, #tpu.memory_space<vmem>>) target(%dma_start3A_77 : memref<32x768xf32, #tpu.memory_space<hbm>>) target_semaphore(%arg17 : memref<!tpu.dma_semaphore, #tpu.memory_space<semaphore_mem>>)
    %dma_wait3A_78 = arith.constant 0 : i32
    %dma_wait3A_79 = tpu.memref_slice %arg5[%add3A_73, %dma_wait3A_78] : memref<4096x768xf32, #tpu.memory_space<hbm>> -> memref<32x768xf32, #tpu.memory_space<hbm>>
    %dma_wait3A_80 = arith.constant 0 : i32
    %dma_wait3A_81 = tpu.memref_slice %arg5[%add3A_73, %dma_wait3A_80] : memref<4096x768xf32, #tpu.memory_space<hbm>> -> memref<32x768xf32, #tpu.memory_space<hbm>>
    tpu.wait_dma2 semaphore(%arg17 : memref<!tpu.dma_semaphore, #tpu.memory_space<semaphore_mem>>) src(%arg9 : memref<32x768xf32, #tpu.memory_space<vmem>>) dst(%dma_wait3A_81 : memref<32x768xf32, #tpu.memory_space<hbm>>)
    %dma_start3A_82 = arith.constant 96 : i32
    %dma_start3A_83 = tpu.memref_slice %arg6[%dma_start3A_82] : memref<128xi32, #tpu.memory_space<vmem>> -> memref<32xi32, #tpu.memory_space<vmem>>
    %dma_start3A_84 = arith.constant 0 : i32
    %dma_start3A_85 = arith.constant 0 : i32
    %dma_start3A_86 = tpu.memref_slice %arg2[%dma_start3A_84, %dma_start3A_85] : memref<10240x768xf32, #tpu.memory_space<hbm>> -> memref<10240x768xf32, #tpu.memory_space<hbm>>
    tpu.enqueue_indirect_dma source(%dma_start3A_86 : memref<10240x768xf32, #tpu.memory_space<hbm>>) target(%arg9 : memref<32x768xf32, #tpu.memory_space<vmem>>) offsets(%dma_start3A_83 : memref<32xi32, #tpu.memory_space<vmem>>) semaphore(%arg13 : memref<!tpu.dma_semaphore, #tpu.memory_space<semaphore_mem>>)
    %dma_start3A_87 = arith.constant 96 : i32
    %dma_start3A_88 = tpu.memref_slice %arg7[%dma_start3A_87] : memref<128xi32, #tpu.memory_space<vmem>> -> memref<32xi32, #tpu.memory_space<vmem>>
    %dma_start3A_89 = arith.constant 0 : i32
    %dma_start3A_90 = arith.constant 0 : i32
    %dma_start3A_91 = tpu.memref_slice %arg2[%dma_start3A_89, %dma_start3A_90] : memref<10240x768xf32, #tpu.memory_space<hbm>> -> memref<10240x768xf32, #tpu.memory_space<hbm>>
    tpu.enqueue_indirect_dma source(%dma_start3A_91 : memref<10240x768xf32, #tpu.memory_space<hbm>>) target(%arg11 : memref<32x768xf32, #tpu.memory_space<vmem>>) offsets(%dma_start3A_88 : memref<32xi32, #tpu.memory_space<vmem>>) semaphore(%arg15 : memref<!tpu.dma_semaphore, #tpu.memory_space<semaphore_mem>>)
    %dma_wait3A_92 = arith.constant 64 : i32
    %dma_wait3A_93 = tpu.memref_slice %arg6[%dma_wait3A_92] : memref<128xi32, #tpu.memory_space<vmem>> -> memref<32xi32, #tpu.memory_space<vmem>>
    %dma_wait3A_94 = arith.constant 0 : i32
    %dma_wait3A_95 = arith.constant 0 : i32
    %dma_wait3A_96 = tpu.memref_slice %arg2[%dma_wait3A_94, %dma_wait3A_95] : memref<10240x768xf32, #tpu.memory_space<hbm>> -> memref<10240x768xf32, #tpu.memory_space<hbm>>
    tpu.wait_indirect_dma semaphore(%arg12 : memref<!tpu.dma_semaphore, #tpu.memory_space<semaphore_mem>>) src(%dma_wait3A_96 : memref<10240x768xf32, #tpu.memory_space<hbm>>) dst(%arg8 : memref<32x768xf32, #tpu.memory_space<vmem>>)
    %dma_wait3A_97 = arith.constant 64 : i32
    %dma_wait3A_98 = tpu.memref_slice %arg7[%dma_wait3A_97] : memref<128xi32, #tpu.memory_space<vmem>> -> memref<32xi32, #tpu.memory_space<vmem>>
    %dma_wait3A_99 = arith.constant 0 : i32
    %dma_wait3A_100 = arith.constant 0 : i32
    %dma_wait3A_101 = tpu.memref_slice %arg2[%dma_wait3A_99, %dma_wait3A_100] : memref<10240x768xf32, #tpu.memory_space<hbm>> -> memref<10240x768xf32, #tpu.memory_space<hbm>>
    tpu.wait_indirect_dma semaphore(%arg14 : memref<!tpu.dma_semaphore, #tpu.memory_space<semaphore_mem>>) src(%dma_wait3A_101 : memref<10240x768xf32, #tpu.memory_space<hbm>>) dst(%arg10 : memref<32x768xf32, #tpu.memory_space<vmem>>)
    %scan3A_102 = arith.constant 0 : i32
    %scan3A_103 = arith.constant 0 : i32
    %scan3A_104 = arith.constant 32 : i32
    %scan3A_105 = arith.addi %scan3A_103, %scan3A_104 : i32
    %scan3A_106 = arith.constant 1 : i32
    scf.for %scan3A_144 = %scan3A_103 to %scan3A_105 step %scan3A_106  : i32 {
      %get3A = arith.index_cast %scan3A_144 : i32 to index
      %get3A_145 = arith.constant 0 : index
      %get3A_146 = tpu.vector_load %arg8[%get3A, %get3A_145] {strides = array<i32>} : memref<32x768xf32, #tpu.memory_space<vmem>>, vector<1x16xf32>,
      %get3A_147 = vector.shape_cast %get3A_146 : vector<1x16xf32> to vector<16xf32>
      %get3A_148 = arith.index_cast %scan3A_144 : i32 to index
      %get3A_149 = arith.constant 0 : index
      %get3A_150 = tpu.vector_load %arg10[%get3A_148, %get3A_149] {strides = array<i32>} : memref<32x768xf32, #tpu.memory_space<vmem>>, vector<1x16xf32>,
      %get3A_151 = vector.shape_cast %get3A_150 : vector<1x16xf32> to vector<16xf32>
      %add3A_152 = arith.addf %get3A_147, %get3A_151 : vector<16xf32>
      %swap3A = arith.index_cast %scan3A_144 : i32 to index
      %swap3A_153 = arith.constant 0 : index
      %swap3A_154 = tpu.vector_load %arg8[%swap3A, %swap3A_153] {strides = array<i32>} : memref<32x768xf32, #tpu.memory_space<vmem>>, vector<1x16xf32>,
      %swap3A_155 = vector.shape_cast %swap3A_154 : vector<1x16xf32> to vector<16xf32>
      %swap3A_156 = vector.shape_cast %add3A_152 : vector<16xf32> to vector<1x16xf32>
      tpu.vector_store %arg8[%swap3A, %swap3A_153], %swap3A_156 {strides = array<i32>} : memref<32x768xf32, #tpu.memory_space<vmem>>, vector<1x16xf32>,
      %get3A_157 = arith.index_cast %scan3A_144 : i32 to index
      %get3A_158 = arith.constant 16 : index
      %get3A_159 = tpu.vector_load %arg8[%get3A_157, %get3A_158] {strides = array<i32>} : memref<32x768xf32, #tpu.memory_space<vmem>>, vector<1x16xf32>,
      %get3A_160 = vector.shape_cast %get3A_159 : vector<1x16xf32> to vector<16xf32>
      %get3A_161 = arith.index_cast %scan3A_144 : i32 to index
      %get3A_162 = arith.constant 16 : index
      %get3A_163 = tpu.vector_load %arg10[%get3A_161, %get3A_162] {strides = array<i32>} : memref<32x768xf32, #tpu.memory_space<vmem>>, vector<1x16xf32>,
      %get3A_164 = vector.shape_cast %get3A_163 : vector<1x16xf32> to vector<16xf32>
      %add3A_165 = arith.addf %get3A_160, %get3A_164 : vector<16xf32>
      %swap3A_166 = arith.index_cast %scan3A_144 : i32 to index
      %swap3A_167 = arith.constant 16 : index
      %swap3A_168 = tpu.vector_load %arg8[%swap3A_166, %swap3A_167] {strides = array<i32>} : memref<32x768xf32, #tpu.memory_space<vmem>>, vector<1x16xf32>,
      %swap3A_169 = vector.shape_cast %swap3A_168 : vector<1x16xf32> to vector<16xf32>
      %swap3A_170 = vector.shape_cast %add3A_165 : vector<16xf32> to vector<1x16xf32>
      tpu.vector_store %arg8[%swap3A_166, %swap3A_167], %swap3A_170 {strides = array<i32>} : memref<32x768xf32, #tpu.memory_space<vmem>>, vector<1x16xf32>,
      %get3A_171 = arith.index_cast %scan3A_144 : i32 to index
      %get3A_172 = arith.constant 32 : index
      %get3A_173 = tpu.vector_load %arg8[%get3A_171, %get3A_172] {strides = array<i32>} : memref<32x768xf32, #tpu.memory_space<vmem>>, vector<1x16xf32>,
      %get3A_174 = vector.shape_cast %get3A_173 : vector<1x16xf32> to vector<16xf32>
      %get3A_175 = arith.index_cast %scan3A_144 : i32 to index
      %get3A_176 = arith.constant 32 : index
      %get3A_177 = tpu.vector_load %arg10[%get3A_175, %get3A_176] {strides = array<i32>} : memref<32x768xf32, #tpu.memory_space<vmem>>, vector<1x16xf32>,
      %get3A_178 = vector.shape_cast %get3A_177 : vector<1x16xf32> to vector<16xf32>
      %add3A_179 = arith.addf %get3A_174, %get3A_178 : vector<16xf32>
      %swap3A_180 = arith.index_cast %scan3A_144 : i32 to index
      %swap3A_181 = arith.constant 32 : index
      %swap3A_182 = tpu.vector_load %arg8[%swap3A_180, %swap3A_181] {strides = array<i32>} : memref<32x768xf32, #tpu.memory_space<vmem>>, vector<1x16xf32>,
      %swap3A_183 = vector.shape_cast %swap3A_182 : vector<1x16xf32> to vector<16xf32>
      %swap3A_184 = vector.shape_cast %add3A_179 : vector<16xf32> to vector<1x16xf32>
      tpu.vector_store %arg8[%swap3A_180, %swap3A_181], %swap3A_184 {strides = array<i32>} : memref<32x768xf32, #tpu.memory_space<vmem>>, vector<1x16xf32>,
      %get3A_185 = arith.index_cast %scan3A_144 : i32 to index
      %get3A_186 = arith.constant 48 : index
      %get3A_187 = tpu.vector_load %arg8[%get3A_185, %get3A_186] {strides = array<i32>} : memref<32x768xf32, #tpu.memory_space<vmem>>, vector<1x16xf32>,
      %get3A_188 = vector.shape_cast %get3A_187 : vector<1x16xf32> to vector<16xf32>
      %get3A_189 = arith.index_cast %scan3A_144 : i32 to index
      %get3A_190 = arith.constant 48 : index
      %get3A_191 = tpu.vector_load %arg10[%get3A_189, %get3A_190] {strides = array<i32>} : memref<32x768xf32, #tpu.memory_space<vmem>>, vector<1x16xf32>,
      %get3A_192 = vector.shape_cast %get3A_191 : vector<1x16xf32> to vector<16xf32>
      %add3A_193 = arith.addf %get3A_188, %get3A_192 : vector<16xf32>
      %swap3A_194 = arith.index_cast %scan3A_144 : i32 to index
      %swap3A_195 = arith.constant 48 : index
      %swap3A_196 = tpu.vector_load %arg8[%swap3A_194, %swap3A_195] {strides = array<i32>} : memref<32x768xf32, #tpu.memory_space<vmem>>, vector<1x16xf32>,
      %swap3A_197 = vector.shape_cast %swap3A_196 : vector<1x16xf32> to vector<16xf32>
      %swap3A_198 = vector.shape_cast %add3A_193 : vector<16xf32> to vector<1x16xf32>
      tpu.vector_store %arg8[%swap3A_194, %swap3A_195], %swap3A_198 {strides = array<i32>} : memref<32x768xf32, #tpu.memory_space<vmem>>, vector<1x16xf32>,
      %get3A_199 = arith.index_cast %scan3A_144 : i32 to index
      %get3A_200 = arith.constant 64 : index
      %get3A_201 = tpu.vector_load %arg8[%get3A_199, %get3A_200] {strides = array<i32>} : memref<32x768xf32, #tpu.memory_space<vmem>>, vector<1x16xf32>,
      %get3A_202 = vector.shape_cast %get3A_201 : vector<1x16xf32> to vector<16xf32>
      %get3A_203 = arith.index_cast %scan3A_144 : i32 to index
      %get3A_204 = arith.constant 64 : index
      %get3A_205 = tpu.vector_load %arg10[%get3A_203, %get3A_204] {strides = array<i32>} : memref<32x768xf32, #tpu.memory_space<vmem>>, vector<1x16xf32>,
      %get3A_206 = vector.shape_cast %get3A_205 : vector<1x16xf32> to vector<16xf32>
      %add3A_207 = arith.addf %get3A_202, %get3A_206 : vector<16xf32>
      %swap3A_208 = arith.index_cast %scan3A_144 : i32 to index
      %swap3A_209 = arith.constant 64 : index
      %swap3A_210 = tpu.vector_load %arg8[%swap3A_208, %swap3A_209] {strides = array<i32>} : memref<32x768xf32, #tpu.memory_space<vmem>>, vector<1x16xf32>,
      %swap3A_211 = vector.shape_cast %swap3A_210 : vector<1x16xf32> to vector<16xf32>
      %swap3A_212 = vector.shape_cast %add3A_207 : vector<16xf32> to vector<1x16xf32>
      tpu.vector_store %arg8[%swap3A_208, %swap3A_209], %swap3A_212 {strides = array<i32>} : memref<32x768xf32, #tpu.memory_space<vmem>>, vector<1x16xf32>,
      %get3A_213 = arith.index_cast %scan3A_144 : i32 to index
      %get3A_214 = arith.constant 80 : index
      %get3A_215 = tpu.vector_load %arg8[%get3A_213, %get3A_214] {strides = array<i32>} : memref<32x768xf32, #tpu.memory_space<vmem>>, vector<1x16xf32>,
      %get3A_216 = vector.shape_cast %get3A_215 : vector<1x16xf32> to vector<16xf32>
      %get3A_217 = arith.index_cast %scan3A_144 : i32 to index
      %get3A_218 = arith.constant 80 : index
      %get3A_219 = tpu.vector_load %arg10[%get3A_217, %get3A_218] {strides = array<i32>} : memref<32x768xf32, #tpu.memory_space<vmem>>, vector<1x16xf32>,
      %get3A_220 = vector.shape_cast %get3A_219 : vector<1x16xf32> to vector<16xf32>
      %add3A_221 = arith.addf %get3A_216, %get3A_220 : vector<16xf32>
      %swap3A_222 = arith.index_cast %scan3A_144 : i32 to index
      %swap3A_223 = arith.constant 80 : index
      %swap3A_224 = tpu.vector_load %arg8[%swap3A_222, %swap3A_223] {strides = array<i32>} : memref<32x768xf32, #tpu.memory_space<vmem>>, vector<1x16xf32>,
      %swap3A_225 = vector.shape_cast %swap3A_224 : vector<1x16xf32> to vector<16xf32>
      %swap3A_226 = vector.shape_cast %add3A_221 : vector<16xf32> to vector<1x16xf32>
      tpu.vector_store %arg8[%swap3A_222, %swap3A_223], %swap3A_226 {strides = array<i32>} : memref<32x768xf32, #tpu.memory_space<vmem>>, vector<1x16xf32>,
      %get3A_227 = arith.index_cast %scan3A_144 : i32 to index
      %get3A_228 = arith.constant 96 : index
      %get3A_229 = tpu.vector_load %arg8[%get3A_227, %get3A_228] {strides = array<i32>} : memref<32x768xf32, #tpu.memory_space<vmem>>, vector<1x16xf32>,
      %get3A_230 = vector.shape_cast %get3A_229 : vector<1x16xf32> to vector<16xf32>
      %get3A_231 = arith.index_cast %scan3A_144 : i32 to index
      %get3A_232 = arith.constant 96 : index
      %get3A_233 = tpu.vector_load %arg10[%get3A_231, %get3A_232] {strides = array<i32>} : memref<32x768xf32, #tpu.memory_space<vmem>>, vector<1x16xf32>,
      %get3A_234 = vector.shape_cast %get3A_233 : vector<1x16xf32> to vector<16xf32>
      %add3A_235 = arith.addf %get3A_230, %get3A_234 : vector<16xf32>
      %swap3A_236 = arith.index_cast %scan3A_144 : i32 to index
      %swap3A_237 = arith.constant 96 : index
      %swap3A_238 = tpu.vector_load %arg8[%swap3A_236, %swap3A_237] {strides = array<i32>} : memref<32x768xf32, #tpu.memory_space<vmem>>, vector<1x16xf32>,
      %swap3A_239 = vector.shape_cast %swap3A_238 : vector<1x16xf32> to vector<16xf32>
      %swap3A_240 = vector.shape_cast %add3A_235 : vector<16xf32> to vector<1x16xf32>
      tpu.vector_store %arg8[%swap3A_236, %swap3A_237], %swap3A_240 {strides = array<i32>} : memref<32x768xf32, #tpu.memory_space<vmem>>, vector<1x16xf32>,
      %get3A_241 = arith.index_cast %scan3A_144 : i32 to index
      %get3A_242 = arith.constant 112 : index
      %get3A_243 = tpu.vector_load %arg8[%get3A_241, %get3A_242] {strides = array<i32>} : memref<32x768xf32, #tpu.memory_space<vmem>>, vector<1x16xf32>,
      %get3A_244 = vector.shape_cast %get3A_243 : vector<1x16xf32> to vector<16xf32>
      %get3A_245 = arith.index_cast %scan3A_144 : i32 to index
      %get3A_246 = arith.constant 112 : index
      %get3A_247 = tpu.vector_load %arg10[%get3A_245, %get3A_246] {strides = array<i32>} : memref<32x768xf32, #tpu.memory_space<vmem>>, vector<1x16xf32>,
      %get3A_248 = vector.shape_cast %get3A_247 : vector<1x16xf32> to vector<16xf32>
      %add3A_249 = arith.addf %get3A_244, %get3A_248 : vector<16xf32>
      %swap3A_250 = arith.index_cast %scan3A_144 : i32 to index
      %swap3A_251 = arith.constant 112 : index
      %swap3A_252 = tpu.vector_load %arg8[%swap3A_250, %swap3A_251] {strides = array<i32>} : memref<32x768xf32, #tpu.memory_space<vmem>>, vector<1x16xf32>,
      %swap3A_253 = vector.shape_cast %swap3A_252 : vector<1x16xf32> to vector<16xf32>
      %swap3A_254 = vector.shape_cast %add3A_249 : vector<16xf32> to vector<1x16xf32>
      tpu.vector_store %arg8[%swap3A_250, %swap3A_251], %swap3A_254 {strides = array<i32>} : memref<32x768xf32, #tpu.memory_space<vmem>>, vector<1x16xf32>,
      %get3A_255 = arith.index_cast %scan3A_144 : i32 to index
      %get3A_256 = arith.constant 128 : index
      %get3A_257 = tpu.vector_load %arg8[%get3A_255, %get3A_256] {strides = array<i32>} : memref<32x768xf32, #tpu.memory_space<vmem>>, vector<1x16xf32>,
      %get3A_258 = vector.shape_cast %get3A_257 : vector<1x16xf32> to vector<16xf32>
      %get3A_259 = arith.index_cast %scan3A_144 : i32 to index
      %get3A_260 = arith.constant 128 : index
      %get3A_261 = tpu.vector_load %arg10[%get3A_259, %get3A_260] {strides = array<i32>} : memref<32x768xf32, #tpu.memory_space<vmem>>, vector<1x16xf32>,
      %get3A_262 = vector.shape_cast %get3A_261 : vector<1x16xf32> to vector<16xf32>
      %add3A_263 = arith.addf %get3A_258, %get3A_262 : vector<16xf32>
      %swap3A_264 = arith.index_cast %scan3A_144 : i32 to index
      %swap3A_265 = arith.constant 128 : index
      %swap3A_266 = tpu.vector_load %arg8[%swap3A_264, %swap3A_265] {strides = array<i32>} : memref<32x768xf32, #tpu.memory_space<vmem>>, vector<1x16xf32>,
      %swap3A_267 = vector.shape_cast %swap3A_266 : vector<1x16xf32> to vector<16xf32>
      %swap3A_268 = vector.shape_cast %add3A_263 : vector<16xf32> to vector<1x16xf32>
      tpu.vector_store %arg8[%swap3A_264, %swap3A_265], %swap3A_268 {strides = array<i32>} : memref<32x768xf32, #tpu.memory_space<vmem>>, vector<1x16xf32>,
      %get3A_269 = arith.index_cast %scan3A_144 : i32 to index
      %get3A_270 = arith.constant 144 : index
      %get3A_271 = tpu.vector_load %arg8[%get3A_269, %get3A_270] {strides = array<i32>} : memref<32x768xf32, #tpu.memory_space<vmem>>, vector<1x16xf32>,
      %get3A_272 = vector.shape_cast %get3A_271 : vector<1x16xf32> to vector<16xf32>
      %get3A_273 = arith.index_cast %scan3A_144 : i32 to index
      %get3A_274 = arith.constant 144 : index
      %get3A_275 = tpu.vector_load %arg10[%get3A_273, %get3A_274] {strides = array<i32>} : memref<32x768xf32, #tpu.memory_space<vmem>>, vector<1x16xf32>,
      %get3A_276 = vector.shape_cast %get3A_275 : vector<1x16xf32> to vector<16xf32>
      %add3A_277 = arith.addf %get3A_272, %get3A_276 : vector<16xf32>
      %swap3A_278 = arith.index_cast %scan3A_144 : i32 to index
      %swap3A_279 = arith.constant 144 : index
      %swap3A_280 = tpu.vector_load %arg8[%swap3A_278, %swap3A_279] {strides = array<i32>} : memref<32x768xf32, #tpu.memory_space<vmem>>, vector<1x16xf32>,
      %swap3A_281 = vector.shape_cast %swap3A_280 : vector<1x16xf32> to vector<16xf32>
      %swap3A_282 = vector.shape_cast %add3A_277 : vector<16xf32> to vector<1x16xf32>
      tpu.vector_store %arg8[%swap3A_278, %swap3A_279], %swap3A_282 {strides = array<i32>} : memref<32x768xf32, #tpu.memory_space<vmem>>, vector<1x16xf32>,
      %get3A_283 = arith.index_cast %scan3A_144 : i32 to index
      %get3A_284 = arith.constant 160 : index
      %get3A_285 = tpu.vector_load %arg8[%get3A_283, %get3A_284] {strides = array<i32>} : memref<32x768xf32, #tpu.memory_space<vmem>>, vector<1x16xf32>,
      %get3A_286 = vector.shape_cast %get3A_285 : vector<1x16xf32> to vector<16xf32>
      %get3A_287 = arith.index_cast %scan3A_144 : i32 to index
      %get3A_288 = arith.constant 160 : index
      %get3A_289 = tpu.vector_load %arg10[%get3A_287, %get3A_288] {strides = array<i32>} : memref<32x768xf32, #tpu.memory_space<vmem>>, vector<1x16xf32>,
      %get3A_290 = vector.shape_cast %get3A_289 : vector<1x16xf32> to vector<16xf32>
      %add3A_291 = arith.addf %get3A_286, %get3A_290 : vector<16xf32>
      %swap3A_292 = arith.index_cast %scan3A_144 : i32 to index
      %swap3A_293 = arith.constant 160 : index
      %swap3A_294 = tpu.vector_load %arg8[%swap3A_292, %swap3A_293] {strides = array<i32>} : memref<32x768xf32, #tpu.memory_space<vmem>>, vector<1x16xf32>,
      %swap3A_295 = vector.shape_cast %swap3A_294 : vector<1x16xf32> to vector<16xf32>
      %swap3A_296 = vector.shape_cast %add3A_291 : vector<16xf32> to vector<1x16xf32>
      tpu.vector_store %arg8[%swap3A_292, %swap3A_293], %swap3A_296 {strides = array<i32>} : memref<32x768xf32, #tpu.memory_space<vmem>>, vector<1x16xf32>,
      %get3A_297 = arith.index_cast %scan3A_144 : i32 to index
      %get3A_298 = arith.constant 176 : index
      %get3A_299 = tpu.vector_load %arg8[%get3A_297, %get3A_298] {strides = array<i32>} : memref<32x768xf32, #tpu.memory_space<vmem>>, vector<1x16xf32>,
      %get3A_300 = vector.shape_cast %get3A_299 : vector<1x16xf32> to vector<16xf32>
      %get3A_301 = arith.index_cast %scan3A_144 : i32 to index
      %get3A_302 = arith.constant 176 : index
      %get3A_303 = tpu.vector_load %arg10[%get3A_301, %get3A_302] {strides = array<i32>} : memref<32x768xf32, #tpu.memory_space<vmem>>, vector<1x16xf32>,
      %get3A_304 = vector.shape_cast %get3A_303 : vector<1x16xf32> to vector<16xf32>
      %add3A_305 = arith.addf %get3A_300, %get3A_304 : vector<16xf32>
      %swap3A_306 = arith.index_cast %scan3A_144 : i32 to index
      %swap3A_307 = arith.constant 176 : index
      %swap3A_308 = tpu.vector_load %arg8[%swap3A_306, %swap3A_307] {strides = array<i32>} : memref<32x768xf32, #tpu.memory_space<vmem>>, vector<1x16xf32>,
      %swap3A_309 = vector.shape_cast %swap3A_308 : vector<1x16xf32> to vector<16xf32>
      %swap3A_310 = vector.shape_cast %add3A_305 : vector<16xf32> to vector<1x16xf32>
      tpu.vector_store %arg8[%swap3A_306, %swap3A_307], %swap3A_310 {strides = array<i32>} : memref<32x768xf32, #tpu.memory_space<vmem>>, vector<1x16xf32>,
      %get3A_311 = arith.index_cast %scan3A_144 : i32 to index
      %get3A_312 = arith.constant 192 : index
      %get3A_313 = tpu.vector_load %arg8[%get3A_311, %get3A_312] {strides = array<i32>} : memref<32x768xf32, #tpu.memory_space<vmem>>, vector<1x16xf32>,
      %get3A_314 = vector.shape_cast %get3A_313 : vector<1x16xf32> to vector<16xf32>
      %get3A_315 = arith.index_cast %scan3A_144 : i32 to index
      %get3A_316 = arith.constant 192 : index
      %get3A_317 = tpu.vector_load %arg10[%get3A_315, %get3A_316] {strides = array<i32>} : memref<32x768xf32, #tpu.memory_space<vmem>>, vector<1x16xf32>,
      %get3A_318 = vector.shape_cast %get3A_317 : vector<1x16xf32> to vector<16xf32>
      %add3A_319 = arith.addf %get3A_314, %get3A_318 : vector<16xf32>
      %swap3A_320 = arith.index_cast %scan3A_144 : i32 to index
      %swap3A_321 = arith.constant 192 : index
      %swap3A_322 = tpu.vector_load %arg8[%swap3A_320, %swap3A_321] {strides = array<i32>} : memref<32x768xf32, #tpu.memory_space<vmem>>, vector<1x16xf32>,
      %swap3A_323 = vector.shape_cast %swap3A_322 : vector<1x16xf32> to vector<16xf32>
      %swap3A_324 = vector.shape_cast %add3A_319 : vector<16xf32> to vector<1x16xf32>
      tpu.vector_store %arg8[%swap3A_320, %swap3A_321], %swap3A_324 {strides = array<i32>} : memref<32x768xf32, #tpu.memory_space<vmem>>, vector<1x16xf32>,
      %get3A_325 = arith.index_cast %scan3A_144 : i32 to index
      %get3A_326 = arith.constant 208 : index
      %get3A_327 = tpu.vector_load %arg8[%get3A_325, %get3A_326] {strides = array<i32>} : memref<32x768xf32, #tpu.memory_space<vmem>>, vector<1x16xf32>,
      %get3A_328 = vector.shape_cast %get3A_327 : vector<1x16xf32> to vector<16xf32>
      %get3A_329 = arith.index_cast %scan3A_144 : i32 to index
      %get3A_330 = arith.constant 208 : index
      %get3A_331 = tpu.vector_load %arg10[%get3A_329, %get3A_330] {strides = array<i32>} : memref<32x768xf32, #tpu.memory_space<vmem>>, vector<1x16xf32>,
      %get3A_332 = vector.shape_cast %get3A_331 : vector<1x16xf32> to vector<16xf32>
      %add3A_333 = arith.addf %get3A_328, %get3A_332 : vector<16xf32>
      %swap3A_334 = arith.index_cast %scan3A_144 : i32 to index
      %swap3A_335 = arith.constant 208 : index
      %swap3A_336 = tpu.vector_load %arg8[%swap3A_334, %swap3A_335] {strides = array<i32>} : memref<32x768xf32, #tpu.memory_space<vmem>>, vector<1x16xf32>,
      %swap3A_337 = vector.shape_cast %swap3A_336 : vector<1x16xf32> to vector<16xf32>
      %swap3A_338 = vector.shape_cast %add3A_333 : vector<16xf32> to vector<1x16xf32>
      tpu.vector_store %arg8[%swap3A_334, %swap3A_335], %swap3A_338 {strides = array<i32>} : memref<32x768xf32, #tpu.memory_space<vmem>>, vector<1x16xf32>,
      %get3A_339 = arith.index_cast %scan3A_144 : i32 to index
      %get3A_340 = arith.constant 224 : index
      %get3A_341 = tpu.vector_load %arg8[%get3A_339, %get3A_340] {strides = array<i32>} : memref<32x768xf32, #tpu.memory_space<vmem>>, vector<1x16xf32>,
      %get3A_342 = vector.shape_cast %get3A_341 : vector<1x16xf32> to vector<16xf32>
      %get3A_343 = arith.index_cast %scan3A_144 : i32 to index
      %get3A_344 = arith.constant 224 : index
      %get3A_345 = tpu.vector_load %arg10[%get3A_343, %get3A_344] {strides = array<i32>} : memref<32x768xf32, #tpu.memory_space<vmem>>, vector<1x16xf32>,
      %get3A_346 = vector.shape_cast %get3A_345 : vector<1x16xf32> to vector<16xf32>
      %add3A_347 = arith.addf %get3A_342, %get3A_346 : vector<16xf32>
      %swap3A_348 = arith.index_cast %scan3A_144 : i32 to index
      %swap3A_349 = arith.constant 224 : index
      %swap3A_350 = tpu.vector_load %arg8[%swap3A_348, %swap3A_349] {strides = array<i32>} : memref<32x768xf32, #tpu.memory_space<vmem>>, vector<1x16xf32>,
      %swap3A_351 = vector.shape_cast %swap3A_350 : vector<1x16xf32> to vector<16xf32>
      %swap3A_352 = vector.shape_cast %add3A_347 : vector<16xf32> to vector<1x16xf32>
      tpu.vector_store %arg8[%swap3A_348, %swap3A_349], %swap3A_352 {strides = array<i32>} : memref<32x768xf32, #tpu.memory_space<vmem>>, vector<1x16xf32>,
      %get3A_353 = arith.index_cast %scan3A_144 : i32 to index
      %get3A_354 = arith.constant 240 : index
      %get3A_355 = tpu.vector_load %arg8[%get3A_353, %get3A_354] {strides = array<i32>} : memref<32x768xf32, #tpu.memory_space<vmem>>, vector<1x16xf32>,
      %get3A_356 = vector.shape_cast %get3A_355 : vector<1x16xf32> to vector<16xf32>
      %get3A_357 = arith.index_cast %scan3A_144 : i32 to index
      %get3A_358 = arith.constant 240 : index
      %get3A_359 = tpu.vector_load %arg10[%get3A_357, %get3A_358] {strides = array<i32>} : memref<32x768xf32, #tpu.memory_space<vmem>>, vector<1x16xf32>,
      %get3A_360 = vector.shape_cast %get3A_359 : vector<1x16xf32> to vector<16xf32>
      %add3A_361 = arith.addf %get3A_356, %get3A_360 : vector<16xf32>
      %swap3A_362 = arith.index_cast %scan3A_144 : i32 to index
      %swap3A_363 = arith.constant 240 : index
      %swap3A_364 = tpu.vector_load %arg8[%swap3A_362, %swap3A_363] {strides = array<i32>} : memref<32x768xf32, #tpu.memory_space<vmem>>, vector<1x16xf32>,
      %swap3A_365 = vector.shape_cast %swap3A_364 : vector<1x16xf32> to vector<16xf32>
      %swap3A_366 = vector.shape_cast %add3A_361 : vector<16xf32> to vector<1x16xf32>
      tpu.vector_store %arg8[%swap3A_362, %swap3A_363], %swap3A_366 {strides = array<i32>} : memref<32x768xf32, #tpu.memory_space<vmem>>, vector<1x16xf32>,
      %get3A_367 = arith.index_cast %scan3A_144 : i32 to index
      %get3A_368 = arith.constant 256 : index
      %get3A_369 = tpu.vector_load %arg8[%get3A_367, %get3A_368] {strides = array<i32>} : memref<32x768xf32, #tpu.memory_space<vmem>>, vector<1x16xf32>,
      %get3A_370 = vector.shape_cast %get3A_369 : vector<1x16xf32> to vector<16xf32>
      %get3A_371 = arith.index_cast %scan3A_144 : i32 to index
      %get3A_372 = arith.constant 256 : index
      %get3A_373 = tpu.vector_load %arg10[%get3A_371, %get3A_372] {strides = array<i32>} : memref<32x768xf32, #tpu.memory_space<vmem>>, vector<1x16xf32>,
      %get3A_374 = vector.shape_cast %get3A_373 : vector<1x16xf32> to vector<16xf32>
      %add3A_375 = arith.addf %get3A_370, %get3A_374 : vector<16xf32>
      %swap3A_376 = arith.index_cast %scan3A_144 : i32 to index
      %swap3A_377 = arith.constant 256 : index
      %swap3A_378 = tpu.vector_load %arg8[%swap3A_376, %swap3A_377] {strides = array<i32>} : memref<32x768xf32, #tpu.memory_space<vmem>>, vector<1x16xf32>,
      %swap3A_379 = vector.shape_cast %swap3A_378 : vector<1x16xf32> to vector<16xf32>
      %swap3A_380 = vector.shape_cast %add3A_375 : vector<16xf32> to vector<1x16xf32>
      tpu.vector_store %arg8[%swap3A_376, %swap3A_377], %swap3A_380 {strides = array<i32>} : memref<32x768xf32, #tpu.memory_space<vmem>>, vector<1x16xf32>,
      %get3A_381 = arith.index_cast %scan3A_144 : i32 to index
      %get3A_382 = arith.constant 272 : index
      %get3A_383 = tpu.vector_load %arg8[%get3A_381, %get3A_382] {strides = array<i32>} : memref<32x768xf32, #tpu.memory_space<vmem>>, vector<1x16xf32>,
      %get3A_384 = vector.shape_cast %get3A_383 : vector<1x16xf32> to vector<16xf32>
      %get3A_385 = arith.index_cast %scan3A_144 : i32 to index
      %get3A_386 = arith.constant 272 : index
      %get3A_387 = tpu.vector_load %arg10[%get3A_385, %get3A_386] {strides = array<i32>} : memref<32x768xf32, #tpu.memory_space<vmem>>, vector<1x16xf32>,
      %get3A_388 = vector.shape_cast %get3A_387 : vector<1x16xf32> to vector<16xf32>
      %add3A_389 = arith.addf %get3A_384, %get3A_388 : vector<16xf32>
      %swap3A_390 = arith.index_cast %scan3A_144 : i32 to index
      %swap3A_391 = arith.constant 272 : index
      %swap3A_392 = tpu.vector_load %arg8[%swap3A_390, %swap3A_391] {strides = array<i32>} : memref<32x768xf32, #tpu.memory_space<vmem>>, vector<1x16xf32>,
      %swap3A_393 = vector.shape_cast %swap3A_392 : vector<1x16xf32> to vector<16xf32>
      %swap3A_394 = vector.shape_cast %add3A_389 : vector<16xf32> to vector<1x16xf32>
      tpu.vector_store %arg8[%swap3A_390, %swap3A_391], %swap3A_394 {strides = array<i32>} : memref<32x768xf32, #tpu.memory_space<vmem>>, vector<1x16xf32>,
      %get3A_395 = arith.index_cast %scan3A_144 : i32 to index
      %get3A_396 = arith.constant 288 : index
      %get3A_397 = tpu.vector_load %arg8[%get3A_395, %get3A_396] {strides = array<i32>} : memref<32x768xf32, #tpu.memory_space<vmem>>, vector<1x16xf32>,
      %get3A_398 = vector.shape_cast %get3A_397 : vector<1x16xf32> to vector<16xf32>
      %get3A_399 = arith.index_cast %scan3A_144 : i32 to index
      %get3A_400 = arith.constant 288 : index
      %get3A_401 = tpu.vector_load %arg10[%get3A_399, %get3A_400] {strides = array<i32>} : memref<32x768xf32, #tpu.memory_space<vmem>>, vector<1x16xf32>,
      %get3A_402 = vector.shape_cast %get3A_401 : vector<1x16xf32> to vector<16xf32>
      %add3A_403 = arith.addf %get3A_398, %get3A_402 : vector<16xf32>
      %swap3A_404 = arith.index_cast %scan3A_144 : i32 to index
      %swap3A_405 = arith.constant 288 : index
      %swap3A_406 = tpu.vector_load %arg8[%swap3A_404, %swap3A_405] {strides = array<i32>} : memref<32x768xf32, #tpu.memory_space<vmem>>, vector<1x16xf32>,
      %swap3A_407 = vector.shape_cast %swap3A_406 : vector<1x16xf32> to vector<16xf32>
      %swap3A_408 = vector.shape_cast %add3A_403 : vector<16xf32> to vector<1x16xf32>
      tpu.vector_store %arg8[%swap3A_404, %swap3A_405], %swap3A_408 {strides = array<i32>} : memref<32x768xf32, #tpu.memory_space<vmem>>, vector<1x16xf32>,
      %get3A_409 = arith.index_cast %scan3A_144 : i32 to index
      %get3A_410 = arith.constant 304 : index
      %get3A_411 = tpu.vector_load %arg8[%get3A_409, %get3A_410] {strides = array<i32>} : memref<32x768xf32, #tpu.memory_space<vmem>>, vector<1x16xf32>,
      %get3A_412 = vector.shape_cast %get3A_411 : vector<1x16xf32> to vector<16xf32>
      %get3A_413 = arith.index_cast %scan3A_144 : i32 to index
      %get3A_414 = arith.constant 304 : index
      %get3A_415 = tpu.vector_load %arg10[%get3A_413, %get3A_414] {strides = array<i32>} : memref<32x768xf32, #tpu.memory_space<vmem>>, vector<1x16xf32>,
      %get3A_416 = vector.shape_cast %get3A_415 : vector<1x16xf32> to vector<16xf32>
      %add3A_417 = arith.addf %get3A_412, %get3A_416 : vector<16xf32>
      %swap3A_418 = arith.index_cast %scan3A_144 : i32 to index
      %swap3A_419 = arith.constant 304 : index
      %swap3A_420 = tpu.vector_load %arg8[%swap3A_418, %swap3A_419] {strides = array<i32>} : memref<32x768xf32, #tpu.memory_space<vmem>>, vector<1x16xf32>,
      %swap3A_421 = vector.shape_cast %swap3A_420 : vector<1x16xf32> to vector<16xf32>
      %swap3A_422 = vector.shape_cast %add3A_417 : vector<16xf32> to vector<1x16xf32>
      tpu.vector_store %arg8[%swap3A_418, %swap3A_419], %swap3A_422 {strides = array<i32>} : memref<32x768xf32, #tpu.memory_space<vmem>>, vector<1x16xf32>,
      %get3A_423 = arith.index_cast %scan3A_144 : i32 to index
      %get3A_424 = arith.constant 320 : index
      %get3A_425 = tpu.vector_load %arg8[%get3A_423, %get3A_424] {strides = array<i32>} : memref<32x768xf32, #tpu.memory_space<vmem>>, vector<1x16xf32>,
      %get3A_426 = vector.shape_cast %get3A_425 : vector<1x16xf32> to vector<16xf32>
      %get3A_427 = arith.index_cast %scan3A_144 : i32 to index
      %get3A_428 = arith.constant 320 : index
      %get3A_429 = tpu.vector_load %arg10[%get3A_427, %get3A_428] {strides = array<i32>} : memref<32x768xf32, #tpu.memory_space<vmem>>, vector<1x16xf32>,
      %get3A_430 = vector.shape_cast %get3A_429 : vector<1x16xf32> to vector<16xf32>
      %add3A_431 = arith.addf %get3A_426, %get3A_430 : vector<16xf32>
      %swap3A_432 = arith.index_cast %scan3A_144 : i32 to index
      %swap3A_433 = arith.constant 320 : index
      %swap3A_434 = tpu.vector_load %arg8[%swap3A_432, %swap3A_433] {strides = array<i32>} : memref<32x768xf32, #tpu.memory_space<vmem>>, vector<1x16xf32>,
      %swap3A_435 = vector.shape_cast %swap3A_434 : vector<1x16xf32> to vector<16xf32>
      %swap3A_436 = vector.shape_cast %add3A_431 : vector<16xf32> to vector<1x16xf32>
      tpu.vector_store %arg8[%swap3A_432, %swap3A_433], %swap3A_436 {strides = array<i32>} : memref<32x768xf32, #tpu.memory_space<vmem>>, vector<1x16xf32>,
      %get3A_437 = arith.index_cast %scan3A_144 : i32 to index
      %get3A_438 = arith.constant 336 : index
      %get3A_439 = tpu.vector_load %arg8[%get3A_437, %get3A_438] {strides = array<i32>} : memref<32x768xf32, #tpu.memory_space<vmem>>, vector<1x16xf32>,
      %get3A_440 = vector.shape_cast %get3A_439 : vector<1x16xf32> to vector<16xf32>
      %get3A_441 = arith.index_cast %scan3A_144 : i32 to index
      %get3A_442 = arith.constant 336 : index
      %get3A_443 = tpu.vector_load %arg10[%get3A_441, %get3A_442] {strides = array<i32>} : memref<32x768xf32, #tpu.memory_space<vmem>>, vector<1x16xf32>,
      %get3A_444 = vector.shape_cast %get3A_443 : vector<1x16xf32> to vector<16xf32>
      %add3A_445 = arith.addf %get3A_440, %get3A_444 : vector<16xf32>
      %swap3A_446 = arith.index_cast %scan3A_144 : i32 to index
      %swap3A_447 = arith.constant 336 : index
      %swap3A_448 = tpu.vector_load %arg8[%swap3A_446, %swap3A_447] {strides = array<i32>} : memref<32x768xf32, #tpu.memory_space<vmem>>, vector<1x16xf32>,
      %swap3A_449 = vector.shape_cast %swap3A_448 : vector<1x16xf32> to vector<16xf32>
      %swap3A_450 = vector.shape_cast %add3A_445 : vector<16xf32> to vector<1x16xf32>
      tpu.vector_store %arg8[%swap3A_446, %swap3A_447], %swap3A_450 {strides = array<i32>} : memref<32x768xf32, #tpu.memory_space<vmem>>, vector<1x16xf32>,
      %get3A_451 = arith.index_cast %scan3A_144 : i32 to index
      %get3A_452 = arith.constant 352 : index
      %get3A_453 = tpu.vector_load %arg8[%get3A_451, %get3A_452] {strides = array<i32>} : memref<32x768xf32, #tpu.memory_space<vmem>>, vector<1x16xf32>,
      %get3A_454 = vector.shape_cast %get3A_453 : vector<1x16xf32> to vector<16xf32>
      %get3A_455 = arith.index_cast %scan3A_144 : i32 to index
      %get3A_456 = arith.constant 352 : index
      %get3A_457 = tpu.vector_load %arg10[%get3A_455, %get3A_456] {strides = array<i32>} : memref<32x768xf32, #tpu.memory_space<vmem>>, vector<1x16xf32>,
      %get3A_458 = vector.shape_cast %get3A_457 : vector<1x16xf32> to vector<16xf32>
      %add3A_459 = arith.addf %get3A_454, %get3A_458 : vector<16xf32>
      %swap3A_460 = arith.index_cast %scan3A_144 : i32 to index
      %swap3A_461 = arith.constant 352 : index
      %swap3A_462 = tpu.vector_load %arg8[%swap3A_460, %swap3A_461] {strides = array<i32>} : memref<32x768xf32, #tpu.memory_space<vmem>>, vector<1x16xf32>,
      %swap3A_463 = vector.shape_cast %swap3A_462 : vector<1x16xf32> to vector<16xf32>
      %swap3A_464 = vector.shape_cast %add3A_459 : vector<16xf32> to vector<1x16xf32>
      tpu.vector_store %arg8[%swap3A_460, %swap3A_461], %swap3A_464 {strides = array<i32>} : memref<32x768xf32, #tpu.memory_space<vmem>>, vector<1x16xf32>,
      %get3A_465 = arith.index_cast %scan3A_144 : i32 to index
      %get3A_466 = arith.constant 368 : index
      %get3A_467 = tpu.vector_load %arg8[%get3A_465, %get3A_466] {strides = array<i32>} : memref<32x768xf32, #tpu.memory_space<vmem>>, vector<1x16xf32>,
      %get3A_468 = vector.shape_cast %get3A_467 : vector<1x16xf32> to vector<16xf32>
      %get3A_469 = arith.index_cast %scan3A_144 : i32 to index
      %get3A_470 = arith.constant 368 : index
      %get3A_471 = tpu.vector_load %arg10[%get3A_469, %get3A_470] {strides = array<i32>} : memref<32x768xf32, #tpu.memory_space<vmem>>, vector<1x16xf32>,
      %get3A_472 = vector.shape_cast %get3A_471 : vector<1x16xf32> to vector<16xf32>
      %add3A_473 = arith.addf %get3A_468, %get3A_472 : vector<16xf32>
      %swap3A_474 = arith.index_cast %scan3A_144 : i32 to index
      %swap3A_475 = arith.constant 368 : index
      %swap3A_476 = tpu.vector_load %arg8[%swap3A_474, %swap3A_475] {strides = array<i32>} : memref<32x768xf32, #tpu.memory_space<vmem>>, vector<1x16xf32>,
      %swap3A_477 = vector.shape_cast %swap3A_476 : vector<1x16xf32> to vector<16xf32>
      %swap3A_478 = vector.shape_cast %add3A_473 : vector<16xf32> to vector<1x16xf32>
      tpu.vector_store %arg8[%swap3A_474, %swap3A_475], %swap3A_478 {strides = array<i32>} : memref<32x768xf32, #tpu.memory_space<vmem>>, vector<1x16xf32>,
      %get3A_479 = arith.index_cast %scan3A_144 : i32 to index
      %get3A_480 = arith.constant 384 : index
      %get3A_481 = tpu.vector_load %arg8[%get3A_479, %get3A_480] {strides = array<i32>} : memref<32x768xf32, #tpu.memory_space<vmem>>, vector<1x16xf32>,
      %get3A_482 = vector.shape_cast %get3A_481 : vector<1x16xf32> to vector<16xf32>
      %get3A_483 = arith.index_cast %scan3A_144 : i32 to index
      %get3A_484 = arith.constant 384 : index
      %get3A_485 = tpu.vector_load %arg10[%get3A_483, %get3A_484] {strides = array<i32>} : memref<32x768xf32, #tpu.memory_space<vmem>>, vector<1x16xf32>,
      %get3A_486 = vector.shape_cast %get3A_485 : vector<1x16xf32> to vector<16xf32>
      %add3A_487 = arith.addf %get3A_482, %get3A_486 : vector<16xf32>
      %swap3A_488 = arith.index_cast %scan3A_144 : i32 to index
      %swap3A_489 = arith.constant 384 : index
      %swap3A_490 = tpu.vector_load %arg8[%swap3A_488, %swap3A_489] {strides = array<i32>} : memref<32x768xf32, #tpu.memory_space<vmem>>, vector<1x16xf32>,
      %swap3A_491 = vector.shape_cast %swap3A_490 : vector<1x16xf32> to vector<16xf32>
      %swap3A_492 = vector.shape_cast %add3A_487 : vector<16xf32> to vector<1x16xf32>
      tpu.vector_store %arg8[%swap3A_488, %swap3A_489], %swap3A_492 {strides = array<i32>} : memref<32x768xf32, #tpu.memory_space<vmem>>, vector<1x16xf32>,
      %get3A_493 = arith.index_cast %scan3A_144 : i32 to index
      %get3A_494 = arith.constant 400 : index
      %get3A_495 = tpu.vector_load %arg8[%get3A_493, %get3A_494] {strides = array<i32>} : memref<32x768xf32, #tpu.memory_space<vmem>>, vector<1x16xf32>,
      %get3A_496 = vector.shape_cast %get3A_495 : vector<1x16xf32> to vector<16xf32>
      %get3A_497 = arith.index_cast %scan3A_144 : i32 to index
      %get3A_498 = arith.constant 400 : index
      %get3A_499 = tpu.vector_load %arg10[%get3A_497, %get3A_498] {strides = array<i32>} : memref<32x768xf32, #tpu.memory_space<vmem>>, vector<1x16xf32>,
      %get3A_500 = vector.shape_cast %get3A_499 : vector<1x16xf32> to vector<16xf32>
      %add3A_501 = arith.addf %get3A_496, %get3A_500 : vector<16xf32>
      %swap3A_502 = arith.index_cast %scan3A_144 : i32 to index
      %swap3A_503 = arith.constant 400 : index
      %swap3A_504 = tpu.vector_load %arg8[%swap3A_502, %swap3A_503] {strides = array<i32>} : memref<32x768xf32, #tpu.memory_space<vmem>>, vector<1x16xf32>,
      %swap3A_505 = vector.shape_cast %swap3A_504 : vector<1x16xf32> to vector<16xf32>
      %swap3A_506 = vector.shape_cast %add3A_501 : vector<16xf32> to vector<1x16xf32>
      tpu.vector_store %arg8[%swap3A_502, %swap3A_503], %swap3A_506 {strides = array<i32>} : memref<32x768xf32, #tpu.memory_space<vmem>>, vector<1x16xf32>,
      %get3A_507 = arith.index_cast %scan3A_144 : i32 to index
      %get3A_508 = arith.constant 416 : index
      %get3A_509 = tpu.vector_load %arg8[%get3A_507, %get3A_508] {strides = array<i32>} : memref<32x768xf32, #tpu.memory_space<vmem>>, vector<1x16xf32>,
      %get3A_510 = vector.shape_cast %get3A_509 : vector<1x16xf32> to vector<16xf32>
      %get3A_511 = arith.index_cast %scan3A_144 : i32 to index
      %get3A_512 = arith.constant 416 : index
      %get3A_513 = tpu.vector_load %arg10[%get3A_511, %get3A_512] {strides = array<i32>} : memref<32x768xf32, #tpu.memory_space<vmem>>, vector<1x16xf32>,
      %get3A_514 = vector.shape_cast %get3A_513 : vector<1x16xf32> to vector<16xf32>
      %add3A_515 = arith.addf %get3A_510, %get3A_514 : vector<16xf32>
      %swap3A_516 = arith.index_cast %scan3A_144 : i32 to index
      %swap3A_517 = arith.constant 416 : index
      %swap3A_518 = tpu.vector_load %arg8[%swap3A_516, %swap3A_517] {strides = array<i32>} : memref<32x768xf32, #tpu.memory_space<vmem>>, vector<1x16xf32>,
      %swap3A_519 = vector.shape_cast %swap3A_518 : vector<1x16xf32> to vector<16xf32>
      %swap3A_520 = vector.shape_cast %add3A_515 : vector<16xf32> to vector<1x16xf32>
      tpu.vector_store %arg8[%swap3A_516, %swap3A_517], %swap3A_520 {strides = array<i32>} : memref<32x768xf32, #tpu.memory_space<vmem>>, vector<1x16xf32>,
      %get3A_521 = arith.index_cast %scan3A_144 : i32 to index
      %get3A_522 = arith.constant 432 : index
      %get3A_523 = tpu.vector_load %arg8[%get3A_521, %get3A_522] {strides = array<i32>} : memref<32x768xf32, #tpu.memory_space<vmem>>, vector<1x16xf32>,
      %get3A_524 = vector.shape_cast %get3A_523 : vector<1x16xf32> to vector<16xf32>
      %get3A_525 = arith.index_cast %scan3A_144 : i32 to index
      %get3A_526 = arith.constant 432 : index
      %get3A_527 = tpu.vector_load %arg10[%get3A_525, %get3A_526] {strides = array<i32>} : memref<32x768xf32, #tpu.memory_space<vmem>>, vector<1x16xf32>,
      %get3A_528 = vector.shape_cast %get3A_527 : vector<1x16xf32> to vector<16xf32>
      %add3A_529 = arith.addf %get3A_524, %get3A_528 : vector<16xf32>
      %swap3A_530 = arith.index_cast %scan3A_144 : i32 to index
      %swap3A_531 = arith.constant 432 : index
      %swap3A_532 = tpu.vector_load %arg8[%swap3A_530, %swap3A_531] {strides = array<i32>} : memref<32x768xf32, #tpu.memory_space<vmem>>, vector<1x16xf32>,
      %swap3A_533 = vector.shape_cast %swap3A_532 : vector<1x16xf32> to vector<16xf32>
      %swap3A_534 = vector.shape_cast %add3A_529 : vector<16xf32> to vector<1x16xf32>
      tpu.vector_store %arg8[%swap3A_530, %swap3A_531], %swap3A_534 {strides = array<i32>} : memref<32x768xf32, #tpu.memory_space<vmem>>, vector<1x16xf32>,
      %get3A_535 = arith.index_cast %scan3A_144 : i32 to index
      %get3A_536 = arith.constant 448 : index
      %get3A_537 = tpu.vector_load %arg8[%get3A_535, %get3A_536] {strides = array<i32>} : memref<32x768xf32, #tpu.memory_space<vmem>>, vector<1x16xf32>,
      %get3A_538 = vector.shape_cast %get3A_537 : vector<1x16xf32> to vector<16xf32>
      %get3A_539 = arith.index_cast %scan3A_144 : i32 to index
      %get3A_540 = arith.constant 448 : index
      %get3A_541 = tpu.vector_load %arg10[%get3A_539, %get3A_540] {strides = array<i32>} : memref<32x768xf32, #tpu.memory_space<vmem>>, vector<1x16xf32>,
      %get3A_542 = vector.shape_cast %get3A_541 : vector<1x16xf32> to vector<16xf32>
      %add3A_543 = arith.addf %get3A_538, %get3A_542 : vector<16xf32>
      %swap3A_544 = arith.index_cast %scan3A_144 : i32 to index
      %swap3A_545 = arith.constant 448 : index
      %swap3A_546 = tpu.vector_load %arg8[%swap3A_544, %swap3A_545] {strides = array<i32>} : memref<32x768xf32, #tpu.memory_space<vmem>>, vector<1x16xf32>,
      %swap3A_547 = vector.shape_cast %swap3A_546 : vector<1x16xf32> to vector<16xf32>
      %swap3A_548 = vector.shape_cast %add3A_543 : vector<16xf32> to vector<1x16xf32>
      tpu.vector_store %arg8[%swap3A_544, %swap3A_545], %swap3A_548 {strides = array<i32>} : memref<32x768xf32, #tpu.memory_space<vmem>>, vector<1x16xf32>,
      %get3A_549 = arith.index_cast %scan3A_144 : i32 to index
      %get3A_550 = arith.constant 464 : index
      %get3A_551 = tpu.vector_load %arg8[%get3A_549, %get3A_550] {strides = array<i32>} : memref<32x768xf32, #tpu.memory_space<vmem>>, vector<1x16xf32>,
      %get3A_552 = vector.shape_cast %get3A_551 : vector<1x16xf32> to vector<16xf32>
      %get3A_553 = arith.index_cast %scan3A_144 : i32 to index
      %get3A_554 = arith.constant 464 : index
      %get3A_555 = tpu.vector_load %arg10[%get3A_553, %get3A_554] {strides = array<i32>} : memref<32x768xf32, #tpu.memory_space<vmem>>, vector<1x16xf32>,
      %get3A_556 = vector.shape_cast %get3A_555 : vector<1x16xf32> to vector<16xf32>
      %add3A_557 = arith.addf %get3A_552, %get3A_556 : vector<16xf32>
      %swap3A_558 = arith.index_cast %scan3A_144 : i32 to index
      %swap3A_559 = arith.constant 464 : index
      %swap3A_560 = tpu.vector_load %arg8[%swap3A_558, %swap3A_559] {strides = array<i32>} : memref<32x768xf32, #tpu.memory_space<vmem>>, vector<1x16xf32>,
      %swap3A_561 = vector.shape_cast %swap3A_560 : vector<1x16xf32> to vector<16xf32>
      %swap3A_562 = vector.shape_cast %add3A_557 : vector<16xf32> to vector<1x16xf32>
      tpu.vector_store %arg8[%swap3A_558, %swap3A_559], %swap3A_562 {strides = array<i32>} : memref<32x768xf32, #tpu.memory_space<vmem>>, vector<1x16xf32>,
      %get3A_563 = arith.index_cast %scan3A_144 : i32 to index
      %get3A_564 = arith.constant 480 : index
      %get3A_565 = tpu.vector_load %arg8[%get3A_563, %get3A_564] {strides = array<i32>} : memref<32x768xf32, #tpu.memory_space<vmem>>, vector<1x16xf32>,
      %get3A_566 = vector.shape_cast %get3A_565 : vector<1x16xf32> to vector<16xf32>
      %get3A_567 = arith.index_cast %scan3A_144 : i32 to index
      %get3A_568 = arith.constant 480 : index
      %get3A_569 = tpu.vector_load %arg10[%get3A_567, %get3A_568] {strides = array<i32>} : memref<32x768xf32, #tpu.memory_space<vmem>>, vector<1x16xf32>,
      %get3A_570 = vector.shape_cast %get3A_569 : vector<1x16xf32> to vector<16xf32>
      %add3A_571 = arith.addf %get3A_566, %get3A_570 : vector<16xf32>
      %swap3A_572 = arith.index_cast %scan3A_144 : i32 to index
      %swap3A_573 = arith.constant 480 : index
      %swap3A_574 = tpu.vector_load %arg8[%swap3A_572, %swap3A_573] {strides = array<i32>} : memref<32x768xf32, #tpu.memory_space<vmem>>, vector<1x16xf32>,
      %swap3A_575 = vector.shape_cast %swap3A_574 : vector<1x16xf32> to vector<16xf32>
      %swap3A_576 = vector.shape_cast %add3A_571 : vector<16xf32> to vector<1x16xf32>
      tpu.vector_store %arg8[%swap3A_572, %swap3A_573], %swap3A_576 {strides = array<i32>} : memref<32x768xf32, #tpu.memory_space<vmem>>, vector<1x16xf32>,
      %get3A_577 = arith.index_cast %scan3A_144 : i32 to index
      %get3A_578 = arith.constant 496 : index
      %get3A_579 = tpu.vector_load %arg8[%get3A_577, %get3A_578] {strides = array<i32>} : memref<32x768xf32, #tpu.memory_space<vmem>>, vector<1x16xf32>,
      %get3A_580 = vector.shape_cast %get3A_579 : vector<1x16xf32> to vector<16xf32>
      %get3A_581 = arith.index_cast %scan3A_144 : i32 to index
      %get3A_582 = arith.constant 496 : index
      %get3A_583 = tpu.vector_load %arg10[%get3A_581, %get3A_582] {strides = array<i32>} : memref<32x768xf32, #tpu.memory_space<vmem>>, vector<1x16xf32>,
      %get3A_584 = vector.shape_cast %get3A_583 : vector<1x16xf32> to vector<16xf32>
      %add3A_585 = arith.addf %get3A_580, %get3A_584 : vector<16xf32>
      %swap3A_586 = arith.index_cast %scan3A_144 : i32 to index
      %swap3A_587 = arith.constant 496 : index
      %swap3A_588 = tpu.vector_load %arg8[%swap3A_586, %swap3A_587] {strides = array<i32>} : memref<32x768xf32, #tpu.memory_space<vmem>>, vector<1x16xf32>,
      %swap3A_589 = vector.shape_cast %swap3A_588 : vector<1x16xf32> to vector<16xf32>
      %swap3A_590 = vector.shape_cast %add3A_585 : vector<16xf32> to vector<1x16xf32>
      tpu.vector_store %arg8[%swap3A_586, %swap3A_587], %swap3A_590 {strides = array<i32>} : memref<32x768xf32, #tpu.memory_space<vmem>>, vector<1x16xf32>,
      %get3A_591 = arith.index_cast %scan3A_144 : i32 to index
      %get3A_592 = arith.constant 512 : index
      %get3A_593 = tpu.vector_load %arg8[%get3A_591, %get3A_592] {strides = array<i32>} : memref<32x768xf32, #tpu.memory_space<vmem>>, vector<1x16xf32>,
      %get3A_594 = vector.shape_cast %get3A_593 : vector<1x16xf32> to vector<16xf32>
      %get3A_595 = arith.index_cast %scan3A_144 : i32 to index
      %get3A_596 = arith.constant 512 : index
      %get3A_597 = tpu.vector_load %arg10[%get3A_595, %get3A_596] {strides = array<i32>} : memref<32x768xf32, #tpu.memory_space<vmem>>, vector<1x16xf32>,
      %get3A_598 = vector.shape_cast %get3A_597 : vector<1x16xf32> to vector<16xf32>
      %add3A_599 = arith.addf %get3A_594, %get3A_598 : vector<16xf32>
      %swap3A_600 = arith.index_cast %scan3A_144 : i32 to index
      %swap3A_601 = arith.constant 512 : index
      %swap3A_602 = tpu.vector_load %arg8[%swap3A_600, %swap3A_601] {strides = array<i32>} : memref<32x768xf32, #tpu.memory_space<vmem>>, vector<1x16xf32>,
      %swap3A_603 = vector.shape_cast %swap3A_602 : vector<1x16xf32> to vector<16xf32>
      %swap3A_604 = vector.shape_cast %add3A_599 : vector<16xf32> to vector<1x16xf32>
      tpu.vector_store %arg8[%swap3A_600, %swap3A_601], %swap3A_604 {strides = array<i32>} : memref<32x768xf32, #tpu.memory_space<vmem>>, vector<1x16xf32>,
      %get3A_605 = arith.index_cast %scan3A_144 : i32 to index
      %get3A_606 = arith.constant 528 : index
      %get3A_607 = tpu.vector_load %arg8[%get3A_605, %get3A_606] {strides = array<i32>} : memref<32x768xf32, #tpu.memory_space<vmem>>, vector<1x16xf32>,
      %get3A_608 = vector.shape_cast %get3A_607 : vector<1x16xf32> to vector<16xf32>
      %get3A_609 = arith.index_cast %scan3A_144 : i32 to index
      %get3A_610 = arith.constant 528 : index
      %get3A_611 = tpu.vector_load %arg10[%get3A_609, %get3A_610] {strides = array<i32>} : memref<32x768xf32, #tpu.memory_space<vmem>>, vector<1x16xf32>,
      %get3A_612 = vector.shape_cast %get3A_611 : vector<1x16xf32> to vector<16xf32>
      %add3A_613 = arith.addf %get3A_608, %get3A_612 : vector<16xf32>
      %swap3A_614 = arith.index_cast %scan3A_144 : i32 to index
      %swap3A_615 = arith.constant 528 : index
      %swap3A_616 = tpu.vector_load %arg8[%swap3A_614, %swap3A_615] {strides = array<i32>} : memref<32x768xf32, #tpu.memory_space<vmem>>, vector<1x16xf32>,
      %swap3A_617 = vector.shape_cast %swap3A_616 : vector<1x16xf32> to vector<16xf32>
      %swap3A_618 = vector.shape_cast %add3A_613 : vector<16xf32> to vector<1x16xf32>
      tpu.vector_store %arg8[%swap3A_614, %swap3A_615], %swap3A_618 {strides = array<i32>} : memref<32x768xf32, #tpu.memory_space<vmem>>, vector<1x16xf32>,
      %get3A_619 = arith.index_cast %scan3A_144 : i32 to index
      %get3A_620 = arith.constant 544 : index
      %get3A_621 = tpu.vector_load %arg8[%get3A_619, %get3A_620] {strides = array<i32>} : memref<32x768xf32, #tpu.memory_space<vmem>>, vector<1x16xf32>,
      %get3A_622 = vector.shape_cast %get3A_621 : vector<1x16xf32> to vector<16xf32>
      %get3A_623 = arith.index_cast %scan3A_144 : i32 to index
      %get3A_624 = arith.constant 544 : index
      %get3A_625 = tpu.vector_load %arg10[%get3A_623, %get3A_624] {strides = array<i32>} : memref<32x768xf32, #tpu.memory_space<vmem>>, vector<1x16xf32>,
      %get3A_626 = vector.shape_cast %get3A_625 : vector<1x16xf32> to vector<16xf32>
      %add3A_627 = arith.addf %get3A_622, %get3A_626 : vector<16xf32>
      %swap3A_628 = arith.index_cast %scan3A_144 : i32 to index
      %swap3A_629 = arith.constant 544 : index
      %swap3A_630 = tpu.vector_load %arg8[%swap3A_628, %swap3A_629] {strides = array<i32>} : memref<32x768xf32, #tpu.memory_space<vmem>>, vector<1x16xf32>,
      %swap3A_631 = vector.shape_cast %swap3A_630 : vector<1x16xf32> to vector<16xf32>
      %swap3A_632 = vector.shape_cast %add3A_627 : vector<16xf32> to vector<1x16xf32>
      tpu.vector_store %arg8[%swap3A_628, %swap3A_629], %swap3A_632 {strides = array<i32>} : memref<32x768xf32, #tpu.memory_space<vmem>>, vector<1x16xf32>,
      %get3A_633 = arith.index_cast %scan3A_144 : i32 to index
      %get3A_634 = arith.constant 560 : index
      %get3A_635 = tpu.vector_load %arg8[%get3A_633, %get3A_634] {strides = array<i32>} : memref<32x768xf32, #tpu.memory_space<vmem>>, vector<1x16xf32>,
      %get3A_636 = vector.shape_cast %get3A_635 : vector<1x16xf32> to vector<16xf32>
      %get3A_637 = arith.index_cast %scan3A_144 : i32 to index
      %get3A_638 = arith.constant 560 : index
      %get3A_639 = tpu.vector_load %arg10[%get3A_637, %get3A_638] {strides = array<i32>} : memref<32x768xf32, #tpu.memory_space<vmem>>, vector<1x16xf32>,
      %get3A_640 = vector.shape_cast %get3A_639 : vector<1x16xf32> to vector<16xf32>
      %add3A_641 = arith.addf %get3A_636, %get3A_640 : vector<16xf32>
      %swap3A_642 = arith.index_cast %scan3A_144 : i32 to index
      %swap3A_643 = arith.constant 560 : index
      %swap3A_644 = tpu.vector_load %arg8[%swap3A_642, %swap3A_643] {strides = array<i32>} : memref<32x768xf32, #tpu.memory_space<vmem>>, vector<1x16xf32>,
      %swap3A_645 = vector.shape_cast %swap3A_644 : vector<1x16xf32> to vector<16xf32>
      %swap3A_646 = vector.shape_cast %add3A_641 : vector<16xf32> to vector<1x16xf32>
      tpu.vector_store %arg8[%swap3A_642, %swap3A_643], %swap3A_646 {strides = array<i32>} : memref<32x768xf32, #tpu.memory_space<vmem>>, vector<1x16xf32>,
      %get3A_647 = arith.index_cast %scan3A_144 : i32 to index
      %get3A_648 = arith.constant 576 : index
      %get3A_649 = tpu.vector_load %arg8[%get3A_647, %get3A_648] {strides = array<i32>} : memref<32x768xf32, #tpu.memory_space<vmem>>, vector<1x16xf32>,
      %get3A_650 = vector.shape_cast %get3A_649 : vector<1x16xf32> to vector<16xf32>
      %get3A_651 = arith.index_cast %scan3A_144 : i32 to index
      %get3A_652 = arith.constant 576 : index
      %get3A_653 = tpu.vector_load %arg10[%get3A_651, %get3A_652] {strides = array<i32>} : memref<32x768xf32, #tpu.memory_space<vmem>>, vector<1x16xf32>,
      %get3A_654 = vector.shape_cast %get3A_653 : vector<1x16xf32> to vector<16xf32>
      %add3A_655 = arith.addf %get3A_650, %get3A_654 : vector<16xf32>
      %swap3A_656 = arith.index_cast %scan3A_144 : i32 to index
      %swap3A_657 = arith.constant 576 : index
      %swap3A_658 = tpu.vector_load %arg8[%swap3A_656, %swap3A_657] {strides = array<i32>} : memref<32x768xf32, #tpu.memory_space<vmem>>, vector<1x16xf32>,
      %swap3A_659 = vector.shape_cast %swap3A_658 : vector<1x16xf32> to vector<16xf32>
      %swap3A_660 = vector.shape_cast %add3A_655 : vector<16xf32> to vector<1x16xf32>
      tpu.vector_store %arg8[%swap3A_656, %swap3A_657], %swap3A_660 {strides = array<i32>} : memref<32x768xf32, #tpu.memory_space<vmem>>, vector<1x16xf32>,
      %get3A_661 = arith.index_cast %scan3A_144 : i32 to index
      %get3A_662 = arith.constant 592 : index
      %get3A_663 = tpu.vector_load %arg8[%get3A_661, %get3A_662] {strides = array<i32>} : memref<32x768xf32, #tpu.memory_space<vmem>>, vector<1x16xf32>,
      %get3A_664 = vector.shape_cast %get3A_663 : vector<1x16xf32> to vector<16xf32>
      %get3A_665 = arith.index_cast %scan3A_144 : i32 to index
      %get3A_666 = arith.constant 592 : index
      %get3A_667 = tpu.vector_load %arg10[%get3A_665, %get3A_666] {strides = array<i32>} : memref<32x768xf32, #tpu.memory_space<vmem>>, vector<1x16xf32>,
      %get3A_668 = vector.shape_cast %get3A_667 : vector<1x16xf32> to vector<16xf32>
      %add3A_669 = arith.addf %get3A_664, %get3A_668 : vector<16xf32>
      %swap3A_670 = arith.index_cast %scan3A_144 : i32 to index
      %swap3A_671 = arith.constant 592 : index
      %swap3A_672 = tpu.vector_load %arg8[%swap3A_670, %swap3A_671] {strides = array<i32>} : memref<32x768xf32, #tpu.memory_space<vmem>>, vector<1x16xf32>,
      %swap3A_673 = vector.shape_cast %swap3A_672 : vector<1x16xf32> to vector<16xf32>
      %swap3A_674 = vector.shape_cast %add3A_669 : vector<16xf32> to vector<1x16xf32>
      tpu.vector_store %arg8[%swap3A_670, %swap3A_671], %swap3A_674 {strides = array<i32>} : memref<32x768xf32, #tpu.memory_space<vmem>>, vector<1x16xf32>,
      %get3A_675 = arith.index_cast %scan3A_144 : i32 to index
      %get3A_676 = arith.constant 608 : index
      %get3A_677 = tpu.vector_load %arg8[%get3A_675, %get3A_676] {strides = array<i32>} : memref<32x768xf32, #tpu.memory_space<vmem>>, vector<1x16xf32>,
      %get3A_678 = vector.shape_cast %get3A_677 : vector<1x16xf32> to vector<16xf32>
      %get3A_679 = arith.index_cast %scan3A_144 : i32 to index
      %get3A_680 = arith.constant 608 : index
      %get3A_681 = tpu.vector_load %arg10[%get3A_679, %get3A_680] {strides = array<i32>} : memref<32x768xf32, #tpu.memory_space<vmem>>, vector<1x16xf32>,
      %get3A_682 = vector.shape_cast %get3A_681 : vector<1x16xf32> to vector<16xf32>
      %add3A_683 = arith.addf %get3A_678, %get3A_682 : vector<16xf32>
      %swap3A_684 = arith.index_cast %scan3A_144 : i32 to index
      %swap3A_685 = arith.constant 608 : index
      %swap3A_686 = tpu.vector_load %arg8[%swap3A_684, %swap3A_685] {strides = array<i32>} : memref<32x768xf32, #tpu.memory_space<vmem>>, vector<1x16xf32>,
      %swap3A_687 = vector.shape_cast %swap3A_686 : vector<1x16xf32> to vector<16xf32>
      %swap3A_688 = vector.shape_cast %add3A_683 : vector<16xf32> to vector<1x16xf32>
      tpu.vector_store %arg8[%swap3A_684, %swap3A_685], %swap3A_688 {strides = array<i32>} : memref<32x768xf32, #tpu.memory_space<vmem>>, vector<1x16xf32>,
      %get3A_689 = arith.index_cast %scan3A_144 : i32 to index
      %get3A_690 = arith.constant 624 : index
      %get3A_691 = tpu.vector_load %arg8[%get3A_689, %get3A_690] {strides = array<i32>} : memref<32x768xf32, #tpu.memory_space<vmem>>, vector<1x16xf32>,
      %get3A_692 = vector.shape_cast %get3A_691 : vector<1x16xf32> to vector<16xf32>
      %get3A_693 = arith.index_cast %scan3A_144 : i32 to index
      %get3A_694 = arith.constant 624 : index
      %get3A_695 = tpu.vector_load %arg10[%get3A_693, %get3A_694] {strides = array<i32>} : memref<32x768xf32, #tpu.memory_space<vmem>>, vector<1x16xf32>,
      %get3A_696 = vector.shape_cast %get3A_695 : vector<1x16xf32> to vector<16xf32>
      %add3A_697 = arith.addf %get3A_692, %get3A_696 : vector<16xf32>
      %swap3A_698 = arith.index_cast %scan3A_144 : i32 to index
      %swap3A_699 = arith.constant 624 : index
      %swap3A_700 = tpu.vector_load %arg8[%swap3A_698, %swap3A_699] {strides = array<i32>} : memref<32x768xf32, #tpu.memory_space<vmem>>, vector<1x16xf32>,
      %swap3A_701 = vector.shape_cast %swap3A_700 : vector<1x16xf32> to vector<16xf32>
      %swap3A_702 = vector.shape_cast %add3A_697 : vector<16xf32> to vector<1x16xf32>
      tpu.vector_store %arg8[%swap3A_698, %swap3A_699], %swap3A_702 {strides = array<i32>} : memref<32x768xf32, #tpu.memory_space<vmem>>, vector<1x16xf32>,
      %get3A_703 = arith.index_cast %scan3A_144 : i32 to index
      %get3A_704 = arith.constant 640 : index
      %get3A_705 = tpu.vector_load %arg8[%get3A_703, %get3A_704] {strides = array<i32>} : memref<32x768xf32, #tpu.memory_space<vmem>>, vector<1x16xf32>,
      %get3A_706 = vector.shape_cast %get3A_705 : vector<1x16xf32> to vector<16xf32>
      %get3A_707 = arith.index_cast %scan3A_144 : i32 to index
      %get3A_708 = arith.constant 640 : index
      %get3A_709 = tpu.vector_load %arg10[%get3A_707, %get3A_708] {strides = array<i32>} : memref<32x768xf32, #tpu.memory_space<vmem>>, vector<1x16xf32>,
      %get3A_710 = vector.shape_cast %get3A_709 : vector<1x16xf32> to vector<16xf32>
      %add3A_711 = arith.addf %get3A_706, %get3A_710 : vector<16xf32>
      %swap3A_712 = arith.index_cast %scan3A_144 : i32 to index
      %swap3A_713 = arith.constant 640 : index
      %swap3A_714 = tpu.vector_load %arg8[%swap3A_712, %swap3A_713] {strides = array<i32>} : memref<32x768xf32, #tpu.memory_space<vmem>>, vector<1x16xf32>,
      %swap3A_715 = vector.shape_cast %swap3A_714 : vector<1x16xf32> to vector<16xf32>
      %swap3A_716 = vector.shape_cast %add3A_711 : vector<16xf32> to vector<1x16xf32>
      tpu.vector_store %arg8[%swap3A_712, %swap3A_713], %swap3A_716 {strides = array<i32>} : memref<32x768xf32, #tpu.memory_space<vmem>>, vector<1x16xf32>,
      %get3A_717 = arith.index_cast %scan3A_144 : i32 to index
      %get3A_718 = arith.constant 656 : index
      %get3A_719 = tpu.vector_load %arg8[%get3A_717, %get3A_718] {strides = array<i32>} : memref<32x768xf32, #tpu.memory_space<vmem>>, vector<1x16xf32>,
      %get3A_720 = vector.shape_cast %get3A_719 : vector<1x16xf32> to vector<16xf32>
      %get3A_721 = arith.index_cast %scan3A_144 : i32 to index
      %get3A_722 = arith.constant 656 : index
      %get3A_723 = tpu.vector_load %arg10[%get3A_721, %get3A_722] {strides = array<i32>} : memref<32x768xf32, #tpu.memory_space<vmem>>, vector<1x16xf32>,
      %get3A_724 = vector.shape_cast %get3A_723 : vector<1x16xf32> to vector<16xf32>
      %add3A_725 = arith.addf %get3A_720, %get3A_724 : vector<16xf32>
      %swap3A_726 = arith.index_cast %scan3A_144 : i32 to index
      %swap3A_727 = arith.constant 656 : index
      %swap3A_728 = tpu.vector_load %arg8[%swap3A_726, %swap3A_727] {strides = array<i32>} : memref<32x768xf32, #tpu.memory_space<vmem>>, vector<1x16xf32>,
      %swap3A_729 = vector.shape_cast %swap3A_728 : vector<1x16xf32> to vector<16xf32>
      %swap3A_730 = vector.shape_cast %add3A_725 : vector<16xf32> to vector<1x16xf32>
      tpu.vector_store %arg8[%swap3A_726, %swap3A_727], %swap3A_730 {strides = array<i32>} : memref<32x768xf32, #tpu.memory_space<vmem>>, vector<1x16xf32>,
      %get3A_731 = arith.index_cast %scan3A_144 : i32 to index
      %get3A_732 = arith.constant 672 : index
      %get3A_733 = tpu.vector_load %arg8[%get3A_731, %get3A_732] {strides = array<i32>} : memref<32x768xf32, #tpu.memory_space<vmem>>, vector<1x16xf32>,
      %get3A_734 = vector.shape_cast %get3A_733 : vector<1x16xf32> to vector<16xf32>
      %get3A_735 = arith.index_cast %scan3A_144 : i32 to index
      %get3A_736 = arith.constant 672 : index
      %get3A_737 = tpu.vector_load %arg10[%get3A_735, %get3A_736] {strides = array<i32>} : memref<32x768xf32, #tpu.memory_space<vmem>>, vector<1x16xf32>,
      %get3A_738 = vector.shape_cast %get3A_737 : vector<1x16xf32> to vector<16xf32>
      %add3A_739 = arith.addf %get3A_734, %get3A_738 : vector<16xf32>
      %swap3A_740 = arith.index_cast %scan3A_144 : i32 to index
      %swap3A_741 = arith.constant 672 : index
      %swap3A_742 = tpu.vector_load %arg8[%swap3A_740, %swap3A_741] {strides = array<i32>} : memref<32x768xf32, #tpu.memory_space<vmem>>, vector<1x16xf32>,
      %swap3A_743 = vector.shape_cast %swap3A_742 : vector<1x16xf32> to vector<16xf32>
      %swap3A_744 = vector.shape_cast %add3A_739 : vector<16xf32> to vector<1x16xf32>
      tpu.vector_store %arg8[%swap3A_740, %swap3A_741], %swap3A_744 {strides = array<i32>} : memref<32x768xf32, #tpu.memory_space<vmem>>, vector<1x16xf32>,
      %get3A_745 = arith.index_cast %scan3A_144 : i32 to index
      %get3A_746 = arith.constant 688 : index
      %get3A_747 = tpu.vector_load %arg8[%get3A_745, %get3A_746] {strides = array<i32>} : memref<32x768xf32, #tpu.memory_space<vmem>>, vector<1x16xf32>,
      %get3A_748 = vector.shape_cast %get3A_747 : vector<1x16xf32> to vector<16xf32>
      %get3A_749 = arith.index_cast %scan3A_144 : i32 to index
      %get3A_750 = arith.constant 688 : index
      %get3A_751 = tpu.vector_load %arg10[%get3A_749, %get3A_750] {strides = array<i32>} : memref<32x768xf32, #tpu.memory_space<vmem>>, vector<1x16xf32>,
      %get3A_752 = vector.shape_cast %get3A_751 : vector<1x16xf32> to vector<16xf32>
      %add3A_753 = arith.addf %get3A_748, %get3A_752 : vector<16xf32>
      %swap3A_754 = arith.index_cast %scan3A_144 : i32 to index
      %swap3A_755 = arith.constant 688 : index
      %swap3A_756 = tpu.vector_load %arg8[%swap3A_754, %swap3A_755] {strides = array<i32>} : memref<32x768xf32, #tpu.memory_space<vmem>>, vector<1x16xf32>,
      %swap3A_757 = vector.shape_cast %swap3A_756 : vector<1x16xf32> to vector<16xf32>
      %swap3A_758 = vector.shape_cast %add3A_753 : vector<16xf32> to vector<1x16xf32>
      tpu.vector_store %arg8[%swap3A_754, %swap3A_755], %swap3A_758 {strides = array<i32>} : memref<32x768xf32, #tpu.memory_space<vmem>>, vector<1x16xf32>,
      %get3A_759 = arith.index_cast %scan3A_144 : i32 to index
      %get3A_760 = arith.constant 704 : index
      %get3A_761 = tpu.vector_load %arg8[%get3A_759, %get3A_760] {strides = array<i32>} : memref<32x768xf32, #tpu.memory_space<vmem>>, vector<1x16xf32>,
      %get3A_762 = vector.shape_cast %get3A_761 : vector<1x16xf32> to vector<16xf32>
      %get3A_763 = arith.index_cast %scan3A_144 : i32 to index
      %get3A_764 = arith.constant 704 : index
      %get3A_765 = tpu.vector_load %arg10[%get3A_763, %get3A_764] {strides = array<i32>} : memref<32x768xf32, #tpu.memory_space<vmem>>, vector<1x16xf32>,
      %get3A_766 = vector.shape_cast %get3A_765 : vector<1x16xf32> to vector<16xf32>
      %add3A_767 = arith.addf %get3A_762, %get3A_766 : vector<16xf32>
      %swap3A_768 = arith.index_cast %scan3A_144 : i32 to index
      %swap3A_769 = arith.constant 704 : index
      %swap3A_770 = tpu.vector_load %arg8[%swap3A_768, %swap3A_769] {strides = array<i32>} : memref<32x768xf32, #tpu.memory_space<vmem>>, vector<1x16xf32>,
      %swap3A_771 = vector.shape_cast %swap3A_770 : vector<1x16xf32> to vector<16xf32>
      %swap3A_772 = vector.shape_cast %add3A_767 : vector<16xf32> to vector<1x16xf32>
      tpu.vector_store %arg8[%swap3A_768, %swap3A_769], %swap3A_772 {strides = array<i32>} : memref<32x768xf32, #tpu.memory_space<vmem>>, vector<1x16xf32>,
      %get3A_773 = arith.index_cast %scan3A_144 : i32 to index
      %get3A_774 = arith.constant 720 : index
      %get3A_775 = tpu.vector_load %arg8[%get3A_773, %get3A_774] {strides = array<i32>} : memref<32x768xf32, #tpu.memory_space<vmem>>, vector<1x16xf32>,
      %get3A_776 = vector.shape_cast %get3A_775 : vector<1x16xf32> to vector<16xf32>
      %get3A_777 = arith.index_cast %scan3A_144 : i32 to index
      %get3A_778 = arith.constant 720 : index
      %get3A_779 = tpu.vector_load %arg10[%get3A_777, %get3A_778] {strides = array<i32>} : memref<32x768xf32, #tpu.memory_space<vmem>>, vector<1x16xf32>,
      %get3A_780 = vector.shape_cast %get3A_779 : vector<1x16xf32> to vector<16xf32>
      %add3A_781 = arith.addf %get3A_776, %get3A_780 : vector<16xf32>
      %swap3A_782 = arith.index_cast %scan3A_144 : i32 to index
      %swap3A_783 = arith.constant 720 : index
      %swap3A_784 = tpu.vector_load %arg8[%swap3A_782, %swap3A_783] {strides = array<i32>} : memref<32x768xf32, #tpu.memory_space<vmem>>, vector<1x16xf32>,
      %swap3A_785 = vector.shape_cast %swap3A_784 : vector<1x16xf32> to vector<16xf32>
      %swap3A_786 = vector.shape_cast %add3A_781 : vector<16xf32> to vector<1x16xf32>
      tpu.vector_store %arg8[%swap3A_782, %swap3A_783], %swap3A_786 {strides = array<i32>} : memref<32x768xf32, #tpu.memory_space<vmem>>, vector<1x16xf32>,
      %get3A_787 = arith.index_cast %scan3A_144 : i32 to index
      %get3A_788 = arith.constant 736 : index
      %get3A_789 = tpu.vector_load %arg8[%get3A_787, %get3A_788] {strides = array<i32>} : memref<32x768xf32, #tpu.memory_space<vmem>>, vector<1x16xf32>,
      %get3A_790 = vector.shape_cast %get3A_789 : vector<1x16xf32> to vector<16xf32>
      %get3A_791 = arith.index_cast %scan3A_144 : i32 to index
      %get3A_792 = arith.constant 736 : index
      %get3A_793 = tpu.vector_load %arg10[%get3A_791, %get3A_792] {strides = array<i32>} : memref<32x768xf32, #tpu.memory_space<vmem>>, vector<1x16xf32>,
      %get3A_794 = vector.shape_cast %get3A_793 : vector<1x16xf32> to vector<16xf32>
      %add3A_795 = arith.addf %get3A_790, %get3A_794 : vector<16xf32>
      %swap3A_796 = arith.index_cast %scan3A_144 : i32 to index
      %swap3A_797 = arith.constant 736 : index
      %swap3A_798 = tpu.vector_load %arg8[%swap3A_796, %swap3A_797] {strides = array<i32>} : memref<32x768xf32, #tpu.memory_space<vmem>>, vector<1x16xf32>,
      %swap3A_799 = vector.shape_cast %swap3A_798 : vector<1x16xf32> to vector<16xf32>
      %swap3A_800 = vector.shape_cast %add3A_795 : vector<16xf32> to vector<1x16xf32>
      tpu.vector_store %arg8[%swap3A_796, %swap3A_797], %swap3A_800 {strides = array<i32>} : memref<32x768xf32, #tpu.memory_space<vmem>>, vector<1x16xf32>,
      %get3A_801 = arith.index_cast %scan3A_144 : i32 to index
      %get3A_802 = arith.constant 752 : index
      %get3A_803 = tpu.vector_load %arg8[%get3A_801, %get3A_802] {strides = array<i32>} : memref<32x768xf32, #tpu.memory_space<vmem>>, vector<1x16xf32>,
      %get3A_804 = vector.shape_cast %get3A_803 : vector<1x16xf32> to vector<16xf32>
      %get3A_805 = arith.index_cast %scan3A_144 : i32 to index
      %get3A_806 = arith.constant 752 : index
      %get3A_807 = tpu.vector_load %arg10[%get3A_805, %get3A_806] {strides = array<i32>} : memref<32x768xf32, #tpu.memory_space<vmem>>, vector<1x16xf32>,
      %get3A_808 = vector.shape_cast %get3A_807 : vector<1x16xf32> to vector<16xf32>
      %add3A_809 = arith.addf %get3A_804, %get3A_808 : vector<16xf32>
      %swap3A_810 = arith.index_cast %scan3A_144 : i32 to index
      %swap3A_811 = arith.constant 752 : index
      %swap3A_812 = tpu.vector_load %arg8[%swap3A_810, %swap3A_811] {strides = array<i32>} : memref<32x768xf32, #tpu.memory_space<vmem>>, vector<1x16xf32>,
      %swap3A_813 = vector.shape_cast %swap3A_812 : vector<1x16xf32> to vector<16xf32>
      %swap3A_814 = vector.shape_cast %add3A_809 : vector<16xf32> to vector<1x16xf32>
      tpu.vector_store %arg8[%swap3A_810, %swap3A_811], %swap3A_814 {strides = array<i32>} : memref<32x768xf32, #tpu.memory_space<vmem>>, vector<1x16xf32>,
    }
    %scan3A_107 = arith.constant 32 : i32
    %add3A_108 = arith.constant 64 : i32
    %add3A_109 = arith.addi %mul3A_2, %add3A_108 : i32
    %dma_start3A_110 = arith.constant 0 : i32
    %dma_start3A_111 = tpu.memref_slice %arg5[%add3A_109, %dma_start3A_110] : memref<4096x768xf32, #tpu.memory_space<hbm>> -> memref<32x768xf32, #tpu.memory_space<hbm>>
    %dma_start3A_112 = arith.constant 0 : i32
    %dma_start3A_113 = tpu.memref_slice %arg5[%add3A_109, %dma_start3A_112] : memref<4096x768xf32, #tpu.memory_space<hbm>> -> memref<32x768xf32, #tpu.memory_space<hbm>>
    tpu.enqueue_dma source(%arg8 : memref<32x768xf32, #tpu.memory_space<vmem>>) target(%dma_start3A_113 : memref<32x768xf32, #tpu.memory_space<hbm>>) target_semaphore(%arg16 : memref<!tpu.dma_semaphore, #tpu.memory_space<semaphore_mem>>)
    %dma_wait3A_114 = arith.constant 96 : i32
    %dma_wait3A_115 = tpu.memref_slice %arg6[%dma_wait3A_114] : memref<128xi32, #tpu.memory_space<vmem>> -> memref<32xi32, #tpu.memory_space<vmem>>
    %dma_wait3A_116 = arith.constant 0 : i32
    %dma_wait3A_117 = arith.constant 0 : i32
    %dma_wait3A_118 = tpu.memref_slice %arg2[%dma_wait3A_116, %dma_wait3A_117] : memref<10240x768xf32, #tpu.memory_space<hbm>> -> memref<10240x768xf32, #tpu.memory_space<hbm>>
    tpu.wait_indirect_dma semaphore(%arg13 : memref<!tpu.dma_semaphore, #tpu.memory_space<semaphore_mem>>) src(%dma_wait3A_118 : memref<10240x768xf32, #tpu.memory_space<hbm>>) dst(%arg9 : memref<32x768xf32, #tpu.memory_space<vmem>>)
    %dma_wait3A_119 = arith.constant 96 : i32
    %dma_wait3A_120 = tpu.memref_slice %arg7[%dma_wait3A_119] : memref<128xi32, #tpu.memory_space<vmem>> -> memref<32xi32, #tpu.memory_space<vmem>>
    %dma_wait3A_121 = arith.constant 0 : i32
    %dma_wait3A_122 = arith.constant 0 : i32
    %dma_wait3A_123 = tpu.memref_slice %arg2[%dma_wait3A_121, %dma_wait3A_122] : memref<10240x768xf32, #tpu.memory_space<hbm>> -> memref<10240x768xf32, #tpu.memory_space<hbm>>
    tpu.wait_indirect_dma semaphore(%arg15 : memref<!tpu.dma_semaphore, #tpu.memory_space<semaphore_mem>>) src(%dma_wait3A_123 : memref<10240x768xf32, #tpu.memory_space<hbm>>) dst(%arg11 : memref<32x768xf32, #tpu.memory_space<vmem>>)
    %scan3A_124 = arith.constant 0 : i32
    %scan3A_125 = arith.constant 0 : i32
    %scan3A_126 = arith.constant 32 : i32
    %scan3A_127 = arith.addi %scan3A_125, %scan3A_126 : i32
    %scan3A_128 = arith.constant 1 : i32
    scf.for %scan3A_144 = %scan3A_125 to %scan3A_127 step %scan3A_128  : i32 {
      %get3A = arith.index_cast %scan3A_144 : i32 to index
      %get3A_145 = arith.constant 0 : index
      %get3A_146 = tpu.vector_load %arg9[%get3A, %get3A_145] {strides = array<i32>} : memref<32x768xf32, #tpu.memory_space<vmem>>, vector<1x16xf32>,
      %get3A_147 = vector.shape_cast %get3A_146 : vector<1x16xf32> to vector<16xf32>
      %get3A_148 = arith.index_cast %scan3A_144 : i32 to index
      %get3A_149 = arith.constant 0 : index
      %get3A_150 = tpu.vector_load %arg11[%get3A_148, %get3A_149] {strides = array<i32>} : memref<32x768xf32, #tpu.memory_space<vmem>>, vector<1x16xf32>,
      %get3A_151 = vector.shape_cast %get3A_150 : vector<1x16xf32> to vector<16xf32>
      %add3A_152 = arith.addf %get3A_147, %get3A_151 : vector<16xf32>
      %swap3A = arith.index_cast %scan3A_144 : i32 to index
      %swap3A_153 = arith.constant 0 : index
      %swap3A_154 = tpu.vector_load %arg9[%swap3A, %swap3A_153] {strides = array<i32>} : memref<32x768xf32, #tpu.memory_space<vmem>>, vector<1x16xf32>,
      %swap3A_155 = vector.shape_cast %swap3A_154 : vector<1x16xf32> to vector<16xf32>
      %swap3A_156 = vector.shape_cast %add3A_152 : vector<16xf32> to vector<1x16xf32>
      tpu.vector_store %arg9[%swap3A, %swap3A_153], %swap3A_156 {strides = array<i32>} : memref<32x768xf32, #tpu.memory_space<vmem>>, vector<1x16xf32>,
      %get3A_157 = arith.index_cast %scan3A_144 : i32 to index
      %get3A_158 = arith.constant 16 : index
      %get3A_159 = tpu.vector_load %arg9[%get3A_157, %get3A_158] {strides = array<i32>} : memref<32x768xf32, #tpu.memory_space<vmem>>, vector<1x16xf32>,
      %get3A_160 = vector.shape_cast %get3A_159 : vector<1x16xf32> to vector<16xf32>
      %get3A_161 = arith.index_cast %scan3A_144 : i32 to index
      %get3A_162 = arith.constant 16 : index
      %get3A_163 = tpu.vector_load %arg11[%get3A_161, %get3A_162] {strides = array<i32>} : memref<32x768xf32, #tpu.memory_space<vmem>>, vector<1x16xf32>,
      %get3A_164 = vector.shape_cast %get3A_163 : vector<1x16xf32> to vector<16xf32>
      %add3A_165 = arith.addf %get3A_160, %get3A_164 : vector<16xf32>
      %swap3A_166 = arith.index_cast %scan3A_144 : i32 to index
      %swap3A_167 = arith.constant 16 : index
      %swap3A_168 = tpu.vector_load %arg9[%swap3A_166, %swap3A_167] {strides = array<i32>} : memref<32x768xf32, #tpu.memory_space<vmem>>, vector<1x16xf32>,
      %swap3A_169 = vector.shape_cast %swap3A_168 : vector<1x16xf32> to vector<16xf32>
      %swap3A_170 = vector.shape_cast %add3A_165 : vector<16xf32> to vector<1x16xf32>
      tpu.vector_store %arg9[%swap3A_166, %swap3A_167], %swap3A_170 {strides = array<i32>} : memref<32x768xf32, #tpu.memory_space<vmem>>, vector<1x16xf32>,
      %get3A_171 = arith.index_cast %scan3A_144 : i32 to index
      %get3A_172 = arith.constant 32 : index
      %get3A_173 = tpu.vector_load %arg9[%get3A_171, %get3A_172] {strides = array<i32>} : memref<32x768xf32, #tpu.memory_space<vmem>>, vector<1x16xf32>,
      %get3A_174 = vector.shape_cast %get3A_173 : vector<1x16xf32> to vector<16xf32>
      %get3A_175 = arith.index_cast %scan3A_144 : i32 to index
      %get3A_176 = arith.constant 32 : index
      %get3A_177 = tpu.vector_load %arg11[%get3A_175, %get3A_176] {strides = array<i32>} : memref<32x768xf32, #tpu.memory_space<vmem>>, vector<1x16xf32>,
      %get3A_178 = vector.shape_cast %get3A_177 : vector<1x16xf32> to vector<16xf32>
      %add3A_179 = arith.addf %get3A_174, %get3A_178 : vector<16xf32>
      %swap3A_180 = arith.index_cast %scan3A_144 : i32 to index
      %swap3A_181 = arith.constant 32 : index
      %swap3A_182 = tpu.vector_load %arg9[%swap3A_180, %swap3A_181] {strides = array<i32>} : memref<32x768xf32, #tpu.memory_space<vmem>>, vector<1x16xf32>,
      %swap3A_183 = vector.shape_cast %swap3A_182 : vector<1x16xf32> to vector<16xf32>
      %swap3A_184 = vector.shape_cast %add3A_179 : vector<16xf32> to vector<1x16xf32>
      tpu.vector_store %arg9[%swap3A_180, %swap3A_181], %swap3A_184 {strides = array<i32>} : memref<32x768xf32, #tpu.memory_space<vmem>>, vector<1x16xf32>,
      %get3A_185 = arith.index_cast %scan3A_144 : i32 to index
      %get3A_186 = arith.constant 48 : index
      %get3A_187 = tpu.vector_load %arg9[%get3A_185, %get3A_186] {strides = array<i32>} : memref<32x768xf32, #tpu.memory_space<vmem>>, vector<1x16xf32>,
      %get3A_188 = vector.shape_cast %get3A_187 : vector<1x16xf32> to vector<16xf32>
      %get3A_189 = arith.index_cast %scan3A_144 : i32 to index
      %get3A_190 = arith.constant 48 : index
      %get3A_191 = tpu.vector_load %arg11[%get3A_189, %get3A_190] {strides = array<i32>} : memref<32x768xf32, #tpu.memory_space<vmem>>, vector<1x16xf32>,
      %get3A_192 = vector.shape_cast %get3A_191 : vector<1x16xf32> to vector<16xf32>
      %add3A_193 = arith.addf %get3A_188, %get3A_192 : vector<16xf32>
      %swap3A_194 = arith.index_cast %scan3A_144 : i32 to index
      %swap3A_195 = arith.constant 48 : index
      %swap3A_196 = tpu.vector_load %arg9[%swap3A_194, %swap3A_195] {strides = array<i32>} : memref<32x768xf32, #tpu.memory_space<vmem>>, vector<1x16xf32>,
      %swap3A_197 = vector.shape_cast %swap3A_196 : vector<1x16xf32> to vector<16xf32>
      %swap3A_198 = vector.shape_cast %add3A_193 : vector<16xf32> to vector<1x16xf32>
      tpu.vector_store %arg9[%swap3A_194, %swap3A_195], %swap3A_198 {strides = array<i32>} : memref<32x768xf32, #tpu.memory_space<vmem>>, vector<1x16xf32>,
      %get3A_199 = arith.index_cast %scan3A_144 : i32 to index
      %get3A_200 = arith.constant 64 : index
      %get3A_201 = tpu.vector_load %arg9[%get3A_199, %get3A_200] {strides = array<i32>} : memref<32x768xf32, #tpu.memory_space<vmem>>, vector<1x16xf32>,
      %get3A_202 = vector.shape_cast %get3A_201 : vector<1x16xf32> to vector<16xf32>
      %get3A_203 = arith.index_cast %scan3A_144 : i32 to index
      %get3A_204 = arith.constant 64 : index
      %get3A_205 = tpu.vector_load %arg11[%get3A_203, %get3A_204] {strides = array<i32>} : memref<32x768xf32, #tpu.memory_space<vmem>>, vector<1x16xf32>,
      %get3A_206 = vector.shape_cast %get3A_205 : vector<1x16xf32> to vector<16xf32>
      %add3A_207 = arith.addf %get3A_202, %get3A_206 : vector<16xf32>
      %swap3A_208 = arith.index_cast %scan3A_144 : i32 to index
      %swap3A_209 = arith.constant 64 : index
      %swap3A_210 = tpu.vector_load %arg9[%swap3A_208, %swap3A_209] {strides = array<i32>} : memref<32x768xf32, #tpu.memory_space<vmem>>, vector<1x16xf32>,
      %swap3A_211 = vector.shape_cast %swap3A_210 : vector<1x16xf32> to vector<16xf32>
      %swap3A_212 = vector.shape_cast %add3A_207 : vector<16xf32> to vector<1x16xf32>
      tpu.vector_store %arg9[%swap3A_208, %swap3A_209], %swap3A_212 {strides = array<i32>} : memref<32x768xf32, #tpu.memory_space<vmem>>, vector<1x16xf32>,
      %get3A_213 = arith.index_cast %scan3A_144 : i32 to index
      %get3A_214 = arith.constant 80 : index
      %get3A_215 = tpu.vector_load %arg9[%get3A_213, %get3A_214] {strides = array<i32>} : memref<32x768xf32, #tpu.memory_space<vmem>>, vector<1x16xf32>,
      %get3A_216 = vector.shape_cast %get3A_215 : vector<1x16xf32> to vector<16xf32>
      %get3A_217 = arith.index_cast %scan3A_144 : i32 to index
      %get3A_218 = arith.constant 80 : index
      %get3A_219 = tpu.vector_load %arg11[%get3A_217, %get3A_218] {strides = array<i32>} : memref<32x768xf32, #tpu.memory_space<vmem>>, vector<1x16xf32>,
      %get3A_220 = vector.shape_cast %get3A_219 : vector<1x16xf32> to vector<16xf32>
      %add3A_221 = arith.addf %get3A_216, %get3A_220 : vector<16xf32>
      %swap3A_222 = arith.index_cast %scan3A_144 : i32 to index
      %swap3A_223 = arith.constant 80 : index
      %swap3A_224 = tpu.vector_load %arg9[%swap3A_222, %swap3A_223] {strides = array<i32>} : memref<32x768xf32, #tpu.memory_space<vmem>>, vector<1x16xf32>,
      %swap3A_225 = vector.shape_cast %swap3A_224 : vector<1x16xf32> to vector<16xf32>
      %swap3A_226 = vector.shape_cast %add3A_221 : vector<16xf32> to vector<1x16xf32>
      tpu.vector_store %arg9[%swap3A_222, %swap3A_223], %swap3A_226 {strides = array<i32>} : memref<32x768xf32, #tpu.memory_space<vmem>>, vector<1x16xf32>,
      %get3A_227 = arith.index_cast %scan3A_144 : i32 to index
      %get3A_228 = arith.constant 96 : index
      %get3A_229 = tpu.vector_load %arg9[%get3A_227, %get3A_228] {strides = array<i32>} : memref<32x768xf32, #tpu.memory_space<vmem>>, vector<1x16xf32>,
      %get3A_230 = vector.shape_cast %get3A_229 : vector<1x16xf32> to vector<16xf32>
      %get3A_231 = arith.index_cast %scan3A_144 : i32 to index
      %get3A_232 = arith.constant 96 : index
      %get3A_233 = tpu.vector_load %arg11[%get3A_231, %get3A_232] {strides = array<i32>} : memref<32x768xf32, #tpu.memory_space<vmem>>, vector<1x16xf32>,
      %get3A_234 = vector.shape_cast %get3A_233 : vector<1x16xf32> to vector<16xf32>
      %add3A_235 = arith.addf %get3A_230, %get3A_234 : vector<16xf32>
      %swap3A_236 = arith.index_cast %scan3A_144 : i32 to index
      %swap3A_237 = arith.constant 96 : index
      %swap3A_238 = tpu.vector_load %arg9[%swap3A_236, %swap3A_237] {strides = array<i32>} : memref<32x768xf32, #tpu.memory_space<vmem>>, vector<1x16xf32>,
      %swap3A_239 = vector.shape_cast %swap3A_238 : vector<1x16xf32> to vector<16xf32>
      %swap3A_240 = vector.shape_cast %add3A_235 : vector<16xf32> to vector<1x16xf32>
      tpu.vector_store %arg9[%swap3A_236, %swap3A_237], %swap3A_240 {strides = array<i32>} : memref<32x768xf32, #tpu.memory_space<vmem>>, vector<1x16xf32>,
      %get3A_241 = arith.index_cast %scan3A_144 : i32 to index
      %get3A_242 = arith.constant 112 : index
      %get3A_243 = tpu.vector_load %arg9[%get3A_241, %get3A_242] {strides = array<i32>} : memref<32x768xf32, #tpu.memory_space<vmem>>, vector<1x16xf32>,
      %get3A_244 = vector.shape_cast %get3A_243 : vector<1x16xf32> to vector<16xf32>
      %get3A_245 = arith.index_cast %scan3A_144 : i32 to index
      %get3A_246 = arith.constant 112 : index
      %get3A_247 = tpu.vector_load %arg11[%get3A_245, %get3A_246] {strides = array<i32>} : memref<32x768xf32, #tpu.memory_space<vmem>>, vector<1x16xf32>,
      %get3A_248 = vector.shape_cast %get3A_247 : vector<1x16xf32> to vector<16xf32>
      %add3A_249 = arith.addf %get3A_244, %get3A_248 : vector<16xf32>
      %swap3A_250 = arith.index_cast %scan3A_144 : i32 to index
      %swap3A_251 = arith.constant 112 : index
      %swap3A_252 = tpu.vector_load %arg9[%swap3A_250, %swap3A_251] {strides = array<i32>} : memref<32x768xf32, #tpu.memory_space<vmem>>, vector<1x16xf32>,
      %swap3A_253 = vector.shape_cast %swap3A_252 : vector<1x16xf32> to vector<16xf32>
      %swap3A_254 = vector.shape_cast %add3A_249 : vector<16xf32> to vector<1x16xf32>
      tpu.vector_store %arg9[%swap3A_250, %swap3A_251], %swap3A_254 {strides = array<i32>} : memref<32x768xf32, #tpu.memory_space<vmem>>, vector<1x16xf32>,
      %get3A_255 = arith.index_cast %scan3A_144 : i32 to index
      %get3A_256 = arith.constant 128 : index
      %get3A_257 = tpu.vector_load %arg9[%get3A_255, %get3A_256] {strides = array<i32>} : memref<32x768xf32, #tpu.memory_space<vmem>>, vector<1x16xf32>,
      %get3A_258 = vector.shape_cast %get3A_257 : vector<1x16xf32> to vector<16xf32>
      %get3A_259 = arith.index_cast %scan3A_144 : i32 to index
      %get3A_260 = arith.constant 128 : index
      %get3A_261 = tpu.vector_load %arg11[%get3A_259, %get3A_260] {strides = array<i32>} : memref<32x768xf32, #tpu.memory_space<vmem>>, vector<1x16xf32>,
      %get3A_262 = vector.shape_cast %get3A_261 : vector<1x16xf32> to vector<16xf32>
      %add3A_263 = arith.addf %get3A_258, %get3A_262 : vector<16xf32>
      %swap3A_264 = arith.index_cast %scan3A_144 : i32 to index
      %swap3A_265 = arith.constant 128 : index
      %swap3A_266 = tpu.vector_load %arg9[%swap3A_264, %swap3A_265] {strides = array<i32>} : memref<32x768xf32, #tpu.memory_space<vmem>>, vector<1x16xf32>,
      %swap3A_267 = vector.shape_cast %swap3A_266 : vector<1x16xf32> to vector<16xf32>
      %swap3A_268 = vector.shape_cast %add3A_263 : vector<16xf32> to vector<1x16xf32>
      tpu.vector_store %arg9[%swap3A_264, %swap3A_265], %swap3A_268 {strides = array<i32>} : memref<32x768xf32, #tpu.memory_space<vmem>>, vector<1x16xf32>,
      %get3A_269 = arith.index_cast %scan3A_144 : i32 to index
      %get3A_270 = arith.constant 144 : index
      %get3A_271 = tpu.vector_load %arg9[%get3A_269, %get3A_270] {strides = array<i32>} : memref<32x768xf32, #tpu.memory_space<vmem>>, vector<1x16xf32>,
      %get3A_272 = vector.shape_cast %get3A_271 : vector<1x16xf32> to vector<16xf32>
      %get3A_273 = arith.index_cast %scan3A_144 : i32 to index
      %get3A_274 = arith.constant 144 : index
      %get3A_275 = tpu.vector_load %arg11[%get3A_273, %get3A_274] {strides = array<i32>} : memref<32x768xf32, #tpu.memory_space<vmem>>, vector<1x16xf32>,
      %get3A_276 = vector.shape_cast %get3A_275 : vector<1x16xf32> to vector<16xf32>
      %add3A_277 = arith.addf %get3A_272, %get3A_276 : vector<16xf32>
      %swap3A_278 = arith.index_cast %scan3A_144 : i32 to index
      %swap3A_279 = arith.constant 144 : index
      %swap3A_280 = tpu.vector_load %arg9[%swap3A_278, %swap3A_279] {strides = array<i32>} : memref<32x768xf32, #tpu.memory_space<vmem>>, vector<1x16xf32>,
      %swap3A_281 = vector.shape_cast %swap3A_280 : vector<1x16xf32> to vector<16xf32>
      %swap3A_282 = vector.shape_cast %add3A_277 : vector<16xf32> to vector<1x16xf32>
      tpu.vector_store %arg9[%swap3A_278, %swap3A_279], %swap3A_282 {strides = array<i32>} : memref<32x768xf32, #tpu.memory_space<vmem>>, vector<1x16xf32>,
      %get3A_283 = arith.index_cast %scan3A_144 : i32 to index
      %get3A_284 = arith.constant 160 : index
      %get3A_285 = tpu.vector_load %arg9[%get3A_283, %get3A_284] {strides = array<i32>} : memref<32x768xf32, #tpu.memory_space<vmem>>, vector<1x16xf32>,
      %get3A_286 = vector.shape_cast %get3A_285 : vector<1x16xf32> to vector<16xf32>
      %get3A_287 = arith.index_cast %scan3A_144 : i32 to index
      %get3A_288 = arith.constant 160 : index
      %get3A_289 = tpu.vector_load %arg11[%get3A_287, %get3A_288] {strides = array<i32>} : memref<32x768xf32, #tpu.memory_space<vmem>>, vector<1x16xf32>,
      %get3A_290 = vector.shape_cast %get3A_289 : vector<1x16xf32> to vector<16xf32>
      %add3A_291 = arith.addf %get3A_286, %get3A_290 : vector<16xf32>
      %swap3A_292 = arith.index_cast %scan3A_144 : i32 to index
      %swap3A_293 = arith.constant 160 : index
      %swap3A_294 = tpu.vector_load %arg9[%swap3A_292, %swap3A_293] {strides = array<i32>} : memref<32x768xf32, #tpu.memory_space<vmem>>, vector<1x16xf32>,
      %swap3A_295 = vector.shape_cast %swap3A_294 : vector<1x16xf32> to vector<16xf32>
      %swap3A_296 = vector.shape_cast %add3A_291 : vector<16xf32> to vector<1x16xf32>
      tpu.vector_store %arg9[%swap3A_292, %swap3A_293], %swap3A_296 {strides = array<i32>} : memref<32x768xf32, #tpu.memory_space<vmem>>, vector<1x16xf32>,
      %get3A_297 = arith.index_cast %scan3A_144 : i32 to index
      %get3A_298 = arith.constant 176 : index
      %get3A_299 = tpu.vector_load %arg9[%get3A_297, %get3A_298] {strides = array<i32>} : memref<32x768xf32, #tpu.memory_space<vmem>>, vector<1x16xf32>,
      %get3A_300 = vector.shape_cast %get3A_299 : vector<1x16xf32> to vector<16xf32>
      %get3A_301 = arith.index_cast %scan3A_144 : i32 to index
      %get3A_302 = arith.constant 176 : index
      %get3A_303 = tpu.vector_load %arg11[%get3A_301, %get3A_302] {strides = array<i32>} : memref<32x768xf32, #tpu.memory_space<vmem>>, vector<1x16xf32>,
      %get3A_304 = vector.shape_cast %get3A_303 : vector<1x16xf32> to vector<16xf32>
      %add3A_305 = arith.addf %get3A_300, %get3A_304 : vector<16xf32>
      %swap3A_306 = arith.index_cast %scan3A_144 : i32 to index
      %swap3A_307 = arith.constant 176 : index
      %swap3A_308 = tpu.vector_load %arg9[%swap3A_306, %swap3A_307] {strides = array<i32>} : memref<32x768xf32, #tpu.memory_space<vmem>>, vector<1x16xf32>,
      %swap3A_309 = vector.shape_cast %swap3A_308 : vector<1x16xf32> to vector<16xf32>
      %swap3A_310 = vector.shape_cast %add3A_305 : vector<16xf32> to vector<1x16xf32>
      tpu.vector_store %arg9[%swap3A_306, %swap3A_307], %swap3A_310 {strides = array<i32>} : memref<32x768xf32, #tpu.memory_space<vmem>>, vector<1x16xf32>,
      %get3A_311 = arith.index_cast %scan3A_144 : i32 to index
      %get3A_312 = arith.constant 192 : index
      %get3A_313 = tpu.vector_load %arg9[%get3A_311, %get3A_312] {strides = array<i32>} : memref<32x768xf32, #tpu.memory_space<vmem>>, vector<1x16xf32>,
      %get3A_314 = vector.shape_cast %get3A_313 : vector<1x16xf32> to vector<16xf32>
      %get3A_315 = arith.index_cast %scan3A_144 : i32 to index
      %get3A_316 = arith.constant 192 : index
      %get3A_317 = tpu.vector_load %arg11[%get3A_315, %get3A_316] {strides = array<i32>} : memref<32x768xf32, #tpu.memory_space<vmem>>, vector<1x16xf32>,
      %get3A_318 = vector.shape_cast %get3A_317 : vector<1x16xf32> to vector<16xf32>
      %add3A_319 = arith.addf %get3A_314, %get3A_318 : vector<16xf32>
      %swap3A_320 = arith.index_cast %scan3A_144 : i32 to index
      %swap3A_321 = arith.constant 192 : index
      %swap3A_322 = tpu.vector_load %arg9[%swap3A_320, %swap3A_321] {strides = array<i32>} : memref<32x768xf32, #tpu.memory_space<vmem>>, vector<1x16xf32>,
      %swap3A_323 = vector.shape_cast %swap3A_322 : vector<1x16xf32> to vector<16xf32>
      %swap3A_324 = vector.shape_cast %add3A_319 : vector<16xf32> to vector<1x16xf32>
      tpu.vector_store %arg9[%swap3A_320, %swap3A_321], %swap3A_324 {strides = array<i32>} : memref<32x768xf32, #tpu.memory_space<vmem>>, vector<1x16xf32>,
      %get3A_325 = arith.index_cast %scan3A_144 : i32 to index
      %get3A_326 = arith.constant 208 : index
      %get3A_327 = tpu.vector_load %arg9[%get3A_325, %get3A_326] {strides = array<i32>} : memref<32x768xf32, #tpu.memory_space<vmem>>, vector<1x16xf32>,
      %get3A_328 = vector.shape_cast %get3A_327 : vector<1x16xf32> to vector<16xf32>
      %get3A_329 = arith.index_cast %scan3A_144 : i32 to index
      %get3A_330 = arith.constant 208 : index
      %get3A_331 = tpu.vector_load %arg11[%get3A_329, %get3A_330] {strides = array<i32>} : memref<32x768xf32, #tpu.memory_space<vmem>>, vector<1x16xf32>,
      %get3A_332 = vector.shape_cast %get3A_331 : vector<1x16xf32> to vector<16xf32>
      %add3A_333 = arith.addf %get3A_328, %get3A_332 : vector<16xf32>
      %swap3A_334 = arith.index_cast %scan3A_144 : i32 to index
      %swap3A_335 = arith.constant 208 : index
      %swap3A_336 = tpu.vector_load %arg9[%swap3A_334, %swap3A_335] {strides = array<i32>} : memref<32x768xf32, #tpu.memory_space<vmem>>, vector<1x16xf32>,
      %swap3A_337 = vector.shape_cast %swap3A_336 : vector<1x16xf32> to vector<16xf32>
      %swap3A_338 = vector.shape_cast %add3A_333 : vector<16xf32> to vector<1x16xf32>
      tpu.vector_store %arg9[%swap3A_334, %swap3A_335], %swap3A_338 {strides = array<i32>} : memref<32x768xf32, #tpu.memory_space<vmem>>, vector<1x16xf32>,
      %get3A_339 = arith.index_cast %scan3A_144 : i32 to index
      %get3A_340 = arith.constant 224 : index
      %get3A_341 = tpu.vector_load %arg9[%get3A_339, %get3A_340] {strides = array<i32>} : memref<32x768xf32, #tpu.memory_space<vmem>>, vector<1x16xf32>,
      %get3A_342 = vector.shape_cast %get3A_341 : vector<1x16xf32> to vector<16xf32>
      %get3A_343 = arith.index_cast %scan3A_144 : i32 to index
      %get3A_344 = arith.constant 224 : index
      %get3A_345 = tpu.vector_load %arg11[%get3A_343, %get3A_344] {strides = array<i32>} : memref<32x768xf32, #tpu.memory_space<vmem>>, vector<1x16xf32>,
      %get3A_346 = vector.shape_cast %get3A_345 : vector<1x16xf32> to vector<16xf32>
      %add3A_347 = arith.addf %get3A_342, %get3A_346 : vector<16xf32>
      %swap3A_348 = arith.index_cast %scan3A_144 : i32 to index
      %swap3A_349 = arith.constant 224 : index
      %swap3A_350 = tpu.vector_load %arg9[%swap3A_348, %swap3A_349] {strides = array<i32>} : memref<32x768xf32, #tpu.memory_space<vmem>>, vector<1x16xf32>,
      %swap3A_351 = vector.shape_cast %swap3A_350 : vector<1x16xf32> to vector<16xf32>
      %swap3A_352 = vector.shape_cast %add3A_347 : vector<16xf32> to vector<1x16xf32>
      tpu.vector_store %arg9[%swap3A_348, %swap3A_349], %swap3A_352 {strides = array<i32>} : memref<32x768xf32, #tpu.memory_space<vmem>>, vector<1x16xf32>,
      %get3A_353 = arith.index_cast %scan3A_144 : i32 to index
      %get3A_354 = arith.constant 240 : index
      %get3A_355 = tpu.vector_load %arg9[%get3A_353, %get3A_354] {strides = array<i32>} : memref<32x768xf32, #tpu.memory_space<vmem>>, vector<1x16xf32>,
      %get3A_356 = vector.shape_cast %get3A_355 : vector<1x16xf32> to vector<16xf32>
      %get3A_357 = arith.index_cast %scan3A_144 : i32 to index
      %get3A_358 = arith.constant 240 : index
      %get3A_359 = tpu.vector_load %arg11[%get3A_357, %get3A_358] {strides = array<i32>} : memref<32x768xf32, #tpu.memory_space<vmem>>, vector<1x16xf32>,
      %get3A_360 = vector.shape_cast %get3A_359 : vector<1x16xf32> to vector<16xf32>
      %add3A_361 = arith.addf %get3A_356, %get3A_360 : vector<16xf32>
      %swap3A_362 = arith.index_cast %scan3A_144 : i32 to index
      %swap3A_363 = arith.constant 240 : index
      %swap3A_364 = tpu.vector_load %arg9[%swap3A_362, %swap3A_363] {strides = array<i32>} : memref<32x768xf32, #tpu.memory_space<vmem>>, vector<1x16xf32>,
      %swap3A_365 = vector.shape_cast %swap3A_364 : vector<1x16xf32> to vector<16xf32>
      %swap3A_366 = vector.shape_cast %add3A_361 : vector<16xf32> to vector<1x16xf32>
      tpu.vector_store %arg9[%swap3A_362, %swap3A_363], %swap3A_366 {strides = array<i32>} : memref<32x768xf32, #tpu.memory_space<vmem>>, vector<1x16xf32>,
      %get3A_367 = arith.index_cast %scan3A_144 : i32 to index
      %get3A_368 = arith.constant 256 : index
      %get3A_369 = tpu.vector_load %arg9[%get3A_367, %get3A_368] {strides = array<i32>} : memref<32x768xf32, #tpu.memory_space<vmem>>, vector<1x16xf32>,
      %get3A_370 = vector.shape_cast %get3A_369 : vector<1x16xf32> to vector<16xf32>
      %get3A_371 = arith.index_cast %scan3A_144 : i32 to index
      %get3A_372 = arith.constant 256 : index
      %get3A_373 = tpu.vector_load %arg11[%get3A_371, %get3A_372] {strides = array<i32>} : memref<32x768xf32, #tpu.memory_space<vmem>>, vector<1x16xf32>,
      %get3A_374 = vector.shape_cast %get3A_373 : vector<1x16xf32> to vector<16xf32>
      %add3A_375 = arith.addf %get3A_370, %get3A_374 : vector<16xf32>
      %swap3A_376 = arith.index_cast %scan3A_144 : i32 to index
      %swap3A_377 = arith.constant 256 : index
      %swap3A_378 = tpu.vector_load %arg9[%swap3A_376, %swap3A_377] {strides = array<i32>} : memref<32x768xf32, #tpu.memory_space<vmem>>, vector<1x16xf32>,
      %swap3A_379 = vector.shape_cast %swap3A_378 : vector<1x16xf32> to vector<16xf32>
      %swap3A_380 = vector.shape_cast %add3A_375 : vector<16xf32> to vector<1x16xf32>
      tpu.vector_store %arg9[%swap3A_376, %swap3A_377], %swap3A_380 {strides = array<i32>} : memref<32x768xf32, #tpu.memory_space<vmem>>, vector<1x16xf32>,
      %get3A_381 = arith.index_cast %scan3A_144 : i32 to index
      %get3A_382 = arith.constant 272 : index
      %get3A_383 = tpu.vector_load %arg9[%get3A_381, %get3A_382] {strides = array<i32>} : memref<32x768xf32, #tpu.memory_space<vmem>>, vector<1x16xf32>,
      %get3A_384 = vector.shape_cast %get3A_383 : vector<1x16xf32> to vector<16xf32>
      %get3A_385 = arith.index_cast %scan3A_144 : i32 to index
      %get3A_386 = arith.constant 272 : index
      %get3A_387 = tpu.vector_load %arg11[%get3A_385, %get3A_386] {strides = array<i32>} : memref<32x768xf32, #tpu.memory_space<vmem>>, vector<1x16xf32>,
      %get3A_388 = vector.shape_cast %get3A_387 : vector<1x16xf32> to vector<16xf32>
      %add3A_389 = arith.addf %get3A_384, %get3A_388 : vector<16xf32>
      %swap3A_390 = arith.index_cast %scan3A_144 : i32 to index
      %swap3A_391 = arith.constant 272 : index
      %swap3A_392 = tpu.vector_load %arg9[%swap3A_390, %swap3A_391] {strides = array<i32>} : memref<32x768xf32, #tpu.memory_space<vmem>>, vector<1x16xf32>,
      %swap3A_393 = vector.shape_cast %swap3A_392 : vector<1x16xf32> to vector<16xf32>
      %swap3A_394 = vector.shape_cast %add3A_389 : vector<16xf32> to vector<1x16xf32>
      tpu.vector_store %arg9[%swap3A_390, %swap3A_391], %swap3A_394 {strides = array<i32>} : memref<32x768xf32, #tpu.memory_space<vmem>>, vector<1x16xf32>,
      %get3A_395 = arith.index_cast %scan3A_144 : i32 to index
      %get3A_396 = arith.constant 288 : index
      %get3A_397 = tpu.vector_load %arg9[%get3A_395, %get3A_396] {strides = array<i32>} : memref<32x768xf32, #tpu.memory_space<vmem>>, vector<1x16xf32>,
      %get3A_398 = vector.shape_cast %get3A_397 : vector<1x16xf32> to vector<16xf32>
      %get3A_399 = arith.index_cast %scan3A_144 : i32 to index
      %get3A_400 = arith.constant 288 : index
      %get3A_401 = tpu.vector_load %arg11[%get3A_399, %get3A_400] {strides = array<i32>} : memref<32x768xf32, #tpu.memory_space<vmem>>, vector<1x16xf32>,
      %get3A_402 = vector.shape_cast %get3A_401 : vector<1x16xf32> to vector<16xf32>
      %add3A_403 = arith.addf %get3A_398, %get3A_402 : vector<16xf32>
      %swap3A_404 = arith.index_cast %scan3A_144 : i32 to index
      %swap3A_405 = arith.constant 288 : index
      %swap3A_406 = tpu.vector_load %arg9[%swap3A_404, %swap3A_405] {strides = array<i32>} : memref<32x768xf32, #tpu.memory_space<vmem>>, vector<1x16xf32>,
      %swap3A_407 = vector.shape_cast %swap3A_406 : vector<1x16xf32> to vector<16xf32>
      %swap3A_408 = vector.shape_cast %add3A_403 : vector<16xf32> to vector<1x16xf32>
      tpu.vector_store %arg9[%swap3A_404, %swap3A_405], %swap3A_408 {strides = array<i32>} : memref<32x768xf32, #tpu.memory_space<vmem>>, vector<1x16xf32>,
      %get3A_409 = arith.index_cast %scan3A_144 : i32 to index
      %get3A_410 = arith.constant 304 : index
      %get3A_411 = tpu.vector_load %arg9[%get3A_409, %get3A_410] {strides = array<i32>} : memref<32x768xf32, #tpu.memory_space<vmem>>, vector<1x16xf32>,
      %get3A_412 = vector.shape_cast %get3A_411 : vector<1x16xf32> to vector<16xf32>
      %get3A_413 = arith.index_cast %scan3A_144 : i32 to index
      %get3A_414 = arith.constant 304 : index
      %get3A_415 = tpu.vector_load %arg11[%get3A_413, %get3A_414] {strides = array<i32>} : memref<32x768xf32, #tpu.memory_space<vmem>>, vector<1x16xf32>,
      %get3A_416 = vector.shape_cast %get3A_415 : vector<1x16xf32> to vector<16xf32>
      %add3A_417 = arith.addf %get3A_412, %get3A_416 : vector<16xf32>
      %swap3A_418 = arith.index_cast %scan3A_144 : i32 to index
      %swap3A_419 = arith.constant 304 : index
      %swap3A_420 = tpu.vector_load %arg9[%swap3A_418, %swap3A_419] {strides = array<i32>} : memref<32x768xf32, #tpu.memory_space<vmem>>, vector<1x16xf32>,
      %swap3A_421 = vector.shape_cast %swap3A_420 : vector<1x16xf32> to vector<16xf32>
      %swap3A_422 = vector.shape_cast %add3A_417 : vector<16xf32> to vector<1x16xf32>
      tpu.vector_store %arg9[%swap3A_418, %swap3A_419], %swap3A_422 {strides = array<i32>} : memref<32x768xf32, #tpu.memory_space<vmem>>, vector<1x16xf32>,
      %get3A_423 = arith.index_cast %scan3A_144 : i32 to index
      %get3A_424 = arith.constant 320 : index
      %get3A_425 = tpu.vector_load %arg9[%get3A_423, %get3A_424] {strides = array<i32>} : memref<32x768xf32, #tpu.memory_space<vmem>>, vector<1x16xf32>,
      %get3A_426 = vector.shape_cast %get3A_425 : vector<1x16xf32> to vector<16xf32>
      %get3A_427 = arith.index_cast %scan3A_144 : i32 to index
      %get3A_428 = arith.constant 320 : index
      %get3A_429 = tpu.vector_load %arg11[%get3A_427, %get3A_428] {strides = array<i32>} : memref<32x768xf32, #tpu.memory_space<vmem>>, vector<1x16xf32>,
      %get3A_430 = vector.shape_cast %get3A_429 : vector<1x16xf32> to vector<16xf32>
      %add3A_431 = arith.addf %get3A_426, %get3A_430 : vector<16xf32>
      %swap3A_432 = arith.index_cast %scan3A_144 : i32 to index
      %swap3A_433 = arith.constant 320 : index
      %swap3A_434 = tpu.vector_load %arg9[%swap3A_432, %swap3A_433] {strides = array<i32>} : memref<32x768xf32, #tpu.memory_space<vmem>>, vector<1x16xf32>,
      %swap3A_435 = vector.shape_cast %swap3A_434 : vector<1x16xf32> to vector<16xf32>
      %swap3A_436 = vector.shape_cast %add3A_431 : vector<16xf32> to vector<1x16xf32>
      tpu.vector_store %arg9[%swap3A_432, %swap3A_433], %swap3A_436 {strides = array<i32>} : memref<32x768xf32, #tpu.memory_space<vmem>>, vector<1x16xf32>,
      %get3A_437 = arith.index_cast %scan3A_144 : i32 to index
      %get3A_438 = arith.constant 336 : index
      %get3A_439 = tpu.vector_load %arg9[%get3A_437, %get3A_438] {strides = array<i32>} : memref<32x768xf32, #tpu.memory_space<vmem>>, vector<1x16xf32>,
      %get3A_440 = vector.shape_cast %get3A_439 : vector<1x16xf32> to vector<16xf32>
      %get3A_441 = arith.index_cast %scan3A_144 : i32 to index
      %get3A_442 = arith.constant 336 : index
      %get3A_443 = tpu.vector_load %arg11[%get3A_441, %get3A_442] {strides = array<i32>} : memref<32x768xf32, #tpu.memory_space<vmem>>, vector<1x16xf32>,
      %get3A_444 = vector.shape_cast %get3A_443 : vector<1x16xf32> to vector<16xf32>
      %add3A_445 = arith.addf %get3A_440, %get3A_444 : vector<16xf32>
      %swap3A_446 = arith.index_cast %scan3A_144 : i32 to index
      %swap3A_447 = arith.constant 336 : index
      %swap3A_448 = tpu.vector_load %arg9[%swap3A_446, %swap3A_447] {strides = array<i32>} : memref<32x768xf32, #tpu.memory_space<vmem>>, vector<1x16xf32>,
      %swap3A_449 = vector.shape_cast %swap3A_448 : vector<1x16xf32> to vector<16xf32>
      %swap3A_450 = vector.shape_cast %add3A_445 : vector<16xf32> to vector<1x16xf32>
      tpu.vector_store %arg9[%swap3A_446, %swap3A_447], %swap3A_450 {strides = array<i32>} : memref<32x768xf32, #tpu.memory_space<vmem>>, vector<1x16xf32>,
      %get3A_451 = arith.index_cast %scan3A_144 : i32 to index
      %get3A_452 = arith.constant 352 : index
      %get3A_453 = tpu.vector_load %arg9[%get3A_451, %get3A_452] {strides = array<i32>} : memref<32x768xf32, #tpu.memory_space<vmem>>, vector<1x16xf32>,
      %get3A_454 = vector.shape_cast %get3A_453 : vector<1x16xf32> to vector<16xf32>
      %get3A_455 = arith.index_cast %scan3A_144 : i32 to index
      %get3A_456 = arith.constant 352 : index
      %get3A_457 = tpu.vector_load %arg11[%get3A_455, %get3A_456] {strides = array<i32>} : memref<32x768xf32, #tpu.memory_space<vmem>>, vector<1x16xf32>,
      %get3A_458 = vector.shape_cast %get3A_457 : vector<1x16xf32> to vector<16xf32>
      %add3A_459 = arith.addf %get3A_454, %get3A_458 : vector<16xf32>
      %swap3A_460 = arith.index_cast %scan3A_144 : i32 to index
      %swap3A_461 = arith.constant 352 : index
      %swap3A_462 = tpu.vector_load %arg9[%swap3A_460, %swap3A_461] {strides = array<i32>} : memref<32x768xf32, #tpu.memory_space<vmem>>, vector<1x16xf32>,
      %swap3A_463 = vector.shape_cast %swap3A_462 : vector<1x16xf32> to vector<16xf32>
      %swap3A_464 = vector.shape_cast %add3A_459 : vector<16xf32> to vector<1x16xf32>
      tpu.vector_store %arg9[%swap3A_460, %swap3A_461], %swap3A_464 {strides = array<i32>} : memref<32x768xf32, #tpu.memory_space<vmem>>, vector<1x16xf32>,
      %get3A_465 = arith.index_cast %scan3A_144 : i32 to index
      %get3A_466 = arith.constant 368 : index
      %get3A_467 = tpu.vector_load %arg9[%get3A_465, %get3A_466] {strides = array<i32>} : memref<32x768xf32, #tpu.memory_space<vmem>>, vector<1x16xf32>,
      %get3A_468 = vector.shape_cast %get3A_467 : vector<1x16xf32> to vector<16xf32>
      %get3A_469 = arith.index_cast %scan3A_144 : i32 to index
      %get3A_470 = arith.constant 368 : index
      %get3A_471 = tpu.vector_load %arg11[%get3A_469, %get3A_470] {strides = array<i32>} : memref<32x768xf32, #tpu.memory_space<vmem>>, vector<1x16xf32>,
      %get3A_472 = vector.shape_cast %get3A_471 : vector<1x16xf32> to vector<16xf32>
      %add3A_473 = arith.addf %get3A_468, %get3A_472 : vector<16xf32>
      %swap3A_474 = arith.index_cast %scan3A_144 : i32 to index
      %swap3A_475 = arith.constant 368 : index
      %swap3A_476 = tpu.vector_load %arg9[%swap3A_474, %swap3A_475] {strides = array<i32>} : memref<32x768xf32, #tpu.memory_space<vmem>>, vector<1x16xf32>,
      %swap3A_477 = vector.shape_cast %swap3A_476 : vector<1x16xf32> to vector<16xf32>
      %swap3A_478 = vector.shape_cast %add3A_473 : vector<16xf32> to vector<1x16xf32>
      tpu.vector_store %arg9[%swap3A_474, %swap3A_475], %swap3A_478 {strides = array<i32>} : memref<32x768xf32, #tpu.memory_space<vmem>>, vector<1x16xf32>,
      %get3A_479 = arith.index_cast %scan3A_144 : i32 to index
      %get3A_480 = arith.constant 384 : index
      %get3A_481 = tpu.vector_load %arg9[%get3A_479, %get3A_480] {strides = array<i32>} : memref<32x768xf32, #tpu.memory_space<vmem>>, vector<1x16xf32>,
      %get3A_482 = vector.shape_cast %get3A_481 : vector<1x16xf32> to vector<16xf32>
      %get3A_483 = arith.index_cast %scan3A_144 : i32 to index
      %get3A_484 = arith.constant 384 : index
      %get3A_485 = tpu.vector_load %arg11[%get3A_483, %get3A_484] {strides = array<i32>} : memref<32x768xf32, #tpu.memory_space<vmem>>, vector<1x16xf32>,
      %get3A_486 = vector.shape_cast %get3A_485 : vector<1x16xf32> to vector<16xf32>
      %add3A_487 = arith.addf %get3A_482, %get3A_486 : vector<16xf32>
      %swap3A_488 = arith.index_cast %scan3A_144 : i32 to index
      %swap3A_489 = arith.constant 384 : index
      %swap3A_490 = tpu.vector_load %arg9[%swap3A_488, %swap3A_489] {strides = array<i32>} : memref<32x768xf32, #tpu.memory_space<vmem>>, vector<1x16xf32>,
      %swap3A_491 = vector.shape_cast %swap3A_490 : vector<1x16xf32> to vector<16xf32>
      %swap3A_492 = vector.shape_cast %add3A_487 : vector<16xf32> to vector<1x16xf32>
      tpu.vector_store %arg9[%swap3A_488, %swap3A_489], %swap3A_492 {strides = array<i32>} : memref<32x768xf32, #tpu.memory_space<vmem>>, vector<1x16xf32>,
      %get3A_493 = arith.index_cast %scan3A_144 : i32 to index
      %get3A_494 = arith.constant 400 : index
      %get3A_495 = tpu.vector_load %arg9[%get3A_493, %get3A_494] {strides = array<i32>} : memref<32x768xf32, #tpu.memory_space<vmem>>, vector<1x16xf32>,
      %get3A_496 = vector.shape_cast %get3A_495 : vector<1x16xf32> to vector<16xf32>
      %get3A_497 = arith.index_cast %scan3A_144 : i32 to index
      %get3A_498 = arith.constant 400 : index
      %get3A_499 = tpu.vector_load %arg11[%get3A_497, %get3A_498] {strides = array<i32>} : memref<32x768xf32, #tpu.memory_space<vmem>>, vector<1x16xf32>,
      %get3A_500 = vector.shape_cast %get3A_499 : vector<1x16xf32> to vector<16xf32>
      %add3A_501 = arith.addf %get3A_496, %get3A_500 : vector<16xf32>
      %swap3A_502 = arith.index_cast %scan3A_144 : i32 to index
      %swap3A_503 = arith.constant 400 : index
      %swap3A_504 = tpu.vector_load %arg9[%swap3A_502, %swap3A_503] {strides = array<i32>} : memref<32x768xf32, #tpu.memory_space<vmem>>, vector<1x16xf32>,
      %swap3A_505 = vector.shape_cast %swap3A_504 : vector<1x16xf32> to vector<16xf32>
      %swap3A_506 = vector.shape_cast %add3A_501 : vector<16xf32> to vector<1x16xf32>
      tpu.vector_store %arg9[%swap3A_502, %swap3A_503], %swap3A_506 {strides = array<i32>} : memref<32x768xf32, #tpu.memory_space<vmem>>, vector<1x16xf32>,
      %get3A_507 = arith.index_cast %scan3A_144 : i32 to index
      %get3A_508 = arith.constant 416 : index
      %get3A_509 = tpu.vector_load %arg9[%get3A_507, %get3A_508] {strides = array<i32>} : memref<32x768xf32, #tpu.memory_space<vmem>>, vector<1x16xf32>,
      %get3A_510 = vector.shape_cast %get3A_509 : vector<1x16xf32> to vector<16xf32>
      %get3A_511 = arith.index_cast %scan3A_144 : i32 to index
      %get3A_512 = arith.constant 416 : index
      %get3A_513 = tpu.vector_load %arg11[%get3A_511, %get3A_512] {strides = array<i32>} : memref<32x768xf32, #tpu.memory_space<vmem>>, vector<1x16xf32>,
      %get3A_514 = vector.shape_cast %get3A_513 : vector<1x16xf32> to vector<16xf32>
      %add3A_515 = arith.addf %get3A_510, %get3A_514 : vector<16xf32>
      %swap3A_516 = arith.index_cast %scan3A_144 : i32 to index
      %swap3A_517 = arith.constant 416 : index
      %swap3A_518 = tpu.vector_load %arg9[%swap3A_516, %swap3A_517] {strides = array<i32>} : memref<32x768xf32, #tpu.memory_space<vmem>>, vector<1x16xf32>,
      %swap3A_519 = vector.shape_cast %swap3A_518 : vector<1x16xf32> to vector<16xf32>
      %swap3A_520 = vector.shape_cast %add3A_515 : vector<16xf32> to vector<1x16xf32>
      tpu.vector_store %arg9[%swap3A_516, %swap3A_517], %swap3A_520 {strides = array<i32>} : memref<32x768xf32, #tpu.memory_space<vmem>>, vector<1x16xf32>,
      %get3A_521 = arith.index_cast %scan3A_144 : i32 to index
      %get3A_522 = arith.constant 432 : index
      %get3A_523 = tpu.vector_load %arg9[%get3A_521, %get3A_522] {strides = array<i32>} : memref<32x768xf32, #tpu.memory_space<vmem>>, vector<1x16xf32>,
      %get3A_524 = vector.shape_cast %get3A_523 : vector<1x16xf32> to vector<16xf32>
      %get3A_525 = arith.index_cast %scan3A_144 : i32 to index
      %get3A_526 = arith.constant 432 : index
      %get3A_527 = tpu.vector_load %arg11[%get3A_525, %get3A_526] {strides = array<i32>} : memref<32x768xf32, #tpu.memory_space<vmem>>, vector<1x16xf32>,
      %get3A_528 = vector.shape_cast %get3A_527 : vector<1x16xf32> to vector<16xf32>
      %add3A_529 = arith.addf %get3A_524, %get3A_528 : vector<16xf32>
      %swap3A_530 = arith.index_cast %scan3A_144 : i32 to index
      %swap3A_531 = arith.constant 432 : index
      %swap3A_532 = tpu.vector_load %arg9[%swap3A_530, %swap3A_531] {strides = array<i32>} : memref<32x768xf32, #tpu.memory_space<vmem>>, vector<1x16xf32>,
      %swap3A_533 = vector.shape_cast %swap3A_532 : vector<1x16xf32> to vector<16xf32>
      %swap3A_534 = vector.shape_cast %add3A_529 : vector<16xf32> to vector<1x16xf32>
      tpu.vector_store %arg9[%swap3A_530, %swap3A_531], %swap3A_534 {strides = array<i32>} : memref<32x768xf32, #tpu.memory_space<vmem>>, vector<1x16xf32>,
      %get3A_535 = arith.index_cast %scan3A_144 : i32 to index
      %get3A_536 = arith.constant 448 : index
      %get3A_537 = tpu.vector_load %arg9[%get3A_535, %get3A_536] {strides = array<i32>} : memref<32x768xf32, #tpu.memory_space<vmem>>, vector<1x16xf32>,
      %get3A_538 = vector.shape_cast %get3A_537 : vector<1x16xf32> to vector<16xf32>
      %get3A_539 = arith.index_cast %scan3A_144 : i32 to index
      %get3A_540 = arith.constant 448 : index
      %get3A_541 = tpu.vector_load %arg11[%get3A_539, %get3A_540] {strides = array<i32>} : memref<32x768xf32, #tpu.memory_space<vmem>>, vector<1x16xf32>,
      %get3A_542 = vector.shape_cast %get3A_541 : vector<1x16xf32> to vector<16xf32>
      %add3A_543 = arith.addf %get3A_538, %get3A_542 : vector<16xf32>
      %swap3A_544 = arith.index_cast %scan3A_144 : i32 to index
      %swap3A_545 = arith.constant 448 : index
      %swap3A_546 = tpu.vector_load %arg9[%swap3A_544, %swap3A_545] {strides = array<i32>} : memref<32x768xf32, #tpu.memory_space<vmem>>, vector<1x16xf32>,
      %swap3A_547 = vector.shape_cast %swap3A_546 : vector<1x16xf32> to vector<16xf32>
      %swap3A_548 = vector.shape_cast %add3A_543 : vector<16xf32> to vector<1x16xf32>
      tpu.vector_store %arg9[%swap3A_544, %swap3A_545], %swap3A_548 {strides = array<i32>} : memref<32x768xf32, #tpu.memory_space<vmem>>, vector<1x16xf32>,
      %get3A_549 = arith.index_cast %scan3A_144 : i32 to index
      %get3A_550 = arith.constant 464 : index
      %get3A_551 = tpu.vector_load %arg9[%get3A_549, %get3A_550] {strides = array<i32>} : memref<32x768xf32, #tpu.memory_space<vmem>>, vector<1x16xf32>,
      %get3A_552 = vector.shape_cast %get3A_551 : vector<1x16xf32> to vector<16xf32>
      %get3A_553 = arith.index_cast %scan3A_144 : i32 to index
      %get3A_554 = arith.constant 464 : index
      %get3A_555 = tpu.vector_load %arg11[%get3A_553, %get3A_554] {strides = array<i32>} : memref<32x768xf32, #tpu.memory_space<vmem>>, vector<1x16xf32>,
      %get3A_556 = vector.shape_cast %get3A_555 : vector<1x16xf32> to vector<16xf32>
      %add3A_557 = arith.addf %get3A_552, %get3A_556 : vector<16xf32>
      %swap3A_558 = arith.index_cast %scan3A_144 : i32 to index
      %swap3A_559 = arith.constant 464 : index
      %swap3A_560 = tpu.vector_load %arg9[%swap3A_558, %swap3A_559] {strides = array<i32>} : memref<32x768xf32, #tpu.memory_space<vmem>>, vector<1x16xf32>,
      %swap3A_561 = vector.shape_cast %swap3A_560 : vector<1x16xf32> to vector<16xf32>
      %swap3A_562 = vector.shape_cast %add3A_557 : vector<16xf32> to vector<1x16xf32>
      tpu.vector_store %arg9[%swap3A_558, %swap3A_559], %swap3A_562 {strides = array<i32>} : memref<32x768xf32, #tpu.memory_space<vmem>>, vector<1x16xf32>,
      %get3A_563 = arith.index_cast %scan3A_144 : i32 to index
      %get3A_564 = arith.constant 480 : index
      %get3A_565 = tpu.vector_load %arg9[%get3A_563, %get3A_564] {strides = array<i32>} : memref<32x768xf32, #tpu.memory_space<vmem>>, vector<1x16xf32>,
      %get3A_566 = vector.shape_cast %get3A_565 : vector<1x16xf32> to vector<16xf32>
      %get3A_567 = arith.index_cast %scan3A_144 : i32 to index
      %get3A_568 = arith.constant 480 : index
      %get3A_569 = tpu.vector_load %arg11[%get3A_567, %get3A_568] {strides = array<i32>} : memref<32x768xf32, #tpu.memory_space<vmem>>, vector<1x16xf32>,
      %get3A_570 = vector.shape_cast %get3A_569 : vector<1x16xf32> to vector<16xf32>
      %add3A_571 = arith.addf %get3A_566, %get3A_570 : vector<16xf32>
      %swap3A_572 = arith.index_cast %scan3A_144 : i32 to index
      %swap3A_573 = arith.constant 480 : index
      %swap3A_574 = tpu.vector_load %arg9[%swap3A_572, %swap3A_573] {strides = array<i32>} : memref<32x768xf32, #tpu.memory_space<vmem>>, vector<1x16xf32>,
      %swap3A_575 = vector.shape_cast %swap3A_574 : vector<1x16xf32> to vector<16xf32>
      %swap3A_576 = vector.shape_cast %add3A_571 : vector<16xf32> to vector<1x16xf32>
      tpu.vector_store %arg9[%swap3A_572, %swap3A_573], %swap3A_576 {strides = array<i32>} : memref<32x768xf32, #tpu.memory_space<vmem>>, vector<1x16xf32>,
      %get3A_577 = arith.index_cast %scan3A_144 : i32 to index
      %get3A_578 = arith.constant 496 : index
      %get3A_579 = tpu.vector_load %arg9[%get3A_577, %get3A_578] {strides = array<i32>} : memref<32x768xf32, #tpu.memory_space<vmem>>, vector<1x16xf32>,
      %get3A_580 = vector.shape_cast %get3A_579 : vector<1x16xf32> to vector<16xf32>
      %get3A_581 = arith.index_cast %scan3A_144 : i32 to index
      %get3A_582 = arith.constant 496 : index
      %get3A_583 = tpu.vector_load %arg11[%get3A_581, %get3A_582] {strides = array<i32>} : memref<32x768xf32, #tpu.memory_space<vmem>>, vector<1x16xf32>,
      %get3A_584 = vector.shape_cast %get3A_583 : vector<1x16xf32> to vector<16xf32>
      %add3A_585 = arith.addf %get3A_580, %get3A_584 : vector<16xf32>
      %swap3A_586 = arith.index_cast %scan3A_144 : i32 to index
      %swap3A_587 = arith.constant 496 : index
      %swap3A_588 = tpu.vector_load %arg9[%swap3A_586, %swap3A_587] {strides = array<i32>} : memref<32x768xf32, #tpu.memory_space<vmem>>, vector<1x16xf32>,
      %swap3A_589 = vector.shape_cast %swap3A_588 : vector<1x16xf32> to vector<16xf32>
      %swap3A_590 = vector.shape_cast %add3A_585 : vector<16xf32> to vector<1x16xf32>
      tpu.vector_store %arg9[%swap3A_586, %swap3A_587], %swap3A_590 {strides = array<i32>} : memref<32x768xf32, #tpu.memory_space<vmem>>, vector<1x16xf32>,
      %get3A_591 = arith.index_cast %scan3A_144 : i32 to index
      %get3A_592 = arith.constant 512 : index
      %get3A_593 = tpu.vector_load %arg9[%get3A_591, %get3A_592] {strides = array<i32>} : memref<32x768xf32, #tpu.memory_space<vmem>>, vector<1x16xf32>,
      %get3A_594 = vector.shape_cast %get3A_593 : vector<1x16xf32> to vector<16xf32>
      %get3A_595 = arith.index_cast %scan3A_144 : i32 to index
      %get3A_596 = arith.constant 512 : index
      %get3A_597 = tpu.vector_load %arg11[%get3A_595, %get3A_596] {strides = array<i32>} : memref<32x768xf32, #tpu.memory_space<vmem>>, vector<1x16xf32>,
      %get3A_598 = vector.shape_cast %get3A_597 : vector<1x16xf32> to vector<16xf32>
      %add3A_599 = arith.addf %get3A_594, %get3A_598 : vector<16xf32>
      %swap3A_600 = arith.index_cast %scan3A_144 : i32 to index
      %swap3A_601 = arith.constant 512 : index
      %swap3A_602 = tpu.vector_load %arg9[%swap3A_600, %swap3A_601] {strides = array<i32>} : memref<32x768xf32, #tpu.memory_space<vmem>>, vector<1x16xf32>,
      %swap3A_603 = vector.shape_cast %swap3A_602 : vector<1x16xf32> to vector<16xf32>
      %swap3A_604 = vector.shape_cast %add3A_599 : vector<16xf32> to vector<1x16xf32>
      tpu.vector_store %arg9[%swap3A_600, %swap3A_601], %swap3A_604 {strides = array<i32>} : memref<32x768xf32, #tpu.memory_space<vmem>>, vector<1x16xf32>,
      %get3A_605 = arith.index_cast %scan3A_144 : i32 to index
      %get3A_606 = arith.constant 528 : index
      %get3A_607 = tpu.vector_load %arg9[%get3A_605, %get3A_606] {strides = array<i32>} : memref<32x768xf32, #tpu.memory_space<vmem>>, vector<1x16xf32>,
      %get3A_608 = vector.shape_cast %get3A_607 : vector<1x16xf32> to vector<16xf32>
      %get3A_609 = arith.index_cast %scan3A_144 : i32 to index
      %get3A_610 = arith.constant 528 : index
      %get3A_611 = tpu.vector_load %arg11[%get3A_609, %get3A_610] {strides = array<i32>} : memref<32x768xf32, #tpu.memory_space<vmem>>, vector<1x16xf32>,
      %get3A_612 = vector.shape_cast %get3A_611 : vector<1x16xf32> to vector<16xf32>
      %add3A_613 = arith.addf %get3A_608, %get3A_612 : vector<16xf32>
      %swap3A_614 = arith.index_cast %scan3A_144 : i32 to index
      %swap3A_615 = arith.constant 528 : index
      %swap3A_616 = tpu.vector_load %arg9[%swap3A_614, %swap3A_615] {strides = array<i32>} : memref<32x768xf32, #tpu.memory_space<vmem>>, vector<1x16xf32>,
      %swap3A_617 = vector.shape_cast %swap3A_616 : vector<1x16xf32> to vector<16xf32>
      %swap3A_618 = vector.shape_cast %add3A_613 : vector<16xf32> to vector<1x16xf32>
      tpu.vector_store %arg9[%swap3A_614, %swap3A_615], %swap3A_618 {strides = array<i32>} : memref<32x768xf32, #tpu.memory_space<vmem>>, vector<1x16xf32>,
      %get3A_619 = arith.index_cast %scan3A_144 : i32 to index
      %get3A_620 = arith.constant 544 : index
      %get3A_621 = tpu.vector_load %arg9[%get3A_619, %get3A_620] {strides = array<i32>} : memref<32x768xf32, #tpu.memory_space<vmem>>, vector<1x16xf32>,
      %get3A_622 = vector.shape_cast %get3A_621 : vector<1x16xf32> to vector<16xf32>
      %get3A_623 = arith.index_cast %scan3A_144 : i32 to index
      %get3A_624 = arith.constant 544 : index
      %get3A_625 = tpu.vector_load %arg11[%get3A_623, %get3A_624] {strides = array<i32>} : memref<32x768xf32, #tpu.memory_space<vmem>>, vector<1x16xf32>,
      %get3A_626 = vector.shape_cast %get3A_625 : vector<1x16xf32> to vector<16xf32>
      %add3A_627 = arith.addf %get3A_622, %get3A_626 : vector<16xf32>
      %swap3A_628 = arith.index_cast %scan3A_144 : i32 to index
      %swap3A_629 = arith.constant 544 : index
      %swap3A_630 = tpu.vector_load %arg9[%swap3A_628, %swap3A_629] {strides = array<i32>} : memref<32x768xf32, #tpu.memory_space<vmem>>, vector<1x16xf32>,
      %swap3A_631 = vector.shape_cast %swap3A_630 : vector<1x16xf32> to vector<16xf32>
      %swap3A_632 = vector.shape_cast %add3A_627 : vector<16xf32> to vector<1x16xf32>
      tpu.vector_store %arg9[%swap3A_628, %swap3A_629], %swap3A_632 {strides = array<i32>} : memref<32x768xf32, #tpu.memory_space<vmem>>, vector<1x16xf32>,
      %get3A_633 = arith.index_cast %scan3A_144 : i32 to index
      %get3A_634 = arith.constant 560 : index
      %get3A_635 = tpu.vector_load %arg9[%get3A_633, %get3A_634] {strides = array<i32>} : memref<32x768xf32, #tpu.memory_space<vmem>>, vector<1x16xf32>,
      %get3A_636 = vector.shape_cast %get3A_635 : vector<1x16xf32> to vector<16xf32>
      %get3A_637 = arith.index_cast %scan3A_144 : i32 to index
      %get3A_638 = arith.constant 560 : index
      %get3A_639 = tpu.vector_load %arg11[%get3A_637, %get3A_638] {strides = array<i32>} : memref<32x768xf32, #tpu.memory_space<vmem>>, vector<1x16xf32>,
      %get3A_640 = vector.shape_cast %get3A_639 : vector<1x16xf32> to vector<16xf32>
      %add3A_641 = arith.addf %get3A_636, %get3A_640 : vector<16xf32>
      %swap3A_642 = arith.index_cast %scan3A_144 : i32 to index
      %swap3A_643 = arith.constant 560 : index
      %swap3A_644 = tpu.vector_load %arg9[%swap3A_642, %swap3A_643] {strides = array<i32>} : memref<32x768xf32, #tpu.memory_space<vmem>>, vector<1x16xf32>,
      %swap3A_645 = vector.shape_cast %swap3A_644 : vector<1x16xf32> to vector<16xf32>
      %swap3A_646 = vector.shape_cast %add3A_641 : vector<16xf32> to vector<1x16xf32>
      tpu.vector_store %arg9[%swap3A_642, %swap3A_643], %swap3A_646 {strides = array<i32>} : memref<32x768xf32, #tpu.memory_space<vmem>>, vector<1x16xf32>,
      %get3A_647 = arith.index_cast %scan3A_144 : i32 to index
      %get3A_648 = arith.constant 576 : index
      %get3A_649 = tpu.vector_load %arg9[%get3A_647, %get3A_648] {strides = array<i32>} : memref<32x768xf32, #tpu.memory_space<vmem>>, vector<1x16xf32>,
      %get3A_650 = vector.shape_cast %get3A_649 : vector<1x16xf32> to vector<16xf32>
      %get3A_651 = arith.index_cast %scan3A_144 : i32 to index
      %get3A_652 = arith.constant 576 : index
      %get3A_653 = tpu.vector_load %arg11[%get3A_651, %get3A_652] {strides = array<i32>} : memref<32x768xf32, #tpu.memory_space<vmem>>, vector<1x16xf32>,
      %get3A_654 = vector.shape_cast %get3A_653 : vector<1x16xf32> to vector<16xf32>
      %add3A_655 = arith.addf %get3A_650, %get3A_654 : vector<16xf32>
      %swap3A_656 = arith.index_cast %scan3A_144 : i32 to index
      %swap3A_657 = arith.constant 576 : index
      %swap3A_658 = tpu.vector_load %arg9[%swap3A_656, %swap3A_657] {strides = array<i32>} : memref<32x768xf32, #tpu.memory_space<vmem>>, vector<1x16xf32>,
      %swap3A_659 = vector.shape_cast %swap3A_658 : vector<1x16xf32> to vector<16xf32>
      %swap3A_660 = vector.shape_cast %add3A_655 : vector<16xf32> to vector<1x16xf32>
      tpu.vector_store %arg9[%swap3A_656, %swap3A_657], %swap3A_660 {strides = array<i32>} : memref<32x768xf32, #tpu.memory_space<vmem>>, vector<1x16xf32>,
      %get3A_661 = arith.index_cast %scan3A_144 : i32 to index
      %get3A_662 = arith.constant 592 : index
      %get3A_663 = tpu.vector_load %arg9[%get3A_661, %get3A_662] {strides = array<i32>} : memref<32x768xf32, #tpu.memory_space<vmem>>, vector<1x16xf32>,
      %get3A_664 = vector.shape_cast %get3A_663 : vector<1x16xf32> to vector<16xf32>
      %get3A_665 = arith.index_cast %scan3A_144 : i32 to index
      %get3A_666 = arith.constant 592 : index
      %get3A_667 = tpu.vector_load %arg11[%get3A_665, %get3A_666] {strides = array<i32>} : memref<32x768xf32, #tpu.memory_space<vmem>>, vector<1x16xf32>,
      %get3A_668 = vector.shape_cast %get3A_667 : vector<1x16xf32> to vector<16xf32>
      %add3A_669 = arith.addf %get3A_664, %get3A_668 : vector<16xf32>
      %swap3A_670 = arith.index_cast %scan3A_144 : i32 to index
      %swap3A_671 = arith.constant 592 : index
      %swap3A_672 = tpu.vector_load %arg9[%swap3A_670, %swap3A_671] {strides = array<i32>} : memref<32x768xf32, #tpu.memory_space<vmem>>, vector<1x16xf32>,
      %swap3A_673 = vector.shape_cast %swap3A_672 : vector<1x16xf32> to vector<16xf32>
      %swap3A_674 = vector.shape_cast %add3A_669 : vector<16xf32> to vector<1x16xf32>
      tpu.vector_store %arg9[%swap3A_670, %swap3A_671], %swap3A_674 {strides = array<i32>} : memref<32x768xf32, #tpu.memory_space<vmem>>, vector<1x16xf32>,
      %get3A_675 = arith.index_cast %scan3A_144 : i32 to index
      %get3A_676 = arith.constant 608 : index
      %get3A_677 = tpu.vector_load %arg9[%get3A_675, %get3A_676] {strides = array<i32>} : memref<32x768xf32, #tpu.memory_space<vmem>>, vector<1x16xf32>,
      %get3A_678 = vector.shape_cast %get3A_677 : vector<1x16xf32> to vector<16xf32>
      %get3A_679 = arith.index_cast %scan3A_144 : i32 to index
      %get3A_680 = arith.constant 608 : index
      %get3A_681 = tpu.vector_load %arg11[%get3A_679, %get3A_680] {strides = array<i32>} : memref<32x768xf32, #tpu.memory_space<vmem>>, vector<1x16xf32>,
      %get3A_682 = vector.shape_cast %get3A_681 : vector<1x16xf32> to vector<16xf32>
      %add3A_683 = arith.addf %get3A_678, %get3A_682 : vector<16xf32>
      %swap3A_684 = arith.index_cast %scan3A_144 : i32 to index
      %swap3A_685 = arith.constant 608 : index
      %swap3A_686 = tpu.vector_load %arg9[%swap3A_684, %swap3A_685] {strides = array<i32>} : memref<32x768xf32, #tpu.memory_space<vmem>>, vector<1x16xf32>,
      %swap3A_687 = vector.shape_cast %swap3A_686 : vector<1x16xf32> to vector<16xf32>
      %swap3A_688 = vector.shape_cast %add3A_683 : vector<16xf32> to vector<1x16xf32>
      tpu.vector_store %arg9[%swap3A_684, %swap3A_685], %swap3A_688 {strides = array<i32>} : memref<32x768xf32, #tpu.memory_space<vmem>>, vector<1x16xf32>,
      %get3A_689 = arith.index_cast %scan3A_144 : i32 to index
      %get3A_690 = arith.constant 624 : index
      %get3A_691 = tpu.vector_load %arg9[%get3A_689, %get3A_690] {strides = array<i32>} : memref<32x768xf32, #tpu.memory_space<vmem>>, vector<1x16xf32>,
      %get3A_692 = vector.shape_cast %get3A_691 : vector<1x16xf32> to vector<16xf32>
      %get3A_693 = arith.index_cast %scan3A_144 : i32 to index
      %get3A_694 = arith.constant 624 : index
      %get3A_695 = tpu.vector_load %arg11[%get3A_693, %get3A_694] {strides = array<i32>} : memref<32x768xf32, #tpu.memory_space<vmem>>, vector<1x16xf32>,
      %get3A_696 = vector.shape_cast %get3A_695 : vector<1x16xf32> to vector<16xf32>
      %add3A_697 = arith.addf %get3A_692, %get3A_696 : vector<16xf32>
      %swap3A_698 = arith.index_cast %scan3A_144 : i32 to index
      %swap3A_699 = arith.constant 624 : index
      %swap3A_700 = tpu.vector_load %arg9[%swap3A_698, %swap3A_699] {strides = array<i32>} : memref<32x768xf32, #tpu.memory_space<vmem>>, vector<1x16xf32>,
      %swap3A_701 = vector.shape_cast %swap3A_700 : vector<1x16xf32> to vector<16xf32>
      %swap3A_702 = vector.shape_cast %add3A_697 : vector<16xf32> to vector<1x16xf32>
      tpu.vector_store %arg9[%swap3A_698, %swap3A_699], %swap3A_702 {strides = array<i32>} : memref<32x768xf32, #tpu.memory_space<vmem>>, vector<1x16xf32>,
      %get3A_703 = arith.index_cast %scan3A_144 : i32 to index
      %get3A_704 = arith.constant 640 : index
      %get3A_705 = tpu.vector_load %arg9[%get3A_703, %get3A_704] {strides = array<i32>} : memref<32x768xf32, #tpu.memory_space<vmem>>, vector<1x16xf32>,
      %get3A_706 = vector.shape_cast %get3A_705 : vector<1x16xf32> to vector<16xf32>
      %get3A_707 = arith.index_cast %scan3A_144 : i32 to index
      %get3A_708 = arith.constant 640 : index
      %get3A_709 = tpu.vector_load %arg11[%get3A_707, %get3A_708] {strides = array<i32>} : memref<32x768xf32, #tpu.memory_space<vmem>>, vector<1x16xf32>,
      %get3A_710 = vector.shape_cast %get3A_709 : vector<1x16xf32> to vector<16xf32>
      %add3A_711 = arith.addf %get3A_706, %get3A_710 : vector<16xf32>
      %swap3A_712 = arith.index_cast %scan3A_144 : i32 to index
      %swap3A_713 = arith.constant 640 : index
      %swap3A_714 = tpu.vector_load %arg9[%swap3A_712, %swap3A_713] {strides = array<i32>} : memref<32x768xf32, #tpu.memory_space<vmem>>, vector<1x16xf32>,
      %swap3A_715 = vector.shape_cast %swap3A_714 : vector<1x16xf32> to vector<16xf32>
      %swap3A_716 = vector.shape_cast %add3A_711 : vector<16xf32> to vector<1x16xf32>
      tpu.vector_store %arg9[%swap3A_712, %swap3A_713], %swap3A_716 {strides = array<i32>} : memref<32x768xf32, #tpu.memory_space<vmem>>, vector<1x16xf32>,
      %get3A_717 = arith.index_cast %scan3A_144 : i32 to index
      %get3A_718 = arith.constant 656 : index
      %get3A_719 = tpu.vector_load %arg9[%get3A_717, %get3A_718] {strides = array<i32>} : memref<32x768xf32, #tpu.memory_space<vmem>>, vector<1x16xf32>,
      %get3A_720 = vector.shape_cast %get3A_719 : vector<1x16xf32> to vector<16xf32>
      %get3A_721 = arith.index_cast %scan3A_144 : i32 to index
      %get3A_722 = arith.constant 656 : index
      %get3A_723 = tpu.vector_load %arg11[%get3A_721, %get3A_722] {strides = array<i32>} : memref<32x768xf32, #tpu.memory_space<vmem>>, vector<1x16xf32>,
      %get3A_724 = vector.shape_cast %get3A_723 : vector<1x16xf32> to vector<16xf32>
      %add3A_725 = arith.addf %get3A_720, %get3A_724 : vector<16xf32>
      %swap3A_726 = arith.index_cast %scan3A_144 : i32 to index
      %swap3A_727 = arith.constant 656 : index
      %swap3A_728 = tpu.vector_load %arg9[%swap3A_726, %swap3A_727] {strides = array<i32>} : memref<32x768xf32, #tpu.memory_space<vmem>>, vector<1x16xf32>,
      %swap3A_729 = vector.shape_cast %swap3A_728 : vector<1x16xf32> to vector<16xf32>
      %swap3A_730 = vector.shape_cast %add3A_725 : vector<16xf32> to vector<1x16xf32>
      tpu.vector_store %arg9[%swap3A_726, %swap3A_727], %swap3A_730 {strides = array<i32>} : memref<32x768xf32, #tpu.memory_space<vmem>>, vector<1x16xf32>,
      %get3A_731 = arith.index_cast %scan3A_144 : i32 to index
      %get3A_732 = arith.constant 672 : index
      %get3A_733 = tpu.vector_load %arg9[%get3A_731, %get3A_732] {strides = array<i32>} : memref<32x768xf32, #tpu.memory_space<vmem>>, vector<1x16xf32>,
      %get3A_734 = vector.shape_cast %get3A_733 : vector<1x16xf32> to vector<16xf32>
      %get3A_735 = arith.index_cast %scan3A_144 : i32 to index
      %get3A_736 = arith.constant 672 : index
      %get3A_737 = tpu.vector_load %arg11[%get3A_735, %get3A_736] {strides = array<i32>} : memref<32x768xf32, #tpu.memory_space<vmem>>, vector<1x16xf32>,
      %get3A_738 = vector.shape_cast %get3A_737 : vector<1x16xf32> to vector<16xf32>
      %add3A_739 = arith.addf %get3A_734, %get3A_738 : vector<16xf32>
      %swap3A_740 = arith.index_cast %scan3A_144 : i32 to index
      %swap3A_741 = arith.constant 672 : index
      %swap3A_742 = tpu.vector_load %arg9[%swap3A_740, %swap3A_741] {strides = array<i32>} : memref<32x768xf32, #tpu.memory_space<vmem>>, vector<1x16xf32>,
      %swap3A_743 = vector.shape_cast %swap3A_742 : vector<1x16xf32> to vector<16xf32>
      %swap3A_744 = vector.shape_cast %add3A_739 : vector<16xf32> to vector<1x16xf32>
      tpu.vector_store %arg9[%swap3A_740, %swap3A_741], %swap3A_744 {strides = array<i32>} : memref<32x768xf32, #tpu.memory_space<vmem>>, vector<1x16xf32>,
      %get3A_745 = arith.index_cast %scan3A_144 : i32 to index
      %get3A_746 = arith.constant 688 : index
      %get3A_747 = tpu.vector_load %arg9[%get3A_745, %get3A_746] {strides = array<i32>} : memref<32x768xf32, #tpu.memory_space<vmem>>, vector<1x16xf32>,
      %get3A_748 = vector.shape_cast %get3A_747 : vector<1x16xf32> to vector<16xf32>
      %get3A_749 = arith.index_cast %scan3A_144 : i32 to index
      %get3A_750 = arith.constant 688 : index
      %get3A_751 = tpu.vector_load %arg11[%get3A_749, %get3A_750] {strides = array<i32>} : memref<32x768xf32, #tpu.memory_space<vmem>>, vector<1x16xf32>,
      %get3A_752 = vector.shape_cast %get3A_751 : vector<1x16xf32> to vector<16xf32>
      %add3A_753 = arith.addf %get3A_748, %get3A_752 : vector<16xf32>
      %swap3A_754 = arith.index_cast %scan3A_144 : i32 to index
      %swap3A_755 = arith.constant 688 : index
      %swap3A_756 = tpu.vector_load %arg9[%swap3A_754, %swap3A_755] {strides = array<i32>} : memref<32x768xf32, #tpu.memory_space<vmem>>, vector<1x16xf32>,
      %swap3A_757 = vector.shape_cast %swap3A_756 : vector<1x16xf32> to vector<16xf32>
      %swap3A_758 = vector.shape_cast %add3A_753 : vector<16xf32> to vector<1x16xf32>
      tpu.vector_store %arg9[%swap3A_754, %swap3A_755], %swap3A_758 {strides = array<i32>} : memref<32x768xf32, #tpu.memory_space<vmem>>, vector<1x16xf32>,
      %get3A_759 = arith.index_cast %scan3A_144 : i32 to index
      %get3A_760 = arith.constant 704 : index
      %get3A_761 = tpu.vector_load %arg9[%get3A_759, %get3A_760] {strides = array<i32>} : memref<32x768xf32, #tpu.memory_space<vmem>>, vector<1x16xf32>,
      %get3A_762 = vector.shape_cast %get3A_761 : vector<1x16xf32> to vector<16xf32>
      %get3A_763 = arith.index_cast %scan3A_144 : i32 to index
      %get3A_764 = arith.constant 704 : index
      %get3A_765 = tpu.vector_load %arg11[%get3A_763, %get3A_764] {strides = array<i32>} : memref<32x768xf32, #tpu.memory_space<vmem>>, vector<1x16xf32>,
      %get3A_766 = vector.shape_cast %get3A_765 : vector<1x16xf32> to vector<16xf32>
      %add3A_767 = arith.addf %get3A_762, %get3A_766 : vector<16xf32>
      %swap3A_768 = arith.index_cast %scan3A_144 : i32 to index
      %swap3A_769 = arith.constant 704 : index
      %swap3A_770 = tpu.vector_load %arg9[%swap3A_768, %swap3A_769] {strides = array<i32>} : memref<32x768xf32, #tpu.memory_space<vmem>>, vector<1x16xf32>,
      %swap3A_771 = vector.shape_cast %swap3A_770 : vector<1x16xf32> to vector<16xf32>
      %swap3A_772 = vector.shape_cast %add3A_767 : vector<16xf32> to vector<1x16xf32>
      tpu.vector_store %arg9[%swap3A_768, %swap3A_769], %swap3A_772 {strides = array<i32>} : memref<32x768xf32, #tpu.memory_space<vmem>>, vector<1x16xf32>,
      %get3A_773 = arith.index_cast %scan3A_144 : i32 to index
      %get3A_774 = arith.constant 720 : index
      %get3A_775 = tpu.vector_load %arg9[%get3A_773, %get3A_774] {strides = array<i32>} : memref<32x768xf32, #tpu.memory_space<vmem>>, vector<1x16xf32>,
      %get3A_776 = vector.shape_cast %get3A_775 : vector<1x16xf32> to vector<16xf32>
      %get3A_777 = arith.index_cast %scan3A_144 : i32 to index
      %get3A_778 = arith.constant 720 : index
      %get3A_779 = tpu.vector_load %arg11[%get3A_777, %get3A_778] {strides = array<i32>} : memref<32x768xf32, #tpu.memory_space<vmem>>, vector<1x16xf32>,
      %get3A_780 = vector.shape_cast %get3A_779 : vector<1x16xf32> to vector<16xf32>
      %add3A_781 = arith.addf %get3A_776, %get3A_780 : vector<16xf32>
      %swap3A_782 = arith.index_cast %scan3A_144 : i32 to index
      %swap3A_783 = arith.constant 720 : index
      %swap3A_784 = tpu.vector_load %arg9[%swap3A_782, %swap3A_783] {strides = array<i32>} : memref<32x768xf32, #tpu.memory_space<vmem>>, vector<1x16xf32>,
      %swap3A_785 = vector.shape_cast %swap3A_784 : vector<1x16xf32> to vector<16xf32>
      %swap3A_786 = vector.shape_cast %add3A_781 : vector<16xf32> to vector<1x16xf32>
      tpu.vector_store %arg9[%swap3A_782, %swap3A_783], %swap3A_786 {strides = array<i32>} : memref<32x768xf32, #tpu.memory_space<vmem>>, vector<1x16xf32>,
      %get3A_787 = arith.index_cast %scan3A_144 : i32 to index
      %get3A_788 = arith.constant 736 : index
      %get3A_789 = tpu.vector_load %arg9[%get3A_787, %get3A_788] {strides = array<i32>} : memref<32x768xf32, #tpu.memory_space<vmem>>, vector<1x16xf32>,
      %get3A_790 = vector.shape_cast %get3A_789 : vector<1x16xf32> to vector<16xf32>
      %get3A_791 = arith.index_cast %scan3A_144 : i32 to index
      %get3A_792 = arith.constant 736 : index
      %get3A_793 = tpu.vector_load %arg11[%get3A_791, %get3A_792] {strides = array<i32>} : memref<32x768xf32, #tpu.memory_space<vmem>>, vector<1x16xf32>,
      %get3A_794 = vector.shape_cast %get3A_793 : vector<1x16xf32> to vector<16xf32>
      %add3A_795 = arith.addf %get3A_790, %get3A_794 : vector<16xf32>
      %swap3A_796 = arith.index_cast %scan3A_144 : i32 to index
      %swap3A_797 = arith.constant 736 : index
      %swap3A_798 = tpu.vector_load %arg9[%swap3A_796, %swap3A_797] {strides = array<i32>} : memref<32x768xf32, #tpu.memory_space<vmem>>, vector<1x16xf32>,
      %swap3A_799 = vector.shape_cast %swap3A_798 : vector<1x16xf32> to vector<16xf32>
      %swap3A_800 = vector.shape_cast %add3A_795 : vector<16xf32> to vector<1x16xf32>
      tpu.vector_store %arg9[%swap3A_796, %swap3A_797], %swap3A_800 {strides = array<i32>} : memref<32x768xf32, #tpu.memory_space<vmem>>, vector<1x16xf32>,
      %get3A_801 = arith.index_cast %scan3A_144 : i32 to index
      %get3A_802 = arith.constant 752 : index
      %get3A_803 = tpu.vector_load %arg9[%get3A_801, %get3A_802] {strides = array<i32>} : memref<32x768xf32, #tpu.memory_space<vmem>>, vector<1x16xf32>,
      %get3A_804 = vector.shape_cast %get3A_803 : vector<1x16xf32> to vector<16xf32>
      %get3A_805 = arith.index_cast %scan3A_144 : i32 to index
      %get3A_806 = arith.constant 752 : index
      %get3A_807 = tpu.vector_load %arg11[%get3A_805, %get3A_806] {strides = array<i32>} : memref<32x768xf32, #tpu.memory_space<vmem>>, vector<1x16xf32>,
      %get3A_808 = vector.shape_cast %get3A_807 : vector<1x16xf32> to vector<16xf32>
      %add3A_809 = arith.addf %get3A_804, %get3A_808 : vector<16xf32>
      %swap3A_810 = arith.index_cast %scan3A_144 : i32 to index
      %swap3A_811 = arith.constant 752 : index
      %swap3A_812 = tpu.vector_load %arg9[%swap3A_810, %swap3A_811] {strides = array<i32>} : memref<32x768xf32, #tpu.memory_space<vmem>>, vector<1x16xf32>,
      %swap3A_813 = vector.shape_cast %swap3A_812 : vector<1x16xf32> to vector<16xf32>
      %swap3A_814 = vector.shape_cast %add3A_809 : vector<16xf32> to vector<1x16xf32>
      tpu.vector_store %arg9[%swap3A_810, %swap3A_811], %swap3A_814 {strides = array<i32>} : memref<32x768xf32, #tpu.memory_space<vmem>>, vector<1x16xf32>,
    }
    %scan3A_129 = arith.constant 32 : i32
    %add3A_130 = arith.constant 96 : i32
    %add3A_131 = arith.addi %mul3A_2, %add3A_130 : i32
    %dma_start3A_132 = arith.constant 0 : i32
    %dma_start3A_133 = tpu.memref_slice %arg5[%add3A_131, %dma_start3A_132] : memref<4096x768xf32, #tpu.memory_space<hbm>> -> memref<32x768xf32, #tpu.memory_space<hbm>>
    %dma_start3A_134 = arith.constant 0 : i32
    %dma_start3A_135 = tpu.memref_slice %arg5[%add3A_131, %dma_start3A_134] : memref<4096x768xf32, #tpu.memory_space<hbm>> -> memref<32x768xf32, #tpu.memory_space<hbm>>
    tpu.enqueue_dma source(%arg9 : memref<32x768xf32, #tpu.memory_space<vmem>>) target(%dma_start3A_135 : memref<32x768xf32, #tpu.memory_space<hbm>>) target_semaphore(%arg17 : memref<!tpu.dma_semaphore, #tpu.memory_space<semaphore_mem>>)
    %dma_wait3A_136 = arith.constant 0 : i32
    %dma_wait3A_137 = tpu.memref_slice %arg5[%add3A_109, %dma_wait3A_136] : memref<4096x768xf32, #tpu.memory_space<hbm>> -> memref<32x768xf32, #tpu.memory_space<hbm>>
    %dma_wait3A_138 = arith.constant 0 : i32
    %dma_wait3A_139 = tpu.memref_slice %arg5[%add3A_109, %dma_wait3A_138] : memref<4096x768xf32, #tpu.memory_space<hbm>> -> memref<32x768xf32, #tpu.memory_space<hbm>>
    tpu.wait_dma2 semaphore(%arg16 : memref<!tpu.dma_semaphore, #tpu.memory_space<semaphore_mem>>) src(%arg8 : memref<32x768xf32, #tpu.memory_space<vmem>>) dst(%dma_wait3A_139 : memref<32x768xf32, #tpu.memory_space<hbm>>)
    %dma_wait3A_140 = arith.constant 0 : i32
    %dma_wait3A_141 = tpu.memref_slice %arg5[%add3A_131, %dma_wait3A_140] : memref<4096x768xf32, #tpu.memory_space<hbm>> -> memref<32x768xf32, #tpu.memory_space<hbm>>
    %dma_wait3A_142 = arith.constant 0 : i32
    %dma_wait3A_143 = tpu.memref_slice %arg5[%add3A_131, %dma_wait3A_142] : memref<4096x768xf32, #tpu.memory_space<hbm>> -> memref<32x768xf32, #tpu.memory_space<hbm>>
    tpu.wait_dma2 semaphore(%arg17 : memref<!tpu.dma_semaphore, #tpu.memory_space<semaphore_mem>>) src(%arg9 : memref<32x768xf32, #tpu.memory_space<vmem>>) dst(%dma_wait3A_143 : memref<32x768xf32, #tpu.memory_space<hbm>>)
    return
  }
}

module attributes {stable_mosaic.version = 14 : i64} {
  func.func @_routing_kernel(%arg0: i32, %arg1: memref<4096x768xf32, #tpu.memory_space<vmem>>, %arg2: memref<768x8xf32, #tpu.memory_space<vmem>>, %arg3: memref<1x8xf32, #tpu.memory_space<vmem>>, %arg4: memref<4096x2xi32, #tpu.memory_space<vmem>>, %arg5: memref<4096x2xf32, #tpu.memory_space<vmem>>, %arg6: memref<4096x2xi32, #tpu.memory_space<vmem>>, %arg7: memref<1x8xi32, #tpu.memory_space<vmem>>) attributes {dimension_semantics = [#tpu.dimension_semantics<arbitrary>], iteration_bounds = array<i64: 1>, scalar_prefetch = 0 : i64, scratch_operands = 0 : i64, tpu.core_type = #tpu.core_type<tc>, window_params = [{pipeline_mode = #tpu.pipeline_mode<synchronous>, transform_indices = @transform_0, window_bounds = array<i64: 4096, 768>}, {pipeline_mode = #tpu.pipeline_mode<synchronous>, transform_indices = @transform_1, window_bounds = array<i64: 768, 8>}, {pipeline_mode = #tpu.pipeline_mode<synchronous>, transform_indices = @transform_2, window_bounds = array<i64: 1, 8>}, {pipeline_mode = #tpu.pipeline_mode<synchronous>, transform_indices = @transform_3, window_bounds = array<i64: 4096, 2>}, {pipeline_mode = #tpu.pipeline_mode<synchronous>, transform_indices = @transform_4, window_bounds = array<i64: 4096, 2>}, {pipeline_mode = #tpu.pipeline_mode<synchronous>, transform_indices = @transform_5, window_bounds = array<i64: 4096, 2>}, {pipeline_mode = #tpu.pipeline_mode<synchronous>, transform_indices = @transform_6, window_bounds = array<i64: 1, 8>}]} {
    %get3A = arith.constant 0 : index
    %get3A_0 = arith.constant 0 : index
    %get3A_1 = vector.load %arg1[%get3A, %get3A_0] : memref<4096x768xf32, #tpu.memory_space<vmem>>, vector<4096x768xf32>
    %get3A_2 = arith.constant 0 : index
    %get3A_3 = arith.constant 0 : index
    %get3A_4 = vector.load %arg2[%get3A_2, %get3A_3] : memref<768x8xf32, #tpu.memory_space<vmem>>, vector<768x8xf32>
    %dot_general3A = arith.constant dense<0.000000e+00> : vector<4096x8xf32>
    %dot_general3A_5 = tpu.matmul %get3A_1, %get3A_4, %dot_general3A {dimension_numbers = #tpu.dot_dimension_numbers<[1], [0], [0], [1], [0, 0, 1, 1], [], []>, transpose_lhs_hint = false} : vector<4096x768xf32>, vector<768x8xf32>, vector<4096x8xf32> -> vector<4096x8xf32>
    %get3A_6 = arith.constant 0 : index
    %get3A_7 = arith.constant 0 : index
    %get3A_8 = vector.load %arg3[%get3A_6, %get3A_7] : memref<1x8xf32, #tpu.memory_space<vmem>>, vector<1x8xf32>
    %add3A = vector.broadcast %get3A_8 : vector<1x8xf32> to vector<4096x8xf32>
    %add3A_9 = arith.addf %dot_general3A_5, %add3A : vector<4096x8xf32>
    %iota3A = tpu.iota {dimensions = array<i32: 1>} : vector<4096x8xi32>
    %reduce_max3A = arith.constant dense<0xFF800000> : vector<4096xf32>
    %reduce_max3A_10 = vector.multi_reduction <maximumf>, %add3A_9, %reduce_max3A [1] : vector<4096x8xf32> to vector<4096xf32>
    %broadcast_in_dim3A = vector.shape_cast %reduce_max3A_10 : vector<4096xf32> to vector<4096x1xf32>
    %ge3A = vector.broadcast %broadcast_in_dim3A : vector<4096x1xf32> to vector<4096x8xf32>
    %ge3A_11 = arith.cmpf oge, %add3A_9, %ge3A : vector<4096x8xf32>
    %jit3A = arith.constant 8 : i32
    %broadcast_in_dim3A_12 = vector.broadcast %jit3A : i32 to vector<4096x8xi32>
    %select_n3A = arith.select %ge3A_11, %iota3A, %broadcast_in_dim3A_12 : vector<4096x8xi1>, vector<4096x8xi32>
    %reduce_min3A = arith.constant dense<2147483647> : vector<4096xi32>
    %reduce_min3A_13 = vector.multi_reduction <minsi>, %select_n3A, %reduce_min3A [1] : vector<4096x8xi32> to vector<4096xi32>
    %broadcast_in_dim3A_14 = vector.shape_cast %reduce_min3A_13 : vector<4096xi32> to vector<4096x1xi32>
    %eq3A = vector.broadcast %broadcast_in_dim3A_14 : vector<4096x1xi32> to vector<4096x8xi32>
    %eq3A_15 = arith.cmpi eq, %iota3A, %eq3A : vector<4096x8xi32>
    %jit3A_16 = arith.constant -3.40282347E+38 : f32
    %broadcast_in_dim3A_17 = vector.broadcast %jit3A_16 : f32 to vector<4096x8xf32>
    %select_n3A_18 = arith.select %eq3A_15, %broadcast_in_dim3A_17, %add3A_9 : vector<4096x8xi1>, vector<4096x8xf32>
    %reduce_max3A_19 = arith.constant dense<0xFF800000> : vector<4096xf32>
    %reduce_max3A_20 = vector.multi_reduction <maximumf>, %select_n3A_18, %reduce_max3A_19 [1] : vector<4096x8xf32> to vector<4096xf32>
    %broadcast_in_dim3A_21 = vector.shape_cast %reduce_max3A_20 : vector<4096xf32> to vector<4096x1xf32>
    %ge3A_22 = vector.broadcast %broadcast_in_dim3A_21 : vector<4096x1xf32> to vector<4096x8xf32>
    %ge3A_23 = arith.cmpf oge, %select_n3A_18, %ge3A_22 : vector<4096x8xf32>
    %jit3A_24 = arith.constant 8 : i32
    %broadcast_in_dim3A_25 = vector.broadcast %jit3A_24 : i32 to vector<4096x8xi32>
    %select_n3A_26 = arith.select %ge3A_23, %iota3A, %broadcast_in_dim3A_25 : vector<4096x8xi1>, vector<4096x8xi32>
    %reduce_min3A_27 = arith.constant dense<2147483647> : vector<4096xi32>
    %reduce_min3A_28 = vector.multi_reduction <minsi>, %select_n3A_26, %reduce_min3A_27 [1] : vector<4096x8xi32> to vector<4096xi32>
    %broadcast_in_dim3A_29 = vector.shape_cast %reduce_min3A_28 : vector<4096xi32> to vector<4096x1xi32>
    %sub3A = arith.subf %broadcast_in_dim3A_21, %broadcast_in_dim3A : vector<4096x1xf32>
    %exp3A = math.exp %sub3A : vector<4096x1xf32>
    %add3A_30 = arith.constant 1.000000e+00 : f32
    %add3A_31 = vector.broadcast %add3A_30 : f32 to vector<4096x1xf32>
    %add3A_32 = arith.addf %add3A_31, %exp3A : vector<4096x1xf32>
    %concatenate3A = tpu.concatenate %broadcast_in_dim3A_14, %broadcast_in_dim3A_29 in 1 : vector<4096x1xi32>, vector<4096x1xi32> -> vector<4096x2xi32>
    %swap3A = arith.constant 0 : index
    %swap3A_33 = arith.constant 0 : index
    %swap3A_34 = vector.load %arg4[%swap3A, %swap3A_33] : memref<4096x2xi32, #tpu.memory_space<vmem>>, vector<4096x2xi32>
    tpu.vector_store %arg4[%swap3A, %swap3A_33], %concatenate3A {strides = array<i32>} : memref<4096x2xi32, #tpu.memory_space<vmem>>, vector<4096x2xi32>,
    %div3A = arith.constant 1.000000e+00 : f32
    %div3A_35 = vector.broadcast %div3A : f32 to vector<4096x1xf32>
    %div3A_36 = arith.divf %div3A_35, %add3A_32 : vector<4096x1xf32>
    %div3A_37 = arith.divf %exp3A, %add3A_32 : vector<4096x1xf32>
    %concatenate3A_38 = tpu.concatenate %div3A_36, %div3A_37 in 1 : vector<4096x1xf32>, vector<4096x1xf32> -> vector<4096x2xf32>
    %swap3A_39 = arith.constant 0 : index
    %swap3A_40 = arith.constant 0 : index
    %swap3A_41 = vector.load %arg5[%swap3A_39, %swap3A_40] : memref<4096x2xf32, #tpu.memory_space<vmem>>, vector<4096x2xf32>
    tpu.vector_store %arg5[%swap3A_39, %swap3A_40], %concatenate3A_38 {strides = array<i32>} : memref<4096x2xf32, #tpu.memory_space<vmem>>, vector<4096x2xf32>,
    %eq3A_42 = vector.broadcast %broadcast_in_dim3A_14 : vector<4096x1xi32> to vector<4096x8xi32>
    %eq3A_43 = arith.cmpi eq, %iota3A, %eq3A_42 : vector<4096x8xi32>
    %eq3A_44 = vector.broadcast %broadcast_in_dim3A_29 : vector<4096x1xi32> to vector<4096x8xi32>
    %eq3A_45 = arith.cmpi eq, %iota3A, %eq3A_44 : vector<4096x8xi32>
    %or3A = arith.ori %eq3A_43, %eq3A_45 : vector<4096x8xi1>
    %convert_element_type3A = arith.extui %or3A : vector<4096x8xi1> to vector<4096x8xi32>
    %broadcast_in_dim3A_46 = arith.constant 0 : i32
    %broadcast_in_dim3A_47 = vector.broadcast %broadcast_in_dim3A_46 : i32 to vector<1x8xi32>
    %slice3A = vector.extract_strided_slice %convert_element_type3A {offsets = [0, 0], sizes = [4095, 8], strides = [1, 1]} : vector<4096x8xi32> to vector<4095x8xi32>
    %concatenate3A_48 = tpu.concatenate %broadcast_in_dim3A_47, %slice3A in 0 : vector<1x8xi32>, vector<4095x8xi32> -> vector<4096x8xi32>
    %add3A_49 = arith.addi %convert_element_type3A, %concatenate3A_48 : vector<4096x8xi32>
    %broadcast_in_dim3A_50 = arith.constant 0 : i32
    %broadcast_in_dim3A_51 = vector.broadcast %broadcast_in_dim3A_50 : i32 to vector<2x8xi32>
    %slice3A_52 = vector.extract_strided_slice %add3A_49 {offsets = [0, 0], sizes = [4094, 8], strides = [1, 1]} : vector<4096x8xi32> to vector<4094x8xi32>
    %concatenate3A_53 = tpu.concatenate %broadcast_in_dim3A_51, %slice3A_52 in 0 : vector<2x8xi32>, vector<4094x8xi32> -> vector<4096x8xi32>
    %add3A_54 = arith.addi %add3A_49, %concatenate3A_53 : vector<4096x8xi32>
    %broadcast_in_dim3A_55 = arith.constant 0 : i32
    %broadcast_in_dim3A_56 = vector.broadcast %broadcast_in_dim3A_55 : i32 to vector<4x8xi32>
    %slice3A_57 = vector.extract_strided_slice %add3A_54 {offsets = [0, 0], sizes = [4092, 8], strides = [1, 1]} : vector<4096x8xi32> to vector<4092x8xi32>
    %concatenate3A_58 = tpu.concatenate %broadcast_in_dim3A_56, %slice3A_57 in 0 : vector<4x8xi32>, vector<4092x8xi32> -> vector<4096x8xi32>
    %add3A_59 = arith.addi %add3A_54, %concatenate3A_58 : vector<4096x8xi32>
    %broadcast_in_dim3A_60 = arith.constant 0 : i32
    %broadcast_in_dim3A_61 = vector.broadcast %broadcast_in_dim3A_60 : i32 to vector<8x8xi32>
    %slice3A_62 = vector.extract_strided_slice %add3A_59 {offsets = [0, 0], sizes = [4088, 8], strides = [1, 1]} : vector<4096x8xi32> to vector<4088x8xi32>
    %concatenate3A_63 = tpu.concatenate %broadcast_in_dim3A_61, %slice3A_62 in 0 : vector<8x8xi32>, vector<4088x8xi32> -> vector<4096x8xi32>
    %add3A_64 = arith.addi %add3A_59, %concatenate3A_63 : vector<4096x8xi32>
    %broadcast_in_dim3A_65 = arith.constant 0 : i32
    %broadcast_in_dim3A_66 = vector.broadcast %broadcast_in_dim3A_65 : i32 to vector<16x8xi32>
    %slice3A_67 = vector.extract_strided_slice %add3A_64 {offsets = [0, 0], sizes = [4080, 8], strides = [1, 1]} : vector<4096x8xi32> to vector<4080x8xi32>
    %concatenate3A_68 = tpu.concatenate %broadcast_in_dim3A_66, %slice3A_67 in 0 : vector<16x8xi32>, vector<4080x8xi32> -> vector<4096x8xi32>
    %add3A_69 = arith.addi %add3A_64, %concatenate3A_68 : vector<4096x8xi32>
    %broadcast_in_dim3A_70 = arith.constant 0 : i32
    %broadcast_in_dim3A_71 = vector.broadcast %broadcast_in_dim3A_70 : i32 to vector<32x8xi32>
    %slice3A_72 = vector.extract_strided_slice %add3A_69 {offsets = [0, 0], sizes = [4064, 8], strides = [1, 1]} : vector<4096x8xi32> to vector<4064x8xi32>
    %concatenate3A_73 = tpu.concatenate %broadcast_in_dim3A_71, %slice3A_72 in 0 : vector<32x8xi32>, vector<4064x8xi32> -> vector<4096x8xi32>
    %add3A_74 = arith.addi %add3A_69, %concatenate3A_73 : vector<4096x8xi32>
    %broadcast_in_dim3A_75 = arith.constant 0 : i32
    %broadcast_in_dim3A_76 = vector.broadcast %broadcast_in_dim3A_75 : i32 to vector<64x8xi32>
    %slice3A_77 = vector.extract_strided_slice %add3A_74 {offsets = [0, 0], sizes = [4032, 8], strides = [1, 1]} : vector<4096x8xi32> to vector<4032x8xi32>
    %concatenate3A_78 = tpu.concatenate %broadcast_in_dim3A_76, %slice3A_77 in 0 : vector<64x8xi32>, vector<4032x8xi32> -> vector<4096x8xi32>
    %add3A_79 = arith.addi %add3A_74, %concatenate3A_78 : vector<4096x8xi32>
    %broadcast_in_dim3A_80 = arith.constant 0 : i32
    %broadcast_in_dim3A_81 = vector.broadcast %broadcast_in_dim3A_80 : i32 to vector<128x8xi32>
    %slice3A_82 = vector.extract_strided_slice %add3A_79 {offsets = [0, 0], sizes = [3968, 8], strides = [1, 1]} : vector<4096x8xi32> to vector<3968x8xi32>
    %concatenate3A_83 = tpu.concatenate %broadcast_in_dim3A_81, %slice3A_82 in 0 : vector<128x8xi32>, vector<3968x8xi32> -> vector<4096x8xi32>
    %add3A_84 = arith.addi %add3A_79, %concatenate3A_83 : vector<4096x8xi32>
    %broadcast_in_dim3A_85 = arith.constant 0 : i32
    %broadcast_in_dim3A_86 = vector.broadcast %broadcast_in_dim3A_85 : i32 to vector<256x8xi32>
    %slice3A_87 = vector.extract_strided_slice %add3A_84 {offsets = [0, 0], sizes = [3840, 8], strides = [1, 1]} : vector<4096x8xi32> to vector<3840x8xi32>
    %concatenate3A_88 = tpu.concatenate %broadcast_in_dim3A_86, %slice3A_87 in 0 : vector<256x8xi32>, vector<3840x8xi32> -> vector<4096x8xi32>
    %add3A_89 = arith.addi %add3A_84, %concatenate3A_88 : vector<4096x8xi32>
    %broadcast_in_dim3A_90 = arith.constant 0 : i32
    %broadcast_in_dim3A_91 = vector.broadcast %broadcast_in_dim3A_90 : i32 to vector<512x8xi32>
    %slice3A_92 = vector.extract_strided_slice %add3A_89 {offsets = [0, 0], sizes = [3584, 8], strides = [1, 1]} : vector<4096x8xi32> to vector<3584x8xi32>
    %concatenate3A_93 = tpu.concatenate %broadcast_in_dim3A_91, %slice3A_92 in 0 : vector<512x8xi32>, vector<3584x8xi32> -> vector<4096x8xi32>
    %add3A_94 = arith.addi %add3A_89, %concatenate3A_93 : vector<4096x8xi32>
    %broadcast_in_dim3A_95 = arith.constant 0 : i32
    %broadcast_in_dim3A_96 = vector.broadcast %broadcast_in_dim3A_95 : i32 to vector<1024x8xi32>
    %slice3A_97 = vector.extract_strided_slice %add3A_94 {offsets = [0, 0], sizes = [3072, 8], strides = [1, 1]} : vector<4096x8xi32> to vector<3072x8xi32>
    %concatenate3A_98 = tpu.concatenate %broadcast_in_dim3A_96, %slice3A_97 in 0 : vector<1024x8xi32>, vector<3072x8xi32> -> vector<4096x8xi32>
    %add3A_99 = arith.addi %add3A_94, %concatenate3A_98 : vector<4096x8xi32>
    %broadcast_in_dim3A_100 = arith.constant 0 : i32
    %broadcast_in_dim3A_101 = vector.broadcast %broadcast_in_dim3A_100 : i32 to vector<2048x8xi32>
    %slice3A_102 = vector.extract_strided_slice %add3A_99 {offsets = [0, 0], sizes = [2048, 8], strides = [1, 1]} : vector<4096x8xi32> to vector<2048x8xi32>
    %concatenate3A_103 = tpu.concatenate %broadcast_in_dim3A_101, %slice3A_102 in 0 : vector<2048x8xi32>, vector<2048x8xi32> -> vector<4096x8xi32>
    %add3A_104 = arith.addi %add3A_99, %concatenate3A_103 : vector<4096x8xi32>
    %sub3A_105 = arith.subi %add3A_104, %convert_element_type3A : vector<4096x8xi32>
    %slice3A_106 = vector.extract_strided_slice %add3A_104 {offsets = [4095, 0], sizes = [1, 8], strides = [1, 1]} : vector<4096x8xi32> to vector<1x8xi32>
    %add3A_107 = arith.constant 256 : i32
    %add3A_108 = vector.broadcast %add3A_107 : i32 to vector<1x8xi32>
    %add3A_109 = arith.addi %slice3A_106, %add3A_108 : vector<1x8xi32>
    %sub3A_110 = arith.constant 1 : i32
    %sub3A_111 = vector.broadcast %sub3A_110 : i32 to vector<1x8xi32>
    %sub3A_112 = arith.subi %add3A_109, %sub3A_111 : vector<1x8xi32>
    %jit3A_113 = arith.constant 256 : i32
    %div3A_114 = vector.broadcast %jit3A_113 : i32 to vector<1x8xi32>
    %div3A_115 = arith.divsi %sub3A_112, %div3A_114 : vector<1x8xi32>
    %sign3A = arith.constant 0 : i32
    %sign3A_116 = vector.broadcast %sign3A : i32 to vector<1x8xi32>
    %sign3A_117 = arith.cmpi sgt, %sub3A_112, %sign3A_116 : vector<1x8xi32>
    %sign3A_118 = arith.extui %sign3A_117 : vector<1x8xi1> to vector<1x8xi32>
    %sign3A_119 = arith.constant 0 : i32
    %sign3A_120 = vector.broadcast %sign3A_119 : i32 to vector<1x8xi32>
    %sign3A_121 = arith.cmpi slt, %sub3A_112, %sign3A_120 : vector<1x8xi32>
    %sign3A_122 = arith.extui %sign3A_121 : vector<1x8xi1> to vector<1x8xi32>
    %sign3A_123 = arith.subi %sign3A_118, %sign3A_122 : vector<1x8xi32>
    %sign3A_124 = arith.constant 0 : i32
    %sign3A_125 = arith.cmpi sgt, %jit3A_113, %sign3A_124 : i32
    %sign3A_126 = arith.extui %sign3A_125 : i1 to i32
    %sign3A_127 = arith.constant 0 : i32
    %sign3A_128 = arith.cmpi slt, %jit3A_113, %sign3A_127 : i32
    %sign3A_129 = arith.extui %sign3A_128 : i1 to i32
    %sign3A_130 = arith.subi %sign3A_126, %sign3A_129 : i32
    %ne3A = vector.broadcast %sign3A_130 : i32 to vector<1x8xi32>
    %ne3A_131 = arith.cmpi ne, %sign3A_123, %ne3A : vector<1x8xi32>
    %rem3A = vector.broadcast %jit3A_113 : i32 to vector<1x8xi32>
    %rem3A_132 = arith.remsi %sub3A_112, %rem3A : vector<1x8xi32>
    %ne3A_133 = arith.constant 0 : i32
    %ne3A_134 = vector.broadcast %ne3A_133 : i32 to vector<1x8xi32>
    %ne3A_135 = arith.cmpi ne, %rem3A_132, %ne3A_134 : vector<1x8xi32>
    %and3A = arith.andi %ne3A_131, %ne3A_135 : vector<1x8xi1>
    %sub3A_136 = arith.constant 1 : i32
    %sub3A_137 = vector.broadcast %sub3A_136 : i32 to vector<1x8xi32>
    %sub3A_138 = arith.subi %div3A_115, %sub3A_137 : vector<1x8xi32>
    %select_n3A_139 = arith.select %and3A, %sub3A_138, %div3A_115 : vector<1x8xi1>, vector<1x8xi32>
    %mul3A = arith.constant 256 : i32
    %mul3A_140 = vector.broadcast %mul3A : i32 to vector<1x8xi32>
    %mul3A_141 = arith.muli %select_n3A_139, %mul3A_140 : vector<1x8xi32>
    %broadcast_in_dim3A_142 = arith.constant 0 : i32
    %broadcast_in_dim3A_143 = vector.broadcast %broadcast_in_dim3A_142 : i32 to vector<1x1xi32>
    %slice3A_144 = vector.extract_strided_slice %mul3A_141 {offsets = [0, 0], sizes = [1, 7], strides = [1, 1]} : vector<1x8xi32> to vector<1x7xi32>
    %concatenate3A_145 = tpu.concatenate %broadcast_in_dim3A_143, %slice3A_144 in 1 : vector<1x1xi32>, vector<1x7xi32> -> vector<1x8xi32>
    %add3A_146 = arith.addi %mul3A_141, %concatenate3A_145 : vector<1x8xi32>
    %broadcast_in_dim3A_147 = arith.constant 0 : i32
    %broadcast_in_dim3A_148 = vector.broadcast %broadcast_in_dim3A_147 : i32 to vector<1x2xi32>
    %slice3A_149 = vector.extract_strided_slice %add3A_146 {offsets = [0, 0], sizes = [1, 6], strides = [1, 1]} : vector<1x8xi32> to vector<1x6xi32>
    %concatenate3A_150 = tpu.concatenate %broadcast_in_dim3A_148, %slice3A_149 in 1 : vector<1x2xi32>, vector<1x6xi32> -> vector<1x8xi32>
    %add3A_151 = arith.addi %add3A_146, %concatenate3A_150 : vector<1x8xi32>
    %broadcast_in_dim3A_152 = arith.constant 0 : i32
    %broadcast_in_dim3A_153 = vector.broadcast %broadcast_in_dim3A_152 : i32 to vector<1x4xi32>
    %slice3A_154 = vector.extract_strided_slice %add3A_151 {offsets = [0, 0], sizes = [1, 4], strides = [1, 1]} : vector<1x8xi32> to vector<1x4xi32>
    %concatenate3A_155 = tpu.concatenate %broadcast_in_dim3A_153, %slice3A_154 in 1 : vector<1x4xi32>, vector<1x4xi32> -> vector<1x8xi32>
    %add3A_156 = arith.addi %add3A_151, %concatenate3A_155 : vector<1x8xi32>
    %sub3A_157 = arith.subi %add3A_156, %mul3A_141 : vector<1x8xi32>
    %eq3A_158 = vector.broadcast %broadcast_in_dim3A_14 : vector<4096x1xi32> to vector<4096x8xi32>
    %eq3A_159 = arith.cmpi eq, %iota3A, %eq3A_158 : vector<4096x8xi32>
    %add3A_160 = vector.broadcast %sub3A_157 : vector<1x8xi32> to vector<4096x8xi32>
    %add3A_161 = arith.addi %add3A_160, %sub3A_105 : vector<4096x8xi32>
    %jit3A_162 = arith.constant 0 : i32
    %broadcast_in_dim3A_163 = vector.broadcast %jit3A_162 : i32 to vector<4096x8xi32>
    %select_n3A_164 = arith.select %eq3A_159, %add3A_161, %broadcast_in_dim3A_163 : vector<4096x8xi1>, vector<4096x8xi32>
    %reduce_sum3A = arith.constant dense<0> : vector<4096xi32>
    %reduce_sum3A_165 = vector.multi_reduction <add>, %select_n3A_164, %reduce_sum3A [1] : vector<4096x8xi32> to vector<4096xi32>
    %broadcast_in_dim3A_166 = vector.shape_cast %reduce_sum3A_165 : vector<4096xi32> to vector<4096x1xi32>
    %eq3A_167 = vector.broadcast %broadcast_in_dim3A_29 : vector<4096x1xi32> to vector<4096x8xi32>
    %eq3A_168 = arith.cmpi eq, %iota3A, %eq3A_167 : vector<4096x8xi32>
    %add3A_169 = vector.broadcast %sub3A_157 : vector<1x8xi32> to vector<4096x8xi32>
    %add3A_170 = arith.addi %add3A_169, %sub3A_105 : vector<4096x8xi32>
    %jit3A_171 = arith.constant 0 : i32
    %broadcast_in_dim3A_172 = vector.broadcast %jit3A_171 : i32 to vector<4096x8xi32>
    %select_n3A_173 = arith.select %eq3A_168, %add3A_170, %broadcast_in_dim3A_172 : vector<4096x8xi1>, vector<4096x8xi32>
    %reduce_sum3A_174 = arith.constant dense<0> : vector<4096xi32>
    %reduce_sum3A_175 = vector.multi_reduction <add>, %select_n3A_173, %reduce_sum3A_174 [1] : vector<4096x8xi32> to vector<4096xi32>
    %broadcast_in_dim3A_176 = vector.shape_cast %reduce_sum3A_175 : vector<4096xi32> to vector<4096x1xi32>
    %concatenate3A_177 = tpu.concatenate %broadcast_in_dim3A_166, %broadcast_in_dim3A_176 in 1 : vector<4096x1xi32>, vector<4096x1xi32> -> vector<4096x2xi32>
    %swap3A_178 = arith.constant 0 : index
    %swap3A_179 = arith.constant 0 : index
    %swap3A_180 = vector.load %arg6[%swap3A_178, %swap3A_179] : memref<4096x2xi32, #tpu.memory_space<vmem>>, vector<4096x2xi32>
    tpu.vector_store %arg6[%swap3A_178, %swap3A_179], %concatenate3A_177 {strides = array<i32>} : memref<4096x2xi32, #tpu.memory_space<vmem>>, vector<4096x2xi32>,
    %swap3A_181 = arith.constant 0 : index
    %swap3A_182 = arith.constant 0 : index
    %swap3A_183 = vector.load %arg7[%swap3A_181, %swap3A_182] : memref<1x8xi32, #tpu.memory_space<vmem>>, vector<1x8xi32>
    tpu.vector_store %arg7[%swap3A_181, %swap3A_182], %add3A_156 {strides = array<i32>} : memref<1x8xi32, #tpu.memory_space<vmem>>, vector<1x8xi32>,
    return
  }
  func.func @transform_0(%arg0: i32) -> (i32, i32) {
    %c0_i32 = arith.constant 0 : i32
    %c0_i32_0 = arith.constant 0 : i32
    %c0_i32_1 = arith.constant 0 : i32
    return %c0_i32, %c0_i32_0 : i32, i32
  }
  func.func @transform_1(%arg0: i32) -> (i32, i32) {
    %c0_i32 = arith.constant 0 : i32
    %c0_i32_0 = arith.constant 0 : i32
    %c0_i32_1 = arith.constant 0 : i32
    return %c0_i32, %c0_i32_0 : i32, i32
  }
  func.func @transform_2(%arg0: i32) -> (i32, i32) {
    %c0_i32 = arith.constant 0 : i32
    %c0_i32_0 = arith.constant 0 : i32
    %c0_i32_1 = arith.constant 0 : i32
    return %c0_i32, %c0_i32_0 : i32, i32
  }
  func.func @transform_3(%arg0: i32) -> (i32, i32) {
    %c0_i32 = arith.constant 0 : i32
    %c0_i32_0 = arith.constant 0 : i32
    %c0_i32_1 = arith.constant 0 : i32
    return %c0_i32, %c0_i32_0 : i32, i32
  }
  func.func @transform_4(%arg0: i32) -> (i32, i32) {
    %c0_i32 = arith.constant 0 : i32
    %c0_i32_0 = arith.constant 0 : i32
    %c0_i32_1 = arith.constant 0 : i32
    return %c0_i32, %c0_i32_0 : i32, i32
  }
  func.func @transform_5(%arg0: i32) -> (i32, i32) {
    %c0_i32 = arith.constant 0 : i32
    %c0_i32_0 = arith.constant 0 : i32
    %c0_i32_1 = arith.constant 0 : i32
    return %c0_i32, %c0_i32_0 : i32, i32
  }
  func.func @transform_6(%arg0: i32) -> (i32, i32) {
    %c0_i32 = arith.constant 0 : i32
    %c0_i32_0 = arith.constant 0 : i32
    %c0_i32_1 = arith.constant 0 : i32
    return %c0_i32, %c0_i32_0 : i32, i32
  }
}

module attributes {stable_mosaic.version = 14 : i64} {
  func.func @_gemm_kernel(%arg0: i32, %arg1: memref<40xi32, #tpu.memory_space<smem>>, %arg2: memref<256x768xf32, #tpu.memory_space<vmem>>, %arg3: memref<1x768x768xf32, #tpu.memory_space<vmem>>, %arg4: memref<1x1x768xf32, #tpu.memory_space<vmem>>, %arg5: memref<1x768x768xf32, #tpu.memory_space<vmem>>, %arg6: memref<1x1x768xf32, #tpu.memory_space<vmem>>, %arg7: memref<256x1xf32, #tpu.memory_space<vmem>>, %arg8: memref<256x768xf32, #tpu.memory_space<vmem>>) attributes {dimension_semantics = [#tpu.dimension_semantics<arbitrary>], iteration_bounds = array<i64: 40>, scalar_prefetch = 1 : i64, scratch_operands = 0 : i64, tpu.core_type = #tpu.core_type<tc>, window_params = [{transform_indices = @transform_0, window_bounds = array<i64: 256, 768>}, {transform_indices = @transform_1, window_bounds = array<i64: 1, 768, 768>}, {transform_indices = @transform_2, window_bounds = array<i64: 1, 1, 768>}, {transform_indices = @transform_3, window_bounds = array<i64: 1, 768, 768>}, {transform_indices = @transform_4, window_bounds = array<i64: 1, 1, 768>}, {transform_indices = @transform_5, window_bounds = array<i64: 256, 1>}, {transform_indices = @transform_6, window_bounds = array<i64: 256, 768>}]} {
    %get3A = arith.constant 0 : index
    %get3A_0 = arith.constant 0 : index
    %get3A_1 = vector.load %arg2[%get3A, %get3A_0] : memref<256x768xf32, #tpu.memory_space<vmem>>, vector<256x768xf32>
    %get3A_2 = arith.constant 0 : index
    %get3A_3 = arith.constant 0 : index
    %get3A_4 = arith.constant 0 : index
    %get3A_5 = vector.load %arg3[%get3A_2, %get3A_3, %get3A_4] : memref<1x768x768xf32, #tpu.memory_space<vmem>>, vector<1x768x768xf32>
    %get3A_6 = vector.shape_cast %get3A_5 : vector<1x768x768xf32> to vector<768x768xf32>
    %dot_general3A = arith.constant dense<0.000000e+00> : vector<256x768xf32>
    %dot_general3A_7 = tpu.matmul %get3A_1, %get3A_6, %dot_general3A {dimension_numbers = #tpu.dot_dimension_numbers<[1], [0], [0], [1], [0, 0, 1, 1], [], []>, transpose_lhs_hint = false} : vector<256x768xf32>, vector<768x768xf32>, vector<256x768xf32> -> vector<256x768xf32>
    %get3A_8 = arith.constant 0 : index
    %get3A_9 = arith.constant 0 : index
    %get3A_10 = arith.constant 0 : index
    %get3A_11 = vector.load %arg4[%get3A_8, %get3A_9, %get3A_10] : memref<1x1x768xf32, #tpu.memory_space<vmem>>, vector<1x1x768xf32>
    %get3A_12 = vector.shape_cast %get3A_11 : vector<1x1x768xf32> to vector<1x768xf32>
    %add3A = vector.broadcast %get3A_12 : vector<1x768xf32> to vector<256x768xf32>
    %add3A_13 = arith.addf %dot_general3A_7, %add3A : vector<256x768xf32>
    %max3A = arith.constant 0.000000e+00 : f32
    %max3A_14 = vector.broadcast %max3A : f32 to vector<256x768xf32>
    %max3A_15 = arith.maximumf %add3A_13, %max3A_14 : vector<256x768xf32>
    %get3A_16 = arith.constant 0 : index
    %get3A_17 = arith.constant 0 : index
    %get3A_18 = arith.constant 0 : index
    %get3A_19 = vector.load %arg5[%get3A_16, %get3A_17, %get3A_18] : memref<1x768x768xf32, #tpu.memory_space<vmem>>, vector<1x768x768xf32>
    %get3A_20 = vector.shape_cast %get3A_19 : vector<1x768x768xf32> to vector<768x768xf32>
    %dot_general3A_21 = arith.constant dense<0.000000e+00> : vector<256x768xf32>
    %dot_general3A_22 = tpu.matmul %max3A_15, %get3A_20, %dot_general3A_21 {dimension_numbers = #tpu.dot_dimension_numbers<[1], [0], [0], [1], [0, 0, 1, 1], [], []>, transpose_lhs_hint = false} : vector<256x768xf32>, vector<768x768xf32>, vector<256x768xf32> -> vector<256x768xf32>
    %get3A_23 = arith.constant 0 : index
    %get3A_24 = arith.constant 0 : index
    %get3A_25 = arith.constant 0 : index
    %get3A_26 = vector.load %arg6[%get3A_23, %get3A_24, %get3A_25] : memref<1x1x768xf32, #tpu.memory_space<vmem>>, vector<1x1x768xf32>
    %get3A_27 = vector.shape_cast %get3A_26 : vector<1x1x768xf32> to vector<1x768xf32>
    %add3A_28 = vector.broadcast %get3A_27 : vector<1x768xf32> to vector<256x768xf32>
    %add3A_29 = arith.addf %dot_general3A_22, %add3A_28 : vector<256x768xf32>
    %get3A_30 = arith.constant 0 : index
    %get3A_31 = arith.constant 0 : index
    %get3A_32 = vector.load %arg7[%get3A_30, %get3A_31] : memref<256x1xf32, #tpu.memory_space<vmem>>, vector<256x1xf32>
    %mul3A = vector.broadcast %get3A_32 : vector<256x1xf32> to vector<256x768xf32>
    %mul3A_33 = arith.mulf %add3A_29, %mul3A : vector<256x768xf32>
    %swap3A = arith.constant 0 : index
    %swap3A_34 = arith.constant 0 : index
    %swap3A_35 = vector.load %arg8[%swap3A, %swap3A_34] : memref<256x768xf32, #tpu.memory_space<vmem>>, vector<256x768xf32>
    tpu.vector_store %arg8[%swap3A, %swap3A_34], %mul3A_33 {strides = array<i32>} : memref<256x768xf32, #tpu.memory_space<vmem>>, vector<256x768xf32>,
    return
  }
  func.func @transform_0(%arg0: i32, %arg1: memref<40xi32, #tpu.memory_space<smem>>) -> (i32, i32) {
    %c0_i32 = arith.constant 0 : i32
    %c0_i32_0 = arith.constant 0 : i32
    return %arg0, %c0_i32 : i32, i32
  }
  func.func @transform_1(%arg0: i32, %arg1: memref<40xi32, #tpu.memory_space<smem>>) -> (i32, i32, i32) {
    %get3A = arith.index_cast %arg0 : i32 to index
    %get3A_0 = memref.load %arg1[%get3A] : memref<40xi32, #tpu.memory_space<smem>>
    %c0_i32 = arith.constant 0 : i32
    %c0_i32_1 = arith.constant 0 : i32
    %c0_i32_2 = arith.constant 0 : i32
    return %get3A_0, %c0_i32, %c0_i32_1 : i32, i32, i32
  }
  func.func @transform_2(%arg0: i32, %arg1: memref<40xi32, #tpu.memory_space<smem>>) -> (i32, i32, i32) {
    %get3A = arith.index_cast %arg0 : i32 to index
    %get3A_0 = memref.load %arg1[%get3A] : memref<40xi32, #tpu.memory_space<smem>>
    %c0_i32 = arith.constant 0 : i32
    %c0_i32_1 = arith.constant 0 : i32
    %c0_i32_2 = arith.constant 0 : i32
    return %get3A_0, %c0_i32, %c0_i32_1 : i32, i32, i32
  }
  func.func @transform_3(%arg0: i32, %arg1: memref<40xi32, #tpu.memory_space<smem>>) -> (i32, i32, i32) {
    %get3A = arith.index_cast %arg0 : i32 to index
    %get3A_0 = memref.load %arg1[%get3A] : memref<40xi32, #tpu.memory_space<smem>>
    %c0_i32 = arith.constant 0 : i32
    %c0_i32_1 = arith.constant 0 : i32
    %c0_i32_2 = arith.constant 0 : i32
    return %get3A_0, %c0_i32, %c0_i32_1 : i32, i32, i32
  }
  func.func @transform_4(%arg0: i32, %arg1: memref<40xi32, #tpu.memory_space<smem>>) -> (i32, i32, i32) {
    %get3A = arith.index_cast %arg0 : i32 to index
    %get3A_0 = memref.load %arg1[%get3A] : memref<40xi32, #tpu.memory_space<smem>>
    %c0_i32 = arith.constant 0 : i32
    %c0_i32_1 = arith.constant 0 : i32
    %c0_i32_2 = arith.constant 0 : i32
    return %get3A_0, %c0_i32, %c0_i32_1 : i32, i32, i32
  }
  func.func @transform_5(%arg0: i32, %arg1: memref<40xi32, #tpu.memory_space<smem>>) -> (i32, i32) {
    %c0_i32 = arith.constant 0 : i32
    %c0_i32_0 = arith.constant 0 : i32
    return %arg0, %c0_i32 : i32, i32
  }
  func.func @transform_6(%arg0: i32, %arg1: memref<40xi32, #tpu.memory_space<smem>>) -> (i32, i32) {
    %c0_i32 = arith.constant 0 : i32
    %c0_i32_0 = arith.constant 0 : i32
    return %arg0, %c0_i32 : i32, i32
  }
}

</mosaic_0001>

<sc_bundles>
// kernel: kernel.6.cloned.1.call-start
scs
__scs_entry_jumppad:
0x0: {  	(pc) =	sbr.rel $0x88, $3  }
0x1: {  	(tag) =	ssettag $0x0;
	lr =	simm.s32 $0x1  }
0x2: {  	[smem:$0x3F9A] =	sst lr;
	_ =	strace $0xD0000000  }
0x3: {  	_ = 	snop  }
0x4: {  	_ = 	snop  }
0x5: {  	_ = 	snop  }
0x6: {  	_ = 	snop  }
0x7: {  	_ = 	snop  }
__scs_overlays_trampoline_lowered:
0x8: {  	[smem:$0x3FA9] =	sst s0  }
0x9: {  	[smem:$0x3FAA] =	sst s1  }
0xa: {  	[smem:$0x3FAB] =	sst s2  }
0xb: {  	[smem:$0x3FAC] =	sst s3  }
0xc: {  	[smem:$0x3FAD] =	sst s4  }
0xd: {  	[smem:$0x3FAE] =	sst s5  }
0xe: {  	[smem:$0x3FAF] =	sst s6  }
0xf: {  	[smem:$0x3FB0] =	sst s7  }
0x10: {  	[smem:$0x3FB1] =	sst s8  }
0x11: {  	[smem:$0x3FB2] =	sst s9;
	s0 =	simm.s32 @!p0 $0x0  }
0x12: {  	s1 =	sld [smem:$0x3F98];
	s0 =	simm.s32 @p0 $0x1  }
0x13: {  	[smem:$0x3FB3] =	sst s0;
	s0 =	simm.s32 @!p1 $0x0  }
0x14: {  	s2 =	sld [smem:$0x3F97];
	s0 =	simm.s32 @p1 $0x1  }
0x15: {  	[smem:$0x3FB4] =	sst s0;
	s0 =	simm.s32 @!p2 $0x0  }
0x16: {  	s3 =	sld [smem:$0x3FDB];
	s0 =	simm.s32 @p2 $0x1  }
0x17: {  	s4 =	simm.s32 $0x1BF5;
	[smem:$0x3FB6] =	sst s0  }
0x18: {  	s0 =	sld [smem:$0x3F99];
	_ =	swait.ge [sflag:s4], $0x0  }
0x19: {  	s7 =	sld [smem:$0x3F9A]  }
0x1a: {  	s8 =	sadd.s32 $0xFFFFE003, lr  }
0x1b: {  	s9 =	sadd.s32 $0xFFFFFEF7, lr;
	s5 =	simm.s32 $0xFFFFFFFF;
	p2 =	slt.u32 s8, $0xFFFFF086  }
0x1c: {  	p1 =	slt.u32 s9, $0xF7A;
	s5 =	simm.s32 @!p2 $0x0  }
0x1d: {  	s5 =	simm.s32 @p1 $0x1;
	p0 =	seq.s32 s7, s2  }
0x1e: {  	s7 =	smul.u32 @!p0 $0xF7A, s2;
	p2 =	seq.s32 @!p0 s5, $0x0  }
0x1f: {  	s9 =	smul.u32 $0xF7A, s1;
	s8 =	simm.s32 @!p0 $0x1BF5;
	p2 =	por !p2, p0  }
0x20: {  	[sflag:s8] =	ssyncset.s32 @!p0 $0xFFFFF086;
	s6 =	sadd.s32 @!p0 s3, s7;
	s7 =	simm.s32 @!p0 $0x108  }
0x21: {  	s3 =	sadd.s32 s3, s9;
	s6 =	sadd.s32 @!p0 $0x88, s6;
	s7 =	simm.s32 @p2 $0x1082  }
0x22: {  	[simem:s7], [sflag:s8] =	dma.local @!p0 [hbm:s6], $0xF7A  }
0x23: {  	s9 =	sor.u32 $0xD0000000, s2;
	s6 =	simm.s32 $0x108;
	_ =	swait.ge @!p0 [sflag:s8], $0x0  }
0x24: {  	s3 =	sadd.s32 $0x88, s3;
	s6 =	simm.s32 @!p1 $0x1082;
	[sflag:s4] =	ssyncset.s32 $0xFFFFF086  }
0x25: {  	[simem:s6], [sflag:s4] =	dma.local [hbm:s3], $0xF7A  }
0x26: {  	[smem:$0x3F9A] =	sst s1;
	(tag) =	ssettag s2;
	_ =	strace s9  }
0x27: {  	s1 =	sld [smem:$0x3FAA]  }
0x28: {  	s2 =	sld [smem:$0x3FAB]  }
0x29: {  	s4 =	sld [smem:$0x3FAD]  }
0x2a: {  	p0 =	seq.s32 s5, $0x0;
	s5 =	sld [smem:$0x3FAE]  }
0x2b: {  	s6 =	sld [smem:$0x3FAF]  }
0x2c: {  	s7 =	sld [smem:$0x3FB0]  }
0x2d: {  	s3 =	simm.s32 $0x108;
	s8 =	sld [smem:$0x3FB1]  }
0x2e: {  	s3 =	simm.s32 @!p0 $0x1082;
	s9 =	sld [smem:$0x3FB2]  }
0x2f: {  	lr =	sadd.s32 s0, s3;
	s0 =	sld [smem:$0x3FA9]  }
0x30: {  	s3 =	sld [smem:$0x3FAC]  }
0x31: {  	[smem:$0x3FB5] =	sst s10  }
0x32: {  	s10 =	sld [smem:$0x3FB3];
	_ =	sdelay $0x3  }
0x33: {  	p0 =	seq.s32 s10, $0x1;
	s10 =	sld [smem:$0x3FB5];
	_ =	sdelay $0x3  }
0x34: {  	[smem:$0x3FB5] =	sst s10  }
0x35: {  	s10 =	sld [smem:$0x3FB4];
	_ =	sdelay $0x3  }
0x36: {  	p1 =	seq.s32 s10, $0x1;
	s10 =	sld [smem:$0x3FB5];
	_ =	sdelay $0x3  }
0x37: {  	[smem:$0x3FB5] =	sst s10  }
0x38: {  	s10 =	sld [smem:$0x3FB6]  }
0x39: {  	_ = 	snop;
	(pc) =	sbr.ind lr, $3  }
0x3a: {  	_ = 	snop  }
0x3b: {  	_ = 	snop  }
0x3c: {  	p2 =	seq.s32 s10, $0x1;
	s10 =	sld [smem:$0x3FB5]  }
0x3d: {  	_ =	shalt  }
0x3e: {  	_ =	shalt  }
0x3f: {  	_ =	shalt  }
0x40: {  	_ =	shalt  }
0x41: {  	_ =	shalt  }
0x42: {  	_ =	shalt  }
0x43: {  	_ =	shalt  }
0x44: {  	_ =	shalt  }
0x45: {  	_ =	shalt  }
0x46: {  	_ =	shalt  }
0x47: {  	_ =	shalt  }
0x48: {  	_ =	shalt  }
0x49: {  	_ =	shalt  }
0x4a: {  	_ =	shalt  }
0x4b: {  	_ =	shalt  }
0x4c: {  	_ =	shalt  }
0x4d: {  	_ =	shalt  }
0x4e: {  	_ =	shalt  }
0x4f: {  	_ =	shalt  }
0x50: {  	_ =	shalt  }
0x51: {  	_ =	shalt  }
0x52: {  	_ =	shalt  }
0x53: {  	_ =	shalt  }
0x54: {  	_ =	shalt  }
0x55: {  	_ =	shalt  }
0x56: {  	_ =	shalt  }
0x57: {  	_ =	shalt  }
0x58: {  	_ =	shalt  }
0x59: {  	_ =	shalt  }
0x5a: {  	_ =	shalt  }
0x5b: {  	_ =	shalt  }
0x5c: {  	_ =	shalt  }
0x5d: {  	_ =	shalt  }
0x5e: {  	_ =	shalt  }
0x5f: {  	_ =	shalt  }
0x60: {  	_ =	shalt  }
0x61: {  	_ =	shalt  }
0x62: {  	_ =	shalt  }
0x63: {  	_ =	shalt  }
0x64: {  	_ =	shalt  }
0x65: {  	_ =	shalt  }
0x66: {  	_ =	shalt  }
0x67: {  	_ =	shalt  }
0x68: {  	_ =	shalt  }
0x69: {  	_ =	shalt  }
0x6a: {  	_ =	shalt  }
0x6b: {  	_ =	shalt  }
0x6c: {  	_ =	shalt  }
0x6d: {  	_ =	shalt  }
0x6e: {  	_ =	shalt  }
0x6f: {  	_ =	shalt  }
0x70: {  	_ =	shalt  }
0x71: {  	_ =	shalt  }
0x72: {  	_ =	shalt  }
0x73: {  	_ =	shalt  }
0x74: {  	_ =	shalt  }
0x75: {  	_ =	shalt  }
0x76: {  	_ =	shalt  }
0x77: {  	_ =	shalt  }
0x78: {  	_ =	shalt  }
0x79: {  	_ =	shalt  }
0x7a: {  	_ =	shalt  }
0x7b: {  	_ =	shalt  }
0x7c: {  	_ =	shalt  }
0x7d: {  	_ =	shalt  }
0x7e: {  	_ =	shalt  }
0x7f: {  	_ =	shalt  }
0x80: {  	_ =	shalt  }
0x81: {  	_ =	shalt  }
0x82: {  	_ =	shalt  }
0x83: {  	_ =	shalt  }
0x84: {  	_ =	shalt  }
0x85: {  	_ =	shalt  }
0x86: {  	_ =	shalt  }
0x87: {  	_ =	shalt  }
.Lfunc_end0:
.L_simem_size_0:
called_computation_lowered:
.L_overlay_start_0:
0x88: {  	s2 =	sld [smem:$0x3FD9]  }
0x89: {  	s3 =	sld [smem:$0x3FFE];
	_ =	sdelay $0x1  }
0x8a: {  	s1 =	srdreg.scid  }
0x8b: {  	s0 =	sand.u32 $0x1, s1  }
0x8c: {  	s17 =	sshll.u32 s0, $0xA;
	s2 =	sadd.s32 s3, s2  }
0x8d: {  	s2 =	sadd.s32 s2, s17  }
0x8e: {  	[smem:$0x3FC1] =	sst s2  }
0x8f: {  	_ = 	snop  }
0x90: {  	s2 =	sld [smem:$0x3FC9]  }
0x91: {  	s18 =	sld [smem:$0x3FD0];
	(tm) =	ssettm $0x1  }
0x92: {  	s4 =	sld [smem:$0x3FFB];
	_ =	sdelay $0x3  }
0x93: {  	_ =	strace s4  }
0x94: {  	s4 =	sld [smem:$0x3FFC];
	_ =	sdelay $0x3  }
0x95: {  	_ =	strace s4  }
0x96: {  	s4 =	sld [smem:$0x3FFD];
	_ =	sdelay $0x3  }
0x97: {  	_ =	strace s4  }
0x98: {  	_ =	strace $0x8FFFFFFF  }
0x99: {  	s19 =	sld [smem:$0x3FDB];
	_ =	sdelay $0x1  }
0x9a: {  	s5 =	simm.s32 $_scs_section_size  }
0x9b: {  	s6 =	simm.s32 $_size__tile_overlayer_lowered;
	s7 =	simm.s32 $_tile_overlayer_lowered  }
0x9c: {  	s22 =	simm.s32 $0x1BFF;
	s21 =	sshll.u32 s7, $0x1;
	s4 =	sadd.s32 s5, s19  }
0x9d: {  	s8 =	simm.s32 $0x0;
	s20 =	sshll.u32 s6, $0x1;
	s6 =	sadd.s32 s21, s4  }
0x9e: {  	[timem:s8], [sflag:s22] =	dma.local [hbm:s6], s20  }
0x9f: {  	_ =	swait.ge [sflag:s22], s20  }
0xa0: {  	s5 =	ssub.s32 $0x0, s20;
	[sflag:s22] =	ssyncset.done $0x0  }
0xa1: {  	[sflag:s22] =	ssyncadd.s32 s5;
	_ =	sdelay $0x1  }
0xa2: {  	s23 =	simm.s32 $0x1B8B  }
0xa3: {  	_ =	swait.ge [sflag:s23], $0x1  }
0xa4: {  	[sflag:s23] =	ssyncset.done $0x0  }
0xa5: {  	s25 =	simm.s32 $0x1B8E;
	s24 =	sld [smem:$0x3FFE];
	[sflag:s23] =	ssyncadd.s32 $0xFFFFFFFF  }
0xa6: {  	s26 =	simm.s32 $execute0_lowered;
	[smem:$0x3FD2] =	sst s25  }
0xa7: {  	s6 =	sshll.u32 s26, $0x1;
	_ =	strace $0x80000046;
	[dreg:$0x1] =	wrdreg $0xFFFFFFFF  }
0xa8: {  	s28 =	simm.s32 $_size_execute0_lowered;
	s4 =	sadd.s32 s4, s6;
	[dreg:$0x0] =	wrdreg $0x0  }
0xa9: {  	s6 =	sshll.u32 s28, $0x1;
	[dreg:$0x2] =	wrdreg s4  }
0xaa: {  	[dreg:$0x3] =	wrdreg s6  }
0xab: {  	[dreg:$0x4] =	wrdreg $0xC0  }
0xac: {  	_ =	task [dreg:s8], $0x5FFFF  }
0xad: {  	[dreg:$0x1] =	wrdreg $0xFFFFFFFF  }
0xae: {  	[dreg:$0x0] =	wrdreg $0x60  }
0xaf: {  	[dreg:$0x2] =	wrdreg s2  }
0xb0: {  	[dreg:$0x3] =	wrdreg s18  }
0xb1: {  	[dreg:$0x4] =	wrdreg s24  }
0xb2: {  	[dreg:$0x5] =	wrdreg $0x9  }
0xb3: {  	_ =	task.clear_ibuf [dreg:s8], $0x6FFFF;
	_ =	strace $0x90000046  }
0xb4: {  	s29 =	simm.s32 $0x9;
	_ =	strace $0x80000048  }
0xb5: {  	_ =	swait.ge [sflag:s29], $0x1  }
0xb6: {  	[sflag:s29] =	ssyncadd.s32 $0xFFFFFFFF  }
0xb7: {  	_ =	strace $0x90000048  }
0xb8: {  	_ =	sfence  }
0xb9: {  	s30 =	sld [smem:$0x0];
	_ =	sdelay $0x2  }
0xba: {  	s31 =	sshll.u32 s1, $0xD;
	s1 =	sshrl.u32 s1, $0x2  }
0xbb: {  	s3 =	sand.u32 $0x4000, s31;
	s1 =	sadd.s32 s1, s30  }
0xbc: {  	s0 =	sor.u32 s3, s0;
	s1 =	sshll.u32 s1, $0x11  }
0xbd: {  	s0 =	sor.u32 s1, s0  }
0xbe: {  	s0 =	sadd.s32 $0x8F2B, s0  }
0xbf: {  	[sflag:s0] =	ssyncadd.remote.s32 $0x1  }
0xc0: {  	_ =	sfence.sel $0xFFFF  }
0xc1: {  	[dreg:$0x0] =	wrdreg $0xFFFFFFFF;
	(pc) =	sbr.abs _section_cstart, $3  }
0xc2: {  	[dreg:$0x1] =	wrdreg $0xFFFFFFFF  }
0xc3: {  	_ =	task.clear_ibuf [dreg:s8], $0x2FFFF;
	_ =	strace $0x9FFFFFFF  }
0xc4: {  	(tm) =	ssettm $0x7FFFFFFF  }
0xc5: {  	_ =	shalt  }
tec
execute0_lowered:
.L_overlay_start_1:
0x0: {  	(tag) =	ssettag $0x1  }
0x1: {  	s2 =	rddreg [dreg:$0x0]  }
0x2: {  	s0 =	srdreg.scid;
	s4 =	rddreg [dreg:$0x1]  }
0x3: {  	s1 =	stileid.u32;
	s5 =	rddreg [dreg:$0x2]  }
0x4: {  	s3 =	simm.s32 $0x0;
	s0 =	sand.u32 $0x1, s0;
	s1 =	sshll.u32 s1, $0x1  }
0x5: {  	s11 =	simm.s32 $0x5;
	s12 =	simm.s32 $0x2;
	s1 =	sor.u32 s0, s1  }
0x6: {  	s13 =	simm.s32 $0x6;
	s14 =	simm.s32 $0x6180;
	s1 =	smul.u32 $0x140, s1  }
0x7: {  	s28 =	simm.s32 $0x12180;
	s29 =	simm.s32 $0x12980;
	s30 =	simm.s32 $0x13180  }
0x8: {  	s31 =	simm.s32 $0x13980;
	[smem:$0x7FF] =	sst s3;
	s1 =	sshrl.u32 s1, $0x3  }
0x9: {  	_ =	strace $0x80000047;
	s0 =	ssub.s32 $0x2, s0;
	s7 =	smul.u32 $0x300, s1  }
0xa: {  	s23 =	sshrl.u32 s0, $0x1;
	s6 =	smul.u32 $0x1800, s1;
	s1 =	sadd.s32 s4, s1  }
0xb: {  	s0 =	ssub.s32 s0, s23;
	[dreg:$0x4] =	wrdreg s1;
	s16 =	sadd.s32 s5, s7  }
0xc: {  	s23 =	simm.s32 $0x10180;
	s18 =	sadd.s32 $0x1800, s16;
	[dreg:$0xe] =	wrdreg s16  }
0xd: {  	s4 =	simm.s32 $0x180;
	s19 =	sadd.s32 $0x2400, s16;
	[dreg:$0x6] =	wrdreg s18  }
0xe: {  	s6 =	sshrl.u32 s6, $0x3;
	s20 =	sadd.s32 $0x3000, s16;
	[dreg:$0x7] =	wrdreg s19  }
0xf: {  	s7 =	smax.u32 s0, $0x1;
	s21 =	sadd.s32 $0x3C00, s16;
	[dreg:$0x8] =	wrdreg s20  }
0x10: {  	s15 =	sadd.s32 s5, s6;
	s22 =	sadd.s32 $0x4800, s16;
	[dreg:$0x9] =	wrdreg s21  }
0x11: {  	s24 =	sadd.s32 $0x5400, s16;
	s25 =	sadd.s32 $0x6000, s16;
	[dreg:$0xa] =	wrdreg s22  }
0x12: {  	s5 =	sadd.s32 $0x100, s2;
	s26 =	sadd.s32 $0x6C00, s16;
	[dreg:$0xb] =	wrdreg s24  }
0x13: {  	s6 =	sadd.s32 $0x200, s2;
	s16 =	simm.s32 $0x1;
	[dreg:$0xc] =	wrdreg s25  }
0x14: {  	s17 =	sadd.s32 $0xC00, s15;
	[dreg:$0xd] =	wrdreg s26;
	s21 =	simm.s32 $0xC980  }
0x15: {  	v2 =	vlaneseq.u32;
	s15 =	simm.s32 $0xD180;
	s19 =	simm.s32 $0xE980;
	s20 =	simm.s32 $0xF180  }
0x16: {  	vm0 =	vmmov $0xffff;
	v1 =	vshrl.u32 v2, $0x3;
	s22 =	simm.s32 $0xF980;
	s24 =	simm.s32 $0x10980;
	s25 =	simm.s32 $0x11180  }
0x17: {  	v0 =	vand.u32 $0x7, v2;
	v2 =	vor.u32 $0x8, v2;
	v1 =	vmul.u32 $0x8, v1;
	s26 =	simm.s32 $0x11980;
	[dreg:$0x5] =	wrdreg s17;
	s17 =	simm.s32 $0x15180  }
.LBB2_1:
0x18: {  	s18 =	rddreg [dreg:$0x4];
	s0 =	simm.s32 $0x9  }
0x19: {  	[tilespmem:s3], [sflag:$0x9] =	stream.linear.gather [hbm4b:s18+s3], $0x140, $0x38;
	[tilespmem:$0x18180] =	vst v63  }
0x1a: {  	_ =	swait.ge [sflag:s0], $0x140  }
0x1b: {  	[sflag:s0] =	ssyncset.done $0x0  }
0x1c: {  	[sflag:s0] =	ssyncadd.s32 $0xFFFFFEC0  }
0x1d: {  	v3 =	vld [tilespmem:$0x0];
	_ =	sdelay $0x4  }
0x1e: {  	v4 =	vshrl.u32 v3, $0x3  }
0x1f: {  	v4 =	vmul.u32 $0x30, v4  }
0x20: {  	v3 =	vand.u32 $0x7, v3  }
0x21: {  	v3 =	vor.u32 v3, v4  }
0x22: {  	v4 =	vperm.xlane v3, v0;
	_ =	sdelay $0x1  }
0x23: {  	v4 =	vadd.s32 v1, v4;
	_ =	sdelay $0x3  }
0x24: {  	v3 =	vperm.xlane v3, v2  }
0x25: {  	[tilespmem:s4], [sflag:$0x1] =	stream.indirect_vreg.gather [hbm4b:s2+s3], $0x80, v4, vm0, $0xb8;
	[tilespmem:$0x18180] =	vst v63  }
0x26: {  	s0 =	simm.s32 $0x980;
	v3 =	vadd.s32 v1, v3  }
0x27: {  	[tilespmem:s0], [sflag:$0x1] =	stream.indirect_vreg.gather [hbm4b:s5+s3], $0x80, v4, vm0, $0xb8;
	[tilespmem:$0x18180] =	vst v63  }
0x28: {  	s1 =	simm.s32 $0x1180  }
0x29: {  	[tilespmem:s1], [sflag:$0x1] =	stream.indirect_vreg.gather [hbm4b:s6+s3], $0x80, v4, vm0, $0xb8;
	[tilespmem:$0x18180] =	vst v63  }
0x2a: {  	s8 =	simm.s32 $0x1980  }
0x2b: {  	[tilespmem:s8], [sflag:$0x1] =	stream.indirect_vreg.gather [hbm4b:s2+s3], $0x80, v3, vm0, $0xb8;
	[tilespmem:$0x18180] =	vst v63  }
0x2c: {  	s9 =	simm.s32 $0x2180  }
0x2d: {  	[tilespmem:s9], [sflag:$0x1] =	stream.indirect_vreg.gather [hbm4b:s5+s3], $0x80, v3, vm0, $0xb8;
	[tilespmem:$0x18180] =	vst v63  }
0x2e: {  	s10 =	simm.s32 $0x2980  }
0x2f: {  	[tilespmem:s10], [sflag:$0x1] =	stream.indirect_vreg.gather [hbm4b:s6+s3], $0x80, v3, vm0, $0xb8;
	[tilespmem:$0x18180] =	vst v63  }
0x30: {  	v3 =	vld [tilespmem:$0x10];
	_ =	sdelay $0x4  }
0x31: {  	v45 =	vshrl.u32 v3, $0x3  }
0x32: {  	v4 =	vmul.u32 $0x30, v45  }
0x33: {  	v3 =	vand.u32 $0x7, v3  }
0x34: {  	v3 =	vor.u32 v3, v4  }
0x35: {  	v4 =	vperm.xlane v3, v0;
	_ =	sdelay $0x1  }
0x36: {  	v4 =	vadd.s32 v1, v4;
	_ =	sdelay $0x3  }
0x37: {  	s18 =	simm.s32 $0x3180;
	v3 =	vperm.xlane v3, v2  }
0x38: {  	[tilespmem:s18], [sflag:$0x1] =	stream.indirect_vreg.gather [hbm4b:s2+s3], $0x80, v4, vm0, $0xb8;
	[tilespmem:$0x18180] =	vst v63  }
0x39: {  	s8 =	simm.s32 $0x3980;
	v3 =	vadd.s32 v1, v3  }
0x3a: {  	[tilespmem:s8], [sflag:$0x1] =	stream.indirect_vreg.gather [hbm4b:s5+s3], $0x80, v4, vm0, $0xb8;
	[tilespmem:$0x18180] =	vst v63  }
0x3b: {  	s9 =	simm.s32 $0x4180  }
0x3c: {  	[tilespmem:s9], [sflag:$0x1] =	stream.indirect_vreg.gather [hbm4b:s6+s3], $0x80, v4, vm0, $0xb8;
	[tilespmem:$0x18180] =	vst v63  }
0x3d: {  	s18 =	simm.s32 $0x4980  }
0x3e: {  	[tilespmem:s18], [sflag:$0x1] =	stream.indirect_vreg.gather [hbm4b:s2+s3], $0x80, v3, vm0, $0xb8;
	[tilespmem:$0x18180] =	vst v63  }
0x3f: {  	s8 =	simm.s32 $0x5180  }
0x40: {  	[tilespmem:s8], [sflag:$0x1] =	stream.indirect_vreg.gather [hbm4b:s5+s3], $0x80, v3, vm0, $0xb8;
	[tilespmem:$0x18180] =	vst v63  }
0x41: {  	s9 =	simm.s32 $0x5980  }
0x42: {  	[tilespmem:s9], [sflag:$0x1] =	stream.indirect_vreg.gather [hbm4b:s6+s3], $0x80, v3, vm0, $0xb8;
	[tilespmem:$0x18180] =	vst v63  }
0x43: {  	v3 =	vld [tilespmem:$0x20];
	_ =	sdelay $0x4  }
0x44: {  	v46 =	vshrl.u32 v3, $0x3  }
0x45: {  	v4 =	vmul.u32 $0x30, v46  }
0x46: {  	v3 =	vand.u32 $0x7, v3  }
0x47: {  	v3 =	vor.u32 v3, v4  }
0x48: {  	v4 =	vperm.xlane v3, v0;
	_ =	sdelay $0x1  }
0x49: {  	v4 =	vadd.s32 v1, v4;
	_ =	sdelay $0x3  }
0x4a: {  	v3 =	vperm.xlane v3, v2  }
0x4b: {  	[tilespmem:s14], [sflag:$0x2] =	stream.indirect_vreg.gather [hbm4b:s2+s3], $0x80, v4, vm0, $0xb8;
	[tilespmem:$0x18180] =	vst v63  }
0x4c: {  	s18 =	simm.s32 $0x6980;
	v3 =	vadd.s32 v1, v3  }
0x4d: {  	[tilespmem:s18], [sflag:$0x2] =	stream.indirect_vreg.gather [hbm4b:s5+s3], $0x80, v4, vm0, $0xb8;
	[tilespmem:$0x18180] =	vst v63  }
0x4e: {  	s8 =	simm.s32 $0x7180  }
0x4f: {  	[tilespmem:s8], [sflag:$0x2] =	stream.indirect_vreg.gather [hbm4b:s6+s3], $0x80, v4, vm0, $0xb8;
	[tilespmem:$0x18180] =	vst v63  }
0x50: {  	s9 =	simm.s32 $0x7980  }
0x51: {  	[tilespmem:s9], [sflag:$0x2] =	stream.indirect_vreg.gather [hbm4b:s2+s3], $0x80, v3, vm0, $0xb8;
	[tilespmem:$0x18180] =	vst v63  }
0x52: {  	s18 =	simm.s32 $0x8180  }
0x53: {  	[tilespmem:s18], [sflag:$0x2] =	stream.indirect_vreg.gather [hbm4b:s5+s3], $0x80, v3, vm0, $0xb8;
	[tilespmem:$0x18180] =	vst v63  }
0x54: {  	s8 =	simm.s32 $0x8980  }
0x55: {  	[tilespmem:s8], [sflag:$0x2] =	stream.indirect_vreg.gather [hbm4b:s6+s3], $0x80, v3, vm0, $0xb8;
	[tilespmem:$0x18180] =	vst v63  }
0x56: {  	v3 =	vld [tilespmem:$0x30];
	_ =	sdelay $0x4  }
0x57: {  	v47 =	vshrl.u32 v3, $0x3  }
0x58: {  	v4 =	vmul.u32 $0x30, v47  }
0x59: {  	v3 =	vand.u32 $0x7, v3  }
0x5a: {  	v3 =	vor.u32 v3, v4  }
0x5b: {  	v4 =	vperm.xlane v3, v0;
	_ =	sdelay $0x1  }
0x5c: {  	v4 =	vadd.s32 v1, v4;
	_ =	sdelay $0x3  }
0x5d: {  	s9 =	simm.s32 $0x9180;
	v3 =	vperm.xlane v3, v2  }
0x5e: {  	[tilespmem:s9], [sflag:$0x2] =	stream.indirect_vreg.gather [hbm4b:s2+s3], $0x80, v4, vm0, $0xb8;
	[tilespmem:$0x18180] =	vst v63  }
0x5f: {  	s18 =	simm.s32 $0x9980;
	v3 =	vadd.s32 v1, v3  }
0x60: {  	[tilespmem:s18], [sflag:$0x2] =	stream.indirect_vreg.gather [hbm4b:s5+s3], $0x80, v4, vm0, $0xb8;
	[tilespmem:$0x18180] =	vst v63  }
0x61: {  	s8 =	simm.s32 $0xA180  }
0x62: {  	[tilespmem:s8], [sflag:$0x2] =	stream.indirect_vreg.gather [hbm4b:s6+s3], $0x80, v4, vm0, $0xb8;
	[tilespmem:$0x18180] =	vst v63  }
0x63: {  	s9 =	simm.s32 $0xA980  }
0x64: {  	[tilespmem:s9], [sflag:$0x2] =	stream.indirect_vreg.gather [hbm4b:s2+s3], $0x80, v3, vm0, $0xb8;
	[tilespmem:$0x18180] =	vst v63  }
0x65: {  	s18 =	simm.s32 $0xB180  }
0x66: {  	[tilespmem:s18], [sflag:$0x2] =	stream.indirect_vreg.gather [hbm4b:s5+s3], $0x80, v3, vm0, $0xb8;
	[tilespmem:$0x18180] =	vst v63  }
0x67: {  	s8 =	simm.s32 $0xB980  }
0x68: {  	[tilespmem:s8], [sflag:$0x2] =	stream.indirect_vreg.gather [hbm4b:s6+s3], $0x80, v3, vm0, $0xb8;
	[tilespmem:$0x18180] =	vst v63  }
0x69: {  	v3 =	vld [tilespmem:$0x40];
	_ =	sdelay $0x4  }
0x6a: {  	v48 =	vshrl.u32 v3, $0x3  }
0x6b: {  	v4 =	vmul.u32 $0x30, v48  }
0x6c: {  	v3 =	vand.u32 $0x7, v3  }
0x6d: {  	v3 =	vor.u32 v3, v4  }
0x6e: {  	v4 =	vperm.xlane v3, v0;
	_ =	sdelay $0x1  }
0x6f: {  	v4 =	vadd.s32 v1, v4;
	_ =	sdelay $0x3  }
0x70: {  	s9 =	simm.s32 $0xC180;
	v3 =	vperm.xlane v3, v2  }
0x71: {  	[tilespmem:s9], [sflag:$0x3] =	stream.indirect_vreg.gather [hbm4b:s2+s3], $0x80, v4, vm0, $0xb8;
	[tilespmem:$0x18180] =	vst v63  }
0x72: {  	v3 =	vadd.s32 v1, v3  }
0x73: {  	[tilespmem:s21], [sflag:$0x3] =	stream.indirect_vreg.gather [hbm4b:s5+s3], $0x80, v4, vm0, $0xb8;
	[tilespmem:$0x18180] =	vst v63  }
0x74: {  	_ = 	snop  }
0x75: {  	[tilespmem:s15], [sflag:$0x3] =	stream.indirect_vreg.gather [hbm4b:s6+s3], $0x80, v4, vm0, $0xb8;
	[tilespmem:$0x18180] =	vst v63  }
0x76: {  	s8 =	simm.s32 $0xD980  }
0x77: {  	[tilespmem:s8], [sflag:$0x3] =	stream.indirect_vreg.gather [hbm4b:s2+s3], $0x80, v3, vm0, $0xb8;
	[tilespmem:$0x18180] =	vst v63  }
0x78: {  	s9 =	simm.s32 $0xE180  }
0x79: {  	[tilespmem:s9], [sflag:$0x3] =	stream.indirect_vreg.gather [hbm4b:s5+s3], $0x80, v3, vm0, $0xb8;
	[tilespmem:$0x18180] =	vst v63  }
0x7a: {  	_ = 	snop  }
0x7b: {  	[tilespmem:s19], [sflag:$0x3] =	stream.indirect_vreg.gather [hbm4b:s6+s3], $0x80, v3, vm0, $0xb8;
	[tilespmem:$0x18180] =	vst v63  }
0x7c: {  	v3 =	vld [tilespmem:$0x50];
	_ =	sdelay $0x4  }
0x7d: {  	v49 =	vshrl.u32 v3, $0x3  }
0x7e: {  	v4 =	vmul.u32 $0x30, v49  }
0x7f: {  	v3 =	vand.u32 $0x7, v3  }
0x80: {  	v3 =	vor.u32 v3, v4  }
0x81: {  	v4 =	vperm.xlane v3, v0;
	_ =	sdelay $0x1  }
0x82: {  	v4 =	vadd.s32 v1, v4;
	_ =	sdelay $0x3  }
0x83: {  	v3 =	vperm.xlane v3, v2  }
0x84: {  	[tilespmem:s20], [sflag:$0x3] =	stream.indirect_vreg.gather [hbm4b:s2+s3], $0x80, v4, vm0, $0xb8;
	[tilespmem:$0x18180] =	vst v63  }
0x85: {  	v3 =	vadd.s32 v1, v3  }
0x86: {  	[tilespmem:s22], [sflag:$0x3] =	stream.indirect_vreg.gather [hbm4b:s5+s3], $0x80, v4, vm0, $0xb8;
	[tilespmem:$0x18180] =	vst v63  }
0x87: {  	_ = 	snop  }
0x88: {  	[tilespmem:s23], [sflag:$0x3] =	stream.indirect_vreg.gather [hbm4b:s6+s3], $0x80, v4, vm0, $0xb8;
	[tilespmem:$0x18180] =	vst v63  }
0x89: {  	_ = 	snop  }
0x8a: {  	[tilespmem:s24], [sflag:$0x3] =	stream.indirect_vreg.gather [hbm4b:s2+s3], $0x80, v3, vm0, $0xb8;
	[tilespmem:$0x18180] =	vst v63  }
0x8b: {  	_ = 	snop  }
0x8c: {  	[tilespmem:s25], [sflag:$0x3] =	stream.indirect_vreg.gather [hbm4b:s5+s3], $0x80, v3, vm0, $0xb8;
	[tilespmem:$0x18180] =	vst v63  }
0x8d: {  	_ = 	snop  }
0x8e: {  	[tilespmem:s26], [sflag:$0x3] =	stream.indirect_vreg.gather [hbm4b:s6+s3], $0x80, v3, vm0, $0xb8;
	[tilespmem:$0x18180] =	vst v63  }
0x8f: {  	v3 =	vld [tilespmem:$0x60];
	_ =	sdelay $0x4  }
0x90: {  	v50 =	vshrl.u32 v3, $0x3  }
0x91: {  	v4 =	vmul.u32 $0x30, v50  }
0x92: {  	v3 =	vand.u32 $0x7, v3  }
0x93: {  	v3 =	vor.u32 v3, v4  }
0x94: {  	v4 =	vperm.xlane v3, v0;
	_ =	sdelay $0x1  }
0x95: {  	v4 =	vadd.s32 v1, v4;
	_ =	sdelay $0x3  }
0x96: {  	v3 =	vperm.xlane v3, v2  }
0x97: {  	[tilespmem:s28], [sflag:$0x4] =	stream.indirect_vreg.gather [hbm4b:s2+s3], $0x80, v4, vm0, $0xb8;
	[tilespmem:$0x18180] =	vst v63  }
0x98: {  	v3 =	vadd.s32 v1, v3  }
0x99: {  	[tilespmem:s29], [sflag:$0x4] =	stream.indirect_vreg.gather [hbm4b:s5+s3], $0x80, v4, vm0, $0xb8;
	[tilespmem:$0x18180] =	vst v63  }
0x9a: {  	_ = 	snop  }
0x9b: {  	[tilespmem:s30], [sflag:$0x4] =	stream.indirect_vreg.gather [hbm4b:s6+s3], $0x80, v4, vm0, $0xb8;
	[tilespmem:$0x18180] =	vst v63  }
0x9c: {  	_ = 	snop  }
0x9d: {  	[tilespmem:s31], [sflag:$0x4] =	stream.indirect_vreg.gather [hbm4b:s2+s3], $0x80, v3, vm0, $0xb8;
	[tilespmem:$0x18180] =	vst v63  }
0x9e: {  	s18 =	simm.s32 $0x14180  }
0x9f: {  	[tilespmem:s18], [sflag:$0x4] =	stream.indirect_vreg.gather [hbm4b:s5+s3], $0x80, v3, vm0, $0xb8;
	[tilespmem:$0x18180] =	vst v63  }
0xa0: {  	s18 =	simm.s32 $0x14980  }
0xa1: {  	[tilespmem:s18], [sflag:$0x4] =	stream.indirect_vreg.gather [hbm4b:s6+s3], $0x80, v3, vm0, $0xb8;
	[tilespmem:$0x18180] =	vst v63  }
0xa2: {  	v3 =	vld [tilespmem:$0x70];
	_ =	sdelay $0x4  }
0xa3: {  	v51 =	vshrl.u32 v3, $0x3  }
0xa4: {  	v4 =	vmul.u32 $0x30, v51  }
0xa5: {  	v3 =	vand.u32 $0x7, v3  }
0xa6: {  	v3 =	vor.u32 v3, v4  }
0xa7: {  	v4 =	vperm.xlane v3, v0;
	_ =	sdelay $0x1  }
0xa8: {  	v4 =	vadd.s32 v1, v4;
	_ =	sdelay $0x3  }
0xa9: {  	v3 =	vperm.xlane v3, v2  }
0xaa: {  	[tilespmem:s17], [sflag:$0x4] =	stream.indirect_vreg.gather [hbm4b:s2+s3], $0x80, v4, vm0, $0xb8;
	[tilespmem:$0x18180] =	vst v63  }
0xab: {  	s18 =	simm.s32 $0x15980;
	v3 =	vadd.s32 v1, v3  }
0xac: {  	[tilespmem:s18], [sflag:$0x4] =	stream.indirect_vreg.gather [hbm4b:s5+s3], $0x80, v4, vm0, $0xb8;
	[tilespmem:$0x18180] =	vst v63  }
0xad: {  	s18 =	simm.s32 $0x16180  }
0xae: {  	[tilespmem:s18], [sflag:$0x4] =	stream.indirect_vreg.gather [hbm4b:s6+s3], $0x80, v4, vm0, $0xb8;
	[tilespmem:$0x18180] =	vst v63  }
0xaf: {  	s18 =	simm.s32 $0x16980  }
0xb0: {  	[tilespmem:s18], [sflag:$0x4] =	stream.indirect_vreg.gather [hbm4b:s2+s3], $0x80, v3, vm0, $0xb8;
	[tilespmem:$0x18180] =	vst v63  }
0xb1: {  	s18 =	simm.s32 $0x17180  }
0xb2: {  	[tilespmem:s18], [sflag:$0x4] =	stream.indirect_vreg.gather [hbm4b:s5+s3], $0x80, v3, vm0, $0xb8;
	[tilespmem:$0x18180] =	vst v63  }
0xb3: {  	s18 =	simm.s32 $0x17980  }
0xb4: {  	[tilespmem:s18], [sflag:$0x4] =	stream.indirect_vreg.gather [hbm4b:s6+s3], $0x80, v3, vm0, $0xb8;
	[tilespmem:$0x18180] =	vst v63  }
0xb5: {  	_ =	swait.ge [sflag:s16], $0x6000  }
0xb6: {  	[sflag:s16] =	ssyncset.done $0x0  }
0xb7: {  	s0 =	rddreg [dreg:$0xe];
	[sflag:s16] =	ssyncadd.s32 $0xFFFFA000  }
0xb8: {  	[hbm4b:s0+s3] =	stream.linear.scatter [tilespmem:s4], [sflag:$0x5], $0x6000, $0x38;
	[tilespmem:$0x18180] =	vst v63  }
0xb9: {  	_ =	swait.ge [sflag:s11], $0x6000  }
0xba: {  	[sflag:s11] =	ssyncset.done $0x0  }
0xbb: {  	[sflag:s11] =	ssyncadd.s32 $0xFFFFA000  }
0xbc: {  	v3 =	vld [tilespmem:$0x80];
	_ =	sdelay $0x4  }
0xbd: {  	v52 =	vshrl.u32 v3, $0x3  }
0xbe: {  	v4 =	vmul.u32 $0x30, v52  }
0xbf: {  	v3 =	vand.u32 $0x7, v3  }
0xc0: {  	v3 =	vor.u32 v3, v4  }
0xc1: {  	v4 =	vperm.xlane v3, v0;
	_ =	sdelay $0x1  }
0xc2: {  	v4 =	vadd.s32 v1, v4;
	_ =	sdelay $0x3  }
0xc3: {  	v3 =	vperm.xlane v3, v2  }
0xc4: {  	[tilespmem:s4], [sflag:$0x1] =	stream.indirect_vreg.gather [hbm4b:s2+s3], $0x80, v4, vm0, $0xb8;
	[tilespmem:$0x18180] =	vst v63  }
0xc5: {  	s18 =	simm.s32 $0x980;
	v3 =	vadd.s32 v1, v3  }
0xc6: {  	[tilespmem:s18], [sflag:$0x1] =	stream.indirect_vreg.gather [hbm4b:s5+s3], $0x80, v4, vm0, $0xb8;
	[tilespmem:$0x18180] =	vst v63  }
0xc7: {  	s18 =	simm.s32 $0x1180  }
0xc8: {  	[tilespmem:s18], [sflag:$0x1] =	stream.indirect_vreg.gather [hbm4b:s6+s3], $0x80, v4, vm0, $0xb8;
	[tilespmem:$0x18180] =	vst v63  }
0xc9: {  	s18 =	simm.s32 $0x1980  }
0xca: {  	[tilespmem:s18], [sflag:$0x1] =	stream.indirect_vreg.gather [hbm4b:s2+s3], $0x80, v3, vm0, $0xb8;
	[tilespmem:$0x18180] =	vst v63  }
0xcb: {  	s18 =	simm.s32 $0x2180  }
0xcc: {  	[tilespmem:s18], [sflag:$0x1] =	stream.indirect_vreg.gather [hbm4b:s5+s3], $0x80, v3, vm0, $0xb8;
	[tilespmem:$0x18180] =	vst v63  }
0xcd: {  	s1 =	simm.s32 $0x2980  }
0xce: {  	[tilespmem:s1], [sflag:$0x1] =	stream.indirect_vreg.gather [hbm4b:s6+s3], $0x80, v3, vm0, $0xb8;
	[tilespmem:$0x18180] =	vst v63  }
0xcf: {  	v3 =	vld [tilespmem:$0x90];
	_ =	sdelay $0x4  }
0xd0: {  	v53 =	vshrl.u32 v3, $0x3  }
0xd1: {  	v4 =	vmul.u32 $0x30, v53  }
0xd2: {  	v3 =	vand.u32 $0x7, v3  }
0xd3: {  	v3 =	vor.u32 v3, v4  }
0xd4: {  	v4 =	vperm.xlane v3, v0;
	_ =	sdelay $0x1  }
0xd5: {  	v4 =	vadd.s32 v1, v4;
	_ =	sdelay $0x3  }
0xd6: {  	s10 =	simm.s32 $0x3180;
	v3 =	vperm.xlane v3, v2  }
0xd7: {  	[tilespmem:s10], [sflag:$0x1] =	stream.indirect_vreg.gather [hbm4b:s2+s3], $0x80, v4, vm0, $0xb8;
	[tilespmem:$0x18180] =	vst v63  }
0xd8: {  	v3 =	vadd.s32 v1, v3;
	s10 =	simm.s32 $0x3980  }
0xd9: {  	[tilespmem:s10], [sflag:$0x1] =	stream.indirect_vreg.gather [hbm4b:s5+s3], $0x80, v4, vm0, $0xb8;
	[tilespmem:$0x18180] =	vst v63  }
0xda: {  	s18 =	simm.s32 $0x4180  }
0xdb: {  	[tilespmem:s18], [sflag:$0x1] =	stream.indirect_vreg.gather [hbm4b:s6+s3], $0x80, v4, vm0, $0xb8;
	[tilespmem:$0x18180] =	vst v63  }
0xdc: {  	s1 =	simm.s32 $0x4980  }
0xdd: {  	[tilespmem:s1], [sflag:$0x1] =	stream.indirect_vreg.gather [hbm4b:s2+s3], $0x80, v3, vm0, $0xb8;
	[tilespmem:$0x18180] =	vst v63  }
0xde: {  	s10 =	simm.s32 $0x5180  }
0xdf: {  	[tilespmem:s10], [sflag:$0x1] =	stream.indirect_vreg.gather [hbm4b:s5+s3], $0x80, v3, vm0, $0xb8;
	[tilespmem:$0x18180] =	vst v63  }
0xe0: {  	s18 =	simm.s32 $0x5980  }
0xe1: {  	[tilespmem:s18], [sflag:$0x1] =	stream.indirect_vreg.gather [hbm4b:s6+s3], $0x80, v3, vm0, $0xb8;
	[tilespmem:$0x18180] =	vst v63  }
0xe2: {  	_ =	swait.ge [sflag:s12], $0x6000  }
0xe3: {  	[sflag:s12] =	ssyncset.done $0x0  }
0xe4: {  	s1 =	rddreg [dreg:$0x5];
	[sflag:s12] =	ssyncadd.s32 $0xFFFFA000  }
0xe5: {  	[hbm4b:s1+s3] =	stream.linear.scatter [tilespmem:s14], [sflag:$0x6], $0x6000, $0x38;
	[tilespmem:$0x18180] =	vst v63  }
0xe6: {  	_ =	swait.ge [sflag:s13], $0x6000  }
0xe7: {  	[sflag:s13] =	ssyncset.done $0x0  }
0xe8: {  	[sflag:s13] =	ssyncadd.s32 $0xFFFFA000  }
0xe9: {  	v3 =	vld [tilespmem:$0xA0];
	_ =	sdelay $0x4  }
0xea: {  	v54 =	vshrl.u32 v3, $0x3  }
0xeb: {  	v4 =	vmul.u32 $0x30, v54  }
0xec: {  	v3 =	vand.u32 $0x7, v3  }
0xed: {  	v3 =	vor.u32 v3, v4  }
0xee: {  	v4 =	vperm.xlane v3, v0;
	_ =	sdelay $0x1  }
0xef: {  	v4 =	vadd.s32 v1, v4;
	_ =	sdelay $0x3  }
0xf0: {  	v3 =	vperm.xlane v3, v2  }
0xf1: {  	[tilespmem:s14], [sflag:$0x2] =	stream.indirect_vreg.gather [hbm4b:s2+s3], $0x80, v4, vm0, $0xb8;
	[tilespmem:$0x18180] =	vst v63  }
0xf2: {  	s10 =	simm.s32 $0x6980;
	v3 =	vadd.s32 v1, v3  }
0xf3: {  	[tilespmem:s10], [sflag:$0x2] =	stream.indirect_vreg.gather [hbm4b:s5+s3], $0x80, v4, vm0, $0xb8;
	[tilespmem:$0x18180] =	vst v63  }
0xf4: {  	s18 =	simm.s32 $0x7180  }
0xf5: {  	[tilespmem:s18], [sflag:$0x2] =	stream.indirect_vreg.gather [hbm4b:s6+s3], $0x80, v4, vm0, $0xb8;
	[tilespmem:$0x18180] =	vst v63  }
0xf6: {  	s1 =	simm.s32 $0x7980  }
0xf7: {  	[tilespmem:s1], [sflag:$0x2] =	stream.indirect_vreg.gather [hbm4b:s2+s3], $0x80, v3, vm0, $0xb8;
	[tilespmem:$0x18180] =	vst v63  }
0xf8: {  	s10 =	simm.s32 $0x8180  }
0xf9: {  	[tilespmem:s10], [sflag:$0x2] =	stream.indirect_vreg.gather [hbm4b:s5+s3], $0x80, v3, vm0, $0xb8;
	[tilespmem:$0x18180] =	vst v63  }
0xfa: {  	s18 =	simm.s32 $0x8980  }
0xfb: {  	[tilespmem:s18], [sflag:$0x2] =	stream.indirect_vreg.gather [hbm4b:s6+s3], $0x80, v3, vm0, $0xb8;
	[tilespmem:$0x18180] =	vst v63  }
0xfc: {  	v3 =	vld [tilespmem:$0xB0];
	_ =	sdelay $0x4  }
0xfd: {  	v55 =	vshrl.u32 v3, $0x3  }
0xfe: {  	v4 =	vmul.u32 $0x30, v55  }
0xff: {  	v3 =	vand.u32 $0x7, v3  }
0x100: {  	v3 =	vor.u32 v3, v4  }
0x101: {  	v4 =	vperm.xlane v3, v0;
	_ =	sdelay $0x1  }
0x102: {  	v4 =	vadd.s32 v1, v4;
	_ =	sdelay $0x3  }
0x103: {  	s1 =	simm.s32 $0x9180;
	v3 =	vperm.xlane v3, v2  }
0x104: {  	[tilespmem:s1], [sflag:$0x2] =	stream.indirect_vreg.gather [hbm4b:s2+s3], $0x80, v4, vm0, $0xb8;
	[tilespmem:$0x18180] =	vst v63  }
0x105: {  	s10 =	simm.s32 $0x9980;
	v3 =	vadd.s32 v1, v3  }
0x106: {  	[tilespmem:s10], [sflag:$0x2] =	stream.indirect_vreg.gather [hbm4b:s5+s3], $0x80, v4, vm0, $0xb8;
	[tilespmem:$0x18180] =	vst v63  }
0x107: {  	s18 =	simm.s32 $0xA180  }
0x108: {  	[tilespmem:s18], [sflag:$0x2] =	stream.indirect_vreg.gather [hbm4b:s6+s3], $0x80, v4, vm0, $0xb8;
	[tilespmem:$0x18180] =	vst v63  }
0x109: {  	s1 =	simm.s32 $0xA980  }
0x10a: {  	[tilespmem:s1], [sflag:$0x2] =	stream.indirect_vreg.gather [hbm4b:s2+s3], $0x80, v3, vm0, $0xb8;
	[tilespmem:$0x18180] =	vst v63  }
0x10b: {  	s10 =	simm.s32 $0xB180  }
0x10c: {  	[tilespmem:s10], [sflag:$0x2] =	stream.indirect_vreg.gather [hbm4b:s5+s3], $0x80, v3, vm0, $0xb8;
	[tilespmem:$0x18180] =	vst v63  }
0x10d: {  	s0 =	simm.s32 $0x3;
	s18 =	simm.s32 $0xB980  }
0x10e: {  	[tilespmem:s18], [sflag:$0x2] =	stream.indirect_vreg.gather [hbm4b:s6+s3], $0x80, v3, vm0, $0xb8;
	[tilespmem:$0x18180] =	vst v63  }
0x10f: {  	_ =	swait.ge [sflag:s0], $0x6000  }
0x110: {  	[sflag:s0] =	ssyncset.done $0x0  }
0x111: {  	s10 =	simm.s32 $0xC180;
	s1 =	rddreg [dreg:$0x6];
	[sflag:s0] =	ssyncadd.s32 $0xFFFFA000  }
0x112: {  	[hbm4b:s1+s3] =	stream.linear.scatter [tilespmem:s10], [sflag:$0x7], $0x6000, $0x38;
	[tilespmem:$0x18180] =	vst v63  }
0x113: {  	s1 =	simm.s32 $0x7  }
0x114: {  	_ =	swait.ge [sflag:s1], $0x6000  }
0x115: {  	[sflag:s1] =	ssyncset.done $0x0  }
0x116: {  	[sflag:s1] =	ssyncadd.s32 $0xFFFFA000  }
0x117: {  	v3 =	vld [tilespmem:$0xC0];
	_ =	sdelay $0x4  }
0x118: {  	v56 =	vshrl.u32 v3, $0x3  }
0x119: {  	v4 =	vmul.u32 $0x30, v56  }
0x11a: {  	v3 =	vand.u32 $0x7, v3  }
0x11b: {  	v3 =	vor.u32 v3, v4  }
0x11c: {  	v4 =	vperm.xlane v3, v0;
	_ =	sdelay $0x1  }
0x11d: {  	v4 =	vadd.s32 v1, v4;
	_ =	sdelay $0x3  }
0x11e: {  	v3 =	vperm.xlane v3, v2  }
0x11f: {  	[tilespmem:s10], [sflag:$0x3] =	stream.indirect_vreg.gather [hbm4b:s2+s3], $0x80, v4, vm0, $0xb8;
	[tilespmem:$0x18180] =	vst v63  }
0x120: {  	v3 =	vadd.s32 v1, v3  }
0x121: {  	[tilespmem:s21], [sflag:$0x3] =	stream.indirect_vreg.gather [hbm4b:s5+s3], $0x80, v4, vm0, $0xb8;
	[tilespmem:$0x18180] =	vst v63  }
0x122: {  	_ = 	snop  }
0x123: {  	[tilespmem:s15], [sflag:$0x3] =	stream.indirect_vreg.gather [hbm4b:s6+s3], $0x80, v4, vm0, $0xb8;
	[tilespmem:$0x18180] =	vst v63  }
0x124: {  	_ = 	snop  }
0x125: {  	[tilespmem:s8], [sflag:$0x3] =	stream.indirect_vreg.gather [hbm4b:s2+s3], $0x80, v3, vm0, $0xb8;
	[tilespmem:$0x18180] =	vst v63  }
0x126: {  	_ = 	snop  }
0x127: {  	[tilespmem:s9], [sflag:$0x3] =	stream.indirect_vreg.gather [hbm4b:s5+s3], $0x80, v3, vm0, $0xb8;
	[tilespmem:$0x18180] =	vst v63  }
0x128: {  	_ = 	snop  }
0x129: {  	[tilespmem:s19], [sflag:$0x3] =	stream.indirect_vreg.gather [hbm4b:s6+s3], $0x80, v3, vm0, $0xb8;
	[tilespmem:$0x18180] =	vst v63  }
0x12a: {  	v3 =	vld [tilespmem:$0xD0];
	_ =	sdelay $0x4  }
0x12b: {  	v57 =	vshrl.u32 v3, $0x3  }
0x12c: {  	v4 =	vmul.u32 $0x30, v57  }
0x12d: {  	v3 =	vand.u32 $0x7, v3  }
0x12e: {  	v3 =	vor.u32 v3, v4  }
0x12f: {  	v4 =	vperm.xlane v3, v0;
	_ =	sdelay $0x1  }
0x130: {  	v4 =	vadd.s32 v1, v4;
	_ =	sdelay $0x3  }
0x131: {  	v3 =	vperm.xlane v3, v2  }
0x132: {  	[tilespmem:s20], [sflag:$0x3] =	stream.indirect_vreg.gather [hbm4b:s2+s3], $0x80, v4, vm0, $0xb8;
	[tilespmem:$0x18180] =	vst v63  }
0x133: {  	v3 =	vadd.s32 v1, v3  }
0x134: {  	[tilespmem:s22], [sflag:$0x3] =	stream.indirect_vreg.gather [hbm4b:s5+s3], $0x80, v4, vm0, $0xb8;
	[tilespmem:$0x18180] =	vst v63  }
0x135: {  	_ = 	snop  }
0x136: {  	[tilespmem:s23], [sflag:$0x3] =	stream.indirect_vreg.gather [hbm4b:s6+s3], $0x80, v4, vm0, $0xb8;
	[tilespmem:$0x18180] =	vst v63  }
0x137: {  	_ = 	snop  }
0x138: {  	[tilespmem:s24], [sflag:$0x3] =	stream.indirect_vreg.gather [hbm4b:s2+s3], $0x80, v3, vm0, $0xb8;
	[tilespmem:$0x18180] =	vst v63  }
0x139: {  	_ = 	snop  }
0x13a: {  	[tilespmem:s25], [sflag:$0x3] =	stream.indirect_vreg.gather [hbm4b:s5+s3], $0x80, v3, vm0, $0xb8;
	[tilespmem:$0x18180] =	vst v63  }
0x13b: {  	s8 =	simm.s32 $0x4  }
0x13c: {  	[tilespmem:s26], [sflag:$0x3] =	stream.indirect_vreg.gather [hbm4b:s6+s3], $0x80, v3, vm0, $0xb8;
	[tilespmem:$0x18180] =	vst v63  }
0x13d: {  	_ =	swait.ge [sflag:s8], $0x6000  }
0x13e: {  	[sflag:s8] =	ssyncset.done $0x0  }
0x13f: {  	s9 =	simm.s32 $0x8;
	s10 =	rddreg [dreg:$0x7];
	[sflag:s8] =	ssyncadd.s32 $0xFFFFA000  }
0x140: {  	[hbm4b:s10+s3] =	stream.linear.scatter [tilespmem:s28], [sflag:$0x8], $0x6000, $0x38;
	[tilespmem:$0x18180] =	vst v63  }
0x141: {  	_ =	swait.ge [sflag:s9], $0x6000  }
0x142: {  	[sflag:s9] =	ssyncset.done $0x0  }
0x143: {  	[sflag:s9] =	ssyncadd.s32 $0xFFFFA000  }
0x144: {  	v3 =	vld [tilespmem:$0xE0];
	_ =	sdelay $0x4  }
0x145: {  	v58 =	vshrl.u32 v3, $0x3  }
0x146: {  	v4 =	vmul.u32 $0x30, v58  }
0x147: {  	v3 =	vand.u32 $0x7, v3  }
0x148: {  	v3 =	vor.u32 v3, v4  }
0x149: {  	v4 =	vperm.xlane v3, v0;
	_ =	sdelay $0x1  }
0x14a: {  	v4 =	vadd.s32 v1, v4;
	_ =	sdelay $0x3  }
0x14b: {  	v3 =	vperm.xlane v3, v2  }
0x14c: {  	[tilespmem:s28], [sflag:$0x4] =	stream.indirect_vreg.gather [hbm4b:s2+s3], $0x80, v4, vm0, $0xb8;
	[tilespmem:$0x18180] =	vst v63  }
0x14d: {  	v3 =	vadd.s32 v1, v3  }
0x14e: {  	[tilespmem:s29], [sflag:$0x4] =	stream.indirect_vreg.gather [hbm4b:s5+s3], $0x80, v4, vm0, $0xb8;
	[tilespmem:$0x18180] =	vst v63  }
0x14f: {  	_ = 	snop  }
0x150: {  	[tilespmem:s30], [sflag:$0x4] =	stream.indirect_vreg.gather [hbm4b:s6+s3], $0x80, v4, vm0, $0xb8;
	[tilespmem:$0x18180] =	vst v63  }
0x151: {  	_ = 	snop  }
0x152: {  	[tilespmem:s31], [sflag:$0x4] =	stream.indirect_vreg.gather [hbm4b:s2+s3], $0x80, v3, vm0, $0xb8;
	[tilespmem:$0x18180] =	vst v63  }
0x153: {  	s18 =	simm.s32 $0x14180  }
0x154: {  	[tilespmem:s18], [sflag:$0x4] =	stream.indirect_vreg.gather [hbm4b:s5+s3], $0x80, v3, vm0, $0xb8;
	[tilespmem:$0x18180] =	vst v63  }
0x155: {  	s18 =	simm.s32 $0x14980  }
0x156: {  	[tilespmem:s18], [sflag:$0x4] =	stream.indirect_vreg.gather [hbm4b:s6+s3], $0x80, v3, vm0, $0xb8;
	[tilespmem:$0x18180] =	vst v63  }
0x157: {  	v3 =	vld [tilespmem:$0xF0];
	_ =	sdelay $0x4  }
0x158: {  	v59 =	vshrl.u32 v3, $0x3  }
0x159: {  	v4 =	vmul.u32 $0x30, v59  }
0x15a: {  	v3 =	vand.u32 $0x7, v3  }
0x15b: {  	v3 =	vor.u32 v3, v4  }
0x15c: {  	v4 =	vperm.xlane v3, v0;
	_ =	sdelay $0x1  }
0x15d: {  	v4 =	vadd.s32 v1, v4;
	_ =	sdelay $0x3  }
0x15e: {  	v3 =	vperm.xlane v3, v2  }
0x15f: {  	[tilespmem:s17], [sflag:$0x4] =	stream.indirect_vreg.gather [hbm4b:s2+s3], $0x80, v4, vm0, $0xb8;
	[tilespmem:$0x18180] =	vst v63  }
0x160: {  	s18 =	simm.s32 $0x15980;
	v3 =	vadd.s32 v1, v3  }
0x161: {  	[tilespmem:s18], [sflag:$0x4] =	stream.indirect_vreg.gather [hbm4b:s5+s3], $0x80, v4, vm0, $0xb8;
	[tilespmem:$0x18180] =	vst v63  }
0x162: {  	s18 =	simm.s32 $0x16180  }
0x163: {  	[tilespmem:s18], [sflag:$0x4] =	stream.indirect_vreg.gather [hbm4b:s6+s3], $0x80, v4, vm0, $0xb8;
	[tilespmem:$0x18180] =	vst v63  }
0x164: {  	s18 =	simm.s32 $0x16980  }
0x165: {  	[tilespmem:s18], [sflag:$0x4] =	stream.indirect_vreg.gather [hbm4b:s2+s3], $0x80, v3, vm0, $0xb8;
	[tilespmem:$0x18180] =	vst v63  }
0x166: {  	s18 =	simm.s32 $0x17180  }
0x167: {  	[tilespmem:s18], [sflag:$0x4] =	stream.indirect_vreg.gather [hbm4b:s5+s3], $0x80, v3, vm0, $0xb8;
	[tilespmem:$0x18180] =	vst v63  }
0x168: {  	s18 =	simm.s32 $0x17980  }
0x169: {  	[tilespmem:s18], [sflag:$0x4] =	stream.indirect_vreg.gather [hbm4b:s6+s3], $0x80, v3, vm0, $0xb8;
	[tilespmem:$0x18180] =	vst v63  }
0x16a: {  	_ =	swait.ge [sflag:s16], $0x6000  }
0x16b: {  	[sflag:s16] =	ssyncset.done $0x0  }
0x16c: {  	s10 =	rddreg [dreg:$0x8];
	[sflag:s16] =	ssyncadd.s32 $0xFFFFA000  }
0x16d: {  	[hbm4b:s10+s3] =	stream.linear.scatter [tilespmem:s4], [sflag:$0x5], $0x6000, $0x38;
	[tilespmem:$0x18180] =	vst v63  }
0x16e: {  	_ =	swait.ge [sflag:s11], $0x6000  }
0x16f: {  	[sflag:s11] =	ssyncset.done $0x0  }
0x170: {  	[sflag:s11] =	ssyncadd.s32 $0xFFFFA000  }
0x171: {  	v3 =	vld [tilespmem:$0x100];
	_ =	sdelay $0x4  }
0x172: {  	v60 =	vshrl.u32 v3, $0x3  }
0x173: {  	v4 =	vmul.u32 $0x30, v60  }
0x174: {  	v3 =	vand.u32 $0x7, v3  }
0x175: {  	v3 =	vor.u32 v3, v4  }
0x176: {  	v4 =	vperm.xlane v3, v0;
	_ =	sdelay $0x1  }
0x177: {  	v4 =	vadd.s32 v1, v4;
	_ =	sdelay $0x3  }
0x178: {  	v3 =	vperm.xlane v3, v2  }
0x179: {  	[tilespmem:s4], [sflag:$0x1] =	stream.indirect_vreg.gather [hbm4b:s2+s3], $0x80, v4, vm0, $0xb8;
	[tilespmem:$0x18180] =	vst v63  }
0x17a: {  	s18 =	simm.s32 $0x980;
	v3 =	vadd.s32 v1, v3  }
0x17b: {  	[tilespmem:s18], [sflag:$0x1] =	stream.indirect_vreg.gather [hbm4b:s5+s3], $0x80, v4, vm0, $0xb8;
	[tilespmem:$0x18180] =	vst v63  }
0x17c: {  	s18 =	simm.s32 $0x1180  }
0x17d: {  	[tilespmem:s18], [sflag:$0x1] =	stream.indirect_vreg.gather [hbm4b:s6+s3], $0x80, v4, vm0, $0xb8;
	[tilespmem:$0x18180] =	vst v63  }
0x17e: {  	s18 =	simm.s32 $0x1980  }
0x17f: {  	[tilespmem:s18], [sflag:$0x1] =	stream.indirect_vreg.gather [hbm4b:s2+s3], $0x80, v3, vm0, $0xb8;
	[tilespmem:$0x18180] =	vst v63  }
0x180: {  	s18 =	simm.s32 $0x2180  }
0x181: {  	[tilespmem:s18], [sflag:$0x1] =	stream.indirect_vreg.gather [hbm4b:s5+s3], $0x80, v3, vm0, $0xb8;
	[tilespmem:$0x18180] =	vst v63  }
0x182: {  	s18 =	simm.s32 $0x2980  }
0x183: {  	[tilespmem:s18], [sflag:$0x1] =	stream.indirect_vreg.gather [hbm4b:s6+s3], $0x80, v3, vm0, $0xb8;
	[tilespmem:$0x18180] =	vst v63  }
0x184: {  	v3 =	vld [tilespmem:$0x110];
	_ =	sdelay $0x4  }
0x185: {  	v61 =	vshrl.u32 v3, $0x3  }
0x186: {  	v4 =	vmul.u32 $0x30, v61  }
0x187: {  	v3 =	vand.u32 $0x7, v3  }
0x188: {  	v3 =	vor.u32 v3, v4  }
0x189: {  	v4 =	vperm.xlane v3, v0;
	_ =	sdelay $0x1  }
0x18a: {  	v4 =	vadd.s32 v1, v4;
	_ =	sdelay $0x3  }
0x18b: {  	s18 =	simm.s32 $0x3180;
	v3 =	vperm.xlane v3, v2  }
0x18c: {  	[tilespmem:s18], [sflag:$0x1] =	stream.indirect_vreg.gather [hbm4b:s2+s3], $0x80, v4, vm0, $0xb8;
	[tilespmem:$0x18180] =	vst v63  }
0x18d: {  	v3 =	vadd.s32 v1, v3;
	s18 =	simm.s32 $0x3980  }
0x18e: {  	[tilespmem:s18], [sflag:$0x1] =	stream.indirect_vreg.gather [hbm4b:s5+s3], $0x80, v4, vm0, $0xb8;
	[tilespmem:$0x18180] =	vst v63  }
0x18f: {  	s18 =	simm.s32 $0x4180  }
0x190: {  	[tilespmem:s18], [sflag:$0x1] =	stream.indirect_vreg.gather [hbm4b:s6+s3], $0x80, v4, vm0, $0xb8;
	[tilespmem:$0x18180] =	vst v63  }
0x191: {  	s18 =	simm.s32 $0x4980  }
0x192: {  	[tilespmem:s18], [sflag:$0x1] =	stream.indirect_vreg.gather [hbm4b:s2+s3], $0x80, v3, vm0, $0xb8;
	[tilespmem:$0x18180] =	vst v63  }
0x193: {  	s18 =	simm.s32 $0x5180  }
0x194: {  	[tilespmem:s18], [sflag:$0x1] =	stream.indirect_vreg.gather [hbm4b:s5+s3], $0x80, v3, vm0, $0xb8;
	[tilespmem:$0x18180] =	vst v63  }
0x195: {  	s18 =	simm.s32 $0x5980  }
0x196: {  	[tilespmem:s18], [sflag:$0x1] =	stream.indirect_vreg.gather [hbm4b:s6+s3], $0x80, v3, vm0, $0xb8;
	[tilespmem:$0x18180] =	vst v63  }
0x197: {  	_ =	swait.ge [sflag:s12], $0x6000  }
0x198: {  	[sflag:s12] =	ssyncset.done $0x0  }
0x199: {  	s10 =	rddreg [dreg:$0x9];
	[sflag:s12] =	ssyncadd.s32 $0xFFFFA000  }
0x19a: {  	[hbm4b:s10+s3] =	stream.linear.scatter [tilespmem:s14], [sflag:$0x6], $0x6000, $0x38;
	[tilespmem:$0x18180] =	vst v63  }
0x19b: {  	_ =	swait.ge [sflag:s13], $0x6000  }
0x19c: {  	[sflag:s13] =	ssyncset.done $0x0  }
0x19d: {  	[sflag:s13] =	ssyncadd.s32 $0xFFFFA000  }
0x19e: {  	v3 =	vld [tilespmem:$0x120];
	_ =	sdelay $0x4  }
0x19f: {  	v62 =	vshrl.u32 v3, $0x3  }
0x1a0: {  	v4 =	vmul.u32 $0x30, v62  }
0x1a1: {  	v3 =	vand.u32 $0x7, v3  }
0x1a2: {  	v3 =	vor.u32 v3, v4  }
0x1a3: {  	v4 =	vperm.xlane v3, v0;
	_ =	sdelay $0x1  }
0x1a4: {  	v4 =	vadd.s32 v1, v4;
	_ =	sdelay $0x3  }
0x1a5: {  	v3 =	vperm.xlane v3, v2  }
0x1a6: {  	[tilespmem:s14], [sflag:$0x2] =	stream.indirect_vreg.gather [hbm4b:s2+s3], $0x80, v4, vm0, $0xb8;
	[tilespmem:$0x18180] =	vst v63  }
0x1a7: {  	s18 =	simm.s32 $0x6980;
	v3 =	vadd.s32 v1, v3  }
0x1a8: {  	[tilespmem:s18], [sflag:$0x2] =	stream.indirect_vreg.gather [hbm4b:s5+s3], $0x80, v4, vm0, $0xb8;
	[tilespmem:$0x18180] =	vst v63  }
0x1a9: {  	s18 =	simm.s32 $0x7180  }
0x1aa: {  	[tilespmem:s18], [sflag:$0x2] =	stream.indirect_vreg.gather [hbm4b:s6+s3], $0x80, v4, vm0, $0xb8;
	[tilespmem:$0x18180] =	vst v63  }
0x1ab: {  	s18 =	simm.s32 $0x7980  }
0x1ac: {  	[tilespmem:s18], [sflag:$0x2] =	stream.indirect_vreg.gather [hbm4b:s2+s3], $0x80, v3, vm0, $0xb8;
	[tilespmem:$0x18180] =	vst v63  }
0x1ad: {  	s18 =	simm.s32 $0x8180  }
0x1ae: {  	[tilespmem:s18], [sflag:$0x2] =	stream.indirect_vreg.gather [hbm4b:s5+s3], $0x80, v3, vm0, $0xb8;
	[tilespmem:$0x18180] =	vst v63  }
0x1af: {  	s18 =	simm.s32 $0x8980  }
0x1b0: {  	[tilespmem:s18], [sflag:$0x2] =	stream.indirect_vreg.gather [hbm4b:s6+s3], $0x80, v3, vm0, $0xb8;
	[tilespmem:$0x18180] =	vst v63  }
0x1b1: {  	v3 =	vld [tilespmem:$0x130];
	_ =	sdelay $0x4  }
0x1b2: {  	v63 =	vshrl.u32 v3, $0x3  }
0x1b3: {  	v4 =	vmul.u32 $0x30, v63  }
0x1b4: {  	v3 =	vand.u32 $0x7, v3  }
0x1b5: {  	v3 =	vor.u32 v3, v4  }
0x1b6: {  	v4 =	vperm.xlane v3, v0;
	_ =	sdelay $0x1  }
0x1b7: {  	v4 =	vadd.s32 v1, v4;
	_ =	sdelay $0x3  }
0x1b8: {  	s18 =	simm.s32 $0x9180;
	v3 =	vperm.xlane v3, v2  }
0x1b9: {  	[tilespmem:s18], [sflag:$0x2] =	stream.indirect_vreg.gather [hbm4b:s2+s3], $0x80, v4, vm0, $0xb8;
	[tilespmem:$0x18180] =	vst v63  }
0x1ba: {  	v3 =	vadd.s32 v1, v3;
	s18 =	simm.s32 $0x9980  }
0x1bb: {  	[tilespmem:s18], [sflag:$0x2] =	stream.indirect_vreg.gather [hbm4b:s5+s3], $0x80, v4, vm0, $0xb8;
	[tilespmem:$0x18180] =	vst v63  }
0x1bc: {  	s18 =	simm.s32 $0xA180  }
0x1bd: {  	[tilespmem:s18], [sflag:$0x2] =	stream.indirect_vreg.gather [hbm4b:s6+s3], $0x80, v4, vm0, $0xb8;
	[tilespmem:$0x18180] =	vst v63  }
0x1be: {  	s18 =	simm.s32 $0xA980  }
0x1bf: {  	[tilespmem:s18], [sflag:$0x2] =	stream.indirect_vreg.gather [hbm4b:s2+s3], $0x80, v3, vm0, $0xb8;
	[tilespmem:$0x18180] =	vst v63  }
0x1c0: {  	s18 =	simm.s32 $0xB180  }
0x1c1: {  	[tilespmem:s18], [sflag:$0x2] =	stream.indirect_vreg.gather [hbm4b:s5+s3], $0x80, v3, vm0, $0xb8;
	[tilespmem:$0x18180] =	vst v63  }
0x1c2: {  	s18 =	simm.s32 $0xB980  }
0x1c3: {  	[tilespmem:s18], [sflag:$0x2] =	stream.indirect_vreg.gather [hbm4b:s6+s3], $0x80, v3, vm0, $0xb8;
	[tilespmem:$0x18180] =	vst v63  }
0x1c4: {  	_ =	swait.ge [sflag:s0], $0x6000  }
0x1c5: {  	[sflag:s0] =	ssyncset.done $0x0  }
0x1c6: {  	s10 =	simm.s32 $0xC180;
	s18 =	rddreg [dreg:$0xa];
	[sflag:s0] =	ssyncadd.s32 $0xFFFFA000  }
0x1c7: {  	[hbm4b:s18+s3] =	stream.linear.scatter [tilespmem:s10], [sflag:$0x7], $0x6000, $0x38;
	[tilespmem:$0x18180] =	vst v63  }
0x1c8: {  	_ =	swait.ge [sflag:s8], $0x6000  }
0x1c9: {  	[sflag:s8] =	ssyncset.done $0x0  }
0x1ca: {  	s0 =	rddreg [dreg:$0xb];
	[sflag:s8] =	ssyncadd.s32 $0xFFFFA000  }
0x1cb: {  	[hbm4b:s0+s3] =	stream.linear.scatter [tilespmem:s28], [sflag:$0x8], $0x6000, $0x38;
	[tilespmem:$0x18180] =	vst v63  }
0x1cc: {  	_ =	swait.ge [sflag:s16], $0x6000  }
0x1cd: {  	[sflag:s16] =	ssyncset.done $0x0  }
0x1ce: {  	s8 =	rddreg [dreg:$0xc];
	[sflag:s16] =	ssyncadd.s32 $0xFFFFA000  }
0x1cf: {  	[hbm4b:s8+s3] =	stream.linear.scatter [tilespmem:s4], [sflag:$0x5], $0x6000, $0x38;
	[tilespmem:$0x18180] =	vst v63  }
0x1d0: {  	_ =	swait.ge [sflag:s12], $0x6000  }
0x1d1: {  	[sflag:s12] =	ssyncset.done $0x0  }
0x1d2: {  	s10 =	rddreg [dreg:$0xd];
	[sflag:s12] =	ssyncadd.s32 $0xFFFFA000  }
0x1d3: {  	[hbm4b:s10+s3] =	stream.linear.scatter [tilespmem:s14], [sflag:$0x6], $0x6000, $0x38;
	[tilespmem:$0x18180] =	vst v63  }
0x1d4: {  	_ =	swait.ge [sflag:s11], $0x6000  }
0x1d5: {  	[sflag:s11] =	ssyncset.done $0x0  }
0x1d6: {  	[sflag:s11] =	ssyncadd.s32 $0xFFFFA000  }
0x1d7: {  	_ =	swait.ge [sflag:s13], $0x6000  }
0x1d8: {  	[sflag:s13] =	ssyncset.done $0x0  }
0x1d9: {  	[sflag:s13] =	ssyncadd.s32 $0xFFFFA000  }
0x1da: {  	p0 =	sne.s32 s7, $0x1;
	_ =	swait.ge [sflag:s1], $0x6000  }
.Ltmp0:
0x1db: {  	[sflag:s1] =	ssyncset.done $0x0;
	(pc) =	sbr.rel @p0 .LBB2_1-.Ltmp0, $4  }
0x1dc: {  	[sflag:s1] =	ssyncadd.s32 $0xFFFFA000  }
0x1dd: {  	_ =	swait.ge [sflag:s9], $0x6000  }
0x1de: {  	[sflag:s9] =	ssyncset.done $0x0  }
0x1df: {  	s7 =	sadd.s32 $0xFFFFFFFF, s7;
	[sflag:s9] =	ssyncadd.s32 $0xFFFFA000  }
0x1e0: {  	_ =	sfence.sel $0x180000  }
0x1e1: {  	[bflag:$0x0] =	sbarrier.arrive $0xFFFF  }
0x1e2: {  	_ =	strace $0x90000047  }
0x1e3: {  	s0 =	stileid.u32;
	[bflag:$0x2] =	sbarrier.arrive $0xFFFF  }
0x1e4: {  	p0 =	sne.s32 s0, $0x0;
	s0 =	rddreg [dreg:$0x3]  }
0x1e5: {  	s0 =	sadd.s32 @!p0 $0x100000, s0  }
0x1e6: {  	[sflag:s0] =	ssyncadd.tile.s32 @!p0 $0x1;
	_ =	shalt  }
.Lfunc_end2:
_tile_overlayer_lowered:
.L_overlay_start_2:
0x1e7: {  	(tag) =	ssettag $0x2  }
0x1e8: {  	s0 =	rddreg [dreg:$0x0];
	s2 =	stileid.u32  }
0x1e9: {  	s1 =	rddreg [dreg:$0x1];
	p0 =	sne.s32 s2, $0x0  }
0x1ea: {  	s3 =	rddreg [dreg:$0x2];
	[bflag:$0x3] =	sbarrier.arrive $0xFFFF;
	s2 =	simm.s32 @!p0 $0x1C09  }
0x1eb: {  	[timem:s3], [sflag:s2] =	dma.local @!p0 [hbm:s0], s1  }
0x1ec: {  	s0 =	simm.s32 @!p0 $0x9  }
0x1ed: {  	_ =	swait.ge @!p0 [sflag:s0], s1  }
0x1ee: {  	s1 =	ssub.s32 @!p0 $0x0, s1;
	[sflag:s0] =	ssyncset.done @!p0 $0x0  }
0x1ef: {  	[sflag:s0] =	ssyncadd.s32 @!p0 s1  }
0x1f0: {  	[bflag:$0x3] =	sbarrier.arrive $0xFFFF  }
0x1f1: {  	_ =	shalt  }

// kernel: kernel.9.cloned.1.call-start
scs
__scs_entry_jumppad:
0x0: {  	(pc) =	sbr.rel $0x88, $3  }
0x1: {  	(tag) =	ssettag $0x0;
	lr =	simm.s32 $0x1  }
0x2: {  	[smem:$0x3F9A] =	sst lr;
	_ =	strace $0xD0000000  }
0x3: {  	_ = 	snop  }
0x4: {  	_ = 	snop  }
0x5: {  	_ = 	snop  }
0x6: {  	_ = 	snop  }
0x7: {  	_ = 	snop  }
__scs_overlays_trampoline_lowered:
0x8: {  	[smem:$0x3FA9] =	sst s0  }
0x9: {  	[smem:$0x3FAA] =	sst s1  }
0xa: {  	[smem:$0x3FAB] =	sst s2  }
0xb: {  	[smem:$0x3FAC] =	sst s3  }
0xc: {  	[smem:$0x3FAD] =	sst s4  }
0xd: {  	[smem:$0x3FAE] =	sst s5  }
0xe: {  	[smem:$0x3FAF] =	sst s6  }
0xf: {  	[smem:$0x3FB0] =	sst s7  }
0x10: {  	[smem:$0x3FB1] =	sst s8  }
0x11: {  	[smem:$0x3FB2] =	sst s9;
	s0 =	simm.s32 @!p0 $0x0  }
0x12: {  	s1 =	sld [smem:$0x3F98];
	s0 =	simm.s32 @p0 $0x1  }
0x13: {  	[smem:$0x3FB3] =	sst s0;
	s0 =	simm.s32 @!p1 $0x0  }
0x14: {  	s2 =	sld [smem:$0x3F97];
	s0 =	simm.s32 @p1 $0x1  }
0x15: {  	[smem:$0x3FB4] =	sst s0;
	s0 =	simm.s32 @!p2 $0x0  }
0x16: {  	s3 =	sld [smem:$0x3FDB];
	s0 =	simm.s32 @p2 $0x1  }
0x17: {  	s4 =	simm.s32 $0x1BF5;
	[smem:$0x3FB6] =	sst s0  }
0x18: {  	s0 =	sld [smem:$0x3F99];
	_ =	swait.ge [sflag:s4], $0x0  }
0x19: {  	s7 =	sld [smem:$0x3F9A]  }
0x1a: {  	s8 =	sadd.s32 $0xFFFFE003, lr  }
0x1b: {  	s9 =	sadd.s32 $0xFFFFFEF7, lr;
	s5 =	simm.s32 $0xFFFFFFFF;
	p2 =	slt.u32 s8, $0xFFFFF086  }
0x1c: {  	p1 =	slt.u32 s9, $0xF7A;
	s5 =	simm.s32 @!p2 $0x0  }
0x1d: {  	s5 =	simm.s32 @p1 $0x1;
	p0 =	seq.s32 s7, s2  }
0x1e: {  	s7 =	smul.u32 @!p0 $0xF7A, s2;
	p2 =	seq.s32 @!p0 s5, $0x0  }
0x1f: {  	s9 =	smul.u32 $0xF7A, s1;
	s8 =	simm.s32 @!p0 $0x1BF5;
	p2 =	por !p2, p0  }
0x20: {  	[sflag:s8] =	ssyncset.s32 @!p0 $0xFFFFF086;
	s6 =	sadd.s32 @!p0 s3, s7;
	s7 =	simm.s32 @!p0 $0x108  }
0x21: {  	s3 =	sadd.s32 s3, s9;
	s6 =	sadd.s32 @!p0 $0x88, s6;
	s7 =	simm.s32 @p2 $0x1082  }
0x22: {  	[simem:s7], [sflag:s8] =	dma.local @!p0 [hbm:s6], $0xF7A  }
0x23: {  	s9 =	sor.u32 $0xD0000000, s2;
	s6 =	simm.s32 $0x108;
	_ =	swait.ge @!p0 [sflag:s8], $0x0  }
0x24: {  	s3 =	sadd.s32 $0x88, s3;
	s6 =	simm.s32 @!p1 $0x1082;
	[sflag:s4] =	ssyncset.s32 $0xFFFFF086  }
0x25: {  	[simem:s6], [sflag:s4] =	dma.local [hbm:s3], $0xF7A  }
0x26: {  	[smem:$0x3F9A] =	sst s1;
	(tag) =	ssettag s2;
	_ =	strace s9  }
0x27: {  	s1 =	sld [smem:$0x3FAA]  }
0x28: {  	s2 =	sld [smem:$0x3FAB]  }
0x29: {  	s4 =	sld [smem:$0x3FAD]  }
0x2a: {  	p0 =	seq.s32 s5, $0x0;
	s5 =	sld [smem:$0x3FAE]  }
0x2b: {  	s6 =	sld [smem:$0x3FAF]  }
0x2c: {  	s7 =	sld [smem:$0x3FB0]  }
0x2d: {  	s3 =	simm.s32 $0x108;
	s8 =	sld [smem:$0x3FB1]  }
0x2e: {  	s3 =	simm.s32 @!p0 $0x1082;
	s9 =	sld [smem:$0x3FB2]  }
0x2f: {  	lr =	sadd.s32 s0, s3;
	s0 =	sld [smem:$0x3FA9]  }
0x30: {  	s3 =	sld [smem:$0x3FAC]  }
0x31: {  	[smem:$0x3FB5] =	sst s10  }
0x32: {  	s10 =	sld [smem:$0x3FB3];
	_ =	sdelay $0x3  }
0x33: {  	p0 =	seq.s32 s10, $0x1;
	s10 =	sld [smem:$0x3FB5];
	_ =	sdelay $0x3  }
0x34: {  	[smem:$0x3FB5] =	sst s10  }
0x35: {  	s10 =	sld [smem:$0x3FB4];
	_ =	sdelay $0x3  }
0x36: {  	p1 =	seq.s32 s10, $0x1;
	s10 =	sld [smem:$0x3FB5];
	_ =	sdelay $0x3  }
0x37: {  	[smem:$0x3FB5] =	sst s10  }
0x38: {  	s10 =	sld [smem:$0x3FB6]  }
0x39: {  	_ = 	snop;
	(pc) =	sbr.ind lr, $3  }
0x3a: {  	_ = 	snop  }
0x3b: {  	_ = 	snop  }
0x3c: {  	p2 =	seq.s32 s10, $0x1;
	s10 =	sld [smem:$0x3FB5]  }
0x3d: {  	_ =	shalt  }
0x3e: {  	_ =	shalt  }
0x3f: {  	_ =	shalt  }
0x40: {  	_ =	shalt  }
0x41: {  	_ =	shalt  }
0x42: {  	_ =	shalt  }
0x43: {  	_ =	shalt  }
0x44: {  	_ =	shalt  }
0x45: {  	_ =	shalt  }
0x46: {  	_ =	shalt  }
0x47: {  	_ =	shalt  }
0x48: {  	_ =	shalt  }
0x49: {  	_ =	shalt  }
0x4a: {  	_ =	shalt  }
0x4b: {  	_ =	shalt  }
0x4c: {  	_ =	shalt  }
0x4d: {  	_ =	shalt  }
0x4e: {  	_ =	shalt  }
0x4f: {  	_ =	shalt  }
0x50: {  	_ =	shalt  }
0x51: {  	_ =	shalt  }
0x52: {  	_ =	shalt  }
0x53: {  	_ =	shalt  }
0x54: {  	_ =	shalt  }
0x55: {  	_ =	shalt  }
0x56: {  	_ =	shalt  }
0x57: {  	_ =	shalt  }
0x58: {  	_ =	shalt  }
0x59: {  	_ =	shalt  }
0x5a: {  	_ =	shalt  }
0x5b: {  	_ =	shalt  }
0x5c: {  	_ =	shalt  }
0x5d: {  	_ =	shalt  }
0x5e: {  	_ =	shalt  }
0x5f: {  	_ =	shalt  }
0x60: {  	_ =	shalt  }
0x61: {  	_ =	shalt  }
0x62: {  	_ =	shalt  }
0x63: {  	_ =	shalt  }
0x64: {  	_ =	shalt  }
0x65: {  	_ =	shalt  }
0x66: {  	_ =	shalt  }
0x67: {  	_ =	shalt  }
0x68: {  	_ =	shalt  }
0x69: {  	_ =	shalt  }
0x6a: {  	_ =	shalt  }
0x6b: {  	_ =	shalt  }
0x6c: {  	_ =	shalt  }
0x6d: {  	_ =	shalt  }
0x6e: {  	_ =	shalt  }
0x6f: {  	_ =	shalt  }
0x70: {  	_ =	shalt  }
0x71: {  	_ =	shalt  }
0x72: {  	_ =	shalt  }
0x73: {  	_ =	shalt  }
0x74: {  	_ =	shalt  }
0x75: {  	_ =	shalt  }
0x76: {  	_ =	shalt  }
0x77: {  	_ =	shalt  }
0x78: {  	_ =	shalt  }
0x79: {  	_ =	shalt  }
0x7a: {  	_ =	shalt  }
0x7b: {  	_ =	shalt  }
0x7c: {  	_ =	shalt  }
0x7d: {  	_ =	shalt  }
0x7e: {  	_ =	shalt  }
0x7f: {  	_ =	shalt  }
0x80: {  	_ =	shalt  }
0x81: {  	_ =	shalt  }
0x82: {  	_ =	shalt  }
0x83: {  	_ =	shalt  }
0x84: {  	_ =	shalt  }
0x85: {  	_ =	shalt  }
0x86: {  	_ =	shalt  }
0x87: {  	_ =	shalt  }
.Lfunc_end0:
.L_simem_size_0:
called_computation.1_lowered:
.L_overlay_start_0:
0x88: {  	s2 =	sld [smem:$0x3FD9]  }
0x89: {  	s3 =	sld [smem:$0x3FFE];
	_ =	sdelay $0x1  }
0x8a: {  	s1 =	srdreg.scid  }
0x8b: {  	s0 =	sand.u32 $0x1, s1  }
0x8c: {  	s17 =	sshll.u32 s0, $0xA;
	s2 =	sadd.s32 s3, s2  }
0x8d: {  	s2 =	sadd.s32 s2, s17  }
0x8e: {  	[smem:$0x3FC1] =	sst s2  }
0x8f: {  	_ = 	snop  }
0x90: {  	s2 =	sld [smem:$0x3FD0];
	(tm) =	ssettm $0x1  }
0x91: {  	s18 =	sld [smem:$0x3FFB];
	_ =	sdelay $0x3  }
0x92: {  	_ =	strace s18  }
0x93: {  	s3 =	sld [smem:$0x3FFC];
	_ =	sdelay $0x3  }
0x94: {  	_ =	strace s3  }
0x95: {  	s3 =	sld [smem:$0x3FFD];
	_ =	sdelay $0x3  }
0x96: {  	_ =	strace s3  }
0x97: {  	_ =	strace $0x8FFFFFFF  }
0x98: {  	s19 =	sld [smem:$0x3FDB];
	_ =	sdelay $0x1  }
0x99: {  	s4 =	simm.s32 $_scs_section_size  }
0x9a: {  	s5 =	simm.s32 $_size__tile_overlayer_lowered;
	s6 =	simm.s32 $_tile_overlayer_lowered  }
0x9b: {  	s22 =	simm.s32 $0x1BFF;
	s21 =	sshll.u32 s6, $0x1;
	s3 =	sadd.s32 s4, s19  }
0x9c: {  	s7 =	simm.s32 $0x0;
	s20 =	sshll.u32 s5, $0x1;
	s5 =	sadd.s32 s21, s3  }
0x9d: {  	[timem:s7], [sflag:s22] =	dma.local [hbm:s5], s20  }
0x9e: {  	_ =	swait.ge [sflag:s22], s20  }
0x9f: {  	s4 =	ssub.s32 $0x0, s20;
	[sflag:s22] =	ssyncset.done $0x0  }
0xa0: {  	[sflag:s22] =	ssyncadd.s32 s4;
	_ =	sdelay $0x1  }
0xa1: {  	s23 =	simm.s32 $0x1B8B  }
0xa2: {  	_ =	swait.ge [sflag:s23], $0x1  }
0xa3: {  	[sflag:s23] =	ssyncset.done $0x0  }
0xa4: {  	s25 =	simm.s32 $0x1B8E;
	s24 =	sld [smem:$0x3FFE];
	[sflag:s23] =	ssyncadd.s32 $0xFFFFFFFF  }
0xa5: {  	s26 =	simm.s32 $execute0_lowered;
	[smem:$0x3FD2] =	sst s25  }
0xa6: {  	s5 =	sshll.u32 s26, $0x1;
	_ =	strace $0x80000049;
	[dreg:$0x1] =	wrdreg $0xFFFFFFFF  }
0xa7: {  	s28 =	simm.s32 $_size_execute0_lowered;
	s3 =	sadd.s32 s3, s5;
	[dreg:$0x0] =	wrdreg $0x0  }
0xa8: {  	s5 =	sshll.u32 s28, $0x1;
	[dreg:$0x2] =	wrdreg s3  }
0xa9: {  	[dreg:$0x3] =	wrdreg s5  }
0xaa: {  	[dreg:$0x4] =	wrdreg $0xC0  }
0xab: {  	_ =	task [dreg:s7], $0x5FFFF  }
0xac: {  	[dreg:$0x1] =	wrdreg $0xFFFFFFFF  }
0xad: {  	[dreg:$0x0] =	wrdreg $0x60  }
0xae: {  	[dreg:$0x2] =	wrdreg s24  }
0xaf: {  	[dreg:$0x3] =	wrdreg s2  }
0xb0: {  	[dreg:$0x4] =	wrdreg $0x9  }
0xb1: {  	_ =	task.clear_ibuf [dreg:s7], $0x5FFFF;
	_ =	strace $0x90000049  }
0xb2: {  	s29 =	simm.s32 $0x9;
	_ =	strace $0x8000004B  }
0xb3: {  	_ =	swait.ge [sflag:s29], $0x1  }
0xb4: {  	[sflag:s29] =	ssyncadd.s32 $0xFFFFFFFF  }
0xb5: {  	_ =	strace $0x9000004B  }
0xb6: {  	_ =	sfence  }
0xb7: {  	s30 =	sld [smem:$0x0];
	_ =	sdelay $0x2  }
0xb8: {  	s31 =	sshll.u32 s1, $0xD;
	s1 =	sshrl.u32 s1, $0x2  }
0xb9: {  	s3 =	sand.u32 $0x4000, s31;
	s1 =	sadd.s32 s1, s30  }
0xba: {  	s0 =	sor.u32 s3, s0;
	s1 =	sshll.u32 s1, $0x11  }
0xbb: {  	s0 =	sor.u32 s1, s0  }
0xbc: {  	s0 =	sadd.s32 $0x8F2B, s0  }
0xbd: {  	[sflag:s0] =	ssyncadd.remote.s32 $0x1  }
0xbe: {  	_ =	sfence.sel $0xFFFF  }
0xbf: {  	[dreg:$0x0] =	wrdreg $0xFFFFFFFF;
	(pc) =	sbr.abs _section_cstart, $3  }
0xc0: {  	[dreg:$0x1] =	wrdreg $0xFFFFFFFF  }
0xc1: {  	_ =	task.clear_ibuf [dreg:s7], $0x2FFFF;
	_ =	strace $0x9FFFFFFF  }
0xc2: {  	(tm) =	ssettm $0x7FFFFFFF  }
0xc3: {  	_ =	shalt  }
tec
execute0_lowered:
.L_overlay_start_1:
0x0: {  	(tag) =	ssettag $0x1  }
0x1: {  	s0 =	rddreg [dreg:$0x0]  }
0x2: {  	s1 =	rddreg [dreg:$0x1]  }
0x3: {  	s3 =	srdreg.scid;
	s2 =	simm.s32 $0x0;
	s5 =	stileid.u32  }
0x4: {  	s13 =	simm.s32 $0x7;
	s15 =	simm.s32 $0x100;
	s21 =	simm.s32 $0x6100  }
0x5: {  	s16 =	simm.s32 $0x12900;
	s17 =	simm.s32 $0x13100;
	s18 =	simm.s32 $0x13900  }
0x6: {  	s19 =	simm.s32 $0x14100;
	s20 =	simm.s32 $0x14900;
	s9 =	simm.s32 $0x3  }
0x7: {  	s28 =	simm.s32 $0x5;
	s10 =	simm.s32 $0x2;
	s29 =	simm.s32 $0x4  }
0x8: {  	s11 =	simm.s32 $0x6;
	s30 =	simm.s32 $0x0;
	s4 =	sand.u32 $0x1, s3  }
0x9: {  	[smem:$0x7FF] =	sst s2;
	s22 =	sshll.u32 s5, $0x5;
	s3 =	sadd.s32 $0xF0400, s0  }
0xa: {  	s23 =	sshll.u32 s4, $0x4;
	_ =	strace $0x8000004A;
	s4 =	ssub.s32 $0x2, s4  }
0xb: {  	s5 =	sor.u32 s23, s22;
	s8 =	sshrl.u32 s4, $0x1;
	s22 =	simm.s32 $0x16100  }
0xc: {  	s23 =	simm.s32 $0x16900;
	s7 =	smul.u32 $0x300, s5;
	s6 =	sadd.s32 s5, s0  }
0xd: {  	s5 =	smul.u32 $0x1800, s5;
	s4 =	ssub.s32 s4, s8;
	s24 =	sadd.s32 $0xF0200, s6  }
0xe: {  	s8 =	sadd.s32 $0xF0600, s0;
	s6 =	sadd.s32 $0xF0000, s6;
	[dreg:$0x3] =	wrdreg s24  }
0xf: {  	s31 =	smax.u32 s4, $0x1;
	s4 =	simm.s32 $0x15100;
	[dreg:$0x4] =	wrdreg s6  }
0x10: {  	s6 =	sadd.s32 $0xF0500, s0;
	s7 =	sadd.s32 s1, s7;
	s5 =	sshrl.u32 s5, $0x3  }
0x11: {  	[dreg:$0x8] =	wrdreg s31;
	s25 =	sadd.s32 $0xC00, s7;
	s26 =	sadd.s32 s1, s5  }
0x12: {  	v2 =	vlaneseq.u32;
	s24 =	simm.s32 $0x17100;
	[dreg:$0x5] =	wrdreg s25;
	s1 =	sadd.s32 $0x1800, s26  }
0x13: {  	vm0 =	vmmov $0xffff;
	v1 =	vshrl.u32 v2, $0x3;
	s5 =	simm.s32 $0x15900;
	s0 =	sadd.s32 $0x2400, s26;
	[dreg:$0x6] =	wrdreg s1  }
0x14: {  	v0 =	vand.u32 $0x7, v2;
	v2 =	vor.u32 $0x8, v2;
	v1 =	vmul.u32 $0x8, v1;
	s25 =	simm.s32 $0x17900;
	s26 =	simm.s32 $0x1;
	[dreg:$0x7] =	wrdreg s0  }
.LBB2_1:
0x15: {  	s0 =	rddreg [dreg:$0x3]  }
0x16: {  	[tilespmem:s2], [sflag:$0x7] =	stream.linear.gather [hbm4b:s0+s2], $0x80, $0x38;
	[tilespmem:$0x18100] =	vst v63  }
0x17: {  	_ =	swait.ge [sflag:s13], $0x80  }
0x18: {  	[sflag:s13] =	ssyncset.done $0x0  }
0x19: {  	s1 =	simm.s32 $0x80;
	s14 =	rddreg [dreg:$0x4];
	[sflag:s13] =	ssyncadd.s32 $0xFFFFFF80  }
0x1a: {  	[tilespmem:s1], [sflag:$0x7] =	stream.linear.gather [hbm4b:s14+s2], $0x80, $0x38;
	[tilespmem:$0x18100] =	vst v63  }
0x1b: {  	_ =	swait.ge [sflag:s13], $0x80  }
0x1c: {  	[sflag:s13] =	ssyncset.done $0x0  }
0x1d: {  	[sflag:s13] =	ssyncadd.s32 $0xFFFFFF80  }
0x1e: {  	v3 =	vld [tilespmem:$0x0];
	_ =	sdelay $0x4  }
0x1f: {  	v4 =	vshrl.u32 v3, $0x3  }
0x20: {  	v4 =	vmul.u32 $0x30, v4  }
0x21: {  	v3 =	vand.u32 $0x7, v3  }
0x22: {  	v3 =	vor.u32 v3, v4  }
0x23: {  	v4 =	vperm.xlane v3, v0;
	_ =	sdelay $0x1  }
0x24: {  	v4 =	vadd.s32 v1, v4;
	_ =	sdelay $0x3  }
0x25: {  	v3 =	vperm.xlane v3, v2  }
0x26: {  	[tilespmem:s15], [sflag:$0x1] =	stream.indirect_vreg.gather [hbm4b:s3+s2], $0x80, v4, vm0, $0xb8;
	[tilespmem:$0x18100] =	vst v63  }
0x27: {  	s1 =	simm.s32 $0x900;
	v3 =	vadd.s32 v1, v3  }
0x28: {  	[tilespmem:s1], [sflag:$0x1] =	stream.indirect_vreg.gather [hbm4b:s6+s2], $0x80, v4, vm0, $0xb8;
	[tilespmem:$0x18100] =	vst v63  }
0x29: {  	s12 =	simm.s32 $0x1100  }
0x2a: {  	[tilespmem:s12], [sflag:$0x1] =	stream.indirect_vreg.gather [hbm4b:s8+s2], $0x80, v4, vm0, $0xb8;
	[tilespmem:$0x18100] =	vst v63  }
0x2b: {  	s14 =	simm.s32 $0x1900  }
0x2c: {  	[tilespmem:s14], [sflag:$0x1] =	stream.indirect_vreg.gather [hbm4b:s3+s2], $0x80, v3, vm0, $0xb8;
	[tilespmem:$0x18100] =	vst v63  }
0x2d: {  	s1 =	simm.s32 $0x2100  }
0x2e: {  	[tilespmem:s1], [sflag:$0x1] =	stream.indirect_vreg.gather [hbm4b:s6+s2], $0x80, v3, vm0, $0xb8;
	[tilespmem:$0x18100] =	vst v63  }
0x2f: {  	s12 =	simm.s32 $0x2900  }
0x30: {  	[tilespmem:s12], [sflag:$0x1] =	stream.indirect_vreg.gather [hbm4b:s8+s2], $0x80, v3, vm0, $0xb8;
	[tilespmem:$0x18100] =	vst v63  }
0x31: {  	v3 =	vld [tilespmem:$0x10];
	_ =	sdelay $0x4  }
0x32: {  	v4 =	vshrl.u32 v3, $0x3  }
0x33: {  	v4 =	vmul.u32 $0x30, v4  }
0x34: {  	v3 =	vand.u32 $0x7, v3  }
0x35: {  	v3 =	vor.u32 v3, v4  }
0x36: {  	v4 =	vperm.xlane v3, v0;
	_ =	sdelay $0x1  }
0x37: {  	v4 =	vadd.s32 v1, v4;
	_ =	sdelay $0x3  }
0x38: {  	s14 =	simm.s32 $0x3100;
	v3 =	vperm.xlane v3, v2  }
0x39: {  	[tilespmem:s14], [sflag:$0x1] =	stream.indirect_vreg.gather [hbm4b:s3+s2], $0x80, v4, vm0, $0xb8;
	[tilespmem:$0x18100] =	vst v63  }
0x3a: {  	s1 =	simm.s32 $0x3900;
	v3 =	vadd.s32 v1, v3  }
0x3b: {  	[tilespmem:s1], [sflag:$0x1] =	stream.indirect_vreg.gather [hbm4b:s6+s2], $0x80, v4, vm0, $0xb8;
	[tilespmem:$0x18100] =	vst v63  }
0x3c: {  	s12 =	simm.s32 $0x4100  }
0x3d: {  	[tilespmem:s12], [sflag:$0x1] =	stream.indirect_vreg.gather [hbm4b:s8+s2], $0x80, v4, vm0, $0xb8;
	[tilespmem:$0x18100] =	vst v63  }
0x3e: {  	s14 =	simm.s32 $0x4900  }
0x3f: {  	[tilespmem:s14], [sflag:$0x1] =	stream.indirect_vreg.gather [hbm4b:s3+s2], $0x80, v3, vm0, $0xb8;
	[tilespmem:$0x18100] =	vst v63  }
0x40: {  	s1 =	simm.s32 $0x5100  }
0x41: {  	[tilespmem:s1], [sflag:$0x1] =	stream.indirect_vreg.gather [hbm4b:s6+s2], $0x80, v3, vm0, $0xb8;
	[tilespmem:$0x18100] =	vst v63  }
0x42: {  	s12 =	simm.s32 $0x5900  }
0x43: {  	[tilespmem:s12], [sflag:$0x1] =	stream.indirect_vreg.gather [hbm4b:s8+s2], $0x80, v3, vm0, $0xb8;
	[tilespmem:$0x18100] =	vst v63  }
0x44: {  	v3 =	vld [tilespmem:$0x80];
	_ =	sdelay $0x4  }
0x45: {  	v4 =	vshrl.u32 v3, $0x3  }
0x46: {  	v4 =	vmul.u32 $0x30, v4  }
0x47: {  	v3 =	vand.u32 $0x7, v3  }
0x48: {  	v3 =	vor.u32 v3, v4  }
0x49: {  	v4 =	vperm.xlane v3, v0;
	_ =	sdelay $0x1  }
0x4a: {  	v4 =	vadd.s32 v1, v4;
	_ =	sdelay $0x3  }
0x4b: {  	s14 =	simm.s32 $0xC100;
	v3 =	vperm.xlane v3, v2  }
0x4c: {  	[tilespmem:s14], [sflag:$0x3] =	stream.indirect_vreg.gather [hbm4b:s3+s2], $0x80, v4, vm0, $0xb8;
	[tilespmem:$0x18100] =	vst v63  }
0x4d: {  	s1 =	simm.s32 $0xC900;
	v3 =	vadd.s32 v1, v3  }
0x4e: {  	[tilespmem:s1], [sflag:$0x3] =	stream.indirect_vreg.gather [hbm4b:s6+s2], $0x80, v4, vm0, $0xb8;
	[tilespmem:$0x18100] =	vst v63  }
0x4f: {  	s12 =	simm.s32 $0xD100  }
0x50: {  	[tilespmem:s12], [sflag:$0x3] =	stream.indirect_vreg.gather [hbm4b:s8+s2], $0x80, v4, vm0, $0xb8;
	[tilespmem:$0x18100] =	vst v63  }
0x51: {  	s14 =	simm.s32 $0xD900  }
0x52: {  	[tilespmem:s14], [sflag:$0x3] =	stream.indirect_vreg.gather [hbm4b:s3+s2], $0x80, v3, vm0, $0xb8;
	[tilespmem:$0x18100] =	vst v63  }
0x53: {  	s1 =	simm.s32 $0xE100  }
0x54: {  	[tilespmem:s1], [sflag:$0x3] =	stream.indirect_vreg.gather [hbm4b:s6+s2], $0x80, v3, vm0, $0xb8;
	[tilespmem:$0x18100] =	vst v63  }
0x55: {  	s12 =	simm.s32 $0xE900  }
0x56: {  	[tilespmem:s12], [sflag:$0x3] =	stream.indirect_vreg.gather [hbm4b:s8+s2], $0x80, v3, vm0, $0xb8;
	[tilespmem:$0x18100] =	vst v63  }
0x57: {  	v3 =	vld [tilespmem:$0x90];
	_ =	sdelay $0x4  }
0x58: {  	v4 =	vshrl.u32 v3, $0x3  }
0x59: {  	v4 =	vmul.u32 $0x30, v4  }
0x5a: {  	v3 =	vand.u32 $0x7, v3  }
0x5b: {  	v3 =	vor.u32 v3, v4  }
0x5c: {  	v4 =	vperm.xlane v3, v0;
	_ =	sdelay $0x1  }
0x5d: {  	v4 =	vadd.s32 v1, v4;
	_ =	sdelay $0x3  }
0x5e: {  	s14 =	simm.s32 $0xF100;
	v3 =	vperm.xlane v3, v2  }
0x5f: {  	[tilespmem:s14], [sflag:$0x3] =	stream.indirect_vreg.gather [hbm4b:s3+s2], $0x80, v4, vm0, $0xb8;
	[tilespmem:$0x18100] =	vst v63  }
0x60: {  	s1 =	simm.s32 $0xF900;
	v3 =	vadd.s32 v1, v3  }
0x61: {  	[tilespmem:s1], [sflag:$0x3] =	stream.indirect_vreg.gather [hbm4b:s6+s2], $0x80, v4, vm0, $0xb8;
	[tilespmem:$0x18100] =	vst v63  }
0x62: {  	s12 =	simm.s32 $0x10100  }
0x63: {  	[tilespmem:s12], [sflag:$0x3] =	stream.indirect_vreg.gather [hbm4b:s8+s2], $0x80, v4, vm0, $0xb8;
	[tilespmem:$0x18100] =	vst v63  }
0x64: {  	s14 =	simm.s32 $0x10900  }
0x65: {  	[tilespmem:s14], [sflag:$0x3] =	stream.indirect_vreg.gather [hbm4b:s3+s2], $0x80, v3, vm0, $0xb8;
	[tilespmem:$0x18100] =	vst v63  }
0x66: {  	s1 =	simm.s32 $0x11100  }
0x67: {  	[tilespmem:s1], [sflag:$0x3] =	stream.indirect_vreg.gather [hbm4b:s6+s2], $0x80, v3, vm0, $0xb8;
	[tilespmem:$0x18100] =	vst v63  }
0x68: {  	s12 =	simm.s32 $0x11900  }
0x69: {  	[tilespmem:s12], [sflag:$0x3] =	stream.indirect_vreg.gather [hbm4b:s8+s2], $0x80, v3, vm0, $0xb8;
	[tilespmem:$0x18100] =	vst v63  }
0x6a: {  	v3 =	vld [tilespmem:$0x20];
	_ =	sdelay $0x4  }
0x6b: {  	v4 =	vshrl.u32 v3, $0x3  }
0x6c: {  	v4 =	vmul.u32 $0x30, v4  }
0x6d: {  	v3 =	vand.u32 $0x7, v3  }
0x6e: {  	v3 =	vor.u32 v3, v4  }
0x6f: {  	v4 =	vperm.xlane v3, v0;
	_ =	sdelay $0x1  }
0x70: {  	v4 =	vadd.s32 v1, v4;
	_ =	sdelay $0x3  }
0x71: {  	v3 =	vperm.xlane v3, v2  }
0x72: {  	[tilespmem:s21], [sflag:$0x2] =	stream.indirect_vreg.gather [hbm4b:s3+s2], $0x80, v4, vm0, $0xb8;
	[tilespmem:$0x18100] =	vst v63  }
0x73: {  	s14 =	simm.s32 $0x6900;
	v3 =	vadd.s32 v1, v3  }
0x74: {  	[tilespmem:s14], [sflag:$0x2] =	stream.indirect_vreg.gather [hbm4b:s6+s2], $0x80, v4, vm0, $0xb8;
	[tilespmem:$0x18100] =	vst v63  }
0x75: {  	s1 =	simm.s32 $0x7100  }
0x76: {  	[tilespmem:s1], [sflag:$0x2] =	stream.indirect_vreg.gather [hbm4b:s8+s2], $0x80, v4, vm0, $0xb8;
	[tilespmem:$0x18100] =	vst v63  }
0x77: {  	s12 =	simm.s32 $0x7900  }
0x78: {  	[tilespmem:s12], [sflag:$0x2] =	stream.indirect_vreg.gather [hbm4b:s3+s2], $0x80, v3, vm0, $0xb8;
	[tilespmem:$0x18100] =	vst v63  }
0x79: {  	s14 =	simm.s32 $0x8100  }
0x7a: {  	[tilespmem:s14], [sflag:$0x2] =	stream.indirect_vreg.gather [hbm4b:s6+s2], $0x80, v3, vm0, $0xb8;
	[tilespmem:$0x18100] =	vst v63  }
0x7b: {  	s1 =	simm.s32 $0x8900  }
0x7c: {  	[tilespmem:s1], [sflag:$0x2] =	stream.indirect_vreg.gather [hbm4b:s8+s2], $0x80, v3, vm0, $0xb8;
	[tilespmem:$0x18100] =	vst v63  }
0x7d: {  	v3 =	vld [tilespmem:$0x30];
	_ =	sdelay $0x4  }
0x7e: {  	v4 =	vshrl.u32 v3, $0x3  }
0x7f: {  	v4 =	vmul.u32 $0x30, v4  }
0x80: {  	v3 =	vand.u32 $0x7, v3  }
0x81: {  	v3 =	vor.u32 v3, v4  }
0x82: {  	v4 =	vperm.xlane v3, v0;
	_ =	sdelay $0x1  }
0x83: {  	v4 =	vadd.s32 v1, v4;
	_ =	sdelay $0x3  }
0x84: {  	s12 =	simm.s32 $0x9100;
	v3 =	vperm.xlane v3, v2  }
0x85: {  	[tilespmem:s12], [sflag:$0x2] =	stream.indirect_vreg.gather [hbm4b:s3+s2], $0x80, v4, vm0, $0xb8;
	[tilespmem:$0x18100] =	vst v63  }
0x86: {  	s14 =	simm.s32 $0x9900;
	v3 =	vadd.s32 v1, v3  }
0x87: {  	[tilespmem:s14], [sflag:$0x2] =	stream.indirect_vreg.gather [hbm4b:s6+s2], $0x80, v4, vm0, $0xb8;
	[tilespmem:$0x18100] =	vst v63  }
0x88: {  	s1 =	simm.s32 $0xA100  }
0x89: {  	[tilespmem:s1], [sflag:$0x2] =	stream.indirect_vreg.gather [hbm4b:s8+s2], $0x80, v4, vm0, $0xb8;
	[tilespmem:$0x18100] =	vst v63  }
0x8a: {  	s12 =	simm.s32 $0xA900  }
0x8b: {  	[tilespmem:s12], [sflag:$0x2] =	stream.indirect_vreg.gather [hbm4b:s3+s2], $0x80, v3, vm0, $0xb8;
	[tilespmem:$0x18100] =	vst v63  }
0x8c: {  	s14 =	simm.s32 $0xB100  }
0x8d: {  	[tilespmem:s14], [sflag:$0x2] =	stream.indirect_vreg.gather [hbm4b:s6+s2], $0x80, v3, vm0, $0xb8;
	[tilespmem:$0x18100] =	vst v63  }
0x8e: {  	s1 =	simm.s32 $0xB900  }
0x8f: {  	[tilespmem:s1], [sflag:$0x2] =	stream.indirect_vreg.gather [hbm4b:s8+s2], $0x80, v3, vm0, $0xb8;
	[tilespmem:$0x18100] =	vst v63  }
0x90: {  	v3 =	vld [tilespmem:$0xA0];
	_ =	sdelay $0x4  }
0x91: {  	v4 =	vshrl.u32 v3, $0x3  }
0x92: {  	v4 =	vmul.u32 $0x30, v4  }
0x93: {  	v3 =	vand.u32 $0x7, v3  }
0x94: {  	v3 =	vor.u32 v3, v4  }
0x95: {  	v4 =	vperm.xlane v3, v0;
	_ =	sdelay $0x1  }
0x96: {  	v4 =	vadd.s32 v1, v4;
	_ =	sdelay $0x3  }
0x97: {  	s12 =	simm.s32 $0x12100;
	v3 =	vperm.xlane v3, v2  }
0x98: {  	[tilespmem:s12], [sflag:$0x4] =	stream.indirect_vreg.gather [hbm4b:s3+s2], $0x80, v4, vm0, $0xb8;
	[tilespmem:$0x18100] =	vst v63  }
0x99: {  	v3 =	vadd.s32 v1, v3  }
0x9a: {  	[tilespmem:s16], [sflag:$0x4] =	stream.indirect_vreg.gather [hbm4b:s6+s2], $0x80, v4, vm0, $0xb8;
	[tilespmem:$0x18100] =	vst v63  }
0x9b: {  	_ = 	snop  }
0x9c: {  	[tilespmem:s17], [sflag:$0x4] =	stream.indirect_vreg.gather [hbm4b:s8+s2], $0x80, v4, vm0, $0xb8;
	[tilespmem:$0x18100] =	vst v63  }
0x9d: {  	_ = 	snop  }
0x9e: {  	[tilespmem:s18], [sflag:$0x4] =	stream.indirect_vreg.gather [hbm4b:s3+s2], $0x80, v3, vm0, $0xb8;
	[tilespmem:$0x18100] =	vst v63  }
0x9f: {  	_ = 	snop  }
0xa0: {  	[tilespmem:s19], [sflag:$0x4] =	stream.indirect_vreg.gather [hbm4b:s6+s2], $0x80, v3, vm0, $0xb8;
	[tilespmem:$0x18100] =	vst v63  }
0xa1: {  	_ = 	snop  }
0xa2: {  	[tilespmem:s20], [sflag:$0x4] =	stream.indirect_vreg.gather [hbm4b:s8+s2], $0x80, v3, vm0, $0xb8;
	[tilespmem:$0x18100] =	vst v63  }
0xa3: {  	v3 =	vld [tilespmem:$0xB0];
	_ =	sdelay $0x4  }
0xa4: {  	v4 =	vshrl.u32 v3, $0x3  }
0xa5: {  	v4 =	vmul.u32 $0x30, v4  }
0xa6: {  	v3 =	vand.u32 $0x7, v3  }
0xa7: {  	v3 =	vor.u32 v3, v4  }
0xa8: {  	v4 =	vperm.xlane v3, v0;
	_ =	sdelay $0x1  }
0xa9: {  	v4 =	vadd.s32 v1, v4;
	_ =	sdelay $0x3  }
0xaa: {  	v3 =	vperm.xlane v3, v2  }
0xab: {  	[tilespmem:s4], [sflag:$0x4] =	stream.indirect_vreg.gather [hbm4b:s3+s2], $0x80, v4, vm0, $0xb8;
	[tilespmem:$0x18100] =	vst v63  }
0xac: {  	v3 =	vadd.s32 v1, v3  }
0xad: {  	[tilespmem:s5], [sflag:$0x4] =	stream.indirect_vreg.gather [hbm4b:s6+s2], $0x80, v4, vm0, $0xb8;
	[tilespmem:$0x18100] =	vst v63  }
0xae: {  	_ = 	snop  }
0xaf: {  	[tilespmem:s22], [sflag:$0x4] =	stream.indirect_vreg.gather [hbm4b:s8+s2], $0x80, v4, vm0, $0xb8;
	[tilespmem:$0x18100] =	vst v63  }
0xb0: {  	_ = 	snop  }
0xb1: {  	[tilespmem:s23], [sflag:$0x4] =	stream.indirect_vreg.gather [hbm4b:s3+s2], $0x80, v3, vm0, $0xb8;
	[tilespmem:$0x18100] =	vst v63  }
0xb2: {  	_ = 	snop  }
0xb3: {  	[tilespmem:s24], [sflag:$0x4] =	stream.indirect_vreg.gather [hbm4b:s6+s2], $0x80, v3, vm0, $0xb8;
	[tilespmem:$0x18100] =	vst v63  }
0xb4: {  	_ = 	snop  }
0xb5: {  	[tilespmem:s25], [sflag:$0x4] =	stream.indirect_vreg.gather [hbm4b:s8+s2], $0x80, v3, vm0, $0xb8;
	[tilespmem:$0x18100] =	vst v63  }
0xb6: {  	_ =	swait.ge [sflag:s26], $0x6000  }
0xb7: {  	[sflag:s26] =	ssyncset.done $0x0  }
0xb8: {  	s14 =	simm.s32 $0x0;
	[sflag:s26] =	ssyncadd.s32 $0xFFFFA000  }
0xb9: {  	s0 =	smul.u32 $0x1800, s14;
	_ =	swait.ge [sflag:s9], $0x6000  }
0xba: {  	s12 =	sand.u32 $0x380, s2;
	[sflag:s9] =	ssyncset.done $0x0  }
0xbb: {  	s12 =	sor.u32 s12, s0;
	[sflag:s9] =	ssyncadd.s32 $0xFFFFA000  }
0xbc: {  	v12 =	vld [tilespmem:s12+$0xC100]  }
0xbd: {  	v13 =	vld [tilespmem:s12+$0xC110]  }
0xbe: {  	v14 =	vld [tilespmem:s12+$0xC120]  }
0xbf: {  	v15 =	vld [tilespmem:s12+$0xC130]  }
0xc0: {  	v16 =	vld [tilespmem:s12+$0xC140]  }
0xc1: {  	v17 =	vld [tilespmem:s12+$0xC150]  }
0xc2: {  	v18 =	vld [tilespmem:s12+$0xC160]  }
0xc3: {  	v19 =	vld [tilespmem:s12+$0xC170]  }
0xc4: {  	v20 =	vld [tilespmem:s12+$0xC500]  }
0xc5: {  	v21 =	vld [tilespmem:s12+$0xC510]  }
0xc6: {  	v22 =	vld [tilespmem:s12+$0xC520]  }
0xc7: {  	v23 =	vld [tilespmem:s12+$0xC530]  }
0xc8: {  	v24 =	vld [tilespmem:s12+$0xC540]  }
0xc9: {  	v25 =	vld [tilespmem:s12+$0xC550]  }
0xca: {  	v26 =	vld [tilespmem:s12+$0xC560]  }
0xcb: {  	v27 =	vld [tilespmem:s12+$0xC570]  }
0xcc: {  	v28 =	vld [tilespmem:s12+$0xC900]  }
0xcd: {  	v29 =	vld [tilespmem:s12+$0xC910]  }
0xce: {  	v30 =	vld [tilespmem:s12+$0xC920]  }
0xcf: {  	v31 =	vld [tilespmem:s12+$0xC930]  }
0xd0: {  	v32 =	vld [tilespmem:s12+$0xC940]  }
0xd1: {  	v33 =	vld [tilespmem:s12+$0xC950]  }
0xd2: {  	v34 =	vld [tilespmem:s12+$0xC960]  }
0xd3: {  	v35 =	vld [tilespmem:s12+$0xC970]  }
0xd4: {  	v36 =	vld [tilespmem:s12+$0xCD00]  }
0xd5: {  	v37 =	vld [tilespmem:s12+$0xCD10]  }
0xd6: {  	v38 =	vld [tilespmem:s12+$0xCD20]  }
0xd7: {  	v39 =	vld [tilespmem:s12+$0xCD30]  }
0xd8: {  	v40 =	vld [tilespmem:s12+$0xCD40]  }
0xd9: {  	v41 =	vld [tilespmem:s12+$0xCD50]  }
0xda: {  	v42 =	vld [tilespmem:s12+$0xCD60]  }
0xdb: {  	v43 =	vld [tilespmem:s12+$0xCD70]  }
0xdc: {  	v44 =	vld [tilespmem:s12+$0xD100]  }
0xdd: {  	v45 =	vld [tilespmem:s12+$0xD110]  }
0xde: {  	v46 =	vld [tilespmem:s12+$0xD120]  }
0xdf: {  	v47 =	vld [tilespmem:s12+$0xD130]  }
0xe0: {  	v48 =	vld [tilespmem:s12+$0xD140]  }
0xe1: {  	v49 =	vld [tilespmem:s12+$0xD150]  }
0xe2: {  	v50 =	vld [tilespmem:s12+$0xD160]  }
0xe3: {  	v11 =	vld [tilespmem:s12+$0xD170]  }
0xe4: {  	v10 =	vld [tilespmem:s12+$0xD500]  }
0xe5: {  	v9 =	vld [tilespmem:s12+$0xD510]  }
0xe6: {  	v8 =	vld [tilespmem:s12+$0xD520]  }
0xe7: {  	v7 =	vld [tilespmem:s12+$0xD530]  }
0xe8: {  	v6 =	vld [tilespmem:s12+$0xD540]  }
0xe9: {  	v51 =	vld [tilespmem:s12+$0x100]  }
0xea: {  	v52 =	vld [tilespmem:s12+$0x110]  }
0xeb: {  	v53 =	vld [tilespmem:s12+$0x120]  }
0xec: {  	v54 =	vld [tilespmem:s12+$0x130]  }
0xed: {  	v55 =	vld [tilespmem:s12+$0x140]  }
0xee: {  	v62 =	vld [tilespmem:s12+$0x150];
	v12 =	vadd.f32 v12, v51  }
0xef: {  	v63 =	vld [tilespmem:s12+$0x160];
	v13 =	vadd.f32 v13, v52  }
0xf0: {  	[tilespmem:s12+$0x100] =	vst v12;
	v12 =	vadd.f32 v14, v53;
	v14 =	vld [tilespmem:s12+$0x170]  }
0xf1: {  	[tilespmem:s12+$0x110] =	vst v13;
	v13 =	vadd.f32 v15, v54;
	v15 =	vld [tilespmem:s12+$0x500]  }
0xf2: {  	[tilespmem:s12+$0x120] =	vst v12;
	v12 =	vadd.f32 v16, v55;
	v16 =	vld [tilespmem:s12+$0x510]  }
0xf3: {  	[tilespmem:s12+$0x130] =	vst v13;
	v13 =	vadd.f32 v17, v62;
	v17 =	vld [tilespmem:s12+$0x520]  }
0xf4: {  	v5 =	vld [tilespmem:s12+$0xD550]  }
0xf5: {  	[tilespmem:s12+$0x140] =	vst v12;
	v12 =	vadd.f32 v18, v63;
	v18 =	vld [tilespmem:s12+$0x570]  }
0xf6: {  	[tilespmem:s12+$0x150] =	vst v13;
	v13 =	vadd.f32 v19, v14;
	v14 =	vld [tilespmem:s12+$0x530]  }
0xf7: {  	[tilespmem:s12+$0x160] =	vst v12;
	v12 =	vadd.f32 v20, v15;
	v15 =	vld [tilespmem:s12+$0x540]  }
0xf8: {  	[tilespmem:s12+$0x170] =	vst v13;
	v13 =	vadd.f32 v21, v16;
	v16 =	vadd.f32 v22, v17;
	v17 =	vld [tilespmem:s12+$0x560]  }
0xf9: {  	[tilespmem:s12+$0x500] =	vst v12;
	v12 =	vld [tilespmem:s12+$0x550]  }
0xfa: {  	[tilespmem:s12+$0x510] =	vst v13;
	v13 =	vld [tilespmem:s12+$0x900];
	v18 =	vadd.f32 v27, v18  }
0xfb: {  	[tilespmem:s12+$0x520] =	vst v16;
	v16 =	vld [tilespmem:s12+$0x910];
	v14 =	vadd.f32 v23, v14  }
0xfc: {  	v4 =	vld [tilespmem:s12+$0xD560];
	v15 =	vadd.f32 v24, v15;
	[tilespmem:s12+$0x570] =	vst v18  }
0xfd: {  	[tilespmem:s12+$0x530] =	vst v14;
	v14 =	vld [tilespmem:s12+$0x920];
	v17 =	vadd.f32 v26, v17  }
0xfe: {  	v12 =	vadd.f32 v25, v12;
	[tilespmem:s12+$0x540] =	vst v15;
	v15 =	vld [tilespmem:s12+$0x930]  }
0xff: {  	v18 =	vld [tilespmem:s12+$0x970];
	[tilespmem:s12+$0x560] =	vst v17;
	v13 =	vadd.f32 v28, v13  }
0x100: {  	v16 =	vadd.f32 v29, v16;
	[tilespmem:s12+$0x550] =	vst v12;
	v12 =	vld [tilespmem:s12+$0x940]  }
0x101: {  	v17 =	vld [tilespmem:s12+$0x950];
	[tilespmem:s12+$0x900] =	vst v13  }
0x102: {  	[tilespmem:s12+$0x910] =	vst v16;
	v16 =	vld [tilespmem:s12+$0x960];
	v13 =	vadd.f32 v30, v14  }
0x103: {  	v14 =	vld [tilespmem:s12+$0xD00];
	v15 =	vadd.f32 v31, v15  }
0x104: {  	[tilespmem:s12+$0x920] =	vst v13;
	v13 =	vld [tilespmem:s12+$0xD10]  }
0x105: {  	v12 =	vadd.f32 v32, v12;
	[tilespmem:s12+$0x930] =	vst v15;
	v15 =	vld [tilespmem:s12+$0xD20]  }
0x106: {  	v3 =	vld [tilespmem:s12+$0xD570];
	v17 =	vadd.f32 v33, v17  }
0x107: {  	v16 =	vadd.f32 v34, v16;
	[tilespmem:s12+$0x940] =	vst v12;
	v12 =	vld [tilespmem:s12+$0xD30]  }
0x108: {  	[tilespmem:s12+$0x950] =	vst v17;
	v17 =	vld [tilespmem:s12+$0xD40];
	v14 =	vadd.f32 v36, v14  }
0x109: {  	v18 =	vadd.f32 v35, v18;
	[tilespmem:s12+$0x960] =	vst v16;
	v16 =	vld [tilespmem:s12+$0xD50]  }
0x10a: {  	v13 =	vadd.f32 v37, v13;
	[tilespmem:s12+$0xD00] =	vst v14;
	v14 =	vadd.f32 v38, v15;
	v15 =	vld [tilespmem:s12+$0xD60]  }
0x10b: {  	[tilespmem:s12+$0x970] =	vst v18;
	v18 =	vld [tilespmem:s12+$0xD70]  }
0x10c: {  	[tilespmem:s12+$0xD10] =	vst v13;
	v13 =	vld [tilespmem:s12+$0x1100];
	v12 =	vadd.f32 v39, v12  }
0x10d: {  	v17 =	vadd.f32 v40, v17;
	[tilespmem:s12+$0xD20] =	vst v14;
	v14 =	vld [tilespmem:s12+$0x1110]  }
0x10e: {  	v16 =	vadd.f32 v41, v16;
	[tilespmem:s12+$0xD30] =	vst v12;
	v12 =	vld [tilespmem:s12+$0x1120]  }
0x10f: {  	[tilespmem:s12+$0xD40] =	vst v17;
	v17 =	vld [tilespmem:s12+$0x1130];
	v15 =	vadd.f32 v42, v15  }
0x110: {  	v19 =	vld [tilespmem:s12+$0x1140];
	[tilespmem:s12+$0xD50] =	vst v16;
	v16 =	vadd.f32 v43, v18  }
0x111: {  	v18 =	vld [tilespmem:s12+$0x1150];
	v13 =	vadd.f32 v44, v13;
	[tilespmem:s12+$0xD60] =	vst v15  }
0x112: {  	v20 =	vld [tilespmem:s12+$0x1160];
	[tilespmem:s12+$0xD70] =	vst v16;
	v14 =	vadd.f32 v45, v14  }
0x113: {  	v16 =	vld [tilespmem:s12+$0x1170];
	[tilespmem:s12+$0x1100] =	vst v13;
	v12 =	vadd.f32 v46, v12  }
0x114: {  	v15 =	vld [tilespmem:s12+$0x1500];
	v13 =	vadd.f32 v47, v17;
	[tilespmem:s12+$0x1110] =	vst v14  }
0x115: {  	v14 =	vld [tilespmem:s12+$0x1510];
	[tilespmem:s12+$0x1120] =	vst v12;
	v12 =	vadd.f32 v48, v19  }
0x116: {  	[tilespmem:s12+$0x1130] =	vst v13;
	v13 =	vld [tilespmem:s12+$0x1520];
	v18 =	vadd.f32 v49, v18  }
0x117: {  	s31 =	simm.s32 $0x1;
	s0 =	simm.s32 $0x0;
	v17 =	vadd.f32 v50, v20;
	[tilespmem:s12+$0x1140] =	vst v12;
	v12 =	vld [tilespmem:s12+$0x1530]  }
.LBB2_2:
0x118: {  	s1 =	sshrl.u32 s31, $0x3;
	p0 =	sne.s32 s31, $0x1F;
	[tilespmem:s12+$0x1150] =	vst v18;
	v11 =	vadd.f32 v11, v16;
	v16 =	vld [tilespmem:s12+$0x1540]  }
0x119: {  	s0 =	sadd.s32 $0x80, s0;
	s1 =	smul.u32 $0x1800, s1;
	[tilespmem:s12+$0x1160] =	vst v17;
	v10 =	vadd.f32 v10, v15;
	v15 =	vld [tilespmem:s12+$0x1550]  }
0x11a: {  	s14 =	sand.u32 $0x380, s0;
	[tilespmem:s12+$0x1170] =	vst v11;
	v9 =	vadd.f32 v9, v14;
	v11 =	vld [tilespmem:s12+$0x1560]  }
0x11b: {  	s1 =	sor.u32 s14, s1;
	[tilespmem:s12+$0x1500] =	vst v10;
	v8 =	vadd.f32 v8, v13;
	v10 =	vld [tilespmem:s12+$0x1570]  }
0x11c: {  	v39 =	vld [tilespmem:s1+$0xC100];
	[tilespmem:s12+$0x1510] =	vst v9;
	v7 =	vadd.f32 v7, v12  }
0x11d: {  	v40 =	vld [tilespmem:s1+$0xC110];
	[tilespmem:s12+$0x1520] =	vst v8;
	v6 =	vadd.f32 v6, v16  }
0x11e: {  	v41 =	vld [tilespmem:s1+$0xC120];
	[tilespmem:s12+$0x1530] =	vst v7;
	v5 =	vadd.f32 v5, v15  }
0x11f: {  	v42 =	vld [tilespmem:s1+$0xC130];
	[tilespmem:s12+$0x1540] =	vst v6;
	v4 =	vadd.f32 v4, v11  }
0x120: {  	v43 =	vld [tilespmem:s1+$0xC140];
	[tilespmem:s12+$0x1550] =	vst v5;
	v3 =	vadd.f32 v3, v10  }
0x121: {  	v44 =	vld [tilespmem:s1+$0xC150];
	[tilespmem:s12+$0x1560] =	vst v4  }
0x122: {  	v45 =	vld [tilespmem:s1+$0xC160];
	[tilespmem:s12+$0x1570] =	vst v3;
	s12 =	smov.u32 s1  }
0x123: {  	v46 =	vld [tilespmem:s12+$0xC170]  }
0x124: {  	v47 =	vld [tilespmem:s12+$0xC500]  }
0x125: {  	v48 =	vld [tilespmem:s12+$0xC510]  }
0x126: {  	v49 =	vld [tilespmem:s12+$0xC520]  }
0x127: {  	v50 =	vld [tilespmem:s12+$0xC530]  }
0x128: {  	v38 =	vld [tilespmem:s12+$0xC540]  }
0x129: {  	v37 =	vld [tilespmem:s12+$0xC550]  }
0x12a: {  	v36 =	vld [tilespmem:s12+$0xC560]  }
0x12b: {  	v35 =	vld [tilespmem:s12+$0xC570]  }
0x12c: {  	v34 =	vld [tilespmem:s12+$0xC900]  }
0x12d: {  	v33 =	vld [tilespmem:s12+$0xC910]  }
0x12e: {  	v32 =	vld [tilespmem:s12+$0xC920]  }
0x12f: {  	v31 =	vld [tilespmem:s12+$0xC930]  }
0x130: {  	v30 =	vld [tilespmem:s12+$0xC940]  }
0x131: {  	v29 =	vld [tilespmem:s12+$0xC950]  }
0x132: {  	v28 =	vld [tilespmem:s12+$0xC960]  }
0x133: {  	v27 =	vld [tilespmem:s12+$0xC970]  }
0x134: {  	v26 =	vld [tilespmem:s12+$0xCD00]  }
0x135: {  	v25 =	vld [tilespmem:s12+$0xCD10]  }
0x136: {  	v24 =	vld [tilespmem:s12+$0xCD20]  }
0x137: {  	v23 =	vld [tilespmem:s12+$0xCD30]  }
0x138: {  	v22 =	vld [tilespmem:s12+$0xCD40]  }
0x139: {  	v21 =	vld [tilespmem:s12+$0xCD50]  }
0x13a: {  	v20 =	vld [tilespmem:s12+$0xCD60]  }
0x13b: {  	v19 =	vld [tilespmem:s12+$0xCD70]  }
0x13c: {  	v18 =	vld [tilespmem:s12+$0xD100]  }
0x13d: {  	v17 =	vld [tilespmem:s12+$0xD110]  }
0x13e: {  	v16 =	vld [tilespmem:s12+$0xD120]  }
0x13f: {  	v15 =	vld [tilespmem:s12+$0xD130]  }
0x140: {  	v14 =	vld [tilespmem:s12+$0xD140]  }
0x141: {  	v13 =	vld [tilespmem:s12+$0xD150]  }
0x142: {  	v12 =	vld [tilespmem:s12+$0xD160]  }
0x143: {  	v11 =	vld [tilespmem:s12+$0xD170]  }
0x144: {  	v10 =	vld [tilespmem:s12+$0xD500]  }
0x145: {  	v9 =	vld [tilespmem:s12+$0xD510]  }
0x146: {  	v8 =	vld [tilespmem:s12+$0xD520]  }
0x147: {  	v7 =	vld [tilespmem:s12+$0xD530]  }
0x148: {  	v6 =	vld [tilespmem:s12+$0xD540]  }
0x149: {  	v5 =	vld [tilespmem:s12+$0xD550]  }
0x14a: {  	v4 =	vld [tilespmem:s12+$0xD560]  }
0x14b: {  	v3 =	vld [tilespmem:s12+$0xD570]  }
0x14c: {  	v51 =	vld [tilespmem:s12+$0x100]  }
0x14d: {  	v52 =	vld [tilespmem:s12+$0x110]  }
0x14e: {  	v53 =	vld [tilespmem:s12+$0x120]  }
0x14f: {  	v54 =	vld [tilespmem:s12+$0x130]  }
0x150: {  	v55 =	vld [tilespmem:s12+$0x140]  }
0x151: {  	v39 =	vadd.f32 v39, v51;
	v51 =	vld [tilespmem:s12+$0x150]  }
0x152: {  	v40 =	vadd.f32 v40, v52;
	v52 =	vld [tilespmem:s12+$0x160]  }
0x153: {  	[tilespmem:s12+$0x100] =	vst v39;
	v39 =	vadd.f32 v41, v53;
	v41 =	vld [tilespmem:s12+$0x170]  }
0x154: {  	[tilespmem:s12+$0x110] =	vst v40;
	v40 =	vadd.f32 v42, v54;
	v42 =	vld [tilespmem:s12+$0x500]  }
0x155: {  	[tilespmem:s12+$0x120] =	vst v39;
	v39 =	vadd.f32 v43, v55;
	v43 =	vld [tilespmem:s12+$0x510]  }
0x156: {  	[tilespmem:s12+$0x130] =	vst v40;
	v40 =	vadd.f32 v44, v51;
	v44 =	vld [tilespmem:s12+$0x520]  }
0x157: {  	[tilespmem:s12+$0x140] =	vst v39;
	v39 =	vadd.f32 v45, v52;
	v45 =	vld [tilespmem:s12+$0x530]  }
0x158: {  	[tilespmem:s12+$0x150] =	vst v40;
	v40 =	vadd.f32 v46, v41;
	v41 =	vld [tilespmem:s12+$0x540]  }
0x159: {  	[tilespmem:s12+$0x160] =	vst v39;
	v39 =	vadd.f32 v47, v42;
	v42 =	vld [tilespmem:s12+$0x550]  }
0x15a: {  	[tilespmem:s12+$0x170] =	vst v40;
	v40 =	vadd.f32 v48, v43;
	v43 =	vld [tilespmem:s12+$0x560]  }
0x15b: {  	[tilespmem:s12+$0x500] =	vst v39;
	v39 =	vadd.f32 v49, v44;
	v44 =	vld [tilespmem:s12+$0x570]  }
0x15c: {  	[tilespmem:s12+$0x510] =	vst v40;
	v40 =	vadd.f32 v50, v45;
	v45 =	vld [tilespmem:s12+$0x900]  }
0x15d: {  	[tilespmem:s12+$0x520] =	vst v39;
	v38 =	vadd.f32 v38, v41;
	v39 =	vld [tilespmem:s12+$0x910]  }
0x15e: {  	[tilespmem:s12+$0x530] =	vst v40;
	v37 =	vadd.f32 v37, v42;
	v40 =	vld [tilespmem:s12+$0x920]  }
0x15f: {  	[tilespmem:s12+$0x540] =	vst v38;
	v36 =	vadd.f32 v36, v43;
	v38 =	vld [tilespmem:s12+$0x930]  }
0x160: {  	[tilespmem:s12+$0x550] =	vst v37;
	v35 =	vadd.f32 v35, v44;
	v37 =	vld [tilespmem:s12+$0x940]  }
0x161: {  	[tilespmem:s12+$0x560] =	vst v36;
	v34 =	vadd.f32 v34, v45;
	v36 =	vld [tilespmem:s12+$0x950]  }
0x162: {  	[tilespmem:s12+$0x570] =	vst v35;
	v33 =	vadd.f32 v33, v39;
	v35 =	vld [tilespmem:s12+$0x960]  }
0x163: {  	[tilespmem:s12+$0x900] =	vst v34;
	v32 =	vadd.f32 v32, v40;
	v34 =	vld [tilespmem:s12+$0x970]  }
0x164: {  	[tilespmem:s12+$0x910] =	vst v33;
	v31 =	vadd.f32 v31, v38;
	v33 =	vld [tilespmem:s12+$0xD00]  }
0x165: {  	[tilespmem:s12+$0x920] =	vst v32;
	v30 =	vadd.f32 v30, v37;
	v32 =	vld [tilespmem:s12+$0xD10]  }
0x166: {  	[tilespmem:s12+$0x930] =	vst v31;
	v29 =	vadd.f32 v29, v36;
	v31 =	vld [tilespmem:s12+$0xD20]  }
0x167: {  	[tilespmem:s12+$0x940] =	vst v30;
	v28 =	vadd.f32 v28, v35;
	v30 =	vld [tilespmem:s12+$0xD30]  }
0x168: {  	[tilespmem:s12+$0x950] =	vst v29;
	v27 =	vadd.f32 v27, v34;
	v29 =	vld [tilespmem:s12+$0xD40]  }
0x169: {  	[tilespmem:s12+$0x960] =	vst v28;
	v26 =	vadd.f32 v26, v33;
	v28 =	vld [tilespmem:s12+$0xD50]  }
0x16a: {  	[tilespmem:s12+$0x970] =	vst v27;
	v25 =	vadd.f32 v25, v32;
	v27 =	vld [tilespmem:s12+$0xD60]  }
0x16b: {  	[tilespmem:s12+$0xD00] =	vst v26;
	v24 =	vadd.f32 v24, v31;
	v26 =	vld [tilespmem:s12+$0xD70]  }
0x16c: {  	[tilespmem:s12+$0xD10] =	vst v25;
	v23 =	vadd.f32 v23, v30;
	v25 =	vld [tilespmem:s12+$0x1100]  }
0x16d: {  	[tilespmem:s12+$0xD20] =	vst v24;
	v22 =	vadd.f32 v22, v29;
	v24 =	vld [tilespmem:s12+$0x1110]  }
0x16e: {  	[tilespmem:s12+$0xD30] =	vst v23;
	v21 =	vadd.f32 v21, v28;
	v23 =	vld [tilespmem:s12+$0x1120]  }
0x16f: {  	[tilespmem:s12+$0xD40] =	vst v22;
	v20 =	vadd.f32 v20, v27;
	v22 =	vld [tilespmem:s12+$0x1130]  }
0x170: {  	[tilespmem:s12+$0xD50] =	vst v21;
	v19 =	vadd.f32 v19, v26;
	v21 =	vld [tilespmem:s12+$0x1140]  }
0x171: {  	[tilespmem:s12+$0xD60] =	vst v20;
	v18 =	vadd.f32 v18, v25;
	v20 =	vld [tilespmem:s12+$0x1150]  }
0x172: {  	[tilespmem:s12+$0xD70] =	vst v19;
	v17 =	vadd.f32 v17, v24;
	v19 =	vld [tilespmem:s12+$0x1160]  }
.Ltmp0:
0x173: {  	[tilespmem:s12+$0x1100] =	vst v18;
	v18 =	vadd.f32 v16, v23;
	v16 =	vld [tilespmem:s12+$0x1170];
	(pc) =	sbr.rel @p0 .LBB2_2-.Ltmp0, $4  }
0x174: {  	[tilespmem:s12+$0x1110] =	vst v17;
	v17 =	vadd.f32 v15, v22;
	v15 =	vld [tilespmem:s12+$0x1500]  }
0x175: {  	[tilespmem:s12+$0x1120] =	vst v18;
	v21 =	vadd.f32 v14, v21;
	v14 =	vld [tilespmem:s12+$0x1510]  }
0x176: {  	[tilespmem:s12+$0x1130] =	vst v17;
	v18 =	vadd.f32 v13, v20;
	v13 =	vld [tilespmem:s12+$0x1520]  }
0x177: {  	s31 =	sadd.s32 $0x1, s31;
	[tilespmem:s12+$0x1140] =	vst v21;
	v17 =	vadd.f32 v12, v19;
	v12 =	vld [tilespmem:s12+$0x1530]  }
0x178: {  	[tilespmem:s12+$0x1150] =	vst v18;
	v18 =	vld [tilespmem:s12+$0x1540];
	v11 =	vadd.f32 v11, v16  }
0x179: {  	v16 =	vld [tilespmem:s12+$0x1550];
	[tilespmem:s12+$0x1160] =	vst v17;
	v10 =	vadd.f32 v10, v15  }
0x17a: {  	[tilespmem:s12+$0x1170] =	vst v11;
	v9 =	vadd.f32 v9, v14;
	v11 =	vld [tilespmem:s12+$0x1560]  }
0x17b: {  	[tilespmem:s12+$0x1500] =	vst v10;
	v8 =	vadd.f32 v8, v13;
	v10 =	vld [tilespmem:s12+$0x1570]  }
0x17c: {  	[tilespmem:s12+$0x1510] =	vst v9;
	v7 =	vadd.f32 v7, v12  }
0x17d: {  	[tilespmem:s12+$0x1520] =	vst v8;
	v6 =	vadd.f32 v6, v18  }
0x17e: {  	v5 =	vadd.f32 v5, v16;
	[tilespmem:s12+$0x1530] =	vst v7  }
0x17f: {  	[tilespmem:s12+$0x1540] =	vst v6;
	v4 =	vadd.f32 v4, v11  }
0x180: {  	[tilespmem:s12+$0x1550] =	vst v5;
	v3 =	vadd.f32 v3, v10  }
0x181: {  	[tilespmem:s12+$0x1560] =	vst v4  }
0x182: {  	[tilespmem:s12+$0x1570] =	vst v3;
	s12 =	simm.s32 $0x0  }
0x183: {  	[hbm4b:s7+s12] =	stream.linear.scatter [tilespmem:s15], [sflag:$0x5], $0x6000, $0x38;
	[tilespmem:$0x18100] =	vst v63  }
0x184: {  	_ =	swait.ge [sflag:s28], $0x6000  }
0x185: {  	[sflag:s28] =	ssyncset.done $0x0  }
0x186: {  	[sflag:s28] =	ssyncadd.s32 $0xFFFFA000  }
0x187: {  	v3 =	vld [tilespmem:$0x40];
	_ =	sdelay $0x4  }
0x188: {  	v4 =	vshrl.u32 v3, $0x3  }
0x189: {  	v4 =	vmul.u32 $0x30, v4  }
0x18a: {  	v3 =	vand.u32 $0x7, v3  }
0x18b: {  	v3 =	vor.u32 v3, v4  }
0x18c: {  	v4 =	vperm.xlane v3, v0;
	_ =	sdelay $0x1  }
0x18d: {  	v4 =	vadd.s32 v1, v4;
	_ =	sdelay $0x3  }
0x18e: {  	v3 =	vperm.xlane v3, v2  }
0x18f: {  	[tilespmem:s15], [sflag:$0x1] =	stream.indirect_vreg.gather [hbm4b:s3+s12], $0x80, v4, vm0, $0xb8;
	[tilespmem:$0x18100] =	vst v63  }
0x190: {  	s0 =	simm.s32 $0x900;
	v3 =	vadd.s32 v1, v3  }
0x191: {  	[tilespmem:s0], [sflag:$0x1] =	stream.indirect_vreg.gather [hbm4b:s6+s12], $0x80, v4, vm0, $0xb8;
	[tilespmem:$0x18100] =	vst v63  }
0x192: {  	s14 =	simm.s32 $0x1100  }
0x193: {  	[tilespmem:s14], [sflag:$0x1] =	stream.indirect_vreg.gather [hbm4b:s8+s12], $0x80, v4, vm0, $0xb8;
	[tilespmem:$0x18100] =	vst v63  }
0x194: {  	s1 =	simm.s32 $0x1900  }
0x195: {  	[tilespmem:s1], [sflag:$0x1] =	stream.indirect_vreg.gather [hbm4b:s3+s12], $0x80, v3, vm0, $0xb8;
	[tilespmem:$0x18100] =	vst v63  }
0x196: {  	s14 =	simm.s32 $0x2100  }
0x197: {  	[tilespmem:s14], [sflag:$0x1] =	stream.indirect_vreg.gather [hbm4b:s6+s12], $0x80, v3, vm0, $0xb8;
	[tilespmem:$0x18100] =	vst v63  }
0x198: {  	s1 =	simm.s32 $0x2900  }
0x199: {  	[tilespmem:s1], [sflag:$0x1] =	stream.indirect_vreg.gather [hbm4b:s8+s12], $0x80, v3, vm0, $0xb8;
	[tilespmem:$0x18100] =	vst v63  }
0x19a: {  	v3 =	vld [tilespmem:$0x50];
	_ =	sdelay $0x4  }
0x19b: {  	v4 =	vshrl.u32 v3, $0x3  }
0x19c: {  	v4 =	vmul.u32 $0x30, v4  }
0x19d: {  	v3 =	vand.u32 $0x7, v3  }
0x19e: {  	v3 =	vor.u32 v3, v4  }
0x19f: {  	v4 =	vperm.xlane v3, v0;
	_ =	sdelay $0x1  }
0x1a0: {  	v4 =	vadd.s32 v1, v4;
	_ =	sdelay $0x3  }
0x1a1: {  	s14 =	simm.s32 $0x3100;
	v3 =	vperm.xlane v3, v2  }
0x1a2: {  	[tilespmem:s14], [sflag:$0x1] =	stream.indirect_vreg.gather [hbm4b:s3+s12], $0x80, v4, vm0, $0xb8;
	[tilespmem:$0x18100] =	vst v63  }
0x1a3: {  	s1 =	simm.s32 $0x3900;
	v3 =	vadd.s32 v1, v3  }
0x1a4: {  	[tilespmem:s1], [sflag:$0x1] =	stream.indirect_vreg.gather [hbm4b:s6+s12], $0x80, v4, vm0, $0xb8;
	[tilespmem:$0x18100] =	vst v63  }
0x1a5: {  	s14 =	simm.s32 $0x4100  }
0x1a6: {  	[tilespmem:s14], [sflag:$0x1] =	stream.indirect_vreg.gather [hbm4b:s8+s12], $0x80, v4, vm0, $0xb8;
	[tilespmem:$0x18100] =	vst v63  }
0x1a7: {  	s1 =	simm.s32 $0x4900  }
0x1a8: {  	[tilespmem:s1], [sflag:$0x1] =	stream.indirect_vreg.gather [hbm4b:s3+s12], $0x80, v3, vm0, $0xb8;
	[tilespmem:$0x18100] =	vst v63  }
0x1a9: {  	s14 =	simm.s32 $0x5100  }
0x1aa: {  	[tilespmem:s14], [sflag:$0x1] =	stream.indirect_vreg.gather [hbm4b:s6+s12], $0x80, v3, vm0, $0xb8;
	[tilespmem:$0x18100] =	vst v63  }
0x1ab: {  	s1 =	simm.s32 $0x5900  }
0x1ac: {  	[tilespmem:s1], [sflag:$0x1] =	stream.indirect_vreg.gather [hbm4b:s8+s12], $0x80, v3, vm0, $0xb8;
	[tilespmem:$0x18100] =	vst v63  }
0x1ad: {  	v3 =	vld [tilespmem:$0xC0];
	_ =	sdelay $0x4  }
0x1ae: {  	v4 =	vshrl.u32 v3, $0x3  }
0x1af: {  	v4 =	vmul.u32 $0x30, v4  }
0x1b0: {  	v3 =	vand.u32 $0x7, v3  }
0x1b1: {  	v3 =	vor.u32 v3, v4  }
0x1b2: {  	v4 =	vperm.xlane v3, v0;
	_ =	sdelay $0x1  }
0x1b3: {  	v4 =	vadd.s32 v1, v4;
	_ =	sdelay $0x3  }
0x1b4: {  	s14 =	simm.s32 $0xC100;
	v3 =	vperm.xlane v3, v2  }
0x1b5: {  	[tilespmem:s14], [sflag:$0x3] =	stream.indirect_vreg.gather [hbm4b:s3+s12], $0x80, v4, vm0, $0xb8;
	[tilespmem:$0x18100] =	vst v63  }
0x1b6: {  	s1 =	simm.s32 $0xC900;
	v3 =	vadd.s32 v1, v3  }
0x1b7: {  	[tilespmem:s1], [sflag:$0x3] =	stream.indirect_vreg.gather [hbm4b:s6+s12], $0x80, v4, vm0, $0xb8;
	[tilespmem:$0x18100] =	vst v63  }
0x1b8: {  	s14 =	simm.s32 $0xD100  }
0x1b9: {  	[tilespmem:s14], [sflag:$0x3] =	stream.indirect_vreg.gather [hbm4b:s8+s12], $0x80, v4, vm0, $0xb8;
	[tilespmem:$0x18100] =	vst v63  }
0x1ba: {  	s1 =	simm.s32 $0xD900  }
0x1bb: {  	[tilespmem:s1], [sflag:$0x3] =	stream.indirect_vreg.gather [hbm4b:s3+s12], $0x80, v3, vm0, $0xb8;
	[tilespmem:$0x18100] =	vst v63  }
0x1bc: {  	s14 =	simm.s32 $0xE100  }
0x1bd: {  	[tilespmem:s14], [sflag:$0x3] =	stream.indirect_vreg.gather [hbm4b:s6+s12], $0x80, v3, vm0, $0xb8;
	[tilespmem:$0x18100] =	vst v63  }
0x1be: {  	s1 =	simm.s32 $0xE900  }
0x1bf: {  	[tilespmem:s1], [sflag:$0x3] =	stream.indirect_vreg.gather [hbm4b:s8+s12], $0x80, v3, vm0, $0xb8;
	[tilespmem:$0x18100] =	vst v63  }
0x1c0: {  	v3 =	vld [tilespmem:$0xD0];
	_ =	sdelay $0x4  }
0x1c1: {  	v4 =	vshrl.u32 v3, $0x3  }
0x1c2: {  	v4 =	vmul.u32 $0x30, v4  }
0x1c3: {  	v3 =	vand.u32 $0x7, v3  }
0x1c4: {  	v3 =	vor.u32 v3, v4  }
0x1c5: {  	v4 =	vperm.xlane v3, v0;
	_ =	sdelay $0x1  }
0x1c6: {  	v4 =	vadd.s32 v1, v4;
	_ =	sdelay $0x3  }
0x1c7: {  	s14 =	simm.s32 $0xF100;
	v3 =	vperm.xlane v3, v2  }
0x1c8: {  	[tilespmem:s14], [sflag:$0x3] =	stream.indirect_vreg.gather [hbm4b:s3+s12], $0x80, v4, vm0, $0xb8;
	[tilespmem:$0x18100] =	vst v63  }
0x1c9: {  	s1 =	simm.s32 $0xF900;
	v3 =	vadd.s32 v1, v3  }
0x1ca: {  	[tilespmem:s1], [sflag:$0x3] =	stream.indirect_vreg.gather [hbm4b:s6+s12], $0x80, v4, vm0, $0xb8;
	[tilespmem:$0x18100] =	vst v63  }
0x1cb: {  	s14 =	simm.s32 $0x10100  }
0x1cc: {  	[tilespmem:s14], [sflag:$0x3] =	stream.indirect_vreg.gather [hbm4b:s8+s12], $0x80, v4, vm0, $0xb8;
	[tilespmem:$0x18100] =	vst v63  }
0x1cd: {  	s1 =	simm.s32 $0x10900  }
0x1ce: {  	[tilespmem:s1], [sflag:$0x3] =	stream.indirect_vreg.gather [hbm4b:s3+s12], $0x80, v3, vm0, $0xb8;
	[tilespmem:$0x18100] =	vst v63  }
0x1cf: {  	s14 =	simm.s32 $0x11100  }
0x1d0: {  	[tilespmem:s14], [sflag:$0x3] =	stream.indirect_vreg.gather [hbm4b:s6+s12], $0x80, v3, vm0, $0xb8;
	[tilespmem:$0x18100] =	vst v63  }
0x1d1: {  	s1 =	simm.s32 $0x11900  }
0x1d2: {  	[tilespmem:s1], [sflag:$0x3] =	stream.indirect_vreg.gather [hbm4b:s8+s12], $0x80, v3, vm0, $0xb8;
	[tilespmem:$0x18100] =	vst v63  }
0x1d3: {  	_ =	swait.ge [sflag:s10], $0x6000  }
0x1d4: {  	[sflag:s10] =	ssyncset.done $0x0  }
0x1d5: {  	s14 =	simm.s32 $0x0;
	[sflag:s10] =	ssyncadd.s32 $0xFFFFA000  }
0x1d6: {  	s0 =	smul.u32 $0x1800, s14;
	_ =	swait.ge [sflag:s29], $0x6000  }
0x1d7: {  	s1 =	sand.u32 $0x380, s12;
	[sflag:s29] =	ssyncset.done $0x0  }
0x1d8: {  	s31 =	sor.u32 s1, s0;
	[sflag:s29] =	ssyncadd.s32 $0xFFFFA000  }
0x1d9: {  	v12 =	vld [tilespmem:s31+$0x12100]  }
0x1da: {  	v13 =	vld [tilespmem:s31+$0x12110]  }
0x1db: {  	v14 =	vld [tilespmem:s31+$0x12120]  }
0x1dc: {  	v15 =	vld [tilespmem:s31+$0x12130]  }
0x1dd: {  	v16 =	vld [tilespmem:s31+$0x12140]  }
0x1de: {  	v17 =	vld [tilespmem:s31+$0x12150]  }
0x1df: {  	v18 =	vld [tilespmem:s31+$0x12160]  }
0x1e0: {  	v19 =	vld [tilespmem:s31+$0x12170]  }
0x1e1: {  	v20 =	vld [tilespmem:s31+$0x12500]  }
0x1e2: {  	v21 =	vld [tilespmem:s31+$0x12510]  }
0x1e3: {  	v22 =	vld [tilespmem:s31+$0x12520]  }
0x1e4: {  	v23 =	vld [tilespmem:s31+$0x12530]  }
0x1e5: {  	v24 =	vld [tilespmem:s31+$0x12540]  }
0x1e6: {  	v25 =	vld [tilespmem:s31+$0x12550]  }
0x1e7: {  	v26 =	vld [tilespmem:s31+$0x12560]  }
0x1e8: {  	v27 =	vld [tilespmem:s31+$0x12570]  }
0x1e9: {  	v28 =	vld [tilespmem:s31+$0x12900]  }
0x1ea: {  	v29 =	vld [tilespmem:s31+$0x12910]  }
0x1eb: {  	v30 =	vld [tilespmem:s31+$0x12920]  }
0x1ec: {  	v31 =	vld [tilespmem:s31+$0x12930]  }
0x1ed: {  	v32 =	vld [tilespmem:s31+$0x12940]  }
0x1ee: {  	v33 =	vld [tilespmem:s31+$0x12950]  }
0x1ef: {  	v34 =	vld [tilespmem:s31+$0x12960]  }
0x1f0: {  	v35 =	vld [tilespmem:s31+$0x12970]  }
0x1f1: {  	v36 =	vld [tilespmem:s31+$0x12D00]  }
0x1f2: {  	v37 =	vld [tilespmem:s31+$0x12D10]  }
0x1f3: {  	v38 =	vld [tilespmem:s31+$0x12D20]  }
0x1f4: {  	v39 =	vld [tilespmem:s31+$0x12D30]  }
0x1f5: {  	v40 =	vld [tilespmem:s31+$0x12D40]  }
0x1f6: {  	v41 =	vld [tilespmem:s31+$0x12D50]  }
0x1f7: {  	v42 =	vld [tilespmem:s31+$0x12D60]  }
0x1f8: {  	v43 =	vld [tilespmem:s31+$0x12D70]  }
0x1f9: {  	v44 =	vld [tilespmem:s31+$0x13100]  }
0x1fa: {  	v45 =	vld [tilespmem:s31+$0x13110]  }
0x1fb: {  	v46 =	vld [tilespmem:s31+$0x13120]  }
0x1fc: {  	v47 =	vld [tilespmem:s31+$0x13130]  }
0x1fd: {  	v48 =	vld [tilespmem:s31+$0x13140]  }
0x1fe: {  	v49 =	vld [tilespmem:s31+$0x13150]  }
0x1ff: {  	v50 =	vld [tilespmem:s31+$0x13160]  }
0x200: {  	v11 =	vld [tilespmem:s31+$0x13170]  }
0x201: {  	v10 =	vld [tilespmem:s31+$0x13500]  }
0x202: {  	v9 =	vld [tilespmem:s31+$0x13510]  }
0x203: {  	v8 =	vld [tilespmem:s31+$0x13520]  }
0x204: {  	v7 =	vld [tilespmem:s31+$0x13530]  }
0x205: {  	v6 =	vld [tilespmem:s31+$0x13540]  }
0x206: {  	v51 =	vld [tilespmem:s31+$0x6100]  }
0x207: {  	v52 =	vld [tilespmem:s31+$0x6110]  }
0x208: {  	v53 =	vld [tilespmem:s31+$0x6120]  }
0x209: {  	v54 =	vld [tilespmem:s31+$0x6130]  }
0x20a: {  	v55 =	vld [tilespmem:s31+$0x6140]  }
0x20b: {  	v62 =	vld [tilespmem:s31+$0x6150];
	v12 =	vadd.f32 v12, v51  }
0x20c: {  	v63 =	vld [tilespmem:s31+$0x6160];
	v13 =	vadd.f32 v13, v52  }
0x20d: {  	[tilespmem:s31+$0x6100] =	vst v12;
	v12 =	vadd.f32 v14, v53;
	v14 =	vld [tilespmem:s31+$0x6170]  }
0x20e: {  	[tilespmem:s31+$0x6110] =	vst v13;
	v13 =	vadd.f32 v15, v54;
	v15 =	vld [tilespmem:s31+$0x6500]  }
0x20f: {  	[tilespmem:s31+$0x6120] =	vst v12;
	v12 =	vadd.f32 v16, v55;
	v16 =	vld [tilespmem:s31+$0x6510]  }
0x210: {  	[tilespmem:s31+$0x6130] =	vst v13;
	v13 =	vadd.f32 v17, v62;
	v17 =	vld [tilespmem:s31+$0x6520]  }
0x211: {  	v5 =	vld [tilespmem:s31+$0x13550]  }
0x212: {  	[tilespmem:s31+$0x6140] =	vst v12;
	v12 =	vadd.f32 v18, v63;
	v18 =	vld [tilespmem:s31+$0x6570]  }
0x213: {  	[tilespmem:s31+$0x6150] =	vst v13;
	v13 =	vadd.f32 v19, v14;
	v14 =	vld [tilespmem:s31+$0x6530]  }
0x214: {  	[tilespmem:s31+$0x6160] =	vst v12;
	v12 =	vadd.f32 v20, v15;
	v15 =	vld [tilespmem:s31+$0x6540]  }
0x215: {  	[tilespmem:s31+$0x6170] =	vst v13;
	v13 =	vadd.f32 v21, v16;
	v16 =	vadd.f32 v22, v17;
	v17 =	vld [tilespmem:s31+$0x6560]  }
0x216: {  	[tilespmem:s31+$0x6500] =	vst v12;
	v12 =	vld [tilespmem:s31+$0x6550]  }
0x217: {  	[tilespmem:s31+$0x6510] =	vst v13;
	v13 =	vld [tilespmem:s31+$0x6900];
	v18 =	vadd.f32 v27, v18  }
0x218: {  	[tilespmem:s31+$0x6520] =	vst v16;
	v16 =	vld [tilespmem:s31+$0x6910];
	v14 =	vadd.f32 v23, v14  }
0x219: {  	v4 =	vld [tilespmem:s31+$0x13560];
	v15 =	vadd.f32 v24, v15;
	[tilespmem:s31+$0x6570] =	vst v18  }
0x21a: {  	[tilespmem:s31+$0x6530] =	vst v14;
	v14 =	vld [tilespmem:s31+$0x6920];
	v17 =	vadd.f32 v26, v17  }
0x21b: {  	v12 =	vadd.f32 v25, v12;
	[tilespmem:s31+$0x6540] =	vst v15;
	v15 =	vld [tilespmem:s31+$0x6930]  }
0x21c: {  	v18 =	vld [tilespmem:s31+$0x6970];
	[tilespmem:s31+$0x6560] =	vst v17;
	v13 =	vadd.f32 v28, v13  }
0x21d: {  	v16 =	vadd.f32 v29, v16;
	[tilespmem:s31+$0x6550] =	vst v12;
	v12 =	vld [tilespmem:s31+$0x6940]  }
0x21e: {  	v17 =	vld [tilespmem:s31+$0x6950];
	[tilespmem:s31+$0x6900] =	vst v13  }
0x21f: {  	[tilespmem:s31+$0x6910] =	vst v16;
	v16 =	vld [tilespmem:s31+$0x6960];
	v13 =	vadd.f32 v30, v14  }
0x220: {  	v14 =	vld [tilespmem:s31+$0x6D00];
	v15 =	vadd.f32 v31, v15  }
0x221: {  	[tilespmem:s31+$0x6920] =	vst v13;
	v13 =	vld [tilespmem:s31+$0x6D10]  }
0x222: {  	v12 =	vadd.f32 v32, v12;
	[tilespmem:s31+$0x6930] =	vst v15;
	v15 =	vld [tilespmem:s31+$0x6D20]  }
0x223: {  	v3 =	vld [tilespmem:s31+$0x13570];
	v17 =	vadd.f32 v33, v17  }
0x224: {  	v16 =	vadd.f32 v34, v16;
	[tilespmem:s31+$0x6940] =	vst v12;
	v12 =	vld [tilespmem:s31+$0x6D30]  }
0x225: {  	[tilespmem:s31+$0x6950] =	vst v17;
	v17 =	vld [tilespmem:s31+$0x6D40];
	v14 =	vadd.f32 v36, v14  }
0x226: {  	v18 =	vadd.f32 v35, v18;
	[tilespmem:s31+$0x6960] =	vst v16;
	v16 =	vld [tilespmem:s31+$0x6D50]  }
0x227: {  	v13 =	vadd.f32 v37, v13;
	[tilespmem:s31+$0x6D00] =	vst v14;
	v14 =	vadd.f32 v38, v15;
	v15 =	vld [tilespmem:s31+$0x6D60]  }
0x228: {  	[tilespmem:s31+$0x6970] =	vst v18;
	v18 =	vld [tilespmem:s31+$0x6D70]  }
0x229: {  	[tilespmem:s31+$0x6D10] =	vst v13;
	v13 =	vld [tilespmem:s31+$0x7100];
	v12 =	vadd.f32 v39, v12  }
0x22a: {  	v17 =	vadd.f32 v40, v17;
	[tilespmem:s31+$0x6D20] =	vst v14;
	v14 =	vld [tilespmem:s31+$0x7110]  }
0x22b: {  	v16 =	vadd.f32 v41, v16;
	[tilespmem:s31+$0x6D30] =	vst v12;
	v12 =	vld [tilespmem:s31+$0x7120]  }
0x22c: {  	[tilespmem:s31+$0x6D40] =	vst v17;
	v17 =	vld [tilespmem:s31+$0x7130];
	v15 =	vadd.f32 v42, v15  }
0x22d: {  	v19 =	vld [tilespmem:s31+$0x7140];
	[tilespmem:s31+$0x6D50] =	vst v16;
	v16 =	vadd.f32 v43, v18  }
0x22e: {  	v18 =	vld [tilespmem:s31+$0x7150];
	v13 =	vadd.f32 v44, v13;
	[tilespmem:s31+$0x6D60] =	vst v15  }
0x22f: {  	v20 =	vld [tilespmem:s31+$0x7160];
	[tilespmem:s31+$0x6D70] =	vst v16;
	v14 =	vadd.f32 v45, v14  }
0x230: {  	v16 =	vld [tilespmem:s31+$0x7170];
	[tilespmem:s31+$0x7100] =	vst v13;
	v12 =	vadd.f32 v46, v12  }
0x231: {  	v15 =	vld [tilespmem:s31+$0x7500];
	v13 =	vadd.f32 v47, v17;
	[tilespmem:s31+$0x7110] =	vst v14  }
0x232: {  	v14 =	vld [tilespmem:s31+$0x7510];
	[tilespmem:s31+$0x7120] =	vst v12;
	v12 =	vadd.f32 v48, v19  }
0x233: {  	[tilespmem:s31+$0x7130] =	vst v13;
	v13 =	vld [tilespmem:s31+$0x7520];
	v18 =	vadd.f32 v49, v18  }
0x234: {  	s0 =	simm.s32 $0x1;
	v17 =	vadd.f32 v50, v20;
	[tilespmem:s31+$0x7140] =	vst v12;
	v12 =	vld [tilespmem:s31+$0x7530]  }
.LBB2_4:
0x235: {  	s1 =	sshrl.u32 s0, $0x3;
	p0 =	sne.s32 s0, $0x1F;
	[tilespmem:s31+$0x7150] =	vst v18;
	v11 =	vadd.f32 v11, v16;
	v16 =	vld [tilespmem:s31+$0x7540]  }
0x236: {  	s12 =	sadd.s32 $0x80, s12;
	s1 =	smul.u32 $0x1800, s1;
	[tilespmem:s31+$0x7160] =	vst v17;
	v10 =	vadd.f32 v10, v15;
	v15 =	vld [tilespmem:s31+$0x7550]  }
0x237: {  	s14 =	sand.u32 $0x380, s12;
	[tilespmem:s31+$0x7170] =	vst v11;
	v9 =	vadd.f32 v9, v14;
	v11 =	vld [tilespmem:s31+$0x7560]  }
0x238: {  	s1 =	sor.u32 s14, s1;
	[tilespmem:s31+$0x7500] =	vst v10;
	v8 =	vadd.f32 v8, v13;
	v10 =	vld [tilespmem:s31+$0x7570]  }
0x239: {  	v39 =	vld [tilespmem:s1+$0x12100];
	[tilespmem:s31+$0x7510] =	vst v9;
	v7 =	vadd.f32 v7, v12  }
0x23a: {  	v40 =	vld [tilespmem:s1+$0x12110];
	[tilespmem:s31+$0x7520] =	vst v8;
	v6 =	vadd.f32 v6, v16  }
0x23b: {  	v41 =	vld [tilespmem:s1+$0x12120];
	[tilespmem:s31+$0x7530] =	vst v7;
	v5 =	vadd.f32 v5, v15  }
0x23c: {  	v42 =	vld [tilespmem:s1+$0x12130];
	[tilespmem:s31+$0x7540] =	vst v6;
	v4 =	vadd.f32 v4, v11  }
0x23d: {  	v43 =	vld [tilespmem:s1+$0x12140];
	[tilespmem:s31+$0x7550] =	vst v5;
	v3 =	vadd.f32 v3, v10  }
0x23e: {  	v44 =	vld [tilespmem:s1+$0x12150];
	[tilespmem:s31+$0x7560] =	vst v4  }
0x23f: {  	v45 =	vld [tilespmem:s1+$0x12160];
	[tilespmem:s31+$0x7570] =	vst v3;
	s31 =	smov.u32 s1  }
0x240: {  	v46 =	vld [tilespmem:s31+$0x12170]  }
0x241: {  	v47 =	vld [tilespmem:s31+$0x12500]  }
0x242: {  	v48 =	vld [tilespmem:s31+$0x12510]  }
0x243: {  	v49 =	vld [tilespmem:s31+$0x12520]  }
0x244: {  	v50 =	vld [tilespmem:s31+$0x12530]  }
0x245: {  	v38 =	vld [tilespmem:s31+$0x12540]  }
0x246: {  	v37 =	vld [tilespmem:s31+$0x12550]  }
0x247: {  	v36 =	vld [tilespmem:s31+$0x12560]  }
0x248: {  	v35 =	vld [tilespmem:s31+$0x12570]  }
0x249: {  	v34 =	vld [tilespmem:s31+$0x12900]  }
0x24a: {  	v33 =	vld [tilespmem:s31+$0x12910]  }
0x24b: {  	v32 =	vld [tilespmem:s31+$0x12920]  }
0x24c: {  	v31 =	vld [tilespmem:s31+$0x12930]  }
0x24d: {  	v30 =	vld [tilespmem:s31+$0x12940]  }
0x24e: {  	v29 =	vld [tilespmem:s31+$0x12950]  }
0x24f: {  	v28 =	vld [tilespmem:s31+$0x12960]  }
0x250: {  	v27 =	vld [tilespmem:s31+$0x12970]  }
0x251: {  	v26 =	vld [tilespmem:s31+$0x12D00]  }
0x252: {  	v25 =	vld [tilespmem:s31+$0x12D10]  }
0x253: {  	v24 =	vld [tilespmem:s31+$0x12D20]  }
0x254: {  	v23 =	vld [tilespmem:s31+$0x12D30]  }
0x255: {  	v22 =	vld [tilespmem:s31+$0x12D40]  }
0x256: {  	v21 =	vld [tilespmem:s31+$0x12D50]  }
0x257: {  	v20 =	vld [tilespmem:s31+$0x12D60]  }
0x258: {  	v19 =	vld [tilespmem:s31+$0x12D70]  }
0x259: {  	v18 =	vld [tilespmem:s31+$0x13100]  }
0x25a: {  	v17 =	vld [tilespmem:s31+$0x13110]  }
0x25b: {  	v16 =	vld [tilespmem:s31+$0x13120]  }
0x25c: {  	v15 =	vld [tilespmem:s31+$0x13130]  }
0x25d: {  	v14 =	vld [tilespmem:s31+$0x13140]  }
0x25e: {  	v13 =	vld [tilespmem:s31+$0x13150]  }
0x25f: {  	v12 =	vld [tilespmem:s31+$0x13160]  }
0x260: {  	v11 =	vld [tilespmem:s31+$0x13170]  }
0x261: {  	v10 =	vld [tilespmem:s31+$0x13500]  }
0x262: {  	v9 =	vld [tilespmem:s31+$0x13510]  }
0x263: {  	v8 =	vld [tilespmem:s31+$0x13520]  }
0x264: {  	v7 =	vld [tilespmem:s31+$0x13530]  }
0x265: {  	v6 =	vld [tilespmem:s31+$0x13540]  }
0x266: {  	v5 =	vld [tilespmem:s31+$0x13550]  }
0x267: {  	v4 =	vld [tilespmem:s31+$0x13560]  }
0x268: {  	v3 =	vld [tilespmem:s31+$0x13570]  }
0x269: {  	v51 =	vld [tilespmem:s31+$0x6100]  }
0x26a: {  	v52 =	vld [tilespmem:s31+$0x6110]  }
0x26b: {  	v53 =	vld [tilespmem:s31+$0x6120]  }
0x26c: {  	v54 =	vld [tilespmem:s31+$0x6130]  }
0x26d: {  	v55 =	vld [tilespmem:s31+$0x6140]  }
0x26e: {  	v39 =	vadd.f32 v39, v51;
	v51 =	vld [tilespmem:s31+$0x6150]  }
0x26f: {  	v40 =	vadd.f32 v40, v52;
	v52 =	vld [tilespmem:s31+$0x6160]  }
0x270: {  	[tilespmem:s31+$0x6100] =	vst v39;
	v39 =	vadd.f32 v41, v53;
	v41 =	vld [tilespmem:s31+$0x6170]  }
0x271: {  	[tilespmem:s31+$0x6110] =	vst v40;
	v40 =	vadd.f32 v42, v54;
	v42 =	vld [tilespmem:s31+$0x6500]  }
0x272: {  	[tilespmem:s31+$0x6120] =	vst v39;
	v39 =	vadd.f32 v43, v55;
	v43 =	vld [tilespmem:s31+$0x6510]  }
0x273: {  	[tilespmem:s31+$0x6130] =	vst v40;
	v40 =	vadd.f32 v44, v51;
	v44 =	vld [tilespmem:s31+$0x6520]  }
0x274: {  	[tilespmem:s31+$0x6140] =	vst v39;
	v39 =	vadd.f32 v45, v52;
	v45 =	vld [tilespmem:s31+$0x6530]  }
0x275: {  	[tilespmem:s31+$0x6150] =	vst v40;
	v40 =	vadd.f32 v46, v41;
	v41 =	vld [tilespmem:s31+$0x6540]  }
0x276: {  	[tilespmem:s31+$0x6160] =	vst v39;
	v39 =	vadd.f32 v47, v42;
	v42 =	vld [tilespmem:s31+$0x6550]  }
0x277: {  	[tilespmem:s31+$0x6170] =	vst v40;
	v40 =	vadd.f32 v48, v43;
	v43 =	vld [tilespmem:s31+$0x6560]  }
0x278: {  	[tilespmem:s31+$0x6500] =	vst v39;
	v39 =	vadd.f32 v49, v44;
	v44 =	vld [tilespmem:s31+$0x6570]  }
0x279: {  	[tilespmem:s31+$0x6510] =	vst v40;
	v40 =	vadd.f32 v50, v45;
	v45 =	vld [tilespmem:s31+$0x6900]  }
0x27a: {  	[tilespmem:s31+$0x6520] =	vst v39;
	v38 =	vadd.f32 v38, v41;
	v39 =	vld [tilespmem:s31+$0x6910]  }
0x27b: {  	[tilespmem:s31+$0x6530] =	vst v40;
	v37 =	vadd.f32 v37, v42;
	v40 =	vld [tilespmem:s31+$0x6920]  }
0x27c: {  	[tilespmem:s31+$0x6540] =	vst v38;
	v36 =	vadd.f32 v36, v43;
	v38 =	vld [tilespmem:s31+$0x6930]  }
0x27d: {  	[tilespmem:s31+$0x6550] =	vst v37;
	v35 =	vadd.f32 v35, v44;
	v37 =	vld [tilespmem:s31+$0x6940]  }
0x27e: {  	[tilespmem:s31+$0x6560] =	vst v36;
	v34 =	vadd.f32 v34, v45;
	v36 =	vld [tilespmem:s31+$0x6950]  }
0x27f: {  	[tilespmem:s31+$0x6570] =	vst v35;
	v33 =	vadd.f32 v33, v39;
	v35 =	vld [tilespmem:s31+$0x6960]  }
0x280: {  	[tilespmem:s31+$0x6900] =	vst v34;
	v32 =	vadd.f32 v32, v40;
	v34 =	vld [tilespmem:s31+$0x6970]  }
0x281: {  	[tilespmem:s31+$0x6910] =	vst v33;
	v31 =	vadd.f32 v31, v38;
	v33 =	vld [tilespmem:s31+$0x6D00]  }
0x282: {  	[tilespmem:s31+$0x6920] =	vst v32;
	v30 =	vadd.f32 v30, v37;
	v32 =	vld [tilespmem:s31+$0x6D10]  }
0x283: {  	[tilespmem:s31+$0x6930] =	vst v31;
	v29 =	vadd.f32 v29, v36;
	v31 =	vld [tilespmem:s31+$0x6D20]  }
0x284: {  	[tilespmem:s31+$0x6940] =	vst v30;
	v28 =	vadd.f32 v28, v35;
	v30 =	vld [tilespmem:s31+$0x6D30]  }
0x285: {  	[tilespmem:s31+$0x6950] =	vst v29;
	v27 =	vadd.f32 v27, v34;
	v29 =	vld [tilespmem:s31+$0x6D40]  }
0x286: {  	[tilespmem:s31+$0x6960] =	vst v28;
	v26 =	vadd.f32 v26, v33;
	v28 =	vld [tilespmem:s31+$0x6D50]  }
0x287: {  	[tilespmem:s31+$0x6970] =	vst v27;
	v25 =	vadd.f32 v25, v32;
	v27 =	vld [tilespmem:s31+$0x6D60]  }
0x288: {  	[tilespmem:s31+$0x6D00] =	vst v26;
	v24 =	vadd.f32 v24, v31;
	v26 =	vld [tilespmem:s31+$0x6D70]  }
0x289: {  	[tilespmem:s31+$0x6D10] =	vst v25;
	v23 =	vadd.f32 v23, v30;
	v25 =	vld [tilespmem:s31+$0x7100]  }
0x28a: {  	[tilespmem:s31+$0x6D20] =	vst v24;
	v22 =	vadd.f32 v22, v29;
	v24 =	vld [tilespmem:s31+$0x7110]  }
0x28b: {  	[tilespmem:s31+$0x6D30] =	vst v23;
	v21 =	vadd.f32 v21, v28;
	v23 =	vld [tilespmem:s31+$0x7120]  }
0x28c: {  	[tilespmem:s31+$0x6D40] =	vst v22;
	v20 =	vadd.f32 v20, v27;
	v22 =	vld [tilespmem:s31+$0x7130]  }
0x28d: {  	[tilespmem:s31+$0x6D50] =	vst v21;
	v19 =	vadd.f32 v19, v26;
	v21 =	vld [tilespmem:s31+$0x7140]  }
0x28e: {  	[tilespmem:s31+$0x6D60] =	vst v20;
	v18 =	vadd.f32 v18, v25;
	v20 =	vld [tilespmem:s31+$0x7150]  }
0x28f: {  	[tilespmem:s31+$0x6D70] =	vst v19;
	v17 =	vadd.f32 v17, v24;
	v19 =	vld [tilespmem:s31+$0x7160]  }
.Ltmp1:
0x290: {  	[tilespmem:s31+$0x7100] =	vst v18;
	v18 =	vadd.f32 v16, v23;
	v16 =	vld [tilespmem:s31+$0x7170];
	(pc) =	sbr.rel @p0 .LBB2_4-.Ltmp1, $4  }
0x291: {  	[tilespmem:s31+$0x7110] =	vst v17;
	v17 =	vadd.f32 v15, v22;
	v15 =	vld [tilespmem:s31+$0x7500]  }
0x292: {  	[tilespmem:s31+$0x7120] =	vst v18;
	v21 =	vadd.f32 v14, v21;
	v14 =	vld [tilespmem:s31+$0x7510]  }
0x293: {  	[tilespmem:s31+$0x7130] =	vst v17;
	v18 =	vadd.f32 v13, v20;
	v13 =	vld [tilespmem:s31+$0x7520]  }
0x294: {  	s0 =	sadd.s32 $0x1, s0;
	[tilespmem:s31+$0x7140] =	vst v21;
	v17 =	vadd.f32 v12, v19;
	v12 =	vld [tilespmem:s31+$0x7530]  }
0x295: {  	[tilespmem:s31+$0x7150] =	vst v18;
	v18 =	vld [tilespmem:s31+$0x7540];
	v11 =	vadd.f32 v11, v16  }
0x296: {  	v16 =	vld [tilespmem:s31+$0x7550];
	[tilespmem:s31+$0x7160] =	vst v17;
	v10 =	vadd.f32 v10, v15  }
0x297: {  	[tilespmem:s31+$0x7170] =	vst v11;
	v9 =	vadd.f32 v9, v14;
	v11 =	vld [tilespmem:s31+$0x7560]  }
0x298: {  	[tilespmem:s31+$0x7500] =	vst v10;
	v8 =	vadd.f32 v8, v13;
	v10 =	vld [tilespmem:s31+$0x7570]  }
0x299: {  	[tilespmem:s31+$0x7510] =	vst v9;
	v7 =	vadd.f32 v7, v12  }
0x29a: {  	[tilespmem:s31+$0x7520] =	vst v8;
	v6 =	vadd.f32 v6, v18  }
0x29b: {  	v5 =	vadd.f32 v5, v16;
	[tilespmem:s31+$0x7530] =	vst v7  }
0x29c: {  	[tilespmem:s31+$0x7540] =	vst v6;
	v4 =	vadd.f32 v4, v11  }
0x29d: {  	[tilespmem:s31+$0x7550] =	vst v5;
	v3 =	vadd.f32 v3, v10  }
0x29e: {  	[tilespmem:s31+$0x7560] =	vst v4  }
0x29f: {  	s12 =	simm.s32 $0x0;
	s0 =	rddreg [dreg:$0x5];
	[tilespmem:s31+$0x7570] =	vst v3  }
0x2a0: {  	[hbm4b:s0+s12] =	stream.linear.scatter [tilespmem:s21], [sflag:$0x6], $0x6000, $0x38;
	[tilespmem:$0x18100] =	vst v63  }
0x2a1: {  	_ =	swait.ge [sflag:s11], $0x6000  }
0x2a2: {  	[sflag:s11] =	ssyncset.done $0x0  }
0x2a3: {  	[sflag:s11] =	ssyncadd.s32 $0xFFFFA000  }
0x2a4: {  	v3 =	vld [tilespmem:$0x60];
	_ =	sdelay $0x4  }
0x2a5: {  	v4 =	vshrl.u32 v3, $0x3  }
0x2a6: {  	v4 =	vmul.u32 $0x30, v4  }
0x2a7: {  	v3 =	vand.u32 $0x7, v3  }
0x2a8: {  	v3 =	vor.u32 v3, v4  }
0x2a9: {  	v4 =	vperm.xlane v3, v0;
	_ =	sdelay $0x1  }
0x2aa: {  	v4 =	vadd.s32 v1, v4;
	_ =	sdelay $0x3  }
0x2ab: {  	v3 =	vperm.xlane v3, v2  }
0x2ac: {  	[tilespmem:s21], [sflag:$0x2] =	stream.indirect_vreg.gather [hbm4b:s3+s12], $0x80, v4, vm0, $0xb8;
	[tilespmem:$0x18100] =	vst v63  }
0x2ad: {  	s14 =	simm.s32 $0x6900;
	v3 =	vadd.s32 v1, v3  }
0x2ae: {  	[tilespmem:s14], [sflag:$0x2] =	stream.indirect_vreg.gather [hbm4b:s6+s12], $0x80, v4, vm0, $0xb8;
	[tilespmem:$0x18100] =	vst v63  }
0x2af: {  	s1 =	simm.s32 $0x7100  }
0x2b0: {  	[tilespmem:s1], [sflag:$0x2] =	stream.indirect_vreg.gather [hbm4b:s8+s12], $0x80, v4, vm0, $0xb8;
	[tilespmem:$0x18100] =	vst v63  }
0x2b1: {  	s14 =	simm.s32 $0x7900  }
0x2b2: {  	[tilespmem:s14], [sflag:$0x2] =	stream.indirect_vreg.gather [hbm4b:s3+s12], $0x80, v3, vm0, $0xb8;
	[tilespmem:$0x18100] =	vst v63  }
0x2b3: {  	s1 =	simm.s32 $0x8100  }
0x2b4: {  	[tilespmem:s1], [sflag:$0x2] =	stream.indirect_vreg.gather [hbm4b:s6+s12], $0x80, v3, vm0, $0xb8;
	[tilespmem:$0x18100] =	vst v63  }
0x2b5: {  	s14 =	simm.s32 $0x8900  }
0x2b6: {  	[tilespmem:s14], [sflag:$0x2] =	stream.indirect_vreg.gather [hbm4b:s8+s12], $0x80, v3, vm0, $0xb8;
	[tilespmem:$0x18100] =	vst v63  }
0x2b7: {  	v3 =	vld [tilespmem:$0x70];
	_ =	sdelay $0x4  }
0x2b8: {  	v4 =	vshrl.u32 v3, $0x3  }
0x2b9: {  	v4 =	vmul.u32 $0x30, v4  }
0x2ba: {  	v3 =	vand.u32 $0x7, v3  }
0x2bb: {  	v3 =	vor.u32 v3, v4  }
0x2bc: {  	v4 =	vperm.xlane v3, v0;
	_ =	sdelay $0x1  }
0x2bd: {  	v4 =	vadd.s32 v1, v4;
	_ =	sdelay $0x3  }
0x2be: {  	s1 =	simm.s32 $0x9100;
	v3 =	vperm.xlane v3, v2  }
0x2bf: {  	[tilespmem:s1], [sflag:$0x2] =	stream.indirect_vreg.gather [hbm4b:s3+s12], $0x80, v4, vm0, $0xb8;
	[tilespmem:$0x18100] =	vst v63  }
0x2c0: {  	s14 =	simm.s32 $0x9900;
	v3 =	vadd.s32 v1, v3  }
0x2c1: {  	[tilespmem:s14], [sflag:$0x2] =	stream.indirect_vreg.gather [hbm4b:s6+s12], $0x80, v4, vm0, $0xb8;
	[tilespmem:$0x18100] =	vst v63  }
0x2c2: {  	s1 =	simm.s32 $0xA100  }
0x2c3: {  	[tilespmem:s1], [sflag:$0x2] =	stream.indirect_vreg.gather [hbm4b:s8+s12], $0x80, v4, vm0, $0xb8;
	[tilespmem:$0x18100] =	vst v63  }
0x2c4: {  	s14 =	simm.s32 $0xA900  }
0x2c5: {  	[tilespmem:s14], [sflag:$0x2] =	stream.indirect_vreg.gather [hbm4b:s3+s12], $0x80, v3, vm0, $0xb8;
	[tilespmem:$0x18100] =	vst v63  }
0x2c6: {  	s1 =	simm.s32 $0xB100  }
0x2c7: {  	[tilespmem:s1], [sflag:$0x2] =	stream.indirect_vreg.gather [hbm4b:s6+s12], $0x80, v3, vm0, $0xb8;
	[tilespmem:$0x18100] =	vst v63  }
0x2c8: {  	s14 =	simm.s32 $0xB900  }
0x2c9: {  	[tilespmem:s14], [sflag:$0x2] =	stream.indirect_vreg.gather [hbm4b:s8+s12], $0x80, v3, vm0, $0xb8;
	[tilespmem:$0x18100] =	vst v63  }
0x2ca: {  	v3 =	vld [tilespmem:$0xE0];
	_ =	sdelay $0x4  }
0x2cb: {  	v4 =	vshrl.u32 v3, $0x3  }
0x2cc: {  	v4 =	vmul.u32 $0x30, v4  }
0x2cd: {  	v3 =	vand.u32 $0x7, v3  }
0x2ce: {  	v3 =	vor.u32 v3, v4  }
0x2cf: {  	v4 =	vperm.xlane v3, v0;
	_ =	sdelay $0x1  }
0x2d0: {  	v4 =	vadd.s32 v1, v4;
	_ =	sdelay $0x3  }
0x2d1: {  	s1 =	simm.s32 $0x12100;
	v3 =	vperm.xlane v3, v2  }
0x2d2: {  	[tilespmem:s1], [sflag:$0x4] =	stream.indirect_vreg.gather [hbm4b:s3+s12], $0x80, v4, vm0, $0xb8;
	[tilespmem:$0x18100] =	vst v63  }
0x2d3: {  	v3 =	vadd.s32 v1, v3  }
0x2d4: {  	[tilespmem:s16], [sflag:$0x4] =	stream.indirect_vreg.gather [hbm4b:s6+s12], $0x80, v4, vm0, $0xb8;
	[tilespmem:$0x18100] =	vst v63  }
0x2d5: {  	_ = 	snop  }
0x2d6: {  	[tilespmem:s17], [sflag:$0x4] =	stream.indirect_vreg.gather [hbm4b:s8+s12], $0x80, v4, vm0, $0xb8;
	[tilespmem:$0x18100] =	vst v63  }
0x2d7: {  	_ = 	snop  }
0x2d8: {  	[tilespmem:s18], [sflag:$0x4] =	stream.indirect_vreg.gather [hbm4b:s3+s12], $0x80, v3, vm0, $0xb8;
	[tilespmem:$0x18100] =	vst v63  }
0x2d9: {  	_ = 	snop  }
0x2da: {  	[tilespmem:s19], [sflag:$0x4] =	stream.indirect_vreg.gather [hbm4b:s6+s12], $0x80, v3, vm0, $0xb8;
	[tilespmem:$0x18100] =	vst v63  }
0x2db: {  	_ = 	snop  }
0x2dc: {  	[tilespmem:s20], [sflag:$0x4] =	stream.indirect_vreg.gather [hbm4b:s8+s12], $0x80, v3, vm0, $0xb8;
	[tilespmem:$0x18100] =	vst v63  }
0x2dd: {  	v3 =	vld [tilespmem:$0xF0];
	_ =	sdelay $0x4  }
0x2de: {  	v4 =	vshrl.u32 v3, $0x3  }
0x2df: {  	v4 =	vmul.u32 $0x30, v4  }
0x2e0: {  	v3 =	vand.u32 $0x7, v3  }
0x2e1: {  	v3 =	vor.u32 v3, v4  }
0x2e2: {  	v4 =	vperm.xlane v3, v0;
	_ =	sdelay $0x1  }
0x2e3: {  	v4 =	vadd.s32 v1, v4;
	_ =	sdelay $0x3  }
0x2e4: {  	v3 =	vperm.xlane v3, v2  }
0x2e5: {  	[tilespmem:s4], [sflag:$0x4] =	stream.indirect_vreg.gather [hbm4b:s3+s12], $0x80, v4, vm0, $0xb8;
	[tilespmem:$0x18100] =	vst v63  }
0x2e6: {  	v3 =	vadd.s32 v1, v3  }
0x2e7: {  	[tilespmem:s5], [sflag:$0x4] =	stream.indirect_vreg.gather [hbm4b:s6+s12], $0x80, v4, vm0, $0xb8;
	[tilespmem:$0x18100] =	vst v63  }
0x2e8: {  	_ = 	snop  }
0x2e9: {  	[tilespmem:s22], [sflag:$0x4] =	stream.indirect_vreg.gather [hbm4b:s8+s12], $0x80, v4, vm0, $0xb8;
	[tilespmem:$0x18100] =	vst v63  }
0x2ea: {  	_ = 	snop  }
0x2eb: {  	[tilespmem:s23], [sflag:$0x4] =	stream.indirect_vreg.gather [hbm4b:s3+s12], $0x80, v3, vm0, $0xb8;
	[tilespmem:$0x18100] =	vst v63  }
0x2ec: {  	_ = 	snop  }
0x2ed: {  	[tilespmem:s24], [sflag:$0x4] =	stream.indirect_vreg.gather [hbm4b:s6+s12], $0x80, v3, vm0, $0xb8;
	[tilespmem:$0x18100] =	vst v63  }
0x2ee: {  	_ = 	snop  }
0x2ef: {  	[tilespmem:s25], [sflag:$0x4] =	stream.indirect_vreg.gather [hbm4b:s8+s12], $0x80, v3, vm0, $0xb8;
	[tilespmem:$0x18100] =	vst v63  }
0x2f0: {  	_ =	swait.ge [sflag:s26], $0x6000  }
0x2f1: {  	[sflag:s26] =	ssyncset.done $0x0  }
0x2f2: {  	s14 =	simm.s32 $0x0;
	[sflag:s26] =	ssyncadd.s32 $0xFFFFA000  }
0x2f3: {  	s0 =	smul.u32 $0x1800, s14;
	_ =	swait.ge [sflag:s9], $0x6000  }
0x2f4: {  	s1 =	sand.u32 $0x380, s12;
	[sflag:s9] =	ssyncset.done $0x0  }
0x2f5: {  	s31 =	sor.u32 s1, s0;
	[sflag:s9] =	ssyncadd.s32 $0xFFFFA000  }
0x2f6: {  	v12 =	vld [tilespmem:s31+$0xC100]  }
0x2f7: {  	v13 =	vld [tilespmem:s31+$0xC110]  }
0x2f8: {  	v14 =	vld [tilespmem:s31+$0xC120]  }
0x2f9: {  	v15 =	vld [tilespmem:s31+$0xC130]  }
0x2fa: {  	v16 =	vld [tilespmem:s31+$0xC140]  }
0x2fb: {  	v17 =	vld [tilespmem:s31+$0xC150]  }
0x2fc: {  	v18 =	vld [tilespmem:s31+$0xC160]  }
0x2fd: {  	v19 =	vld [tilespmem:s31+$0xC170]  }
0x2fe: {  	v20 =	vld [tilespmem:s31+$0xC500]  }
0x2ff: {  	v21 =	vld [tilespmem:s31+$0xC510]  }
0x300: {  	v22 =	vld [tilespmem:s31+$0xC520]  }
0x301: {  	v23 =	vld [tilespmem:s31+$0xC530]  }
0x302: {  	v24 =	vld [tilespmem:s31+$0xC540]  }
0x303: {  	v25 =	vld [tilespmem:s31+$0xC550]  }
0x304: {  	v26 =	vld [tilespmem:s31+$0xC560]  }
0x305: {  	v27 =	vld [tilespmem:s31+$0xC570]  }
0x306: {  	v28 =	vld [tilespmem:s31+$0xC900]  }
0x307: {  	v29 =	vld [tilespmem:s31+$0xC910]  }
0x308: {  	v30 =	vld [tilespmem:s31+$0xC920]  }
0x309: {  	v31 =	vld [tilespmem:s31+$0xC930]  }
0x30a: {  	v32 =	vld [tilespmem:s31+$0xC940]  }
0x30b: {  	v33 =	vld [tilespmem:s31+$0xC950]  }
0x30c: {  	v34 =	vld [tilespmem:s31+$0xC960]  }
0x30d: {  	v35 =	vld [tilespmem:s31+$0xC970]  }
0x30e: {  	v36 =	vld [tilespmem:s31+$0xCD00]  }
0x30f: {  	v37 =	vld [tilespmem:s31+$0xCD10]  }
0x310: {  	v38 =	vld [tilespmem:s31+$0xCD20]  }
0x311: {  	v39 =	vld [tilespmem:s31+$0xCD30]  }
0x312: {  	v40 =	vld [tilespmem:s31+$0xCD40]  }
0x313: {  	v41 =	vld [tilespmem:s31+$0xCD50]  }
0x314: {  	v42 =	vld [tilespmem:s31+$0xCD60]  }
0x315: {  	v43 =	vld [tilespmem:s31+$0xCD70]  }
0x316: {  	v44 =	vld [tilespmem:s31+$0xD100]  }
0x317: {  	v45 =	vld [tilespmem:s31+$0xD110]  }
0x318: {  	v46 =	vld [tilespmem:s31+$0xD120]  }
0x319: {  	v47 =	vld [tilespmem:s31+$0xD130]  }
0x31a: {  	v48 =	vld [tilespmem:s31+$0xD140]  }
0x31b: {  	v49 =	vld [tilespmem:s31+$0xD150]  }
0x31c: {  	v50 =	vld [tilespmem:s31+$0xD160]  }
0x31d: {  	v11 =	vld [tilespmem:s31+$0xD170]  }
0x31e: {  	v10 =	vld [tilespmem:s31+$0xD500]  }
0x31f: {  	v9 =	vld [tilespmem:s31+$0xD510]  }
0x320: {  	v8 =	vld [tilespmem:s31+$0xD520]  }
0x321: {  	v7 =	vld [tilespmem:s31+$0xD530]  }
0x322: {  	v6 =	vld [tilespmem:s31+$0xD540]  }
0x323: {  	v51 =	vld [tilespmem:s31+$0x100]  }
0x324: {  	v52 =	vld [tilespmem:s31+$0x110]  }
0x325: {  	v53 =	vld [tilespmem:s31+$0x120]  }
0x326: {  	v54 =	vld [tilespmem:s31+$0x130]  }
0x327: {  	v55 =	vld [tilespmem:s31+$0x140]  }
0x328: {  	v62 =	vld [tilespmem:s31+$0x150];
	v12 =	vadd.f32 v12, v51  }
0x329: {  	v63 =	vld [tilespmem:s31+$0x160];
	v13 =	vadd.f32 v13, v52  }
0x32a: {  	[tilespmem:s31+$0x100] =	vst v12;
	v12 =	vadd.f32 v14, v53;
	v14 =	vld [tilespmem:s31+$0x170]  }
0x32b: {  	[tilespmem:s31+$0x110] =	vst v13;
	v13 =	vadd.f32 v15, v54;
	v15 =	vld [tilespmem:s31+$0x500]  }
0x32c: {  	[tilespmem:s31+$0x120] =	vst v12;
	v12 =	vadd.f32 v16, v55;
	v16 =	vld [tilespmem:s31+$0x510]  }
0x32d: {  	[tilespmem:s31+$0x130] =	vst v13;
	v13 =	vadd.f32 v17, v62;
	v17 =	vld [tilespmem:s31+$0x520]  }
0x32e: {  	v5 =	vld [tilespmem:s31+$0xD550]  }
0x32f: {  	[tilespmem:s31+$0x140] =	vst v12;
	v12 =	vadd.f32 v18, v63;
	v18 =	vld [tilespmem:s31+$0x570]  }
0x330: {  	[tilespmem:s31+$0x150] =	vst v13;
	v13 =	vadd.f32 v19, v14;
	v14 =	vld [tilespmem:s31+$0x530]  }
0x331: {  	[tilespmem:s31+$0x160] =	vst v12;
	v12 =	vadd.f32 v20, v15;
	v15 =	vld [tilespmem:s31+$0x540]  }
0x332: {  	[tilespmem:s31+$0x170] =	vst v13;
	v13 =	vadd.f32 v21, v16;
	v16 =	vadd.f32 v22, v17;
	v17 =	vld [tilespmem:s31+$0x560]  }
0x333: {  	[tilespmem:s31+$0x500] =	vst v12;
	v12 =	vld [tilespmem:s31+$0x550]  }
0x334: {  	[tilespmem:s31+$0x510] =	vst v13;
	v13 =	vld [tilespmem:s31+$0x900];
	v18 =	vadd.f32 v27, v18  }
0x335: {  	[tilespmem:s31+$0x520] =	vst v16;
	v16 =	vld [tilespmem:s31+$0x910];
	v14 =	vadd.f32 v23, v14  }
0x336: {  	v4 =	vld [tilespmem:s31+$0xD560];
	v15 =	vadd.f32 v24, v15;
	[tilespmem:s31+$0x570] =	vst v18  }
0x337: {  	[tilespmem:s31+$0x530] =	vst v14;
	v14 =	vld [tilespmem:s31+$0x920];
	v17 =	vadd.f32 v26, v17  }
0x338: {  	v12 =	vadd.f32 v25, v12;
	[tilespmem:s31+$0x540] =	vst v15;
	v15 =	vld [tilespmem:s31+$0x930]  }
0x339: {  	v18 =	vld [tilespmem:s31+$0x970];
	[tilespmem:s31+$0x560] =	vst v17;
	v13 =	vadd.f32 v28, v13  }
0x33a: {  	v16 =	vadd.f32 v29, v16;
	[tilespmem:s31+$0x550] =	vst v12;
	v12 =	vld [tilespmem:s31+$0x940]  }
0x33b: {  	v17 =	vld [tilespmem:s31+$0x950];
	[tilespmem:s31+$0x900] =	vst v13  }
0x33c: {  	[tilespmem:s31+$0x910] =	vst v16;
	v16 =	vld [tilespmem:s31+$0x960];
	v13 =	vadd.f32 v30, v14  }
0x33d: {  	v14 =	vld [tilespmem:s31+$0xD00];
	v15 =	vadd.f32 v31, v15  }
0x33e: {  	[tilespmem:s31+$0x920] =	vst v13;
	v13 =	vld [tilespmem:s31+$0xD10]  }
0x33f: {  	v12 =	vadd.f32 v32, v12;
	[tilespmem:s31+$0x930] =	vst v15;
	v15 =	vld [tilespmem:s31+$0xD20]  }
0x340: {  	v3 =	vld [tilespmem:s31+$0xD570];
	v17 =	vadd.f32 v33, v17  }
0x341: {  	v16 =	vadd.f32 v34, v16;
	[tilespmem:s31+$0x940] =	vst v12;
	v12 =	vld [tilespmem:s31+$0xD30]  }
0x342: {  	[tilespmem:s31+$0x950] =	vst v17;
	v17 =	vld [tilespmem:s31+$0xD40];
	v14 =	vadd.f32 v36, v14  }
0x343: {  	v18 =	vadd.f32 v35, v18;
	[tilespmem:s31+$0x960] =	vst v16;
	v16 =	vld [tilespmem:s31+$0xD50]  }
0x344: {  	v13 =	vadd.f32 v37, v13;
	[tilespmem:s31+$0xD00] =	vst v14;
	v14 =	vadd.f32 v38, v15;
	v15 =	vld [tilespmem:s31+$0xD60]  }
0x345: {  	[tilespmem:s31+$0x970] =	vst v18;
	v18 =	vld [tilespmem:s31+$0xD70]  }
0x346: {  	[tilespmem:s31+$0xD10] =	vst v13;
	v13 =	vld [tilespmem:s31+$0x1100];
	v12 =	vadd.f32 v39, v12  }
0x347: {  	v17 =	vadd.f32 v40, v17;
	[tilespmem:s31+$0xD20] =	vst v14;
	v14 =	vld [tilespmem:s31+$0x1110]  }
0x348: {  	v16 =	vadd.f32 v41, v16;
	[tilespmem:s31+$0xD30] =	vst v12;
	v12 =	vld [tilespmem:s31+$0x1120]  }
0x349: {  	[tilespmem:s31+$0xD40] =	vst v17;
	v17 =	vld [tilespmem:s31+$0x1130];
	v15 =	vadd.f32 v42, v15  }
0x34a: {  	v19 =	vld [tilespmem:s31+$0x1140];
	[tilespmem:s31+$0xD50] =	vst v16;
	v16 =	vadd.f32 v43, v18  }
0x34b: {  	v18 =	vld [tilespmem:s31+$0x1150];
	v13 =	vadd.f32 v44, v13;
	[tilespmem:s31+$0xD60] =	vst v15  }
0x34c: {  	v20 =	vld [tilespmem:s31+$0x1160];
	[tilespmem:s31+$0xD70] =	vst v16;
	v14 =	vadd.f32 v45, v14  }
0x34d: {  	v16 =	vld [tilespmem:s31+$0x1170];
	[tilespmem:s31+$0x1100] =	vst v13;
	v12 =	vadd.f32 v46, v12  }
0x34e: {  	v15 =	vld [tilespmem:s31+$0x1500];
	v13 =	vadd.f32 v47, v17;
	[tilespmem:s31+$0x1110] =	vst v14  }
0x34f: {  	v14 =	vld [tilespmem:s31+$0x1510];
	[tilespmem:s31+$0x1120] =	vst v12;
	v12 =	vadd.f32 v48, v19  }
0x350: {  	[tilespmem:s31+$0x1130] =	vst v13;
	v13 =	vld [tilespmem:s31+$0x1520];
	v18 =	vadd.f32 v49, v18  }
0x351: {  	s0 =	simm.s32 $0x1;
	v17 =	vadd.f32 v50, v20;
	[tilespmem:s31+$0x1140] =	vst v12;
	v12 =	vld [tilespmem:s31+$0x1530]  }
.LBB2_6:
0x352: {  	s1 =	sshrl.u32 s0, $0x3;
	p0 =	sne.s32 s0, $0x1F;
	[tilespmem:s31+$0x1150] =	vst v18;
	v11 =	vadd.f32 v11, v16;
	v16 =	vld [tilespmem:s31+$0x1540]  }
0x353: {  	s12 =	sadd.s32 $0x80, s12;
	s1 =	smul.u32 $0x1800, s1;
	[tilespmem:s31+$0x1160] =	vst v17;
	v10 =	vadd.f32 v10, v15;
	v15 =	vld [tilespmem:s31+$0x1550]  }
0x354: {  	s14 =	sand.u32 $0x380, s12;
	[tilespmem:s31+$0x1170] =	vst v11;
	v9 =	vadd.f32 v9, v14;
	v11 =	vld [tilespmem:s31+$0x1560]  }
0x355: {  	s1 =	sor.u32 s14, s1;
	[tilespmem:s31+$0x1500] =	vst v10;
	v8 =	vadd.f32 v8, v13;
	v10 =	vld [tilespmem:s31+$0x1570]  }
0x356: {  	v39 =	vld [tilespmem:s1+$0xC100];
	[tilespmem:s31+$0x1510] =	vst v9;
	v7 =	vadd.f32 v7, v12  }
0x357: {  	v40 =	vld [tilespmem:s1+$0xC110];
	[tilespmem:s31+$0x1520] =	vst v8;
	v6 =	vadd.f32 v6, v16  }
0x358: {  	v41 =	vld [tilespmem:s1+$0xC120];
	[tilespmem:s31+$0x1530] =	vst v7;
	v5 =	vadd.f32 v5, v15  }
0x359: {  	v42 =	vld [tilespmem:s1+$0xC130];
	[tilespmem:s31+$0x1540] =	vst v6;
	v4 =	vadd.f32 v4, v11  }
0x35a: {  	v43 =	vld [tilespmem:s1+$0xC140];
	[tilespmem:s31+$0x1550] =	vst v5;
	v3 =	vadd.f32 v3, v10  }
0x35b: {  	v44 =	vld [tilespmem:s1+$0xC150];
	[tilespmem:s31+$0x1560] =	vst v4  }
0x35c: {  	v45 =	vld [tilespmem:s1+$0xC160];
	[tilespmem:s31+$0x1570] =	vst v3;
	s31 =	smov.u32 s1  }
0x35d: {  	v46 =	vld [tilespmem:s31+$0xC170]  }
0x35e: {  	v47 =	vld [tilespmem:s31+$0xC500]  }
0x35f: {  	v48 =	vld [tilespmem:s31+$0xC510]  }
0x360: {  	v49 =	vld [tilespmem:s31+$0xC520]  }
0x361: {  	v50 =	vld [tilespmem:s31+$0xC530]  }
0x362: {  	v38 =	vld [tilespmem:s31+$0xC540]  }
0x363: {  	v37 =	vld [tilespmem:s31+$0xC550]  }
0x364: {  	v36 =	vld [tilespmem:s31+$0xC560]  }
0x365: {  	v35 =	vld [tilespmem:s31+$0xC570]  }
0x366: {  	v34 =	vld [tilespmem:s31+$0xC900]  }
0x367: {  	v33 =	vld [tilespmem:s31+$0xC910]  }
0x368: {  	v32 =	vld [tilespmem:s31+$0xC920]  }
0x369: {  	v31 =	vld [tilespmem:s31+$0xC930]  }
0x36a: {  	v30 =	vld [tilespmem:s31+$0xC940]  }
0x36b: {  	v29 =	vld [tilespmem:s31+$0xC950]  }
0x36c: {  	v28 =	vld [tilespmem:s31+$0xC960]  }
0x36d: {  	v27 =	vld [tilespmem:s31+$0xC970]  }
0x36e: {  	v26 =	vld [tilespmem:s31+$0xCD00]  }
0x36f: {  	v25 =	vld [tilespmem:s31+$0xCD10]  }
0x370: {  	v24 =	vld [tilespmem:s31+$0xCD20]  }
0x371: {  	v23 =	vld [tilespmem:s31+$0xCD30]  }
0x372: {  	v22 =	vld [tilespmem:s31+$0xCD40]  }
0x373: {  	v21 =	vld [tilespmem:s31+$0xCD50]  }
0x374: {  	v20 =	vld [tilespmem:s31+$0xCD60]  }
0x375: {  	v19 =	vld [tilespmem:s31+$0xCD70]  }
0x376: {  	v18 =	vld [tilespmem:s31+$0xD100]  }
0x377: {  	v17 =	vld [tilespmem:s31+$0xD110]  }
0x378: {  	v16 =	vld [tilespmem:s31+$0xD120]  }
0x379: {  	v15 =	vld [tilespmem:s31+$0xD130]  }
0x37a: {  	v14 =	vld [tilespmem:s31+$0xD140]  }
0x37b: {  	v13 =	vld [tilespmem:s31+$0xD150]  }
0x37c: {  	v12 =	vld [tilespmem:s31+$0xD160]  }
0x37d: {  	v11 =	vld [tilespmem:s31+$0xD170]  }
0x37e: {  	v10 =	vld [tilespmem:s31+$0xD500]  }
0x37f: {  	v9 =	vld [tilespmem:s31+$0xD510]  }
0x380: {  	v8 =	vld [tilespmem:s31+$0xD520]  }
0x381: {  	v7 =	vld [tilespmem:s31+$0xD530]  }
0x382: {  	v6 =	vld [tilespmem:s31+$0xD540]  }
0x383: {  	v5 =	vld [tilespmem:s31+$0xD550]  }
0x384: {  	v4 =	vld [tilespmem:s31+$0xD560]  }
0x385: {  	v3 =	vld [tilespmem:s31+$0xD570]  }
0x386: {  	v51 =	vld [tilespmem:s31+$0x100]  }
0x387: {  	v52 =	vld [tilespmem:s31+$0x110]  }
0x388: {  	v53 =	vld [tilespmem:s31+$0x120]  }
0x389: {  	v54 =	vld [tilespmem:s31+$0x130]  }
0x38a: {  	v55 =	vld [tilespmem:s31+$0x140]  }
0x38b: {  	v39 =	vadd.f32 v39, v51;
	v51 =	vld [tilespmem:s31+$0x150]  }
0x38c: {  	v40 =	vadd.f32 v40, v52;
	v52 =	vld [tilespmem:s31+$0x160]  }
0x38d: {  	[tilespmem:s31+$0x100] =	vst v39;
	v39 =	vadd.f32 v41, v53;
	v41 =	vld [tilespmem:s31+$0x170]  }
0x38e: {  	[tilespmem:s31+$0x110] =	vst v40;
	v40 =	vadd.f32 v42, v54;
	v42 =	vld [tilespmem:s31+$0x500]  }
0x38f: {  	[tilespmem:s31+$0x120] =	vst v39;
	v39 =	vadd.f32 v43, v55;
	v43 =	vld [tilespmem:s31+$0x510]  }
0x390: {  	[tilespmem:s31+$0x130] =	vst v40;
	v40 =	vadd.f32 v44, v51;
	v44 =	vld [tilespmem:s31+$0x520]  }
0x391: {  	[tilespmem:s31+$0x140] =	vst v39;
	v39 =	vadd.f32 v45, v52;
	v45 =	vld [tilespmem:s31+$0x530]  }
0x392: {  	[tilespmem:s31+$0x150] =	vst v40;
	v40 =	vadd.f32 v46, v41;
	v41 =	vld [tilespmem:s31+$0x540]  }
0x393: {  	[tilespmem:s31+$0x160] =	vst v39;
	v39 =	vadd.f32 v47, v42;
	v42 =	vld [tilespmem:s31+$0x550]  }
0x394: {  	[tilespmem:s31+$0x170] =	vst v40;
	v40 =	vadd.f32 v48, v43;
	v43 =	vld [tilespmem:s31+$0x560]  }
0x395: {  	[tilespmem:s31+$0x500] =	vst v39;
	v39 =	vadd.f32 v49, v44;
	v44 =	vld [tilespmem:s31+$0x570]  }
0x396: {  	[tilespmem:s31+$0x510] =	vst v40;
	v40 =	vadd.f32 v50, v45;
	v45 =	vld [tilespmem:s31+$0x900]  }
0x397: {  	[tilespmem:s31+$0x520] =	vst v39;
	v38 =	vadd.f32 v38, v41;
	v39 =	vld [tilespmem:s31+$0x910]  }
0x398: {  	[tilespmem:s31+$0x530] =	vst v40;
	v37 =	vadd.f32 v37, v42;
	v40 =	vld [tilespmem:s31+$0x920]  }
0x399: {  	[tilespmem:s31+$0x540] =	vst v38;
	v36 =	vadd.f32 v36, v43;
	v38 =	vld [tilespmem:s31+$0x930]  }
0x39a: {  	[tilespmem:s31+$0x550] =	vst v37;
	v35 =	vadd.f32 v35, v44;
	v37 =	vld [tilespmem:s31+$0x940]  }
0x39b: {  	[tilespmem:s31+$0x560] =	vst v36;
	v34 =	vadd.f32 v34, v45;
	v36 =	vld [tilespmem:s31+$0x950]  }
0x39c: {  	[tilespmem:s31+$0x570] =	vst v35;
	v33 =	vadd.f32 v33, v39;
	v35 =	vld [tilespmem:s31+$0x960]  }
0x39d: {  	[tilespmem:s31+$0x900] =	vst v34;
	v32 =	vadd.f32 v32, v40;
	v34 =	vld [tilespmem:s31+$0x970]  }
0x39e: {  	[tilespmem:s31+$0x910] =	vst v33;
	v31 =	vadd.f32 v31, v38;
	v33 =	vld [tilespmem:s31+$0xD00]  }
0x39f: {  	[tilespmem:s31+$0x920] =	vst v32;
	v30 =	vadd.f32 v30, v37;
	v32 =	vld [tilespmem:s31+$0xD10]  }
0x3a0: {  	[tilespmem:s31+$0x930] =	vst v31;
	v29 =	vadd.f32 v29, v36;
	v31 =	vld [tilespmem:s31+$0xD20]  }
0x3a1: {  	[tilespmem:s31+$0x940] =	vst v30;
	v28 =	vadd.f32 v28, v35;
	v30 =	vld [tilespmem:s31+$0xD30]  }
0x3a2: {  	[tilespmem:s31+$0x950] =	vst v29;
	v27 =	vadd.f32 v27, v34;
	v29 =	vld [tilespmem:s31+$0xD40]  }
0x3a3: {  	[tilespmem:s31+$0x960] =	vst v28;
	v26 =	vadd.f32 v26, v33;
	v28 =	vld [tilespmem:s31+$0xD50]  }
0x3a4: {  	[tilespmem:s31+$0x970] =	vst v27;
	v25 =	vadd.f32 v25, v32;
	v27 =	vld [tilespmem:s31+$0xD60]  }
0x3a5: {  	[tilespmem:s31+$0xD00] =	vst v26;
	v24 =	vadd.f32 v24, v31;
	v26 =	vld [tilespmem:s31+$0xD70]  }
0x3a6: {  	[tilespmem:s31+$0xD10] =	vst v25;
	v23 =	vadd.f32 v23, v30;
	v25 =	vld [tilespmem:s31+$0x1100]  }
0x3a7: {  	[tilespmem:s31+$0xD20] =	vst v24;
	v22 =	vadd.f32 v22, v29;
	v24 =	vld [tilespmem:s31+$0x1110]  }
0x3a8: {  	[tilespmem:s31+$0xD30] =	vst v23;
	v21 =	vadd.f32 v21, v28;
	v23 =	vld [tilespmem:s31+$0x1120]  }
0x3a9: {  	[tilespmem:s31+$0xD40] =	vst v22;
	v20 =	vadd.f32 v20, v27;
	v22 =	vld [tilespmem:s31+$0x1130]  }
0x3aa: {  	[tilespmem:s31+$0xD50] =	vst v21;
	v19 =	vadd.f32 v19, v26;
	v21 =	vld [tilespmem:s31+$0x1140]  }
0x3ab: {  	[tilespmem:s31+$0xD60] =	vst v20;
	v18 =	vadd.f32 v18, v25;
	v20 =	vld [tilespmem:s31+$0x1150]  }
0x3ac: {  	[tilespmem:s31+$0xD70] =	vst v19;
	v17 =	vadd.f32 v17, v24;
	v19 =	vld [tilespmem:s31+$0x1160]  }
.Ltmp2:
0x3ad: {  	[tilespmem:s31+$0x1100] =	vst v18;
	v18 =	vadd.f32 v16, v23;
	v16 =	vld [tilespmem:s31+$0x1170];
	(pc) =	sbr.rel @p0 .LBB2_6-.Ltmp2, $4  }
0x3ae: {  	[tilespmem:s31+$0x1110] =	vst v17;
	v17 =	vadd.f32 v15, v22;
	v15 =	vld [tilespmem:s31+$0x1500]  }
0x3af: {  	[tilespmem:s31+$0x1120] =	vst v18;
	v21 =	vadd.f32 v14, v21;
	v14 =	vld [tilespmem:s31+$0x1510]  }
0x3b0: {  	[tilespmem:s31+$0x1130] =	vst v17;
	v18 =	vadd.f32 v13, v20;
	v13 =	vld [tilespmem:s31+$0x1520]  }
0x3b1: {  	s0 =	sadd.s32 $0x1, s0;
	[tilespmem:s31+$0x1140] =	vst v21;
	v17 =	vadd.f32 v12, v19;
	v12 =	vld [tilespmem:s31+$0x1530]  }
0x3b2: {  	[tilespmem:s31+$0x1150] =	vst v18;
	v18 =	vld [tilespmem:s31+$0x1540];
	v11 =	vadd.f32 v11, v16  }
0x3b3: {  	v16 =	vld [tilespmem:s31+$0x1550];
	[tilespmem:s31+$0x1160] =	vst v17;
	v10 =	vadd.f32 v10, v15  }
0x3b4: {  	[tilespmem:s31+$0x1170] =	vst v11;
	v9 =	vadd.f32 v9, v14;
	v11 =	vld [tilespmem:s31+$0x1560]  }
0x3b5: {  	[tilespmem:s31+$0x1500] =	vst v10;
	v8 =	vadd.f32 v8, v13;
	v10 =	vld [tilespmem:s31+$0x1570]  }
0x3b6: {  	[tilespmem:s31+$0x1510] =	vst v9;
	v7 =	vadd.f32 v7, v12  }
0x3b7: {  	[tilespmem:s31+$0x1520] =	vst v8;
	v6 =	vadd.f32 v6, v18  }
0x3b8: {  	v5 =	vadd.f32 v5, v16;
	[tilespmem:s31+$0x1530] =	vst v7  }
0x3b9: {  	[tilespmem:s31+$0x1540] =	vst v6;
	v4 =	vadd.f32 v4, v11  }
0x3ba: {  	[tilespmem:s31+$0x1550] =	vst v5;
	v3 =	vadd.f32 v3, v10  }
0x3bb: {  	[tilespmem:s31+$0x1560] =	vst v4  }
0x3bc: {  	s0 =	rddreg [dreg:$0x6];
	[tilespmem:s31+$0x1570] =	vst v3;
	s31 =	simm.s32 $0x0  }
0x3bd: {  	[hbm4b:s0+s31] =	stream.linear.scatter [tilespmem:s15], [sflag:$0x5], $0x6000, $0x38;
	[tilespmem:$0x18100] =	vst v63  }
0x3be: {  	_ =	swait.ge [sflag:s10], $0x6000  }
0x3bf: {  	[sflag:s10] =	ssyncset.done $0x0  }
0x3c0: {  	s14 =	simm.s32 $0x0;
	[sflag:s10] =	ssyncadd.s32 $0xFFFFA000  }
0x3c1: {  	s0 =	smul.u32 $0x1800, s14;
	_ =	swait.ge [sflag:s29], $0x6000  }
0x3c2: {  	s1 =	sand.u32 $0x380, s31;
	[sflag:s29] =	ssyncset.done $0x0  }
0x3c3: {  	s12 =	sor.u32 s1, s0;
	[sflag:s29] =	ssyncadd.s32 $0xFFFFA000  }
0x3c4: {  	v12 =	vld [tilespmem:s12+$0x12100]  }
0x3c5: {  	v13 =	vld [tilespmem:s12+$0x12110]  }
0x3c6: {  	v14 =	vld [tilespmem:s12+$0x12120]  }
0x3c7: {  	v15 =	vld [tilespmem:s12+$0x12130]  }
0x3c8: {  	v16 =	vld [tilespmem:s12+$0x12140]  }
0x3c9: {  	v17 =	vld [tilespmem:s12+$0x12150]  }
0x3ca: {  	v18 =	vld [tilespmem:s12+$0x12160]  }
0x3cb: {  	v19 =	vld [tilespmem:s12+$0x12170]  }
0x3cc: {  	v20 =	vld [tilespmem:s12+$0x12500]  }
0x3cd: {  	v21 =	vld [tilespmem:s12+$0x12510]  }
0x3ce: {  	v22 =	vld [tilespmem:s12+$0x12520]  }
0x3cf: {  	v23 =	vld [tilespmem:s12+$0x12530]  }
0x3d0: {  	v24 =	vld [tilespmem:s12+$0x12540]  }
0x3d1: {  	v25 =	vld [tilespmem:s12+$0x12550]  }
0x3d2: {  	v26 =	vld [tilespmem:s12+$0x12560]  }
0x3d3: {  	v27 =	vld [tilespmem:s12+$0x12570]  }
0x3d4: {  	v28 =	vld [tilespmem:s12+$0x12900]  }
0x3d5: {  	v29 =	vld [tilespmem:s12+$0x12910]  }
0x3d6: {  	v30 =	vld [tilespmem:s12+$0x12920]  }
0x3d7: {  	v31 =	vld [tilespmem:s12+$0x12930]  }
0x3d8: {  	v32 =	vld [tilespmem:s12+$0x12940]  }
0x3d9: {  	v33 =	vld [tilespmem:s12+$0x12950]  }
0x3da: {  	v34 =	vld [tilespmem:s12+$0x12960]  }
0x3db: {  	v35 =	vld [tilespmem:s12+$0x12970]  }
0x3dc: {  	v36 =	vld [tilespmem:s12+$0x12D00]  }
0x3dd: {  	v37 =	vld [tilespmem:s12+$0x12D10]  }
0x3de: {  	v38 =	vld [tilespmem:s12+$0x12D20]  }
0x3df: {  	v39 =	vld [tilespmem:s12+$0x12D30]  }
0x3e0: {  	v40 =	vld [tilespmem:s12+$0x12D40]  }
0x3e1: {  	v41 =	vld [tilespmem:s12+$0x12D50]  }
0x3e2: {  	v42 =	vld [tilespmem:s12+$0x12D60]  }
0x3e3: {  	v43 =	vld [tilespmem:s12+$0x12D70]  }
0x3e4: {  	v44 =	vld [tilespmem:s12+$0x13100]  }
0x3e5: {  	v45 =	vld [tilespmem:s12+$0x13110]  }
0x3e6: {  	v46 =	vld [tilespmem:s12+$0x13120]  }
0x3e7: {  	v47 =	vld [tilespmem:s12+$0x13130]  }
0x3e8: {  	v48 =	vld [tilespmem:s12+$0x13140]  }
0x3e9: {  	v49 =	vld [tilespmem:s12+$0x13150]  }
0x3ea: {  	v50 =	vld [tilespmem:s12+$0x13160]  }
0x3eb: {  	v11 =	vld [tilespmem:s12+$0x13170]  }
0x3ec: {  	v10 =	vld [tilespmem:s12+$0x13500]  }
0x3ed: {  	v9 =	vld [tilespmem:s12+$0x13510]  }
0x3ee: {  	v8 =	vld [tilespmem:s12+$0x13520]  }
0x3ef: {  	v7 =	vld [tilespmem:s12+$0x13530]  }
0x3f0: {  	v6 =	vld [tilespmem:s12+$0x13540]  }
0x3f1: {  	v51 =	vld [tilespmem:s12+$0x6100]  }
0x3f2: {  	v52 =	vld [tilespmem:s12+$0x6110]  }
0x3f3: {  	v53 =	vld [tilespmem:s12+$0x6120]  }
0x3f4: {  	v54 =	vld [tilespmem:s12+$0x6130]  }
0x3f5: {  	v55 =	vld [tilespmem:s12+$0x6140]  }
0x3f6: {  	v62 =	vld [tilespmem:s12+$0x6150];
	v12 =	vadd.f32 v12, v51  }
0x3f7: {  	v63 =	vld [tilespmem:s12+$0x6160];
	v13 =	vadd.f32 v13, v52  }
0x3f8: {  	[tilespmem:s12+$0x6100] =	vst v12;
	v12 =	vadd.f32 v14, v53;
	v14 =	vld [tilespmem:s12+$0x6170]  }
0x3f9: {  	[tilespmem:s12+$0x6110] =	vst v13;
	v13 =	vadd.f32 v15, v54;
	v15 =	vld [tilespmem:s12+$0x6500]  }
0x3fa: {  	[tilespmem:s12+$0x6120] =	vst v12;
	v12 =	vadd.f32 v16, v55;
	v16 =	vld [tilespmem:s12+$0x6510]  }
0x3fb: {  	[tilespmem:s12+$0x6130] =	vst v13;
	v13 =	vadd.f32 v17, v62;
	v17 =	vld [tilespmem:s12+$0x6520]  }
0x3fc: {  	v5 =	vld [tilespmem:s12+$0x13550]  }
0x3fd: {  	[tilespmem:s12+$0x6140] =	vst v12;
	v12 =	vadd.f32 v18, v63;
	v18 =	vld [tilespmem:s12+$0x6570]  }
0x3fe: {  	[tilespmem:s12+$0x6150] =	vst v13;
	v13 =	vadd.f32 v19, v14;
	v14 =	vld [tilespmem:s12+$0x6530]  }
0x3ff: {  	[tilespmem:s12+$0x6160] =	vst v12;
	v12 =	vadd.f32 v20, v15;
	v15 =	vld [tilespmem:s12+$0x6540]  }
0x400: {  	[tilespmem:s12+$0x6170] =	vst v13;
	v13 =	vadd.f32 v21, v16;
	v16 =	vadd.f32 v22, v17;
	v17 =	vld [tilespmem:s12+$0x6560]  }
0x401: {  	[tilespmem:s12+$0x6500] =	vst v12;
	v12 =	vld [tilespmem:s12+$0x6550]  }
0x402: {  	[tilespmem:s12+$0x6510] =	vst v13;
	v13 =	vld [tilespmem:s12+$0x6900];
	v18 =	vadd.f32 v27, v18  }
0x403: {  	[tilespmem:s12+$0x6520] =	vst v16;
	v16 =	vld [tilespmem:s12+$0x6910];
	v14 =	vadd.f32 v23, v14  }
0x404: {  	v4 =	vld [tilespmem:s12+$0x13560];
	v15 =	vadd.f32 v24, v15;
	[tilespmem:s12+$0x6570] =	vst v18  }
0x405: {  	[tilespmem:s12+$0x6530] =	vst v14;
	v14 =	vld [tilespmem:s12+$0x6920];
	v17 =	vadd.f32 v26, v17  }
0x406: {  	v12 =	vadd.f32 v25, v12;
	[tilespmem:s12+$0x6540] =	vst v15;
	v15 =	vld [tilespmem:s12+$0x6930]  }
0x407: {  	v18 =	vld [tilespmem:s12+$0x6970];
	[tilespmem:s12+$0x6560] =	vst v17;
	v13 =	vadd.f32 v28, v13  }
0x408: {  	v16 =	vadd.f32 v29, v16;
	[tilespmem:s12+$0x6550] =	vst v12;
	v12 =	vld [tilespmem:s12+$0x6940]  }
0x409: {  	v17 =	vld [tilespmem:s12+$0x6950];
	[tilespmem:s12+$0x6900] =	vst v13  }
0x40a: {  	[tilespmem:s12+$0x6910] =	vst v16;
	v16 =	vld [tilespmem:s12+$0x6960];
	v13 =	vadd.f32 v30, v14  }
0x40b: {  	v14 =	vld [tilespmem:s12+$0x6D00];
	v15 =	vadd.f32 v31, v15  }
0x40c: {  	[tilespmem:s12+$0x6920] =	vst v13;
	v13 =	vld [tilespmem:s12+$0x6D10]  }
0x40d: {  	v12 =	vadd.f32 v32, v12;
	[tilespmem:s12+$0x6930] =	vst v15;
	v15 =	vld [tilespmem:s12+$0x6D20]  }
0x40e: {  	v3 =	vld [tilespmem:s12+$0x13570];
	v17 =	vadd.f32 v33, v17  }
0x40f: {  	v16 =	vadd.f32 v34, v16;
	[tilespmem:s12+$0x6940] =	vst v12;
	v12 =	vld [tilespmem:s12+$0x6D30]  }
0x410: {  	[tilespmem:s12+$0x6950] =	vst v17;
	v17 =	vld [tilespmem:s12+$0x6D40];
	v14 =	vadd.f32 v36, v14  }
0x411: {  	v18 =	vadd.f32 v35, v18;
	[tilespmem:s12+$0x6960] =	vst v16;
	v16 =	vld [tilespmem:s12+$0x6D50]  }
0x412: {  	v13 =	vadd.f32 v37, v13;
	[tilespmem:s12+$0x6D00] =	vst v14;
	v14 =	vadd.f32 v38, v15;
	v15 =	vld [tilespmem:s12+$0x6D60]  }
0x413: {  	[tilespmem:s12+$0x6970] =	vst v18;
	v18 =	vld [tilespmem:s12+$0x6D70]  }
0x414: {  	[tilespmem:s12+$0x6D10] =	vst v13;
	v13 =	vld [tilespmem:s12+$0x7100];
	v12 =	vadd.f32 v39, v12  }
0x415: {  	v17 =	vadd.f32 v40, v17;
	[tilespmem:s12+$0x6D20] =	vst v14;
	v14 =	vld [tilespmem:s12+$0x7110]  }
0x416: {  	v16 =	vadd.f32 v41, v16;
	[tilespmem:s12+$0x6D30] =	vst v12;
	v12 =	vld [tilespmem:s12+$0x7120]  }
0x417: {  	[tilespmem:s12+$0x6D40] =	vst v17;
	v17 =	vld [tilespmem:s12+$0x7130];
	v15 =	vadd.f32 v42, v15  }
0x418: {  	v19 =	vld [tilespmem:s12+$0x7140];
	[tilespmem:s12+$0x6D50] =	vst v16;
	v16 =	vadd.f32 v43, v18  }
0x419: {  	v18 =	vld [tilespmem:s12+$0x7150];
	v13 =	vadd.f32 v44, v13;
	[tilespmem:s12+$0x6D60] =	vst v15  }
0x41a: {  	v20 =	vld [tilespmem:s12+$0x7160];
	[tilespmem:s12+$0x6D70] =	vst v16;
	v14 =	vadd.f32 v45, v14  }
0x41b: {  	v16 =	vld [tilespmem:s12+$0x7170];
	[tilespmem:s12+$0x7100] =	vst v13;
	v12 =	vadd.f32 v46, v12  }
0x41c: {  	v15 =	vld [tilespmem:s12+$0x7500];
	v13 =	vadd.f32 v47, v17;
	[tilespmem:s12+$0x7110] =	vst v14  }
0x41d: {  	v14 =	vld [tilespmem:s12+$0x7510];
	[tilespmem:s12+$0x7120] =	vst v12;
	v12 =	vadd.f32 v48, v19  }
0x41e: {  	[tilespmem:s12+$0x7130] =	vst v13;
	v13 =	vld [tilespmem:s12+$0x7520];
	v18 =	vadd.f32 v49, v18  }
0x41f: {  	s0 =	simm.s32 $0x1;
	v17 =	vadd.f32 v50, v20;
	[tilespmem:s12+$0x7140] =	vst v12;
	v12 =	vld [tilespmem:s12+$0x7530]  }
.LBB2_8:
0x420: {  	s1 =	sshrl.u32 s0, $0x3;
	p0 =	sne.s32 s0, $0x1F;
	[tilespmem:s12+$0x7150] =	vst v18;
	v11 =	vadd.f32 v11, v16;
	v16 =	vld [tilespmem:s12+$0x7540]  }
0x421: {  	s31 =	sadd.s32 $0x80, s31;
	s1 =	smul.u32 $0x1800, s1;
	[tilespmem:s12+$0x7160] =	vst v17;
	v10 =	vadd.f32 v10, v15;
	v15 =	vld [tilespmem:s12+$0x7550]  }
0x422: {  	s14 =	sand.u32 $0x380, s31;
	[tilespmem:s12+$0x7170] =	vst v11;
	v9 =	vadd.f32 v9, v14;
	v11 =	vld [tilespmem:s12+$0x7560]  }
0x423: {  	s1 =	sor.u32 s14, s1;
	[tilespmem:s12+$0x7500] =	vst v10;
	v8 =	vadd.f32 v8, v13;
	v10 =	vld [tilespmem:s12+$0x7570]  }
0x424: {  	v39 =	vld [tilespmem:s1+$0x12100];
	[tilespmem:s12+$0x7510] =	vst v9;
	v7 =	vadd.f32 v7, v12  }
0x425: {  	v40 =	vld [tilespmem:s1+$0x12110];
	[tilespmem:s12+$0x7520] =	vst v8;
	v6 =	vadd.f32 v6, v16  }
0x426: {  	v41 =	vld [tilespmem:s1+$0x12120];
	[tilespmem:s12+$0x7530] =	vst v7;
	v5 =	vadd.f32 v5, v15  }
0x427: {  	v42 =	vld [tilespmem:s1+$0x12130];
	[tilespmem:s12+$0x7540] =	vst v6;
	v4 =	vadd.f32 v4, v11  }
0x428: {  	v43 =	vld [tilespmem:s1+$0x12140];
	[tilespmem:s12+$0x7550] =	vst v5;
	v3 =	vadd.f32 v3, v10  }
0x429: {  	v44 =	vld [tilespmem:s1+$0x12150];
	[tilespmem:s12+$0x7560] =	vst v4  }
0x42a: {  	v45 =	vld [tilespmem:s1+$0x12160];
	[tilespmem:s12+$0x7570] =	vst v3;
	s12 =	smov.u32 s1  }
0x42b: {  	v46 =	vld [tilespmem:s12+$0x12170]  }
0x42c: {  	v47 =	vld [tilespmem:s12+$0x12500]  }
0x42d: {  	v48 =	vld [tilespmem:s12+$0x12510]  }
0x42e: {  	v49 =	vld [tilespmem:s12+$0x12520]  }
0x42f: {  	v50 =	vld [tilespmem:s12+$0x12530]  }
0x430: {  	v38 =	vld [tilespmem:s12+$0x12540]  }
0x431: {  	v37 =	vld [tilespmem:s12+$0x12550]  }
0x432: {  	v36 =	vld [tilespmem:s12+$0x12560]  }
0x433: {  	v35 =	vld [tilespmem:s12+$0x12570]  }
0x434: {  	v34 =	vld [tilespmem:s12+$0x12900]  }
0x435: {  	v33 =	vld [tilespmem:s12+$0x12910]  }
0x436: {  	v32 =	vld [tilespmem:s12+$0x12920]  }
0x437: {  	v31 =	vld [tilespmem:s12+$0x12930]  }
0x438: {  	v30 =	vld [tilespmem:s12+$0x12940]  }
0x439: {  	v29 =	vld [tilespmem:s12+$0x12950]  }
0x43a: {  	v28 =	vld [tilespmem:s12+$0x12960]  }
0x43b: {  	v27 =	vld [tilespmem:s12+$0x12970]  }
0x43c: {  	v26 =	vld [tilespmem:s12+$0x12D00]  }
0x43d: {  	v25 =	vld [tilespmem:s12+$0x12D10]  }
0x43e: {  	v24 =	vld [tilespmem:s12+$0x12D20]  }
0x43f: {  	v23 =	vld [tilespmem:s12+$0x12D30]  }
0x440: {  	v22 =	vld [tilespmem:s12+$0x12D40]  }
0x441: {  	v21 =	vld [tilespmem:s12+$0x12D50]  }
0x442: {  	v20 =	vld [tilespmem:s12+$0x12D60]  }
0x443: {  	v19 =	vld [tilespmem:s12+$0x12D70]  }
0x444: {  	v18 =	vld [tilespmem:s12+$0x13100]  }
0x445: {  	v17 =	vld [tilespmem:s12+$0x13110]  }
0x446: {  	v16 =	vld [tilespmem:s12+$0x13120]  }
0x447: {  	v15 =	vld [tilespmem:s12+$0x13130]  }
0x448: {  	v14 =	vld [tilespmem:s12+$0x13140]  }
0x449: {  	v13 =	vld [tilespmem:s12+$0x13150]  }
0x44a: {  	v12 =	vld [tilespmem:s12+$0x13160]  }
0x44b: {  	v11 =	vld [tilespmem:s12+$0x13170]  }
0x44c: {  	v10 =	vld [tilespmem:s12+$0x13500]  }
0x44d: {  	v9 =	vld [tilespmem:s12+$0x13510]  }
0x44e: {  	v8 =	vld [tilespmem:s12+$0x13520]  }
0x44f: {  	v7 =	vld [tilespmem:s12+$0x13530]  }
0x450: {  	v6 =	vld [tilespmem:s12+$0x13540]  }
0x451: {  	v5 =	vld [tilespmem:s12+$0x13550]  }
0x452: {  	v4 =	vld [tilespmem:s12+$0x13560]  }
0x453: {  	v3 =	vld [tilespmem:s12+$0x13570]  }
0x454: {  	v51 =	vld [tilespmem:s12+$0x6100]  }
0x455: {  	v52 =	vld [tilespmem:s12+$0x6110]  }
0x456: {  	v53 =	vld [tilespmem:s12+$0x6120]  }
0x457: {  	v54 =	vld [tilespmem:s12+$0x6130]  }
0x458: {  	v55 =	vld [tilespmem:s12+$0x6140]  }
0x459: {  	v39 =	vadd.f32 v39, v51;
	v51 =	vld [tilespmem:s12+$0x6150]  }
0x45a: {  	v40 =	vadd.f32 v40, v52;
	v52 =	vld [tilespmem:s12+$0x6160]  }
0x45b: {  	[tilespmem:s12+$0x6100] =	vst v39;
	v39 =	vadd.f32 v41, v53;
	v41 =	vld [tilespmem:s12+$0x6170]  }
0x45c: {  	[tilespmem:s12+$0x6110] =	vst v40;
	v40 =	vadd.f32 v42, v54;
	v42 =	vld [tilespmem:s12+$0x6500]  }
0x45d: {  	[tilespmem:s12+$0x6120] =	vst v39;
	v39 =	vadd.f32 v43, v55;
	v43 =	vld [tilespmem:s12+$0x6510]  }
0x45e: {  	[tilespmem:s12+$0x6130] =	vst v40;
	v40 =	vadd.f32 v44, v51;
	v44 =	vld [tilespmem:s12+$0x6520]  }
0x45f: {  	[tilespmem:s12+$0x6140] =	vst v39;
	v39 =	vadd.f32 v45, v52;
	v45 =	vld [tilespmem:s12+$0x6530]  }
0x460: {  	[tilespmem:s12+$0x6150] =	vst v40;
	v40 =	vadd.f32 v46, v41;
	v41 =	vld [tilespmem:s12+$0x6540]  }
0x461: {  	[tilespmem:s12+$0x6160] =	vst v39;
	v39 =	vadd.f32 v47, v42;
	v42 =	vld [tilespmem:s12+$0x6550]  }
0x462: {  	[tilespmem:s12+$0x6170] =	vst v40;
	v40 =	vadd.f32 v48, v43;
	v43 =	vld [tilespmem:s12+$0x6560]  }
0x463: {  	[tilespmem:s12+$0x6500] =	vst v39;
	v39 =	vadd.f32 v49, v44;
	v44 =	vld [tilespmem:s12+$0x6570]  }
0x464: {  	[tilespmem:s12+$0x6510] =	vst v40;
	v40 =	vadd.f32 v50, v45;
	v45 =	vld [tilespmem:s12+$0x6900]  }
0x465: {  	[tilespmem:s12+$0x6520] =	vst v39;
	v38 =	vadd.f32 v38, v41;
	v39 =	vld [tilespmem:s12+$0x6910]  }
0x466: {  	[tilespmem:s12+$0x6530] =	vst v40;
	v37 =	vadd.f32 v37, v42;
	v40 =	vld [tilespmem:s12+$0x6920]  }
0x467: {  	[tilespmem:s12+$0x6540] =	vst v38;
	v36 =	vadd.f32 v36, v43;
	v38 =	vld [tilespmem:s12+$0x6930]  }
0x468: {  	[tilespmem:s12+$0x6550] =	vst v37;
	v35 =	vadd.f32 v35, v44;
	v37 =	vld [tilespmem:s12+$0x6940]  }
0x469: {  	[tilespmem:s12+$0x6560] =	vst v36;
	v34 =	vadd.f32 v34, v45;
	v36 =	vld [tilespmem:s12+$0x6950]  }
0x46a: {  	[tilespmem:s12+$0x6570] =	vst v35;
	v33 =	vadd.f32 v33, v39;
	v35 =	vld [tilespmem:s12+$0x6960]  }
0x46b: {  	[tilespmem:s12+$0x6900] =	vst v34;
	v32 =	vadd.f32 v32, v40;
	v34 =	vld [tilespmem:s12+$0x6970]  }
0x46c: {  	[tilespmem:s12+$0x6910] =	vst v33;
	v31 =	vadd.f32 v31, v38;
	v33 =	vld [tilespmem:s12+$0x6D00]  }
0x46d: {  	[tilespmem:s12+$0x6920] =	vst v32;
	v30 =	vadd.f32 v30, v37;
	v32 =	vld [tilespmem:s12+$0x6D10]  }
0x46e: {  	[tilespmem:s12+$0x6930] =	vst v31;
	v29 =	vadd.f32 v29, v36;
	v31 =	vld [tilespmem:s12+$0x6D20]  }
0x46f: {  	[tilespmem:s12+$0x6940] =	vst v30;
	v28 =	vadd.f32 v28, v35;
	v30 =	vld [tilespmem:s12+$0x6D30]  }
0x470: {  	[tilespmem:s12+$0x6950] =	vst v29;
	v27 =	vadd.f32 v27, v34;
	v29 =	vld [tilespmem:s12+$0x6D40]  }
0x471: {  	[tilespmem:s12+$0x6960] =	vst v28;
	v26 =	vadd.f32 v26, v33;
	v28 =	vld [tilespmem:s12+$0x6D50]  }
0x472: {  	[tilespmem:s12+$0x6970] =	vst v27;
	v25 =	vadd.f32 v25, v32;
	v27 =	vld [tilespmem:s12+$0x6D60]  }
0x473: {  	[tilespmem:s12+$0x6D00] =	vst v26;
	v24 =	vadd.f32 v24, v31;
	v26 =	vld [tilespmem:s12+$0x6D70]  }
0x474: {  	[tilespmem:s12+$0x6D10] =	vst v25;
	v23 =	vadd.f32 v23, v30;
	v25 =	vld [tilespmem:s12+$0x7100]  }
0x475: {  	[tilespmem:s12+$0x6D20] =	vst v24;
	v22 =	vadd.f32 v22, v29;
	v24 =	vld [tilespmem:s12+$0x7110]  }
0x476: {  	[tilespmem:s12+$0x6D30] =	vst v23;
	v21 =	vadd.f32 v21, v28;
	v23 =	vld [tilespmem:s12+$0x7120]  }
0x477: {  	[tilespmem:s12+$0x6D40] =	vst v22;
	v20 =	vadd.f32 v20, v27;
	v22 =	vld [tilespmem:s12+$0x7130]  }
0x478: {  	[tilespmem:s12+$0x6D50] =	vst v21;
	v19 =	vadd.f32 v19, v26;
	v21 =	vld [tilespmem:s12+$0x7140]  }
0x479: {  	[tilespmem:s12+$0x6D60] =	vst v20;
	v18 =	vadd.f32 v18, v25;
	v20 =	vld [tilespmem:s12+$0x7150]  }
0x47a: {  	[tilespmem:s12+$0x6D70] =	vst v19;
	v17 =	vadd.f32 v17, v24;
	v19 =	vld [tilespmem:s12+$0x7160]  }
.Ltmp3:
0x47b: {  	[tilespmem:s12+$0x7100] =	vst v18;
	v18 =	vadd.f32 v16, v23;
	v16 =	vld [tilespmem:s12+$0x7170];
	(pc) =	sbr.rel @p0 .LBB2_8-.Ltmp3, $4  }
0x47c: {  	[tilespmem:s12+$0x7110] =	vst v17;
	v17 =	vadd.f32 v15, v22;
	v15 =	vld [tilespmem:s12+$0x7500]  }
0x47d: {  	[tilespmem:s12+$0x7120] =	vst v18;
	v21 =	vadd.f32 v14, v21;
	v14 =	vld [tilespmem:s12+$0x7510]  }
0x47e: {  	[tilespmem:s12+$0x7130] =	vst v17;
	v18 =	vadd.f32 v13, v20;
	v13 =	vld [tilespmem:s12+$0x7520]  }
0x47f: {  	s0 =	sadd.s32 $0x1, s0;
	[tilespmem:s12+$0x7140] =	vst v21;
	v17 =	vadd.f32 v12, v19;
	v12 =	vld [tilespmem:s12+$0x7530]  }
0x480: {  	[tilespmem:s12+$0x7150] =	vst v18;
	v60 =	vld [tilespmem:s12+$0x7540];
	v11 =	vadd.f32 v11, v16  }
0x481: {  	v61 =	vld [tilespmem:s12+$0x7550];
	[tilespmem:s12+$0x7160] =	vst v17;
	v10 =	vadd.f32 v10, v15  }
0x482: {  	v62 =	vld [tilespmem:s12+$0x7560];
	[tilespmem:s12+$0x7170] =	vst v11;
	v9 =	vadd.f32 v9, v14  }
0x483: {  	v63 =	vld [tilespmem:s12+$0x7570];
	[tilespmem:s12+$0x7500] =	vst v10;
	v8 =	vadd.f32 v8, v13  }
0x484: {  	[tilespmem:s12+$0x7510] =	vst v9;
	v7 =	vadd.f32 v7, v12  }
0x485: {  	[tilespmem:s12+$0x7520] =	vst v8;
	v6 =	vadd.f32 v6, v60  }
0x486: {  	v5 =	vadd.f32 v5, v61;
	[tilespmem:s12+$0x7530] =	vst v7  }
0x487: {  	v4 =	vadd.f32 v4, v62;
	[tilespmem:s12+$0x7540] =	vst v6  }
0x488: {  	v3 =	vadd.f32 v3, v63;
	[tilespmem:s12+$0x7550] =	vst v5  }
0x489: {  	[tilespmem:s12+$0x7560] =	vst v4  }
0x48a: {  	s0 =	rddreg [dreg:$0x7];
	[tilespmem:s12+$0x7570] =	vst v3  }
0x48b: {  	[hbm4b:s0+s2] =	stream.linear.scatter [tilespmem:s21], [sflag:$0x6], $0x6000, $0x38;
	[tilespmem:$0x18100] =	vst v63  }
0x48c: {  	_ =	swait.ge [sflag:s28], $0x6000  }
0x48d: {  	[sflag:s28] =	ssyncset.done $0x0  }
0x48e: {  	[sflag:s28] =	ssyncadd.s32 $0xFFFFA000  }
0x48f: {  	_ =	swait.ge [sflag:s11], $0x6000  }
0x490: {  	s30 =	sadd.s32 $0x1, s30;
	s31 =	rddreg [dreg:$0x8]  }
0x491: {  	p0 =	sne.s32 s30, s31  }
.Ltmp4:
0x492: {  	_ = 	snop;
	(pc) =	sbr.rel @p0 .LBB2_1-.Ltmp4, $3  }
0x493: {  	_ =	sdelay $0x1  }
0x494: {  	[sflag:s11] =	ssyncset.done $0x0  }
0x495: {  	[sflag:s11] =	ssyncadd.s32 $0xFFFFA000  }
0x496: {  	_ =	sfence.sel $0x180000  }
0x497: {  	[bflag:$0x0] =	sbarrier.arrive $0xFFFF  }
0x498: {  	_ =	strace $0x9000004A  }
0x499: {  	s0 =	stileid.u32;
	[bflag:$0x2] =	sbarrier.arrive $0xFFFF  }
0x49a: {  	p0 =	sne.s32 s0, $0x0;
	s0 =	rddreg [dreg:$0x2]  }
0x49b: {  	s0 =	sadd.s32 @!p0 $0x100000, s0  }
0x49c: {  	[sflag:s0] =	ssyncadd.tile.s32 @!p0 $0x1;
	_ =	shalt  }
.Lfunc_end2:
_tile_overlayer_lowered:
.L_overlay_start_2:
0x49d: {  	(tag) =	ssettag $0x2  }
0x49e: {  	s0 =	rddreg [dreg:$0x0];
	s2 =	stileid.u32  }
0x49f: {  	s1 =	rddreg [dreg:$0x1];
	p0 =	sne.s32 s2, $0x0  }
0x4a0: {  	s3 =	rddreg [dreg:$0x2];
	[bflag:$0x3] =	sbarrier.arrive $0xFFFF;
	s2 =	simm.s32 @!p0 $0x1C07  }
0x4a1: {  	[timem:s3], [sflag:s2] =	dma.local @!p0 [hbm:s0], s1  }
0x4a2: {  	s0 =	simm.s32 @!p0 $0x7  }
0x4a3: {  	_ =	swait.ge @!p0 [sflag:s0], s1  }
0x4a4: {  	s1 =	ssub.s32 @!p0 $0x0, s1;
	[sflag:s0] =	ssyncset.done @!p0 $0x0  }
0x4a5: {  	[sflag:s0] =	ssyncadd.s32 @!p0 s1  }
0x4a6: {  	[bflag:$0x3] =	sbarrier.arrive $0xFFFF  }
0x4a7: {  	_ =	shalt  }

</sc_bundles>
